<compile_context>
chip_gen: v7x
topology: tpu7x:2x2x1
jax: 0.10.2.dev20260603
libtpu: 0.0.44.dev20260713+nightly
codegen_flags: <defaults>
</compile_context>

<pallas_src>
import functools

import jax
import jax.numpy as jnp
from jax import lax
from jax.experimental import pallas as pl
from jax.experimental.pallas import tpu as pltpu
from jax.experimental.pallas import tpu_sc as plsc


N = 10000
NP = 10240
E = 320000
B = 16
NF = 128
HID = 128
C = 3

BE = 4000
CH = 128
NCHUNK = E // CH
NTILE = NP // 16

_MESH = plsc.VectorSubcoreMesh(core_axis_name="c", subcore_axis_name="s")


def _silu(x):
    return x * jax.nn.sigmoid(x)



def _edge_block_kernel(g_ref, er_ref, cdr_ref, w2_ref, b2_ref, w1c_ref,
                       b1c_ref, w2c_ref, w1er_ref, w1cd_ref, ef_ref, cdw_ref):
    h1 = (g_ref[...]
          + jnp.dot(er_ref[...], w1er_ref[...],
                    preferred_element_type=jnp.float32)
          + jnp.dot(cdr_ref[...], w1cd_ref[...],
                    preferred_element_type=jnp.float32))
    h1 = _silu(h1)
    ef = _silu(jnp.dot(h1, w2_ref[...], preferred_element_type=jnp.float32)
               + b2_ref[...])
    ef_ref[...] = ef
    hc = _silu(jnp.dot(ef, w1c_ref[...], preferred_element_type=jnp.float32)
               + b1c_ref[...])
    w = jnp.dot(hc, w2c_ref[...], preferred_element_type=jnp.float32)
    cdw_ref[...] = jnp.concatenate(
        [cdr_ref[:, :3], w[:, :1], jnp.zeros((BE, 4), jnp.float32)], axis=1)


def _edge_pipeline(G, earad, cdr, p_edge, p_coord):
    grid = (E // BE,)
    full = lambda shape: pl.BlockSpec(shape, lambda i: (0, 0))
    ef, cdw = pl.pallas_call(
        _edge_block_kernel,
        grid=grid,
        in_specs=[
            pl.BlockSpec((BE, HID), lambda i: (i, 0)),
            pl.BlockSpec((BE, 8), lambda i: (i, 0)),
            pl.BlockSpec((BE, 8), lambda i: (i, 0)),
            full((HID, HID)),
            full((1, HID)),
            full((HID, HID)),
            full((1, HID)),
            full((HID, 8)),
            full((8, HID)),
            full((8, HID)),
        ],
        out_specs=[
            pl.BlockSpec((BE, HID), lambda i: (i, 0)),
            pl.BlockSpec((BE, 8), lambda i: (i, 0)),
        ],
        out_shape=[
            jax.ShapeDtypeStruct((E, HID), jnp.float32),
            jax.ShapeDtypeStruct((E, 8), jnp.float32),
        ],
    )(G, earad, cdr,
      p_edge['W2'], p_edge['b2'][None, :],
      p_coord['W1'], p_coord['b1'][None, :],
      jnp.pad(p_coord['W2'], ((0, 0), (0, 7))),
      jnp.zeros((8, HID), jnp.float32).at[:4].set(p_edge['W1'][2 * NF + 1:]),
      jnp.zeros((8, HID), jnp.float32).at[3].set(p_edge['W1'][2 * NF]))
    return ef, cdw



@functools.partial(
    pl.kernel, mesh=_MESH,
    out_type=jax.ShapeDtypeStruct((E, HID), jnp.float32),
    scratch_types=[
        pltpu.VMEM((CH,), jnp.int32),
        pltpu.VMEM((CH,), jnp.int32),
        pltpu.VMEM((CH, HID), jnp.float32),
        pltpu.VMEM((CH, HID), jnp.float32),
        pltpu.SemaphoreType.DMA,
        pltpu.SemaphoreType.DMA,
    ],
)
def _sc_gather_g(row_hbm, col_hbm, pa_hbm, pb_hbm, out_hbm,
                 ridx_v, cidx_v, bufa, bufb, sema, semb):
    cid = lax.axis_index("c")
    sid = lax.axis_index("s")
    wid = sid * 2 + cid
    n_my = (NCHUNK - wid + 31) // 32

    def body(kk, carry):
        c = wid + kk * 32
        pltpu.sync_copy(row_hbm.at[c], ridx_v)
        pltpu.sync_copy(col_hbm.at[c], cidx_v)
        pltpu.async_copy(pa_hbm.at[ridx_v], bufa, sema).wait()
        pltpu.async_copy(pb_hbm.at[cidx_v], bufb, semb).wait()

        def addrow(e, carry2):
            for g in range(HID // 16):
                sl = pl.ds(g * 16, 16)
                bufa[e, sl] = bufa[e, sl] + bufb[e, sl]
            return carry2

        lax.fori_loop(0, CH, addrow, 0)
        pltpu.sync_copy(bufa, out_hbm.at[pl.ds(c * CH, CH)])
        return carry

    lax.fori_loop(0, n_my, body, 0)


@functools.partial(
    pl.kernel, mesh=_MESH,
    compiler_params=pltpu.CompilerParams(needs_layout_passes=False),
    out_type=jax.ShapeDtypeStruct((E, 8), jnp.float32),
    scratch_types=[
        pltpu.VMEM((CH,), jnp.int32),
        pltpu.VMEM((CH,), jnp.int32),
        pltpu.VMEM((NP * 4,), jnp.float32),
        pltpu.VMEM((CH, 8), jnp.float32),
    ],
)
def _sc_gather_cd(row_hbm, col_hbm, coordp_hbm, out_hbm,
                  ridx_v, cidx_v, coordv, cdbuf):
    cid = lax.axis_index("c")
    sid = lax.axis_index("s")
    wid = sid * 2 + cid
    pltpu.sync_copy(coordp_hbm, coordv)
    n_my = (NCHUNK - wid + 31) // 32
    lan = lax.iota(jnp.int32, 16)
    k0 = jnp.zeros((16,), jnp.int32)
    k1 = k0 + 1
    k2 = k0 + 2
    k3 = k0 + 3

    def body(kk, carry):
        c = wid + kk * 32
        pltpu.sync_copy(row_hbm.at[c], ridx_v)
        pltpu.sync_copy(col_hbm.at[c], cidx_v)
        for g in range(CH // 16):
            r4 = ridx_v[pl.ds(g * 16, 16)] * 4
            c4 = cidx_v[pl.ds(g * 16, 16)] * 4
            cdx = (plsc.load_gather(coordv, [r4])
                   - plsc.load_gather(coordv, [c4]))
            cdy = (plsc.load_gather(coordv, [r4 + 1])
                   - plsc.load_gather(coordv, [c4 + 1]))
            cdz = (plsc.load_gather(coordv, [r4 + 2])
                   - plsc.load_gather(coordv, [c4 + 2]))
            rad = cdx * cdx + cdy * cdy + cdz * cdz
            e16 = g * 16 + lan
            plsc.store_scatter(cdbuf, [e16, k0], cdx)
            plsc.store_scatter(cdbuf, [e16, k1], cdy)
            plsc.store_scatter(cdbuf, [e16, k2], cdz)
            plsc.store_scatter(cdbuf, [e16, k3], rad)
        pltpu.sync_copy(cdbuf, out_hbm.at[pl.ds(c * CH, CH)])
        return carry

    lax.fori_loop(0, n_my, body, 0)



@functools.partial(
    pl.kernel, mesh=_MESH,
    out_type=jax.ShapeDtypeStruct((2, NP, HID), jnp.float32),
    scratch_types=[
        pltpu.VMEM((CH,), jnp.int32),
        pltpu.VMEM((CH, HID), jnp.float32),
        pltpu.VMEM_SHARED((NP, HID), jnp.float32),
    ],
)
def _sc_scatter_ef(idx_hbm, ef_hbm, zero_hbm, out_hbm, idx_v, ef_v, acc):
    cid = lax.axis_index("c")
    sid = lax.axis_index("s")
    wid = sid * 2 + cid
    pltpu.sync_copy(zero_hbm.at[pl.ds(sid * NTILE, NTILE)],
                    acc.at[pl.ds(sid * NTILE, NTILE)])
    plsc.subcore_barrier()
    n_my = (NCHUNK - wid + 31) // 32

    def body(kk, carry):
        c = wid + kk * 32
        pltpu.sync_copy(idx_hbm.at[c], idx_v)
        pltpu.sync_copy(ef_hbm.at[pl.ds(c * CH, CH)], ef_v)
        pltpu.sync_copy(ef_v, acc.at[idx_v], add=True)
        return carry

    lax.fori_loop(0, n_my, body, 0)
    plsc.subcore_barrier()
    pltpu.sync_copy(acc.at[pl.ds(sid * NTILE, NTILE)],
                    out_hbm.at[cid, pl.ds(sid * NTILE, NTILE)])



@functools.partial(
    pl.kernel, mesh=_MESH,
    compiler_params=pltpu.CompilerParams(needs_layout_passes=False),
    out_type=jax.ShapeDtypeStruct((32, NP * 4), jnp.float32),
    scratch_types=[
        pltpu.VMEM((CH,), jnp.int32),
        pltpu.VMEM((CH, 8), jnp.float32),
        pltpu.VMEM((NP * 4,), jnp.float32),
    ],
)
def _sc_scatter_tail(idx_hbm, cdw_hbm, zero_hbm, out_hbm, idx_v, cdw_v, acct):
    cid = lax.axis_index("c")
    sid = lax.axis_index("s")
    wid = sid * 2 + cid
    pltpu.sync_copy(zero_hbm, acct)
    n_my = (NCHUNK - wid + 31) // 32
    lan = lax.iota(jnp.int32, 16)
    c0 = jnp.zeros((16,), jnp.int32)
    c1 = c0 + 1
    c2 = c0 + 2
    c3 = c0 + 3
    fones = jnp.ones((16,), jnp.float32)

    def body(kk, carry):
        c = wid + kk * 32
        pltpu.sync_copy(idx_hbm.at[c], idx_v)
        pltpu.sync_copy(cdw_hbm.at[pl.ds(c * CH, CH)], cdw_v)
        for g in range(CH // 16):
            rows4 = idx_v[pl.ds(g * 16, 16)] * 4
            e16 = g * 16 + lan
            cdx = plsc.load_gather(cdw_v, [e16, c0])
            cdy = plsc.load_gather(cdw_v, [e16, c1])
            cdz = plsc.load_gather(cdw_v, [e16, c2])
            w16 = plsc.load_gather(cdw_v, [e16, c3])
            plsc.addupdate_scatter(acct, [rows4], cdx * w16)
            plsc.addupdate_scatter(acct, [rows4 + 1], cdy * w16)
            plsc.addupdate_scatter(acct, [rows4 + 2], cdz * w16)
            plsc.addupdate_scatter(acct, [rows4 + 3], fones)
        return carry

    lax.fori_loop(0, n_my, body, 0)
    pltpu.sync_copy(acct, out_hbm.at[wid])



def kernel(node_feat, coord, vel, virtual_node_feat, virtual_coord,
           edge_attr, node_attr, edge_index, data_batch, params):
    p = params
    row = edge_index[0].astype(jnp.int32)
    col = edge_index[1].astype(jnp.int32)

    W1 = p['edge_mlp']['W1']
    Pa = node_feat @ W1[:NF]
    Pb = node_feat @ W1[NF:2 * NF] + p['edge_mlp']['b1']

    row2 = row.reshape(NCHUNK, CH)
    col2 = col.reshape(NCHUNK, CH)
    coordp = (jnp.zeros((NP, 4), jnp.float32).at[:N, :3].set(coord)
              .reshape(-1))
    G = _sc_gather_g(row2, col2, Pa, Pb)
    cdrad = _sc_gather_cd(row2, col2, coordp)
    ea8 = jnp.pad(edge_attr, ((0, 0), (0, 4)))

    ef, cdw = _edge_pipeline(G, ea8, cdrad, p['edge_mlp'], p['coord_mlp_r'])

    idx2 = row2
    outef = _sc_scatter_ef(idx2, ef, jnp.zeros((NP, HID), jnp.float32))
    outtail = _sc_scatter_tail(idx2, cdw, jnp.zeros((NP * 4,), jnp.float32))
    sef = (outef[0] + outef[1])[:N]
    tail = outtail.sum(axis=0).reshape(NP, 4)[:N]
    inv = 1.0 / jnp.maximum(tail[:, 3], 1.0)
    agg = tail[:, :3] * inv[:, None]
    agg_e = sef * inv[:, None]

    vcoord_b = virtual_coord[data_batch]
    v_coord_diff = coord[:, :, None] - vcoord_b
    v_radial = jnp.sum(v_coord_diff ** 2, axis=1, keepdims=True)
    mix_V = jnp.einsum('bdi,bdj->bij', virtual_coord, virtual_coord)[data_batch]

    pv = p['edge_mlp_virtual']
    W1v = pv['W1']
    h1v = (node_feat @ W1v[:NF])[:, None, :]
    vproj = jnp.einsum('bfc,fh->bch', virtual_node_feat, W1v[NF:2 * NF])
    h1v = h1v + vproj[data_batch]
    h1v = h1v + v_radial[:, 0, :, None] * W1v[2 * NF][None, None, :]
    h1v = h1v + jnp.einsum('ncj,jh->nch', mix_V, W1v[2 * NF + 1:])
    h1v = _silu(h1v + pv['b1'])
    vef = _silu(jnp.einsum('nch,hk->nck', h1v, pv['W2']) + pv['b2'])

    def coord_head(x, pc):
        h = _silu(jnp.einsum('nch,hk->nck', x, pc['W1']) + pc['b1'])
        return jnp.einsum('nck,ko->nco', h, pc['W2'])

    w_r_v = coord_head(vef, p['coord_mlp_r_virtual'])[..., 0]
    trans_v = jnp.mean(-v_coord_diff * w_r_v[:, None, :], axis=-1)

    w_v_v = coord_head(vef, p['coord_mlp_v_virtual'])[..., 0]
    trans2 = v_coord_diff * w_v_v[:, None, :]

    onehot = (data_batch[:, None] == jnp.arange(B)[None, :]).astype(jnp.float32)
    bcnt = jnp.sum(onehot, axis=0)
    binv = 1.0 / jnp.maximum(bcnt, 1.0)
    aggv = onehot.T @ trans2.reshape(N, -1) * binv[:, None]
    virtual_coord_out = virtual_coord + aggv.reshape(B, 3, C)

    pcv = p['coord_mlp_vel']
    velw = _silu(node_feat @ pcv['W1'] + pcv['b1']) @ pcv['W2'] + pcv['b2']
    coord_out = coord + agg + trans_v + velw * vel

    agg_v = jnp.mean(vef, axis=1)
    n_in = jnp.concatenate([node_feat, agg_e, agg_v, node_attr], axis=1)
    pn = p['node_mlp']
    node_out = node_feat + (_silu(n_in @ pn['W1'] + pn['b1']) @ pn['W2']
                            + pn['b2'])

    aggvn = (onehot.T @ vef.reshape(N, -1) * binv[:, None]).reshape(B, C, HID)
    vn_in = jnp.concatenate([jnp.swapaxes(virtual_node_feat, 1, 2), aggvn],
                            axis=2)
    pvn = p['node_mlp_virtual']
    vn_out = virtual_node_feat + jnp.swapaxes(
        _silu(vn_in @ pvn['W1'] + pvn['b1']) @ pvn['W2'] + pvn['b2'], 1, 2)

    return (node_out, coord_out, vn_out, virtual_coord_out)

# --- scband reference (transcript-rebuilt; emitter-appended) ---
"""Pipeline reference for scband-e-gcl-vel-44865228374415 (READ-ONLY COPY).

The authoritative reference and input builder live on the scoring server;
editing this copy changes nothing except your own understanding.
"""

import jax, jax.numpy as jnp
import numpy as np

N = 10000
E = 320000
B = 16
NF = 128
HID = 128
C = 3
EANF = 4
NANF = 8

def _silu(x):
    return x * jax.nn.sigmoid(x)

def _lin(x, W, b=None):
    y = x @ W
    if b is not None:
        y = y + b
    return y

def _mlp_edge(x, p):
    h = _silu(_lin(x, p['W1'], p['b1']))
    return _silu(_lin(h, p['W2'], p['b2']))

def _mlp_coord(x, p):
    h = _silu(_lin(x, p['W1'], p['b1']))
    return _lin(h, p['W2'])

def _mlp_node(x, p):
    h = _silu(_lin(x, p['W1'], p['b1']))
    return _lin(h, p['W2'], p['b2'])

def _seg_mean(data, ids, num):
    s = jax.ops.segment_sum(data, ids, num_segments=num)
    c = jax.ops.segment_sum(jnp.ones_like(data), ids, num_segments=num)
    return s / jnp.maximum(c, 1.0)

def _mlp_p(key, din, dh, dout, final_bias=True, final_scale=None):
    k1, k2 = jax.random.split(key)
    fs = final_scale if final_scale is not None else 1.0 / np.sqrt(dh)
    p = {'W1': jax.random.normal(k1, (din, dh), jnp.float32) / np.sqrt(din),
         'b1': jnp.zeros((dh,), jnp.float32),
         'W2': jax.random.normal(k2, (dh, dout), jnp.float32) * fs}
    if final_bias:
        p['b2'] = jnp.zeros((dout,), jnp.float32)
    return p

def setup_inputs(seed: int = 0):
    key = jax.random.key(seed)
    ks = jax.random.split(key, 20)
    return {
        'node_feat': jax.random.normal(ks[0], (N, NF), jnp.float32),
        'coord': jax.random.normal(ks[1], (N, 3), jnp.float32),
        'vel': jax.random.normal(ks[2], (N, 3), jnp.float32),
        'virtual_node_feat': jax.random.normal(ks[3], (B, NF, C), jnp.float32),
        'virtual_coord': jax.random.normal(ks[4], (B, 3, C), jnp.float32),
        'edge_attr': jax.random.normal(ks[5], (E, EANF), jnp.float32),
        'node_attr': jax.random.normal(ks[6], (N, NANF), jnp.float32),
        'edge_index': jax.random.randint(ks[7], (2, E), 0, N),
        'data_batch': jnp.sort(jax.random.randint(ks[8], (N,), 0, B)),
        'params': {
            'edge_mlp': _mlp_p(ks[9], 2 * NF + 1 + EANF, HID, HID),
            'edge_mlp_virtual': _mlp_p(ks[10], 2 * NF + 1 + C, HID, HID),
            'coord_mlp_r': _mlp_p(ks[11], HID, HID, 1, final_bias=False, final_scale=0.001),
            'coord_mlp_r_virtual': _mlp_p(ks[12], HID, HID, 1, final_bias=False, final_scale=0.001),
            'coord_mlp_v_virtual': _mlp_p(ks[13], HID, HID, 1, final_bias=False, final_scale=0.001),
            'coord_mlp_vel': _mlp_p(ks[14], NF, HID, 1),
            'node_mlp': _mlp_p(ks[15], 3 * HID + NANF, HID, NF),
            'node_mlp_virtual': _mlp_p(ks[16], NF + HID, HID, NF),
        },
    }

def _forward(node_feat, coord, vel, virtual_node_feat, virtual_coord, edge_attr, node_attr, params, edge_index, data_batch):
    p = params
    row, col = edge_index[0], edge_index[1]
    coord_diff = coord[row] - coord[col]
    radial = jnp.sum(coord_diff ** 2, axis=1, keepdims=True)
    vcoord_b = virtual_coord[data_batch]
    v_coord_diff = coord[:, :, None] - vcoord_b
    v_radial = jnp.sum(v_coord_diff ** 2, axis=1, keepdims=True)
    mix_V = jnp.einsum('bdi,bdj->bij', virtual_coord, virtual_coord)[data_batch]
    e_in = jnp.concatenate([node_feat[row], node_feat[col], radial, edge_attr], axis=1)
    edge_feat = _mlp_edge(e_in, p['edge_mlp'])
    feat_R = jnp.repeat(node_feat[:, :, None], C, axis=2)
    feat_V = virtual_node_feat[data_batch]
    ve_in = jnp.concatenate([feat_R, feat_V, v_radial, mix_V], axis=1)
    virtual_edge_feat = jnp.transpose(_mlp_edge(jnp.transpose(ve_in, (0, 2, 1)), p['edge_mlp_virtual']), (0, 2, 1))
    trans = coord_diff * _mlp_coord(edge_feat, p['coord_mlp_r'])
    agg = _seg_mean(trans, row, N)
    coord_out = coord + agg
    w_r_v = jnp.transpose(_mlp_coord(jnp.transpose(virtual_edge_feat, (0, 2, 1)), p['coord_mlp_r_virtual']), (0, 2, 1))
    trans_v = jnp.mean(-v_coord_diff * w_r_v, axis=-1)
    coord_out = coord_out + trans_v
    coord_out = coord_out + _mlp_node(node_feat, p['coord_mlp_vel']) * vel
    w_v_v = jnp.transpose(_mlp_coord(jnp.transpose(virtual_edge_feat, (0, 2, 1)), p['coord_mlp_v_virtual']), (0, 2, 1))
    trans2 = v_coord_diff * w_v_v
    aggv = _seg_mean(trans2.reshape(N, -1), data_batch, B).reshape(B, 3, C)
    virtual_coord_out = virtual_coord + aggv
    agg_e = _seg_mean(edge_feat, row, N)
    agg_v = jnp.mean(virtual_edge_feat, axis=-1)
    n_in = jnp.concatenate([node_feat, agg_e, agg_v, node_attr], axis=1)
    node_out = node_feat + _mlp_node(n_in, p['node_mlp'])
    aggvn = _seg_mean(virtual_edge_feat.reshape(N, -1), data_batch, B).reshape(B, HID, C)
    vn_in = jnp.concatenate([virtual_node_feat, aggvn], axis=1)
    vn_out = virtual_node_feat + jnp.transpose(_mlp_node(jnp.transpose(vn_in, (0, 2, 1)), p['node_mlp_virtual']), (0, 2, 1))
    return (node_out, coord_out, vn_out, virtual_coord_out)

def reference(node_feat, coord, vel, virtual_node_feat, virtual_coord, edge_attr, node_attr, edge_index, data_batch, params):
    return _forward(node_feat, coord, vel, virtual_node_feat, virtual_coord, edge_attr, node_attr, params, edge_index, data_batch)

if __name__ == "__main__":
    import jax
    _d = setup_inputs()
    print(jax.jit(kernel)(*tuple(_d.values())))

</pallas_src>

<mosaic_0001>
#map = affine_map<(d0, d1) -> (0, 0)>
#map1 = affine_map<(d0, d1) -> (0, 0, 0)>
module attributes {stable_mosaic.version = 14 : i64} {
  func.func @_sc_scatter_ef(%arg0: i32, %arg1: i32, %arg2: memref<2500x128xi32, #tpu.memory_space<hbm>>, %arg3: memref<320000x128xf32, #tpu.memory_space<hbm>>, %arg4: memref<10240x128xf32, #tpu.memory_space<hbm>>, %arg5: memref<2x10240x128xf32, #tpu.memory_space<hbm>>, %arg6: memref<128xi32, #tpu.memory_space<vmem>>, %arg7: memref<128x128xf32, #tpu.memory_space<vmem>>, %arg8: memref<10240x128xf32, #tpu.memory_space<vmem_shared>>) attributes {dimension_semantics = [#tpu.dimension_semantics<core_parallel>, #tpu.dimension_semantics<subcore_parallel>], iteration_bounds = array<i64: 2, 16>, scalar_prefetch = 0 : i64, scratch_operands = 3 : i64, tpu.core_type = #tpu.core_type<sc_vector_subcore>, window_params = [{transform_indices = #map}, {transform_indices = #map}, {transform_indices = #map}, {transform_indices = #map1}]} {
    %mul3A = arith.constant 2 : i32
    %mul3A_0 = arith.muli %arg1, %mul3A : i32
    %add3A = arith.addi %mul3A_0, %arg0 : i32
    %mul3A_1 = arith.constant 640 : i32
    %mul3A_2 = arith.muli %arg1, %mul3A_1 : i32
    %mul3A_3 = arith.constant 640 : i32
    %mul3A_4 = arith.muli %arg1, %mul3A_3 : i32
    "tpu.region"() ({
      %run_scoped3A = tpu.sem_alloc : memref<!tpu.dma_semaphore, #tpu.memory_space<semaphore_mem>>
      %dma_start3A = arith.constant 0 : i32
      %dma_start3A_39 = tpu.memref_slice %arg8[%mul3A_4, %dma_start3A] : memref<10240x128xf32, #tpu.memory_space<vmem_shared>> -> memref<640x128xf32, #tpu.memory_space<vmem_shared>>
      %dma_start3A_40 = arith.constant 0 : i32
      %dma_start3A_41 = tpu.memref_slice %arg4[%mul3A_2, %dma_start3A_40] : memref<10240x128xf32, #tpu.memory_space<hbm>> -> memref<640x128xf32, #tpu.memory_space<hbm>>
      tpu.enqueue_dma source(%dma_start3A_41 : memref<640x128xf32, #tpu.memory_space<hbm>>) target(%dma_start3A_39 : memref<640x128xf32, #tpu.memory_space<vmem_shared>>) target_semaphore(%run_scoped3A : memref<!tpu.dma_semaphore, #tpu.memory_space<semaphore_mem>>)
      %dma_wait3A = arith.constant 0 : i32
      %dma_wait3A_42 = tpu.memref_slice %arg8[%mul3A_4, %dma_wait3A] : memref<10240x128xf32, #tpu.memory_space<vmem_shared>> -> memref<640x128xf32, #tpu.memory_space<vmem_shared>>
      %dma_wait3A_43 = arith.constant 0 : i32
      %dma_wait3A_44 = tpu.memref_slice %arg4[%mul3A_2, %dma_wait3A_43] : memref<10240x128xf32, #tpu.memory_space<hbm>> -> memref<640x128xf32, #tpu.memory_space<hbm>>
      tpu.wait_dma2 semaphore(%run_scoped3A : memref<!tpu.dma_semaphore, #tpu.memory_space<semaphore_mem>>) src(%dma_wait3A_44 : memref<640x128xf32, #tpu.memory_space<hbm>>) dst(%dma_wait3A_42 : memref<640x128xf32, #tpu.memory_space<vmem_shared>>)
      tpu.yield
    }) : () -> ()
    %barrier3A = arith.constant 0 : index
    tpu.barrier barrier_id(%barrier3A)
    %sub3A = arith.constant 2500 : i32
    %sub3A_5 = arith.subi %sub3A, %add3A : i32
    %add3A_6 = arith.constant 31 : i32
    %add3A_7 = arith.addi %sub3A_5, %add3A_6 : i32
    %jit3A = arith.constant 32 : i32
    %div3A = arith.divsi %add3A_7, %jit3A : i32
    %sign3A = arith.constant 0 : i32
    %sign3A_8 = arith.cmpi sgt, %add3A_7, %sign3A : i32
    %sign3A_9 = arith.extui %sign3A_8 : i1 to i32
    %sign3A_10 = arith.constant 0 : i32
    %sign3A_11 = arith.cmpi slt, %add3A_7, %sign3A_10 : i32
    %sign3A_12 = arith.extui %sign3A_11 : i1 to i32
    %sign3A_13 = arith.subi %sign3A_9, %sign3A_12 : i32
    %sign3A_14 = arith.constant 0 : i32
    %sign3A_15 = arith.cmpi sgt, %jit3A, %sign3A_14 : i32
    %sign3A_16 = arith.extui %sign3A_15 : i1 to i32
    %sign3A_17 = arith.constant 0 : i32
    %sign3A_18 = arith.cmpi slt, %jit3A, %sign3A_17 : i32
    %sign3A_19 = arith.extui %sign3A_18 : i1 to i32
    %sign3A_20 = arith.subi %sign3A_16, %sign3A_19 : i32
    %ne3A = arith.cmpi ne, %sign3A_13, %sign3A_20 : i32
    %rem3A = arith.remsi %add3A_7, %jit3A : i32
    %ne3A_21 = arith.constant 0 : i32
    %ne3A_22 = arith.cmpi ne, %rem3A, %ne3A_21 : i32
    %and3A = arith.andi %ne3A, %ne3A_22 : i1
    %sub3A_23 = arith.constant 1 : i32
    %sub3A_24 = arith.subi %div3A, %sub3A_23 : i32
    %select_n3A = arith.select %and3A, %sub3A_24, %div3A : i32
    %while3A = arith.constant 0 : i32
    %while3A_25 = arith.constant 0 : i32
    %while3A_26 = arith.subi %select_n3A, %while3A_25 : i32
    %while3A_27 = arith.addi %while3A_25, %while3A_26 : i32
    %while3A_28 = arith.constant 1 : i32
    %while3A_29 = arith.divsi %while3A_26, %while3A_28 : i32
    %while3A_30 = arith.muli %while3A_29, %while3A_28 : i32
    %while3A_31 = arith.addi %while3A_25, %while3A_30 : i32
    %while3A_32 = arith.constant 1 : i32
    scf.for %while3A_39 = %while3A_25 to %while3A_31 step %while3A_32  : i32 {
      %mul3A_40 = arith.constant 32 : i32
      %mul3A_41 = arith.muli %while3A_39, %mul3A_40 : i32
      %add3A_42 = arith.addi %add3A, %mul3A_41 : i32
      "tpu.region"() ({
        %run_scoped3A = tpu.sem_alloc : memref<!tpu.dma_semaphore, #tpu.memory_space<semaphore_mem>>
        %dma_start3A = arith.constant 0 : i32
        %dma_start3A_45 = tpu.memref_slice %arg2[%add3A_42, %dma_start3A] : memref<2500x128xi32, #tpu.memory_space<hbm>> -> memref<1x128xi32, #tpu.memory_space<hbm>>
        %dma_start3A_46 = tpu.memref_squeeze %dma_start3A_45 : memref<1x128xi32, #tpu.memory_space<hbm>> -> memref<128xi32, #tpu.memory_space<hbm>>
        %dma_start3A_47 = arith.constant 0 : i32
        %dma_start3A_48 = tpu.memref_slice %arg2[%add3A_42, %dma_start3A_47] : memref<2500x128xi32, #tpu.memory_space<hbm>> -> memref<1x128xi32, #tpu.memory_space<hbm>>
        %dma_start3A_49 = tpu.memref_squeeze %dma_start3A_48 : memref<1x128xi32, #tpu.memory_space<hbm>> -> memref<128xi32, #tpu.memory_space<hbm>>
        tpu.enqueue_dma source(%dma_start3A_49 : memref<128xi32, #tpu.memory_space<hbm>>) target(%arg6 : memref<128xi32, #tpu.memory_space<vmem>>) target_semaphore(%run_scoped3A : memref<!tpu.dma_semaphore, #tpu.memory_space<semaphore_mem>>)
        %dma_wait3A = arith.constant 0 : i32
        %dma_wait3A_50 = tpu.memref_slice %arg2[%add3A_42, %dma_wait3A] : memref<2500x128xi32, #tpu.memory_space<hbm>> -> memref<1x128xi32, #tpu.memory_space<hbm>>
        %dma_wait3A_51 = tpu.memref_squeeze %dma_wait3A_50 : memref<1x128xi32, #tpu.memory_space<hbm>> -> memref<128xi32, #tpu.memory_space<hbm>>
        %dma_wait3A_52 = arith.constant 0 : i32
        %dma_wait3A_53 = tpu.memref_slice %arg2[%add3A_42, %dma_wait3A_52] : memref<2500x128xi32, #tpu.memory_space<hbm>> -> memref<1x128xi32, #tpu.memory_space<hbm>>
        %dma_wait3A_54 = tpu.memref_squeeze %dma_wait3A_53 : memref<1x128xi32, #tpu.memory_space<hbm>> -> memref<128xi32, #tpu.memory_space<hbm>>
        tpu.wait_dma2 semaphore(%run_scoped3A : memref<!tpu.dma_semaphore, #tpu.memory_space<semaphore_mem>>) src(%dma_wait3A_54 : memref<128xi32, #tpu.memory_space<hbm>>) dst(%arg6 : memref<128xi32, #tpu.memory_space<vmem>>)
        tpu.yield
      }) : () -> ()
      %mul3A_43 = arith.constant 128 : i32
      %mul3A_44 = arith.muli %add3A_42, %mul3A_43 : i32
      "tpu.region"() ({
        %run_scoped3A = tpu.sem_alloc : memref<!tpu.dma_semaphore, #tpu.memory_space<semaphore_mem>>
        %dma_start3A = arith.constant 0 : i32
        %dma_start3A_45 = tpu.memref_slice %arg3[%mul3A_44, %dma_start3A] : memref<320000x128xf32, #tpu.memory_space<hbm>> -> memref<128x128xf32, #tpu.memory_space<hbm>>
        %dma_start3A_46 = arith.constant 0 : i32
        %dma_start3A_47 = tpu.memref_slice %arg3[%mul3A_44, %dma_start3A_46] : memref<320000x128xf32, #tpu.memory_space<hbm>> -> memref<128x128xf32, #tpu.memory_space<hbm>>
        tpu.enqueue_dma source(%dma_start3A_47 : memref<128x128xf32, #tpu.memory_space<hbm>>) target(%arg7 : memref<128x128xf32, #tpu.memory_space<vmem>>) target_semaphore(%run_scoped3A : memref<!tpu.dma_semaphore, #tpu.memory_space<semaphore_mem>>)
        %dma_wait3A = arith.constant 0 : i32
        %dma_wait3A_48 = tpu.memref_slice %arg3[%mul3A_44, %dma_wait3A] : memref<320000x128xf32, #tpu.memory_space<hbm>> -> memref<128x128xf32, #tpu.memory_space<hbm>>
        %dma_wait3A_49 = arith.constant 0 : i32
        %dma_wait3A_50 = tpu.memref_slice %arg3[%mul3A_44, %dma_wait3A_49] : memref<320000x128xf32, #tpu.memory_space<hbm>> -> memref<128x128xf32, #tpu.memory_space<hbm>>
        tpu.wait_dma2 semaphore(%run_scoped3A : memref<!tpu.dma_semaphore, #tpu.memory_space<semaphore_mem>>) src(%dma_wait3A_50 : memref<128x128xf32, #tpu.memory_space<hbm>>) dst(%arg7 : memref<128x128xf32, #tpu.memory_space<vmem>>)
        tpu.yield
      }) : () -> ()
      "tpu.region"() ({
        %run_scoped3A = tpu.sem_alloc : memref<!tpu.dma_semaphore, #tpu.memory_space<semaphore_mem>>
        %dma_start3A = arith.constant 0 : i32
        %dma_start3A_45 = arith.constant 0 : i32
        %dma_start3A_46 = tpu.memref_slice %arg8[%dma_start3A, %dma_start3A_45] : memref<10240x128xf32, #tpu.memory_space<vmem_shared>> -> memref<10240x128xf32, #tpu.memory_space<vmem_shared>>
        tpu.enqueue_indirect_dma source(%arg7 : memref<128x128xf32, #tpu.memory_space<vmem>>) target(%dma_start3A_46 : memref<10240x128xf32, #tpu.memory_space<vmem_shared>>) offsets(%arg6 : memref<128xi32, #tpu.memory_space<vmem>>) semaphore(%run_scoped3A : memref<!tpu.dma_semaphore, #tpu.memory_space<semaphore_mem>>) {add = true}
        %dma_wait3A = arith.constant 0 : i32
        %dma_wait3A_47 = arith.constant 0 : i32
        %dma_wait3A_48 = tpu.memref_slice %arg8[%dma_wait3A, %dma_wait3A_47] : memref<10240x128xf32, #tpu.memory_space<vmem_shared>> -> memref<10240x128xf32, #tpu.memory_space<vmem_shared>>
        tpu.wait_indirect_dma semaphore(%run_scoped3A : memref<!tpu.dma_semaphore, #tpu.memory_space<semaphore_mem>>) src(%arg7 : memref<128x128xf32, #tpu.memory_space<vmem>>) dst(%dma_wait3A_48 : memref<10240x128xf32, #tpu.memory_space<vmem_shared>>)
        tpu.yield
      }) : () -> ()
    }
    %while3A_33 = arith.constant 1 : i32
    scf.for %while3A_39 = %while3A_31 to %while3A_27 step %while3A_33  : i32 {
      %mul3A_40 = arith.constant 32 : i32
      %mul3A_41 = arith.muli %while3A_39, %mul3A_40 : i32
      %add3A_42 = arith.addi %add3A, %mul3A_41 : i32
      "tpu.region"() ({
        %run_scoped3A = tpu.sem_alloc : memref<!tpu.dma_semaphore, #tpu.memory_space<semaphore_mem>>
        %dma_start3A = arith.constant 0 : i32
        %dma_start3A_45 = tpu.memref_slice %arg2[%add3A_42, %dma_start3A] : memref<2500x128xi32, #tpu.memory_space<hbm>> -> memref<1x128xi32, #tpu.memory_space<hbm>>
        %dma_start3A_46 = tpu.memref_squeeze %dma_start3A_45 : memref<1x128xi32, #tpu.memory_space<hbm>> -> memref<128xi32, #tpu.memory_space<hbm>>
        %dma_start3A_47 = arith.constant 0 : i32
        %dma_start3A_48 = tpu.memref_slice %arg2[%add3A_42, %dma_start3A_47] : memref<2500x128xi32, #tpu.memory_space<hbm>> -> memref<1x128xi32, #tpu.memory_space<hbm>>
        %dma_start3A_49 = tpu.memref_squeeze %dma_start3A_48 : memref<1x128xi32, #tpu.memory_space<hbm>> -> memref<128xi32, #tpu.memory_space<hbm>>
        tpu.enqueue_dma source(%dma_start3A_49 : memref<128xi32, #tpu.memory_space<hbm>>) target(%arg6 : memref<128xi32, #tpu.memory_space<vmem>>) target_semaphore(%run_scoped3A : memref<!tpu.dma_semaphore, #tpu.memory_space<semaphore_mem>>)
        %dma_wait3A = arith.constant 0 : i32
        %dma_wait3A_50 = tpu.memref_slice %arg2[%add3A_42, %dma_wait3A] : memref<2500x128xi32, #tpu.memory_space<hbm>> -> memref<1x128xi32, #tpu.memory_space<hbm>>
        %dma_wait3A_51 = tpu.memref_squeeze %dma_wait3A_50 : memref<1x128xi32, #tpu.memory_space<hbm>> -> memref<128xi32, #tpu.memory_space<hbm>>
        %dma_wait3A_52 = arith.constant 0 : i32
        %dma_wait3A_53 = tpu.memref_slice %arg2[%add3A_42, %dma_wait3A_52] : memref<2500x128xi32, #tpu.memory_space<hbm>> -> memref<1x128xi32, #tpu.memory_space<hbm>>
        %dma_wait3A_54 = tpu.memref_squeeze %dma_wait3A_53 : memref<1x128xi32, #tpu.memory_space<hbm>> -> memref<128xi32, #tpu.memory_space<hbm>>
        tpu.wait_dma2 semaphore(%run_scoped3A : memref<!tpu.dma_semaphore, #tpu.memory_space<semaphore_mem>>) src(%dma_wait3A_54 : memref<128xi32, #tpu.memory_space<hbm>>) dst(%arg6 : memref<128xi32, #tpu.memory_space<vmem>>)
        tpu.yield
      }) : () -> ()
      %mul3A_43 = arith.constant 128 : i32
      %mul3A_44 = arith.muli %add3A_42, %mul3A_43 : i32
      "tpu.region"() ({
        %run_scoped3A = tpu.sem_alloc : memref<!tpu.dma_semaphore, #tpu.memory_space<semaphore_mem>>
        %dma_start3A = arith.constant 0 : i32
        %dma_start3A_45 = tpu.memref_slice %arg3[%mul3A_44, %dma_start3A] : memref<320000x128xf32, #tpu.memory_space<hbm>> -> memref<128x128xf32, #tpu.memory_space<hbm>>
        %dma_start3A_46 = arith.constant 0 : i32
        %dma_start3A_47 = tpu.memref_slice %arg3[%mul3A_44, %dma_start3A_46] : memref<320000x128xf32, #tpu.memory_space<hbm>> -> memref<128x128xf32, #tpu.memory_space<hbm>>
        tpu.enqueue_dma source(%dma_start3A_47 : memref<128x128xf32, #tpu.memory_space<hbm>>) target(%arg7 : memref<128x128xf32, #tpu.memory_space<vmem>>) target_semaphore(%run_scoped3A : memref<!tpu.dma_semaphore, #tpu.memory_space<semaphore_mem>>)
        %dma_wait3A = arith.constant 0 : i32
        %dma_wait3A_48 = tpu.memref_slice %arg3[%mul3A_44, %dma_wait3A] : memref<320000x128xf32, #tpu.memory_space<hbm>> -> memref<128x128xf32, #tpu.memory_space<hbm>>
        %dma_wait3A_49 = arith.constant 0 : i32
        %dma_wait3A_50 = tpu.memref_slice %arg3[%mul3A_44, %dma_wait3A_49] : memref<320000x128xf32, #tpu.memory_space<hbm>> -> memref<128x128xf32, #tpu.memory_space<hbm>>
        tpu.wait_dma2 semaphore(%run_scoped3A : memref<!tpu.dma_semaphore, #tpu.memory_space<semaphore_mem>>) src(%dma_wait3A_50 : memref<128x128xf32, #tpu.memory_space<hbm>>) dst(%arg7 : memref<128x128xf32, #tpu.memory_space<vmem>>)
        tpu.yield
      }) : () -> ()
      "tpu.region"() ({
        %run_scoped3A = tpu.sem_alloc : memref<!tpu.dma_semaphore, #tpu.memory_space<semaphore_mem>>
        %dma_start3A = arith.constant 0 : i32
        %dma_start3A_45 = arith.constant 0 : i32
        %dma_start3A_46 = tpu.memref_slice %arg8[%dma_start3A, %dma_start3A_45] : memref<10240x128xf32, #tpu.memory_space<vmem_shared>> -> memref<10240x128xf32, #tpu.memory_space<vmem_shared>>
        tpu.enqueue_indirect_dma source(%arg7 : memref<128x128xf32, #tpu.memory_space<vmem>>) target(%dma_start3A_46 : memref<10240x128xf32, #tpu.memory_space<vmem_shared>>) offsets(%arg6 : memref<128xi32, #tpu.memory_space<vmem>>) semaphore(%run_scoped3A : memref<!tpu.dma_semaphore, #tpu.memory_space<semaphore_mem>>) {add = true}
        %dma_wait3A = arith.constant 0 : i32
        %dma_wait3A_47 = arith.constant 0 : i32
        %dma_wait3A_48 = tpu.memref_slice %arg8[%dma_wait3A, %dma_wait3A_47] : memref<10240x128xf32, #tpu.memory_space<vmem_shared>> -> memref<10240x128xf32, #tpu.memory_space<vmem_shared>>
        tpu.wait_indirect_dma semaphore(%run_scoped3A : memref<!tpu.dma_semaphore, #tpu.memory_space<semaphore_mem>>) src(%arg7 : memref<128x128xf32, #tpu.memory_space<vmem>>) dst(%dma_wait3A_48 : memref<10240x128xf32, #tpu.memory_space<vmem_shared>>)
        tpu.yield
      }) : () -> ()
    }
    %barrier3A_34 = arith.constant 0 : index
    tpu.barrier barrier_id(%barrier3A_34)
    %mul3A_35 = arith.constant 640 : i32
    %mul3A_36 = arith.muli %arg1, %mul3A_35 : i32
    %mul3A_37 = arith.constant 640 : i32
    %mul3A_38 = arith.muli %arg1, %mul3A_37 : i32
    "tpu.region"() ({
      %run_scoped3A = tpu.sem_alloc : memref<!tpu.dma_semaphore, #tpu.memory_space<semaphore_mem>>
      %dma_start3A = arith.constant 0 : i32
      %dma_start3A_39 = tpu.memref_slice %arg5[%arg0, %mul3A_38, %dma_start3A] : memref<2x10240x128xf32, #tpu.memory_space<hbm>> -> memref<1x640x128xf32, #tpu.memory_space<hbm>>
      %dma_start3A_40 = tpu.memref_squeeze %dma_start3A_39 : memref<1x640x128xf32, #tpu.memory_space<hbm>> -> memref<640x128xf32, #tpu.memory_space<hbm>>
      %dma_start3A_41 = arith.constant 0 : i32
      %dma_start3A_42 = tpu.memref_slice %arg8[%mul3A_36, %dma_start3A_41] : memref<10240x128xf32, #tpu.memory_space<vmem_shared>> -> memref<640x128xf32, #tpu.memory_space<vmem_shared>>
      tpu.enqueue_dma source(%dma_start3A_42 : memref<640x128xf32, #tpu.memory_space<vmem_shared>>) target(%dma_start3A_40 : memref<640x128xf32, #tpu.memory_space<hbm>>) target_semaphore(%run_scoped3A : memref<!tpu.dma_semaphore, #tpu.memory_space<semaphore_mem>>)
      %dma_wait3A = arith.constant 0 : i32
      %dma_wait3A_43 = tpu.memref_slice %arg5[%arg0, %mul3A_38, %dma_wait3A] : memref<2x10240x128xf32, #tpu.memory_space<hbm>> -> memref<1x640x128xf32, #tpu.memory_space<hbm>>
      %dma_wait3A_44 = tpu.memref_squeeze %dma_wait3A_43 : memref<1x640x128xf32, #tpu.memory_space<hbm>> -> memref<640x128xf32, #tpu.memory_space<hbm>>
      %dma_wait3A_45 = arith.constant 0 : i32
      %dma_wait3A_46 = tpu.memref_slice %arg8[%mul3A_36, %dma_wait3A_45] : memref<10240x128xf32, #tpu.memory_space<vmem_shared>> -> memref<640x128xf32, #tpu.memory_space<vmem_shared>>
      tpu.wait_dma2 semaphore(%run_scoped3A : memref<!tpu.dma_semaphore, #tpu.memory_space<semaphore_mem>>) src(%dma_wait3A_46 : memref<640x128xf32, #tpu.memory_space<vmem_shared>>) dst(%dma_wait3A_44 : memref<640x128xf32, #tpu.memory_space<hbm>>)
      tpu.yield
    }) : () -> ()
    return
  }
}

#map = affine_map<(d0, d1) -> (0, 0)>
#map1 = affine_map<(d0, d1) -> (0)>
module attributes {stable_mosaic.version = 14 : i64} {
  func.func @_sc_scatter_tail(%arg0: i32, %arg1: i32, %arg2: memref<2500x128xi32, #tpu.memory_space<hbm>>, %arg3: memref<320000x8xf32, #tpu.memory_space<hbm>>, %arg4: memref<40960xf32, #tpu.memory_space<hbm>>, %arg5: memref<32x40960xf32, #tpu.memory_space<hbm>>, %arg6: memref<128xi32, #tpu.memory_space<vmem>>, %arg7: memref<128x8xf32, #tpu.memory_space<vmem>>, %arg8: memref<40960xf32, #tpu.memory_space<vmem>>) attributes {dimension_semantics = [#tpu.dimension_semantics<core_parallel>, #tpu.dimension_semantics<subcore_parallel>], iteration_bounds = array<i64: 2, 16>, scalar_prefetch = 0 : i64, scratch_operands = 3 : i64, tpu.core_type = #tpu.core_type<sc_vector_subcore>, window_params = [{transform_indices = #map}, {transform_indices = #map}, {transform_indices = #map1}, {transform_indices = #map}]} {
    %mul3A = arith.constant 2 : i32
    %mul3A_0 = arith.muli %arg1, %mul3A : i32
    %add3A = arith.addi %mul3A_0, %arg0 : i32
    "tpu.region"() ({
      %run_scoped3A = tpu.sem_alloc : memref<!tpu.dma_semaphore, #tpu.memory_space<semaphore_mem>>
      tpu.enqueue_dma source(%arg4 : memref<40960xf32, #tpu.memory_space<hbm>>) target(%arg8 : memref<40960xf32, #tpu.memory_space<vmem>>) target_semaphore(%run_scoped3A : memref<!tpu.dma_semaphore, #tpu.memory_space<semaphore_mem>>)
      tpu.wait_dma2 semaphore(%run_scoped3A : memref<!tpu.dma_semaphore, #tpu.memory_space<semaphore_mem>>) src(%arg4 : memref<40960xf32, #tpu.memory_space<hbm>>) dst(%arg8 : memref<40960xf32, #tpu.memory_space<vmem>>)
      tpu.yield
    }) : () -> ()
    %sub3A = arith.constant 2500 : i32
    %sub3A_1 = arith.subi %sub3A, %add3A : i32
    %add3A_2 = arith.constant 31 : i32
    %add3A_3 = arith.addi %sub3A_1, %add3A_2 : i32
    %jit3A = arith.constant 32 : i32
    %div3A = arith.divsi %add3A_3, %jit3A : i32
    %sign3A = arith.constant 0 : i32
    %sign3A_4 = arith.cmpi sgt, %add3A_3, %sign3A : i32
    %sign3A_5 = arith.extui %sign3A_4 : i1 to i32
    %sign3A_6 = arith.constant 0 : i32
    %sign3A_7 = arith.cmpi slt, %add3A_3, %sign3A_6 : i32
    %sign3A_8 = arith.extui %sign3A_7 : i1 to i32
    %sign3A_9 = arith.subi %sign3A_5, %sign3A_8 : i32
    %sign3A_10 = arith.constant 0 : i32
    %sign3A_11 = arith.cmpi sgt, %jit3A, %sign3A_10 : i32
    %sign3A_12 = arith.extui %sign3A_11 : i1 to i32
    %sign3A_13 = arith.constant 0 : i32
    %sign3A_14 = arith.cmpi slt, %jit3A, %sign3A_13 : i32
    %sign3A_15 = arith.extui %sign3A_14 : i1 to i32
    %sign3A_16 = arith.subi %sign3A_12, %sign3A_15 : i32
    %ne3A = arith.cmpi ne, %sign3A_9, %sign3A_16 : i32
    %rem3A = arith.remsi %add3A_3, %jit3A : i32
    %ne3A_17 = arith.constant 0 : i32
    %ne3A_18 = arith.cmpi ne, %rem3A, %ne3A_17 : i32
    %and3A = arith.andi %ne3A, %ne3A_18 : i1
    %sub3A_19 = arith.constant 1 : i32
    %sub3A_20 = arith.subi %div3A, %sub3A_19 : i32
    %select_n3A = arith.select %and3A, %sub3A_20, %div3A : i32
    %iota3A = tpu.iota {dimensions = array<i32: 0>} : vector<16xi32>
    %broadcast_in_dim3A = arith.constant 0 : i32
    %broadcast_in_dim3A_21 = vector.broadcast %broadcast_in_dim3A : i32 to vector<16xi32>
    %add3A_22 = arith.constant 1 : i32
    %add3A_23 = vector.broadcast %add3A_22 : i32 to vector<16xi32>
    %add3A_24 = arith.addi %broadcast_in_dim3A_21, %add3A_23 : vector<16xi32>
    %add3A_25 = arith.constant 2 : i32
    %add3A_26 = vector.broadcast %add3A_25 : i32 to vector<16xi32>
    %add3A_27 = arith.addi %broadcast_in_dim3A_21, %add3A_26 : vector<16xi32>
    %add3A_28 = arith.constant 3 : i32
    %add3A_29 = vector.broadcast %add3A_28 : i32 to vector<16xi32>
    %add3A_30 = arith.addi %broadcast_in_dim3A_21, %add3A_29 : vector<16xi32>
    %broadcast_in_dim3A_31 = arith.constant 1.000000e+00 : f32
    %broadcast_in_dim3A_32 = vector.broadcast %broadcast_in_dim3A_31 : f32 to vector<16xf32>
    %while3A = arith.constant 0 : i32
    %while3A_33 = arith.constant 0 : i32
    %while3A_34 = arith.subi %select_n3A, %while3A_33 : i32
    %while3A_35 = arith.addi %while3A_33, %while3A_34 : i32
    %while3A_36 = arith.constant 1 : i32
    %while3A_37 = arith.divsi %while3A_34, %while3A_36 : i32
    %while3A_38 = arith.muli %while3A_37, %while3A_36 : i32
    %while3A_39 = arith.addi %while3A_33, %while3A_38 : i32
    %while3A_40 = arith.constant 1 : i32
    scf.for %while3A_42 = %while3A_33 to %while3A_39 step %while3A_40  : i32 {
      %mul3A_43 = arith.constant 32 : i32
      %mul3A_44 = arith.muli %while3A_42, %mul3A_43 : i32
      %add3A_45 = arith.addi %add3A, %mul3A_44 : i32
      "tpu.region"() ({
        %run_scoped3A = tpu.sem_alloc : memref<!tpu.dma_semaphore, #tpu.memory_space<semaphore_mem>>
        %dma_start3A = arith.constant 0 : i32
        %dma_start3A_238 = tpu.memref_slice %arg2[%add3A_45, %dma_start3A] : memref<2500x128xi32, #tpu.memory_space<hbm>> -> memref<1x128xi32, #tpu.memory_space<hbm>>
        %dma_start3A_239 = tpu.memref_squeeze %dma_start3A_238 : memref<1x128xi32, #tpu.memory_space<hbm>> -> memref<128xi32, #tpu.memory_space<hbm>>
        %dma_start3A_240 = arith.constant 0 : i32
        %dma_start3A_241 = tpu.memref_slice %arg2[%add3A_45, %dma_start3A_240] : memref<2500x128xi32, #tpu.memory_space<hbm>> -> memref<1x128xi32, #tpu.memory_space<hbm>>
        %dma_start3A_242 = tpu.memref_squeeze %dma_start3A_241 : memref<1x128xi32, #tpu.memory_space<hbm>> -> memref<128xi32, #tpu.memory_space<hbm>>
        tpu.enqueue_dma source(%dma_start3A_242 : memref<128xi32, #tpu.memory_space<hbm>>) target(%arg6 : memref<128xi32, #tpu.memory_space<vmem>>) target_semaphore(%run_scoped3A : memref<!tpu.dma_semaphore, #tpu.memory_space<semaphore_mem>>)
        %dma_wait3A = arith.constant 0 : i32
        %dma_wait3A_243 = tpu.memref_slice %arg2[%add3A_45, %dma_wait3A] : memref<2500x128xi32, #tpu.memory_space<hbm>> -> memref<1x128xi32, #tpu.memory_space<hbm>>
        %dma_wait3A_244 = tpu.memref_squeeze %dma_wait3A_243 : memref<1x128xi32, #tpu.memory_space<hbm>> -> memref<128xi32, #tpu.memory_space<hbm>>
        %dma_wait3A_245 = arith.constant 0 : i32
        %dma_wait3A_246 = tpu.memref_slice %arg2[%add3A_45, %dma_wait3A_245] : memref<2500x128xi32, #tpu.memory_space<hbm>> -> memref<1x128xi32, #tpu.memory_space<hbm>>
        %dma_wait3A_247 = tpu.memref_squeeze %dma_wait3A_246 : memref<1x128xi32, #tpu.memory_space<hbm>> -> memref<128xi32, #tpu.memory_space<hbm>>
        tpu.wait_dma2 semaphore(%run_scoped3A : memref<!tpu.dma_semaphore, #tpu.memory_space<semaphore_mem>>) src(%dma_wait3A_247 : memref<128xi32, #tpu.memory_space<hbm>>) dst(%arg6 : memref<128xi32, #tpu.memory_space<vmem>>)
        tpu.yield
      }) : () -> ()
      %mul3A_46 = arith.constant 128 : i32
      %mul3A_47 = arith.muli %add3A_45, %mul3A_46 : i32
      "tpu.region"() ({
        %run_scoped3A = tpu.sem_alloc : memref<!tpu.dma_semaphore, #tpu.memory_space<semaphore_mem>>
        %dma_start3A = arith.constant 0 : i32
        %dma_start3A_238 = tpu.memref_slice %arg3[%mul3A_47, %dma_start3A] : memref<320000x8xf32, #tpu.memory_space<hbm>> -> memref<128x8xf32, #tpu.memory_space<hbm>>
        %dma_start3A_239 = arith.constant 0 : i32
        %dma_start3A_240 = tpu.memref_slice %arg3[%mul3A_47, %dma_start3A_239] : memref<320000x8xf32, #tpu.memory_space<hbm>> -> memref<128x8xf32, #tpu.memory_space<hbm>>
        tpu.enqueue_dma source(%dma_start3A_240 : memref<128x8xf32, #tpu.memory_space<hbm>>) target(%arg7 : memref<128x8xf32, #tpu.memory_space<vmem>>) target_semaphore(%run_scoped3A : memref<!tpu.dma_semaphore, #tpu.memory_space<semaphore_mem>>)
        %dma_wait3A = arith.constant 0 : i32
        %dma_wait3A_241 = tpu.memref_slice %arg3[%mul3A_47, %dma_wait3A] : memref<320000x8xf32, #tpu.memory_space<hbm>> -> memref<128x8xf32, #tpu.memory_space<hbm>>
        %dma_wait3A_242 = arith.constant 0 : i32
        %dma_wait3A_243 = tpu.memref_slice %arg3[%mul3A_47, %dma_wait3A_242] : memref<320000x8xf32, #tpu.memory_space<hbm>> -> memref<128x8xf32, #tpu.memory_space<hbm>>
        tpu.wait_dma2 semaphore(%run_scoped3A : memref<!tpu.dma_semaphore, #tpu.memory_space<semaphore_mem>>) src(%dma_wait3A_243 : memref<128x8xf32, #tpu.memory_space<hbm>>) dst(%arg7 : memref<128x8xf32, #tpu.memory_space<vmem>>)
        tpu.yield
      }) : () -> ()
      %get3A = arith.constant 0 : index
      %get3A_48 = tpu.vector_load %arg6[%get3A] {strides = array<i32>} : memref<128xi32, #tpu.memory_space<vmem>>, vector<16xi32>,
      %mul3A_49 = arith.constant 4 : i32
      %mul3A_50 = vector.broadcast %mul3A_49 : i32 to vector<16xi32>
      %mul3A_51 = arith.muli %get3A_48, %mul3A_50 : vector<16xi32>
      %add3A_52 = arith.constant 0 : i32
      %add3A_53 = vector.broadcast %add3A_52 : i32 to vector<16xi32>
      %add3A_54 = arith.addi %add3A_53, %iota3A : vector<16xi32>
      %gather3A = tpu.vector_load_idx %arg7[%add3A_54, %broadcast_in_dim3A_21] : memref<128x8xf32, #tpu.memory_space<vmem>>[vector<16xi32>, vector<16xi32>], vector<16xf32>,
      %gather3A_55 = tpu.vector_load_idx %arg7[%add3A_54, %add3A_24] : memref<128x8xf32, #tpu.memory_space<vmem>>[vector<16xi32>, vector<16xi32>], vector<16xf32>,
      %gather3A_56 = tpu.vector_load_idx %arg7[%add3A_54, %add3A_27] : memref<128x8xf32, #tpu.memory_space<vmem>>[vector<16xi32>, vector<16xi32>], vector<16xf32>,
      %gather3A_57 = tpu.vector_load_idx %arg7[%add3A_54, %add3A_30] : memref<128x8xf32, #tpu.memory_space<vmem>>[vector<16xi32>, vector<16xi32>], vector<16xf32>,
      %mul3A_58 = arith.mulf %gather3A, %gather3A_57 : vector<16xf32>
      tpu.vector_store_idx %arg8[%mul3A_51], %mul3A_58 {add = true} : memref<40960xf32, #tpu.memory_space<vmem>>[vector<16xi32>], vector<16xf32>,
      %add3A_59 = arith.constant 1 : i32
      %add3A_60 = vector.broadcast %add3A_59 : i32 to vector<16xi32>
      %add3A_61 = arith.addi %mul3A_51, %add3A_60 : vector<16xi32>
      %mul3A_62 = arith.mulf %gather3A_55, %gather3A_57 : vector<16xf32>
      tpu.vector_store_idx %arg8[%add3A_61], %mul3A_62 {add = true} : memref<40960xf32, #tpu.memory_space<vmem>>[vector<16xi32>], vector<16xf32>,
      %add3A_63 = arith.constant 2 : i32
      %add3A_64 = vector.broadcast %add3A_63 : i32 to vector<16xi32>
      %add3A_65 = arith.addi %mul3A_51, %add3A_64 : vector<16xi32>
      %mul3A_66 = arith.mulf %gather3A_56, %gather3A_57 : vector<16xf32>
      tpu.vector_store_idx %arg8[%add3A_65], %mul3A_66 {add = true} : memref<40960xf32, #tpu.memory_space<vmem>>[vector<16xi32>], vector<16xf32>,
      %add3A_67 = arith.constant 3 : i32
      %add3A_68 = vector.broadcast %add3A_67 : i32 to vector<16xi32>
      %add3A_69 = arith.addi %mul3A_51, %add3A_68 : vector<16xi32>
      tpu.vector_store_idx %arg8[%add3A_69], %broadcast_in_dim3A_32 {add = true} : memref<40960xf32, #tpu.memory_space<vmem>>[vector<16xi32>], vector<16xf32>,
      %get3A_70 = arith.constant 16 : index
      %get3A_71 = tpu.vector_load %arg6[%get3A_70] {strides = array<i32>} : memref<128xi32, #tpu.memory_space<vmem>>, vector<16xi32>,
      %mul3A_72 = arith.constant 4 : i32
      %mul3A_73 = vector.broadcast %mul3A_72 : i32 to vector<16xi32>
      %mul3A_74 = arith.muli %get3A_71, %mul3A_73 : vector<16xi32>
      %add3A_75 = arith.constant 16 : i32
      %add3A_76 = vector.broadcast %add3A_75 : i32 to vector<16xi32>
      %add3A_77 = arith.addi %add3A_76, %iota3A : vector<16xi32>
      %gather3A_78 = tpu.vector_load_idx %arg7[%add3A_77, %broadcast_in_dim3A_21] : memref<128x8xf32, #tpu.memory_space<vmem>>[vector<16xi32>, vector<16xi32>], vector<16xf32>,
      %gather3A_79 = tpu.vector_load_idx %arg7[%add3A_77, %add3A_24] : memref<128x8xf32, #tpu.memory_space<vmem>>[vector<16xi32>, vector<16xi32>], vector<16xf32>,
      %gather3A_80 = tpu.vector_load_idx %arg7[%add3A_77, %add3A_27] : memref<128x8xf32, #tpu.memory_space<vmem>>[vector<16xi32>, vector<16xi32>], vector<16xf32>,
      %gather3A_81 = tpu.vector_load_idx %arg7[%add3A_77, %add3A_30] : memref<128x8xf32, #tpu.memory_space<vmem>>[vector<16xi32>, vector<16xi32>], vector<16xf32>,
      %mul3A_82 = arith.mulf %gather3A_78, %gather3A_81 : vector<16xf32>
      tpu.vector_store_idx %arg8[%mul3A_74], %mul3A_82 {add = true} : memref<40960xf32, #tpu.memory_space<vmem>>[vector<16xi32>], vector<16xf32>,
      %add3A_83 = arith.constant 1 : i32
      %add3A_84 = vector.broadcast %add3A_83 : i32 to vector<16xi32>
      %add3A_85 = arith.addi %mul3A_74, %add3A_84 : vector<16xi32>
      %mul3A_86 = arith.mulf %gather3A_79, %gather3A_81 : vector<16xf32>
      tpu.vector_store_idx %arg8[%add3A_85], %mul3A_86 {add = true} : memref<40960xf32, #tpu.memory_space<vmem>>[vector<16xi32>], vector<16xf32>,
      %add3A_87 = arith.constant 2 : i32
      %add3A_88 = vector.broadcast %add3A_87 : i32 to vector<16xi32>
      %add3A_89 = arith.addi %mul3A_74, %add3A_88 : vector<16xi32>
      %mul3A_90 = arith.mulf %gather3A_80, %gather3A_81 : vector<16xf32>
      tpu.vector_store_idx %arg8[%add3A_89], %mul3A_90 {add = true} : memref<40960xf32, #tpu.memory_space<vmem>>[vector<16xi32>], vector<16xf32>,
      %add3A_91 = arith.constant 3 : i32
      %add3A_92 = vector.broadcast %add3A_91 : i32 to vector<16xi32>
      %add3A_93 = arith.addi %mul3A_74, %add3A_92 : vector<16xi32>
      tpu.vector_store_idx %arg8[%add3A_93], %broadcast_in_dim3A_32 {add = true} : memref<40960xf32, #tpu.memory_space<vmem>>[vector<16xi32>], vector<16xf32>,
      %get3A_94 = arith.constant 32 : index
      %get3A_95 = tpu.vector_load %arg6[%get3A_94] {strides = array<i32>} : memref<128xi32, #tpu.memory_space<vmem>>, vector<16xi32>,
      %mul3A_96 = arith.constant 4 : i32
      %mul3A_97 = vector.broadcast %mul3A_96 : i32 to vector<16xi32>
      %mul3A_98 = arith.muli %get3A_95, %mul3A_97 : vector<16xi32>
      %add3A_99 = arith.constant 32 : i32
      %add3A_100 = vector.broadcast %add3A_99 : i32 to vector<16xi32>
      %add3A_101 = arith.addi %add3A_100, %iota3A : vector<16xi32>
      %gather3A_102 = tpu.vector_load_idx %arg7[%add3A_101, %broadcast_in_dim3A_21] : memref<128x8xf32, #tpu.memory_space<vmem>>[vector<16xi32>, vector<16xi32>], vector<16xf32>,
      %gather3A_103 = tpu.vector_load_idx %arg7[%add3A_101, %add3A_24] : memref<128x8xf32, #tpu.memory_space<vmem>>[vector<16xi32>, vector<16xi32>], vector<16xf32>,
      %gather3A_104 = tpu.vector_load_idx %arg7[%add3A_101, %add3A_27] : memref<128x8xf32, #tpu.memory_space<vmem>>[vector<16xi32>, vector<16xi32>], vector<16xf32>,
      %gather3A_105 = tpu.vector_load_idx %arg7[%add3A_101, %add3A_30] : memref<128x8xf32, #tpu.memory_space<vmem>>[vector<16xi32>, vector<16xi32>], vector<16xf32>,
      %mul3A_106 = arith.mulf %gather3A_102, %gather3A_105 : vector<16xf32>
      tpu.vector_store_idx %arg8[%mul3A_98], %mul3A_106 {add = true} : memref<40960xf32, #tpu.memory_space<vmem>>[vector<16xi32>], vector<16xf32>,
      %add3A_107 = arith.constant 1 : i32
      %add3A_108 = vector.broadcast %add3A_107 : i32 to vector<16xi32>
      %add3A_109 = arith.addi %mul3A_98, %add3A_108 : vector<16xi32>
      %mul3A_110 = arith.mulf %gather3A_103, %gather3A_105 : vector<16xf32>
      tpu.vector_store_idx %arg8[%add3A_109], %mul3A_110 {add = true} : memref<40960xf32, #tpu.memory_space<vmem>>[vector<16xi32>], vector<16xf32>,
      %add3A_111 = arith.constant 2 : i32
      %add3A_112 = vector.broadcast %add3A_111 : i32 to vector<16xi32>
      %add3A_113 = arith.addi %mul3A_98, %add3A_112 : vector<16xi32>
      %mul3A_114 = arith.mulf %gather3A_104, %gather3A_105 : vector<16xf32>
      tpu.vector_store_idx %arg8[%add3A_113], %mul3A_114 {add = true} : memref<40960xf32, #tpu.memory_space<vmem>>[vector<16xi32>], vector<16xf32>,
      %add3A_115 = arith.constant 3 : i32
      %add3A_116 = vector.broadcast %add3A_115 : i32 to vector<16xi32>
      %add3A_117 = arith.addi %mul3A_98, %add3A_116 : vector<16xi32>
      tpu.vector_store_idx %arg8[%add3A_117], %broadcast_in_dim3A_32 {add = true} : memref<40960xf32, #tpu.memory_space<vmem>>[vector<16xi32>], vector<16xf32>,
      %get3A_118 = arith.constant 48 : index
      %get3A_119 = tpu.vector_load %arg6[%get3A_118] {strides = array<i32>} : memref<128xi32, #tpu.memory_space<vmem>>, vector<16xi32>,
      %mul3A_120 = arith.constant 4 : i32
      %mul3A_121 = vector.broadcast %mul3A_120 : i32 to vector<16xi32>
      %mul3A_122 = arith.muli %get3A_119, %mul3A_121 : vector<16xi32>
      %add3A_123 = arith.constant 48 : i32
      %add3A_124 = vector.broadcast %add3A_123 : i32 to vector<16xi32>
      %add3A_125 = arith.addi %add3A_124, %iota3A : vector<16xi32>
      %gather3A_126 = tpu.vector_load_idx %arg7[%add3A_125, %broadcast_in_dim3A_21] : memref<128x8xf32, #tpu.memory_space<vmem>>[vector<16xi32>, vector<16xi32>], vector<16xf32>,
      %gather3A_127 = tpu.vector_load_idx %arg7[%add3A_125, %add3A_24] : memref<128x8xf32, #tpu.memory_space<vmem>>[vector<16xi32>, vector<16xi32>], vector<16xf32>,
      %gather3A_128 = tpu.vector_load_idx %arg7[%add3A_125, %add3A_27] : memref<128x8xf32, #tpu.memory_space<vmem>>[vector<16xi32>, vector<16xi32>], vector<16xf32>,
      %gather3A_129 = tpu.vector_load_idx %arg7[%add3A_125, %add3A_30] : memref<128x8xf32, #tpu.memory_space<vmem>>[vector<16xi32>, vector<16xi32>], vector<16xf32>,
      %mul3A_130 = arith.mulf %gather3A_126, %gather3A_129 : vector<16xf32>
      tpu.vector_store_idx %arg8[%mul3A_122], %mul3A_130 {add = true} : memref<40960xf32, #tpu.memory_space<vmem>>[vector<16xi32>], vector<16xf32>,
      %add3A_131 = arith.constant 1 : i32
      %add3A_132 = vector.broadcast %add3A_131 : i32 to vector<16xi32>
      %add3A_133 = arith.addi %mul3A_122, %add3A_132 : vector<16xi32>
      %mul3A_134 = arith.mulf %gather3A_127, %gather3A_129 : vector<16xf32>
      tpu.vector_store_idx %arg8[%add3A_133], %mul3A_134 {add = true} : memref<40960xf32, #tpu.memory_space<vmem>>[vector<16xi32>], vector<16xf32>,
      %add3A_135 = arith.constant 2 : i32
      %add3A_136 = vector.broadcast %add3A_135 : i32 to vector<16xi32>
      %add3A_137 = arith.addi %mul3A_122, %add3A_136 : vector<16xi32>
      %mul3A_138 = arith.mulf %gather3A_128, %gather3A_129 : vector<16xf32>
      tpu.vector_store_idx %arg8[%add3A_137], %mul3A_138 {add = true} : memref<40960xf32, #tpu.memory_space<vmem>>[vector<16xi32>], vector<16xf32>,
      %add3A_139 = arith.constant 3 : i32
      %add3A_140 = vector.broadcast %add3A_139 : i32 to vector<16xi32>
      %add3A_141 = arith.addi %mul3A_122, %add3A_140 : vector<16xi32>
      tpu.vector_store_idx %arg8[%add3A_141], %broadcast_in_dim3A_32 {add = true} : memref<40960xf32, #tpu.memory_space<vmem>>[vector<16xi32>], vector<16xf32>,
      %get3A_142 = arith.constant 64 : index
      %get3A_143 = tpu.vector_load %arg6[%get3A_142] {strides = array<i32>} : memref<128xi32, #tpu.memory_space<vmem>>, vector<16xi32>,
      %mul3A_144 = arith.constant 4 : i32
      %mul3A_145 = vector.broadcast %mul3A_144 : i32 to vector<16xi32>
      %mul3A_146 = arith.muli %get3A_143, %mul3A_145 : vector<16xi32>
      %add3A_147 = arith.constant 64 : i32
      %add3A_148 = vector.broadcast %add3A_147 : i32 to vector<16xi32>
      %add3A_149 = arith.addi %add3A_148, %iota3A : vector<16xi32>
      %gather3A_150 = tpu.vector_load_idx %arg7[%add3A_149, %broadcast_in_dim3A_21] : memref<128x8xf32, #tpu.memory_space<vmem>>[vector<16xi32>, vector<16xi32>], vector<16xf32>,
      %gather3A_151 = tpu.vector_load_idx %arg7[%add3A_149, %add3A_24] : memref<128x8xf32, #tpu.memory_space<vmem>>[vector<16xi32>, vector<16xi32>], vector<16xf32>,
      %gather3A_152 = tpu.vector_load_idx %arg7[%add3A_149, %add3A_27] : memref<128x8xf32, #tpu.memory_space<vmem>>[vector<16xi32>, vector<16xi32>], vector<16xf32>,
      %gather3A_153 = tpu.vector_load_idx %arg7[%add3A_149, %add3A_30] : memref<128x8xf32, #tpu.memory_space<vmem>>[vector<16xi32>, vector<16xi32>], vector<16xf32>,
      %mul3A_154 = arith.mulf %gather3A_150, %gather3A_153 : vector<16xf32>
      tpu.vector_store_idx %arg8[%mul3A_146], %mul3A_154 {add = true} : memref<40960xf32, #tpu.memory_space<vmem>>[vector<16xi32>], vector<16xf32>,
      %add3A_155 = arith.constant 1 : i32
      %add3A_156 = vector.broadcast %add3A_155 : i32 to vector<16xi32>
      %add3A_157 = arith.addi %mul3A_146, %add3A_156 : vector<16xi32>
      %mul3A_158 = arith.mulf %gather3A_151, %gather3A_153 : vector<16xf32>
      tpu.vector_store_idx %arg8[%add3A_157], %mul3A_158 {add = true} : memref<40960xf32, #tpu.memory_space<vmem>>[vector<16xi32>], vector<16xf32>,
      %add3A_159 = arith.constant 2 : i32
      %add3A_160 = vector.broadcast %add3A_159 : i32 to vector<16xi32>
      %add3A_161 = arith.addi %mul3A_146, %add3A_160 : vector<16xi32>
      %mul3A_162 = arith.mulf %gather3A_152, %gather3A_153 : vector<16xf32>
      tpu.vector_store_idx %arg8[%add3A_161], %mul3A_162 {add = true} : memref<40960xf32, #tpu.memory_space<vmem>>[vector<16xi32>], vector<16xf32>,
      %add3A_163 = arith.constant 3 : i32
      %add3A_164 = vector.broadcast %add3A_163 : i32 to vector<16xi32>
      %add3A_165 = arith.addi %mul3A_146, %add3A_164 : vector<16xi32>
      tpu.vector_store_idx %arg8[%add3A_165], %broadcast_in_dim3A_32 {add = true} : memref<40960xf32, #tpu.memory_space<vmem>>[vector<16xi32>], vector<16xf32>,
      %get3A_166 = arith.constant 80 : index
      %get3A_167 = tpu.vector_load %arg6[%get3A_166] {strides = array<i32>} : memref<128xi32, #tpu.memory_space<vmem>>, vector<16xi32>,
      %mul3A_168 = arith.constant 4 : i32
      %mul3A_169 = vector.broadcast %mul3A_168 : i32 to vector<16xi32>
      %mul3A_170 = arith.muli %get3A_167, %mul3A_169 : vector<16xi32>
      %add3A_171 = arith.constant 80 : i32
      %add3A_172 = vector.broadcast %add3A_171 : i32 to vector<16xi32>
      %add3A_173 = arith.addi %add3A_172, %iota3A : vector<16xi32>
      %gather3A_174 = tpu.vector_load_idx %arg7[%add3A_173, %broadcast_in_dim3A_21] : memref<128x8xf32, #tpu.memory_space<vmem>>[vector<16xi32>, vector<16xi32>], vector<16xf32>,
      %gather3A_175 = tpu.vector_load_idx %arg7[%add3A_173, %add3A_24] : memref<128x8xf32, #tpu.memory_space<vmem>>[vector<16xi32>, vector<16xi32>], vector<16xf32>,
      %gather3A_176 = tpu.vector_load_idx %arg7[%add3A_173, %add3A_27] : memref<128x8xf32, #tpu.memory_space<vmem>>[vector<16xi32>, vector<16xi32>], vector<16xf32>,
      %gather3A_177 = tpu.vector_load_idx %arg7[%add3A_173, %add3A_30] : memref<128x8xf32, #tpu.memory_space<vmem>>[vector<16xi32>, vector<16xi32>], vector<16xf32>,
      %mul3A_178 = arith.mulf %gather3A_174, %gather3A_177 : vector<16xf32>
      tpu.vector_store_idx %arg8[%mul3A_170], %mul3A_178 {add = true} : memref<40960xf32, #tpu.memory_space<vmem>>[vector<16xi32>], vector<16xf32>,
      %add3A_179 = arith.constant 1 : i32
      %add3A_180 = vector.broadcast %add3A_179 : i32 to vector<16xi32>
      %add3A_181 = arith.addi %mul3A_170, %add3A_180 : vector<16xi32>
      %mul3A_182 = arith.mulf %gather3A_175, %gather3A_177 : vector<16xf32>
      tpu.vector_store_idx %arg8[%add3A_181], %mul3A_182 {add = true} : memref<40960xf32, #tpu.memory_space<vmem>>[vector<16xi32>], vector<16xf32>,
      %add3A_183 = arith.constant 2 : i32
      %add3A_184 = vector.broadcast %add3A_183 : i32 to vector<16xi32>
      %add3A_185 = arith.addi %mul3A_170, %add3A_184 : vector<16xi32>
      %mul3A_186 = arith.mulf %gather3A_176, %gather3A_177 : vector<16xf32>
      tpu.vector_store_idx %arg8[%add3A_185], %mul3A_186 {add = true} : memref<40960xf32, #tpu.memory_space<vmem>>[vector<16xi32>], vector<16xf32>,
      %add3A_187 = arith.constant 3 : i32
      %add3A_188 = vector.broadcast %add3A_187 : i32 to vector<16xi32>
      %add3A_189 = arith.addi %mul3A_170, %add3A_188 : vector<16xi32>
      tpu.vector_store_idx %arg8[%add3A_189], %broadcast_in_dim3A_32 {add = true} : memref<40960xf32, #tpu.memory_space<vmem>>[vector<16xi32>], vector<16xf32>,
      %get3A_190 = arith.constant 96 : index
      %get3A_191 = tpu.vector_load %arg6[%get3A_190] {strides = array<i32>} : memref<128xi32, #tpu.memory_space<vmem>>, vector<16xi32>,
      %mul3A_192 = arith.constant 4 : i32
      %mul3A_193 = vector.broadcast %mul3A_192 : i32 to vector<16xi32>
      %mul3A_194 = arith.muli %get3A_191, %mul3A_193 : vector<16xi32>
      %add3A_195 = arith.constant 96 : i32
      %add3A_196 = vector.broadcast %add3A_195 : i32 to vector<16xi32>
      %add3A_197 = arith.addi %add3A_196, %iota3A : vector<16xi32>
      %gather3A_198 = tpu.vector_load_idx %arg7[%add3A_197, %broadcast_in_dim3A_21] : memref<128x8xf32, #tpu.memory_space<vmem>>[vector<16xi32>, vector<16xi32>], vector<16xf32>,
      %gather3A_199 = tpu.vector_load_idx %arg7[%add3A_197, %add3A_24] : memref<128x8xf32, #tpu.memory_space<vmem>>[vector<16xi32>, vector<16xi32>], vector<16xf32>,
      %gather3A_200 = tpu.vector_load_idx %arg7[%add3A_197, %add3A_27] : memref<128x8xf32, #tpu.memory_space<vmem>>[vector<16xi32>, vector<16xi32>], vector<16xf32>,
      %gather3A_201 = tpu.vector_load_idx %arg7[%add3A_197, %add3A_30] : memref<128x8xf32, #tpu.memory_space<vmem>>[vector<16xi32>, vector<16xi32>], vector<16xf32>,
      %mul3A_202 = arith.mulf %gather3A_198, %gather3A_201 : vector<16xf32>
      tpu.vector_store_idx %arg8[%mul3A_194], %mul3A_202 {add = true} : memref<40960xf32, #tpu.memory_space<vmem>>[vector<16xi32>], vector<16xf32>,
      %add3A_203 = arith.constant 1 : i32
      %add3A_204 = vector.broadcast %add3A_203 : i32 to vector<16xi32>
      %add3A_205 = arith.addi %mul3A_194, %add3A_204 : vector<16xi32>
      %mul3A_206 = arith.mulf %gather3A_199, %gather3A_201 : vector<16xf32>
      tpu.vector_store_idx %arg8[%add3A_205], %mul3A_206 {add = true} : memref<40960xf32, #tpu.memory_space<vmem>>[vector<16xi32>], vector<16xf32>,
      %add3A_207 = arith.constant 2 : i32
      %add3A_208 = vector.broadcast %add3A_207 : i32 to vector<16xi32>
      %add3A_209 = arith.addi %mul3A_194, %add3A_208 : vector<16xi32>
      %mul3A_210 = arith.mulf %gather3A_200, %gather3A_201 : vector<16xf32>
      tpu.vector_store_idx %arg8[%add3A_209], %mul3A_210 {add = true} : memref<40960xf32, #tpu.memory_space<vmem>>[vector<16xi32>], vector<16xf32>,
      %add3A_211 = arith.constant 3 : i32
      %add3A_212 = vector.broadcast %add3A_211 : i32 to vector<16xi32>
      %add3A_213 = arith.addi %mul3A_194, %add3A_212 : vector<16xi32>
      tpu.vector_store_idx %arg8[%add3A_213], %broadcast_in_dim3A_32 {add = true} : memref<40960xf32, #tpu.memory_space<vmem>>[vector<16xi32>], vector<16xf32>,
      %get3A_214 = arith.constant 112 : index
      %get3A_215 = tpu.vector_load %arg6[%get3A_214] {strides = array<i32>} : memref<128xi32, #tpu.memory_space<vmem>>, vector<16xi32>,
      %mul3A_216 = arith.constant 4 : i32
      %mul3A_217 = vector.broadcast %mul3A_216 : i32 to vector<16xi32>
      %mul3A_218 = arith.muli %get3A_215, %mul3A_217 : vector<16xi32>
      %add3A_219 = arith.constant 112 : i32
      %add3A_220 = vector.broadcast %add3A_219 : i32 to vector<16xi32>
      %add3A_221 = arith.addi %add3A_220, %iota3A : vector<16xi32>
      %gather3A_222 = tpu.vector_load_idx %arg7[%add3A_221, %broadcast_in_dim3A_21] : memref<128x8xf32, #tpu.memory_space<vmem>>[vector<16xi32>, vector<16xi32>], vector<16xf32>,
      %gather3A_223 = tpu.vector_load_idx %arg7[%add3A_221, %add3A_24] : memref<128x8xf32, #tpu.memory_space<vmem>>[vector<16xi32>, vector<16xi32>], vector<16xf32>,
      %gather3A_224 = tpu.vector_load_idx %arg7[%add3A_221, %add3A_27] : memref<128x8xf32, #tpu.memory_space<vmem>>[vector<16xi32>, vector<16xi32>], vector<16xf32>,
      %gather3A_225 = tpu.vector_load_idx %arg7[%add3A_221, %add3A_30] : memref<128x8xf32, #tpu.memory_space<vmem>>[vector<16xi32>, vector<16xi32>], vector<16xf32>,
      %mul3A_226 = arith.mulf %gather3A_222, %gather3A_225 : vector<16xf32>
      tpu.vector_store_idx %arg8[%mul3A_218], %mul3A_226 {add = true} : memref<40960xf32, #tpu.memory_space<vmem>>[vector<16xi32>], vector<16xf32>,
      %add3A_227 = arith.constant 1 : i32
      %add3A_228 = vector.broadcast %add3A_227 : i32 to vector<16xi32>
      %add3A_229 = arith.addi %mul3A_218, %add3A_228 : vector<16xi32>
      %mul3A_230 = arith.mulf %gather3A_223, %gather3A_225 : vector<16xf32>
      tpu.vector_store_idx %arg8[%add3A_229], %mul3A_230 {add = true} : memref<40960xf32, #tpu.memory_space<vmem>>[vector<16xi32>], vector<16xf32>,
      %add3A_231 = arith.constant 2 : i32
      %add3A_232 = vector.broadcast %add3A_231 : i32 to vector<16xi32>
      %add3A_233 = arith.addi %mul3A_218, %add3A_232 : vector<16xi32>
      %mul3A_234 = arith.mulf %gather3A_224, %gather3A_225 : vector<16xf32>
      tpu.vector_store_idx %arg8[%add3A_233], %mul3A_234 {add = true} : memref<40960xf32, #tpu.memory_space<vmem>>[vector<16xi32>], vector<16xf32>,
      %add3A_235 = arith.constant 3 : i32
      %add3A_236 = vector.broadcast %add3A_235 : i32 to vector<16xi32>
      %add3A_237 = arith.addi %mul3A_218, %add3A_236 : vector<16xi32>
      tpu.vector_store_idx %arg8[%add3A_237], %broadcast_in_dim3A_32 {add = true} : memref<40960xf32, #tpu.memory_space<vmem>>[vector<16xi32>], vector<16xf32>,
    }
    %while3A_41 = arith.constant 1 : i32
    scf.for %while3A_42 = %while3A_39 to %while3A_35 step %while3A_41  : i32 {
      %mul3A_43 = arith.constant 32 : i32
      %mul3A_44 = arith.muli %while3A_42, %mul3A_43 : i32
      %add3A_45 = arith.addi %add3A, %mul3A_44 : i32
      "tpu.region"() ({
        %run_scoped3A = tpu.sem_alloc : memref<!tpu.dma_semaphore, #tpu.memory_space<semaphore_mem>>
        %dma_start3A = arith.constant 0 : i32
        %dma_start3A_238 = tpu.memref_slice %arg2[%add3A_45, %dma_start3A] : memref<2500x128xi32, #tpu.memory_space<hbm>> -> memref<1x128xi32, #tpu.memory_space<hbm>>
        %dma_start3A_239 = tpu.memref_squeeze %dma_start3A_238 : memref<1x128xi32, #tpu.memory_space<hbm>> -> memref<128xi32, #tpu.memory_space<hbm>>
        %dma_start3A_240 = arith.constant 0 : i32
        %dma_start3A_241 = tpu.memref_slice %arg2[%add3A_45, %dma_start3A_240] : memref<2500x128xi32, #tpu.memory_space<hbm>> -> memref<1x128xi32, #tpu.memory_space<hbm>>
        %dma_start3A_242 = tpu.memref_squeeze %dma_start3A_241 : memref<1x128xi32, #tpu.memory_space<hbm>> -> memref<128xi32, #tpu.memory_space<hbm>>
        tpu.enqueue_dma source(%dma_start3A_242 : memref<128xi32, #tpu.memory_space<hbm>>) target(%arg6 : memref<128xi32, #tpu.memory_space<vmem>>) target_semaphore(%run_scoped3A : memref<!tpu.dma_semaphore, #tpu.memory_space<semaphore_mem>>)
        %dma_wait3A = arith.constant 0 : i32
        %dma_wait3A_243 = tpu.memref_slice %arg2[%add3A_45, %dma_wait3A] : memref<2500x128xi32, #tpu.memory_space<hbm>> -> memref<1x128xi32, #tpu.memory_space<hbm>>
        %dma_wait3A_244 = tpu.memref_squeeze %dma_wait3A_243 : memref<1x128xi32, #tpu.memory_space<hbm>> -> memref<128xi32, #tpu.memory_space<hbm>>
        %dma_wait3A_245 = arith.constant 0 : i32
        %dma_wait3A_246 = tpu.memref_slice %arg2[%add3A_45, %dma_wait3A_245] : memref<2500x128xi32, #tpu.memory_space<hbm>> -> memref<1x128xi32, #tpu.memory_space<hbm>>
        %dma_wait3A_247 = tpu.memref_squeeze %dma_wait3A_246 : memref<1x128xi32, #tpu.memory_space<hbm>> -> memref<128xi32, #tpu.memory_space<hbm>>
        tpu.wait_dma2 semaphore(%run_scoped3A : memref<!tpu.dma_semaphore, #tpu.memory_space<semaphore_mem>>) src(%dma_wait3A_247 : memref<128xi32, #tpu.memory_space<hbm>>) dst(%arg6 : memref<128xi32, #tpu.memory_space<vmem>>)
        tpu.yield
      }) : () -> ()
      %mul3A_46 = arith.constant 128 : i32
      %mul3A_47 = arith.muli %add3A_45, %mul3A_46 : i32
      "tpu.region"() ({
        %run_scoped3A = tpu.sem_alloc : memref<!tpu.dma_semaphore, #tpu.memory_space<semaphore_mem>>
        %dma_start3A = arith.constant 0 : i32
        %dma_start3A_238 = tpu.memref_slice %arg3[%mul3A_47, %dma_start3A] : memref<320000x8xf32, #tpu.memory_space<hbm>> -> memref<128x8xf32, #tpu.memory_space<hbm>>
        %dma_start3A_239 = arith.constant 0 : i32
        %dma_start3A_240 = tpu.memref_slice %arg3[%mul3A_47, %dma_start3A_239] : memref<320000x8xf32, #tpu.memory_space<hbm>> -> memref<128x8xf32, #tpu.memory_space<hbm>>
        tpu.enqueue_dma source(%dma_start3A_240 : memref<128x8xf32, #tpu.memory_space<hbm>>) target(%arg7 : memref<128x8xf32, #tpu.memory_space<vmem>>) target_semaphore(%run_scoped3A : memref<!tpu.dma_semaphore, #tpu.memory_space<semaphore_mem>>)
        %dma_wait3A = arith.constant 0 : i32
        %dma_wait3A_241 = tpu.memref_slice %arg3[%mul3A_47, %dma_wait3A] : memref<320000x8xf32, #tpu.memory_space<hbm>> -> memref<128x8xf32, #tpu.memory_space<hbm>>
        %dma_wait3A_242 = arith.constant 0 : i32
        %dma_wait3A_243 = tpu.memref_slice %arg3[%mul3A_47, %dma_wait3A_242] : memref<320000x8xf32, #tpu.memory_space<hbm>> -> memref<128x8xf32, #tpu.memory_space<hbm>>
        tpu.wait_dma2 semaphore(%run_scoped3A : memref<!tpu.dma_semaphore, #tpu.memory_space<semaphore_mem>>) src(%dma_wait3A_243 : memref<128x8xf32, #tpu.memory_space<hbm>>) dst(%arg7 : memref<128x8xf32, #tpu.memory_space<vmem>>)
        tpu.yield
      }) : () -> ()
      %get3A = arith.constant 0 : index
      %get3A_48 = tpu.vector_load %arg6[%get3A] {strides = array<i32>} : memref<128xi32, #tpu.memory_space<vmem>>, vector<16xi32>,
      %mul3A_49 = arith.constant 4 : i32
      %mul3A_50 = vector.broadcast %mul3A_49 : i32 to vector<16xi32>
      %mul3A_51 = arith.muli %get3A_48, %mul3A_50 : vector<16xi32>
      %add3A_52 = arith.constant 0 : i32
      %add3A_53 = vector.broadcast %add3A_52 : i32 to vector<16xi32>
      %add3A_54 = arith.addi %add3A_53, %iota3A : vector<16xi32>
      %gather3A = tpu.vector_load_idx %arg7[%add3A_54, %broadcast_in_dim3A_21] : memref<128x8xf32, #tpu.memory_space<vmem>>[vector<16xi32>, vector<16xi32>], vector<16xf32>,
      %gather3A_55 = tpu.vector_load_idx %arg7[%add3A_54, %add3A_24] : memref<128x8xf32, #tpu.memory_space<vmem>>[vector<16xi32>, vector<16xi32>], vector<16xf32>,
      %gather3A_56 = tpu.vector_load_idx %arg7[%add3A_54, %add3A_27] : memref<128x8xf32, #tpu.memory_space<vmem>>[vector<16xi32>, vector<16xi32>], vector<16xf32>,
      %gather3A_57 = tpu.vector_load_idx %arg7[%add3A_54, %add3A_30] : memref<128x8xf32, #tpu.memory_space<vmem>>[vector<16xi32>, vector<16xi32>], vector<16xf32>,
      %mul3A_58 = arith.mulf %gather3A, %gather3A_57 : vector<16xf32>
      tpu.vector_store_idx %arg8[%mul3A_51], %mul3A_58 {add = true} : memref<40960xf32, #tpu.memory_space<vmem>>[vector<16xi32>], vector<16xf32>,
      %add3A_59 = arith.constant 1 : i32
      %add3A_60 = vector.broadcast %add3A_59 : i32 to vector<16xi32>
      %add3A_61 = arith.addi %mul3A_51, %add3A_60 : vector<16xi32>
      %mul3A_62 = arith.mulf %gather3A_55, %gather3A_57 : vector<16xf32>
      tpu.vector_store_idx %arg8[%add3A_61], %mul3A_62 {add = true} : memref<40960xf32, #tpu.memory_space<vmem>>[vector<16xi32>], vector<16xf32>,
      %add3A_63 = arith.constant 2 : i32
      %add3A_64 = vector.broadcast %add3A_63 : i32 to vector<16xi32>
      %add3A_65 = arith.addi %mul3A_51, %add3A_64 : vector<16xi32>
      %mul3A_66 = arith.mulf %gather3A_56, %gather3A_57 : vector<16xf32>
      tpu.vector_store_idx %arg8[%add3A_65], %mul3A_66 {add = true} : memref<40960xf32, #tpu.memory_space<vmem>>[vector<16xi32>], vector<16xf32>,
      %add3A_67 = arith.constant 3 : i32
      %add3A_68 = vector.broadcast %add3A_67 : i32 to vector<16xi32>
      %add3A_69 = arith.addi %mul3A_51, %add3A_68 : vector<16xi32>
      tpu.vector_store_idx %arg8[%add3A_69], %broadcast_in_dim3A_32 {add = true} : memref<40960xf32, #tpu.memory_space<vmem>>[vector<16xi32>], vector<16xf32>,
      %get3A_70 = arith.constant 16 : index
      %get3A_71 = tpu.vector_load %arg6[%get3A_70] {strides = array<i32>} : memref<128xi32, #tpu.memory_space<vmem>>, vector<16xi32>,
      %mul3A_72 = arith.constant 4 : i32
      %mul3A_73 = vector.broadcast %mul3A_72 : i32 to vector<16xi32>
      %mul3A_74 = arith.muli %get3A_71, %mul3A_73 : vector<16xi32>
      %add3A_75 = arith.constant 16 : i32
      %add3A_76 = vector.broadcast %add3A_75 : i32 to vector<16xi32>
      %add3A_77 = arith.addi %add3A_76, %iota3A : vector<16xi32>
      %gather3A_78 = tpu.vector_load_idx %arg7[%add3A_77, %broadcast_in_dim3A_21] : memref<128x8xf32, #tpu.memory_space<vmem>>[vector<16xi32>, vector<16xi32>], vector<16xf32>,
      %gather3A_79 = tpu.vector_load_idx %arg7[%add3A_77, %add3A_24] : memref<128x8xf32, #tpu.memory_space<vmem>>[vector<16xi32>, vector<16xi32>], vector<16xf32>,
      %gather3A_80 = tpu.vector_load_idx %arg7[%add3A_77, %add3A_27] : memref<128x8xf32, #tpu.memory_space<vmem>>[vector<16xi32>, vector<16xi32>], vector<16xf32>,
      %gather3A_81 = tpu.vector_load_idx %arg7[%add3A_77, %add3A_30] : memref<128x8xf32, #tpu.memory_space<vmem>>[vector<16xi32>, vector<16xi32>], vector<16xf32>,
      %mul3A_82 = arith.mulf %gather3A_78, %gather3A_81 : vector<16xf32>
      tpu.vector_store_idx %arg8[%mul3A_74], %mul3A_82 {add = true} : memref<40960xf32, #tpu.memory_space<vmem>>[vector<16xi32>], vector<16xf32>,
      %add3A_83 = arith.constant 1 : i32
      %add3A_84 = vector.broadcast %add3A_83 : i32 to vector<16xi32>
      %add3A_85 = arith.addi %mul3A_74, %add3A_84 : vector<16xi32>
      %mul3A_86 = arith.mulf %gather3A_79, %gather3A_81 : vector<16xf32>
      tpu.vector_store_idx %arg8[%add3A_85], %mul3A_86 {add = true} : memref<40960xf32, #tpu.memory_space<vmem>>[vector<16xi32>], vector<16xf32>,
      %add3A_87 = arith.constant 2 : i32
      %add3A_88 = vector.broadcast %add3A_87 : i32 to vector<16xi32>
      %add3A_89 = arith.addi %mul3A_74, %add3A_88 : vector<16xi32>
      %mul3A_90 = arith.mulf %gather3A_80, %gather3A_81 : vector<16xf32>
      tpu.vector_store_idx %arg8[%add3A_89], %mul3A_90 {add = true} : memref<40960xf32, #tpu.memory_space<vmem>>[vector<16xi32>], vector<16xf32>,
      %add3A_91 = arith.constant 3 : i32
      %add3A_92 = vector.broadcast %add3A_91 : i32 to vector<16xi32>
      %add3A_93 = arith.addi %mul3A_74, %add3A_92 : vector<16xi32>
      tpu.vector_store_idx %arg8[%add3A_93], %broadcast_in_dim3A_32 {add = true} : memref<40960xf32, #tpu.memory_space<vmem>>[vector<16xi32>], vector<16xf32>,
      %get3A_94 = arith.constant 32 : index
      %get3A_95 = tpu.vector_load %arg6[%get3A_94] {strides = array<i32>} : memref<128xi32, #tpu.memory_space<vmem>>, vector<16xi32>,
      %mul3A_96 = arith.constant 4 : i32
      %mul3A_97 = vector.broadcast %mul3A_96 : i32 to vector<16xi32>
      %mul3A_98 = arith.muli %get3A_95, %mul3A_97 : vector<16xi32>
      %add3A_99 = arith.constant 32 : i32
      %add3A_100 = vector.broadcast %add3A_99 : i32 to vector<16xi32>
      %add3A_101 = arith.addi %add3A_100, %iota3A : vector<16xi32>
      %gather3A_102 = tpu.vector_load_idx %arg7[%add3A_101, %broadcast_in_dim3A_21] : memref<128x8xf32, #tpu.memory_space<vmem>>[vector<16xi32>, vector<16xi32>], vector<16xf32>,
      %gather3A_103 = tpu.vector_load_idx %arg7[%add3A_101, %add3A_24] : memref<128x8xf32, #tpu.memory_space<vmem>>[vector<16xi32>, vector<16xi32>], vector<16xf32>,
      %gather3A_104 = tpu.vector_load_idx %arg7[%add3A_101, %add3A_27] : memref<128x8xf32, #tpu.memory_space<vmem>>[vector<16xi32>, vector<16xi32>], vector<16xf32>,
      %gather3A_105 = tpu.vector_load_idx %arg7[%add3A_101, %add3A_30] : memref<128x8xf32, #tpu.memory_space<vmem>>[vector<16xi32>, vector<16xi32>], vector<16xf32>,
      %mul3A_106 = arith.mulf %gather3A_102, %gather3A_105 : vector<16xf32>
      tpu.vector_store_idx %arg8[%mul3A_98], %mul3A_106 {add = true} : memref<40960xf32, #tpu.memory_space<vmem>>[vector<16xi32>], vector<16xf32>,
      %add3A_107 = arith.constant 1 : i32
      %add3A_108 = vector.broadcast %add3A_107 : i32 to vector<16xi32>
      %add3A_109 = arith.addi %mul3A_98, %add3A_108 : vector<16xi32>
      %mul3A_110 = arith.mulf %gather3A_103, %gather3A_105 : vector<16xf32>
      tpu.vector_store_idx %arg8[%add3A_109], %mul3A_110 {add = true} : memref<40960xf32, #tpu.memory_space<vmem>>[vector<16xi32>], vector<16xf32>,
      %add3A_111 = arith.constant 2 : i32
      %add3A_112 = vector.broadcast %add3A_111 : i32 to vector<16xi32>
      %add3A_113 = arith.addi %mul3A_98, %add3A_112 : vector<16xi32>
      %mul3A_114 = arith.mulf %gather3A_104, %gather3A_105 : vector<16xf32>
      tpu.vector_store_idx %arg8[%add3A_113], %mul3A_114 {add = true} : memref<40960xf32, #tpu.memory_space<vmem>>[vector<16xi32>], vector<16xf32>,
      %add3A_115 = arith.constant 3 : i32
      %add3A_116 = vector.broadcast %add3A_115 : i32 to vector<16xi32>
      %add3A_117 = arith.addi %mul3A_98, %add3A_116 : vector<16xi32>
      tpu.vector_store_idx %arg8[%add3A_117], %broadcast_in_dim3A_32 {add = true} : memref<40960xf32, #tpu.memory_space<vmem>>[vector<16xi32>], vector<16xf32>,
      %get3A_118 = arith.constant 48 : index
      %get3A_119 = tpu.vector_load %arg6[%get3A_118] {strides = array<i32>} : memref<128xi32, #tpu.memory_space<vmem>>, vector<16xi32>,
      %mul3A_120 = arith.constant 4 : i32
      %mul3A_121 = vector.broadcast %mul3A_120 : i32 to vector<16xi32>
      %mul3A_122 = arith.muli %get3A_119, %mul3A_121 : vector<16xi32>
      %add3A_123 = arith.constant 48 : i32
      %add3A_124 = vector.broadcast %add3A_123 : i32 to vector<16xi32>
      %add3A_125 = arith.addi %add3A_124, %iota3A : vector<16xi32>
      %gather3A_126 = tpu.vector_load_idx %arg7[%add3A_125, %broadcast_in_dim3A_21] : memref<128x8xf32, #tpu.memory_space<vmem>>[vector<16xi32>, vector<16xi32>], vector<16xf32>,
      %gather3A_127 = tpu.vector_load_idx %arg7[%add3A_125, %add3A_24] : memref<128x8xf32, #tpu.memory_space<vmem>>[vector<16xi32>, vector<16xi32>], vector<16xf32>,
      %gather3A_128 = tpu.vector_load_idx %arg7[%add3A_125, %add3A_27] : memref<128x8xf32, #tpu.memory_space<vmem>>[vector<16xi32>, vector<16xi32>], vector<16xf32>,
      %gather3A_129 = tpu.vector_load_idx %arg7[%add3A_125, %add3A_30] : memref<128x8xf32, #tpu.memory_space<vmem>>[vector<16xi32>, vector<16xi32>], vector<16xf32>,
      %mul3A_130 = arith.mulf %gather3A_126, %gather3A_129 : vector<16xf32>
      tpu.vector_store_idx %arg8[%mul3A_122], %mul3A_130 {add = true} : memref<40960xf32, #tpu.memory_space<vmem>>[vector<16xi32>], vector<16xf32>,
      %add3A_131 = arith.constant 1 : i32
      %add3A_132 = vector.broadcast %add3A_131 : i32 to vector<16xi32>
      %add3A_133 = arith.addi %mul3A_122, %add3A_132 : vector<16xi32>
      %mul3A_134 = arith.mulf %gather3A_127, %gather3A_129 : vector<16xf32>
      tpu.vector_store_idx %arg8[%add3A_133], %mul3A_134 {add = true} : memref<40960xf32, #tpu.memory_space<vmem>>[vector<16xi32>], vector<16xf32>,
      %add3A_135 = arith.constant 2 : i32
      %add3A_136 = vector.broadcast %add3A_135 : i32 to vector<16xi32>
      %add3A_137 = arith.addi %mul3A_122, %add3A_136 : vector<16xi32>
      %mul3A_138 = arith.mulf %gather3A_128, %gather3A_129 : vector<16xf32>
      tpu.vector_store_idx %arg8[%add3A_137], %mul3A_138 {add = true} : memref<40960xf32, #tpu.memory_space<vmem>>[vector<16xi32>], vector<16xf32>,
      %add3A_139 = arith.constant 3 : i32
      %add3A_140 = vector.broadcast %add3A_139 : i32 to vector<16xi32>
      %add3A_141 = arith.addi %mul3A_122, %add3A_140 : vector<16xi32>
      tpu.vector_store_idx %arg8[%add3A_141], %broadcast_in_dim3A_32 {add = true} : memref<40960xf32, #tpu.memory_space<vmem>>[vector<16xi32>], vector<16xf32>,
      %get3A_142 = arith.constant 64 : index
      %get3A_143 = tpu.vector_load %arg6[%get3A_142] {strides = array<i32>} : memref<128xi32, #tpu.memory_space<vmem>>, vector<16xi32>,
      %mul3A_144 = arith.constant 4 : i32
      %mul3A_145 = vector.broadcast %mul3A_144 : i32 to vector<16xi32>
      %mul3A_146 = arith.muli %get3A_143, %mul3A_145 : vector<16xi32>
      %add3A_147 = arith.constant 64 : i32
      %add3A_148 = vector.broadcast %add3A_147 : i32 to vector<16xi32>
      %add3A_149 = arith.addi %add3A_148, %iota3A : vector<16xi32>
      %gather3A_150 = tpu.vector_load_idx %arg7[%add3A_149, %broadcast_in_dim3A_21] : memref<128x8xf32, #tpu.memory_space<vmem>>[vector<16xi32>, vector<16xi32>], vector<16xf32>,
      %gather3A_151 = tpu.vector_load_idx %arg7[%add3A_149, %add3A_24] : memref<128x8xf32, #tpu.memory_space<vmem>>[vector<16xi32>, vector<16xi32>], vector<16xf32>,
      %gather3A_152 = tpu.vector_load_idx %arg7[%add3A_149, %add3A_27] : memref<128x8xf32, #tpu.memory_space<vmem>>[vector<16xi32>, vector<16xi32>], vector<16xf32>,
      %gather3A_153 = tpu.vector_load_idx %arg7[%add3A_149, %add3A_30] : memref<128x8xf32, #tpu.memory_space<vmem>>[vector<16xi32>, vector<16xi32>], vector<16xf32>,
      %mul3A_154 = arith.mulf %gather3A_150, %gather3A_153 : vector<16xf32>
      tpu.vector_store_idx %arg8[%mul3A_146], %mul3A_154 {add = true} : memref<40960xf32, #tpu.memory_space<vmem>>[vector<16xi32>], vector<16xf32>,
      %add3A_155 = arith.constant 1 : i32
      %add3A_156 = vector.broadcast %add3A_155 : i32 to vector<16xi32>
      %add3A_157 = arith.addi %mul3A_146, %add3A_156 : vector<16xi32>
      %mul3A_158 = arith.mulf %gather3A_151, %gather3A_153 : vector<16xf32>
      tpu.vector_store_idx %arg8[%add3A_157], %mul3A_158 {add = true} : memref<40960xf32, #tpu.memory_space<vmem>>[vector<16xi32>], vector<16xf32>,
      %add3A_159 = arith.constant 2 : i32
      %add3A_160 = vector.broadcast %add3A_159 : i32 to vector<16xi32>
      %add3A_161 = arith.addi %mul3A_146, %add3A_160 : vector<16xi32>
      %mul3A_162 = arith.mulf %gather3A_152, %gather3A_153 : vector<16xf32>
      tpu.vector_store_idx %arg8[%add3A_161], %mul3A_162 {add = true} : memref<40960xf32, #tpu.memory_space<vmem>>[vector<16xi32>], vector<16xf32>,
      %add3A_163 = arith.constant 3 : i32
      %add3A_164 = vector.broadcast %add3A_163 : i32 to vector<16xi32>
      %add3A_165 = arith.addi %mul3A_146, %add3A_164 : vector<16xi32>
      tpu.vector_store_idx %arg8[%add3A_165], %broadcast_in_dim3A_32 {add = true} : memref<40960xf32, #tpu.memory_space<vmem>>[vector<16xi32>], vector<16xf32>,
      %get3A_166 = arith.constant 80 : index
      %get3A_167 = tpu.vector_load %arg6[%get3A_166] {strides = array<i32>} : memref<128xi32, #tpu.memory_space<vmem>>, vector<16xi32>,
      %mul3A_168 = arith.constant 4 : i32
      %mul3A_169 = vector.broadcast %mul3A_168 : i32 to vector<16xi32>
      %mul3A_170 = arith.muli %get3A_167, %mul3A_169 : vector<16xi32>
      %add3A_171 = arith.constant 80 : i32
      %add3A_172 = vector.broadcast %add3A_171 : i32 to vector<16xi32>
      %add3A_173 = arith.addi %add3A_172, %iota3A : vector<16xi32>
      %gather3A_174 = tpu.vector_load_idx %arg7[%add3A_173, %broadcast_in_dim3A_21] : memref<128x8xf32, #tpu.memory_space<vmem>>[vector<16xi32>, vector<16xi32>], vector<16xf32>,
      %gather3A_175 = tpu.vector_load_idx %arg7[%add3A_173, %add3A_24] : memref<128x8xf32, #tpu.memory_space<vmem>>[vector<16xi32>, vector<16xi32>], vector<16xf32>,
      %gather3A_176 = tpu.vector_load_idx %arg7[%add3A_173, %add3A_27] : memref<128x8xf32, #tpu.memory_space<vmem>>[vector<16xi32>, vector<16xi32>], vector<16xf32>,
      %gather3A_177 = tpu.vector_load_idx %arg7[%add3A_173, %add3A_30] : memref<128x8xf32, #tpu.memory_space<vmem>>[vector<16xi32>, vector<16xi32>], vector<16xf32>,
      %mul3A_178 = arith.mulf %gather3A_174, %gather3A_177 : vector<16xf32>
      tpu.vector_store_idx %arg8[%mul3A_170], %mul3A_178 {add = true} : memref<40960xf32, #tpu.memory_space<vmem>>[vector<16xi32>], vector<16xf32>,
      %add3A_179 = arith.constant 1 : i32
      %add3A_180 = vector.broadcast %add3A_179 : i32 to vector<16xi32>
      %add3A_181 = arith.addi %mul3A_170, %add3A_180 : vector<16xi32>
      %mul3A_182 = arith.mulf %gather3A_175, %gather3A_177 : vector<16xf32>
      tpu.vector_store_idx %arg8[%add3A_181], %mul3A_182 {add = true} : memref<40960xf32, #tpu.memory_space<vmem>>[vector<16xi32>], vector<16xf32>,
      %add3A_183 = arith.constant 2 : i32
      %add3A_184 = vector.broadcast %add3A_183 : i32 to vector<16xi32>
      %add3A_185 = arith.addi %mul3A_170, %add3A_184 : vector<16xi32>
      %mul3A_186 = arith.mulf %gather3A_176, %gather3A_177 : vector<16xf32>
      tpu.vector_store_idx %arg8[%add3A_185], %mul3A_186 {add = true} : memref<40960xf32, #tpu.memory_space<vmem>>[vector<16xi32>], vector<16xf32>,
      %add3A_187 = arith.constant 3 : i32
      %add3A_188 = vector.broadcast %add3A_187 : i32 to vector<16xi32>
      %add3A_189 = arith.addi %mul3A_170, %add3A_188 : vector<16xi32>
      tpu.vector_store_idx %arg8[%add3A_189], %broadcast_in_dim3A_32 {add = true} : memref<40960xf32, #tpu.memory_space<vmem>>[vector<16xi32>], vector<16xf32>,
      %get3A_190 = arith.constant 96 : index
      %get3A_191 = tpu.vector_load %arg6[%get3A_190] {strides = array<i32>} : memref<128xi32, #tpu.memory_space<vmem>>, vector<16xi32>,
      %mul3A_192 = arith.constant 4 : i32
      %mul3A_193 = vector.broadcast %mul3A_192 : i32 to vector<16xi32>
      %mul3A_194 = arith.muli %get3A_191, %mul3A_193 : vector<16xi32>
      %add3A_195 = arith.constant 96 : i32
      %add3A_196 = vector.broadcast %add3A_195 : i32 to vector<16xi32>
      %add3A_197 = arith.addi %add3A_196, %iota3A : vector<16xi32>
      %gather3A_198 = tpu.vector_load_idx %arg7[%add3A_197, %broadcast_in_dim3A_21] : memref<128x8xf32, #tpu.memory_space<vmem>>[vector<16xi32>, vector<16xi32>], vector<16xf32>,
      %gather3A_199 = tpu.vector_load_idx %arg7[%add3A_197, %add3A_24] : memref<128x8xf32, #tpu.memory_space<vmem>>[vector<16xi32>, vector<16xi32>], vector<16xf32>,
      %gather3A_200 = tpu.vector_load_idx %arg7[%add3A_197, %add3A_27] : memref<128x8xf32, #tpu.memory_space<vmem>>[vector<16xi32>, vector<16xi32>], vector<16xf32>,
      %gather3A_201 = tpu.vector_load_idx %arg7[%add3A_197, %add3A_30] : memref<128x8xf32, #tpu.memory_space<vmem>>[vector<16xi32>, vector<16xi32>], vector<16xf32>,
      %mul3A_202 = arith.mulf %gather3A_198, %gather3A_201 : vector<16xf32>
      tpu.vector_store_idx %arg8[%mul3A_194], %mul3A_202 {add = true} : memref<40960xf32, #tpu.memory_space<vmem>>[vector<16xi32>], vector<16xf32>,
      %add3A_203 = arith.constant 1 : i32
      %add3A_204 = vector.broadcast %add3A_203 : i32 to vector<16xi32>
      %add3A_205 = arith.addi %mul3A_194, %add3A_204 : vector<16xi32>
      %mul3A_206 = arith.mulf %gather3A_199, %gather3A_201 : vector<16xf32>
      tpu.vector_store_idx %arg8[%add3A_205], %mul3A_206 {add = true} : memref<40960xf32, #tpu.memory_space<vmem>>[vector<16xi32>], vector<16xf32>,
      %add3A_207 = arith.constant 2 : i32
      %add3A_208 = vector.broadcast %add3A_207 : i32 to vector<16xi32>
      %add3A_209 = arith.addi %mul3A_194, %add3A_208 : vector<16xi32>
      %mul3A_210 = arith.mulf %gather3A_200, %gather3A_201 : vector<16xf32>
      tpu.vector_store_idx %arg8[%add3A_209], %mul3A_210 {add = true} : memref<40960xf32, #tpu.memory_space<vmem>>[vector<16xi32>], vector<16xf32>,
      %add3A_211 = arith.constant 3 : i32
      %add3A_212 = vector.broadcast %add3A_211 : i32 to vector<16xi32>
      %add3A_213 = arith.addi %mul3A_194, %add3A_212 : vector<16xi32>
      tpu.vector_store_idx %arg8[%add3A_213], %broadcast_in_dim3A_32 {add = true} : memref<40960xf32, #tpu.memory_space<vmem>>[vector<16xi32>], vector<16xf32>,
      %get3A_214 = arith.constant 112 : index
      %get3A_215 = tpu.vector_load %arg6[%get3A_214] {strides = array<i32>} : memref<128xi32, #tpu.memory_space<vmem>>, vector<16xi32>,
      %mul3A_216 = arith.constant 4 : i32
      %mul3A_217 = vector.broadcast %mul3A_216 : i32 to vector<16xi32>
      %mul3A_218 = arith.muli %get3A_215, %mul3A_217 : vector<16xi32>
      %add3A_219 = arith.constant 112 : i32
      %add3A_220 = vector.broadcast %add3A_219 : i32 to vector<16xi32>
      %add3A_221 = arith.addi %add3A_220, %iota3A : vector<16xi32>
      %gather3A_222 = tpu.vector_load_idx %arg7[%add3A_221, %broadcast_in_dim3A_21] : memref<128x8xf32, #tpu.memory_space<vmem>>[vector<16xi32>, vector<16xi32>], vector<16xf32>,
      %gather3A_223 = tpu.vector_load_idx %arg7[%add3A_221, %add3A_24] : memref<128x8xf32, #tpu.memory_space<vmem>>[vector<16xi32>, vector<16xi32>], vector<16xf32>,
      %gather3A_224 = tpu.vector_load_idx %arg7[%add3A_221, %add3A_27] : memref<128x8xf32, #tpu.memory_space<vmem>>[vector<16xi32>, vector<16xi32>], vector<16xf32>,
      %gather3A_225 = tpu.vector_load_idx %arg7[%add3A_221, %add3A_30] : memref<128x8xf32, #tpu.memory_space<vmem>>[vector<16xi32>, vector<16xi32>], vector<16xf32>,
      %mul3A_226 = arith.mulf %gather3A_222, %gather3A_225 : vector<16xf32>
      tpu.vector_store_idx %arg8[%mul3A_218], %mul3A_226 {add = true} : memref<40960xf32, #tpu.memory_space<vmem>>[vector<16xi32>], vector<16xf32>,
      %add3A_227 = arith.constant 1 : i32
      %add3A_228 = vector.broadcast %add3A_227 : i32 to vector<16xi32>
      %add3A_229 = arith.addi %mul3A_218, %add3A_228 : vector<16xi32>
      %mul3A_230 = arith.mulf %gather3A_223, %gather3A_225 : vector<16xf32>
      tpu.vector_store_idx %arg8[%add3A_229], %mul3A_230 {add = true} : memref<40960xf32, #tpu.memory_space<vmem>>[vector<16xi32>], vector<16xf32>,
      %add3A_231 = arith.constant 2 : i32
      %add3A_232 = vector.broadcast %add3A_231 : i32 to vector<16xi32>
      %add3A_233 = arith.addi %mul3A_218, %add3A_232 : vector<16xi32>
      %mul3A_234 = arith.mulf %gather3A_224, %gather3A_225 : vector<16xf32>
      tpu.vector_store_idx %arg8[%add3A_233], %mul3A_234 {add = true} : memref<40960xf32, #tpu.memory_space<vmem>>[vector<16xi32>], vector<16xf32>,
      %add3A_235 = arith.constant 3 : i32
      %add3A_236 = vector.broadcast %add3A_235 : i32 to vector<16xi32>
      %add3A_237 = arith.addi %mul3A_218, %add3A_236 : vector<16xi32>
      tpu.vector_store_idx %arg8[%add3A_237], %broadcast_in_dim3A_32 {add = true} : memref<40960xf32, #tpu.memory_space<vmem>>[vector<16xi32>], vector<16xf32>,
    }
    "tpu.region"() ({
      %run_scoped3A = tpu.sem_alloc : memref<!tpu.dma_semaphore, #tpu.memory_space<semaphore_mem>>
      %dma_start3A = arith.constant 0 : i32
      %dma_start3A_42 = tpu.memref_slice %arg5[%add3A, %dma_start3A] : memref<32x40960xf32, #tpu.memory_space<hbm>> -> memref<1x40960xf32, #tpu.memory_space<hbm>>
      %dma_start3A_43 = tpu.memref_squeeze %dma_start3A_42 : memref<1x40960xf32, #tpu.memory_space<hbm>> -> memref<40960xf32, #tpu.memory_space<hbm>>
      %dma_start3A_44 = arith.constant 0 : i32
      %dma_start3A_45 = tpu.memref_slice %arg5[%add3A, %dma_start3A_44] : memref<32x40960xf32, #tpu.memory_space<hbm>> -> memref<1x40960xf32, #tpu.memory_space<hbm>>
      %dma_start3A_46 = tpu.memref_squeeze %dma_start3A_45 : memref<1x40960xf32, #tpu.memory_space<hbm>> -> memref<40960xf32, #tpu.memory_space<hbm>>
      tpu.enqueue_dma source(%arg8 : memref<40960xf32, #tpu.memory_space<vmem>>) target(%dma_start3A_46 : memref<40960xf32, #tpu.memory_space<hbm>>) target_semaphore(%run_scoped3A : memref<!tpu.dma_semaphore, #tpu.memory_space<semaphore_mem>>)
      %dma_wait3A = arith.constant 0 : i32
      %dma_wait3A_47 = tpu.memref_slice %arg5[%add3A, %dma_wait3A] : memref<32x40960xf32, #tpu.memory_space<hbm>> -> memref<1x40960xf32, #tpu.memory_space<hbm>>
      %dma_wait3A_48 = tpu.memref_squeeze %dma_wait3A_47 : memref<1x40960xf32, #tpu.memory_space<hbm>> -> memref<40960xf32, #tpu.memory_space<hbm>>
      %dma_wait3A_49 = arith.constant 0 : i32
      %dma_wait3A_50 = tpu.memref_slice %arg5[%add3A, %dma_wait3A_49] : memref<32x40960xf32, #tpu.memory_space<hbm>> -> memref<1x40960xf32, #tpu.memory_space<hbm>>
      %dma_wait3A_51 = tpu.memref_squeeze %dma_wait3A_50 : memref<1x40960xf32, #tpu.memory_space<hbm>> -> memref<40960xf32, #tpu.memory_space<hbm>>
      tpu.wait_dma2 semaphore(%run_scoped3A : memref<!tpu.dma_semaphore, #tpu.memory_space<semaphore_mem>>) src(%arg8 : memref<40960xf32, #tpu.memory_space<vmem>>) dst(%dma_wait3A_51 : memref<40960xf32, #tpu.memory_space<hbm>>)
      tpu.yield
    }) : () -> ()
    return
  }
}

#map = affine_map<(d0, d1) -> (0, 0)>
#map1 = affine_map<(d0, d1) -> (0)>
module attributes {stable_mosaic.version = 14 : i64} {
  func.func @_sc_gather_cd(%arg0: i32, %arg1: i32, %arg2: memref<2500x128xi32, #tpu.memory_space<hbm>>, %arg3: memref<2500x128xi32, #tpu.memory_space<hbm>>, %arg4: memref<40960xf32, #tpu.memory_space<hbm>>, %arg5: memref<320000x8xf32, #tpu.memory_space<hbm>>, %arg6: memref<128xi32, #tpu.memory_space<vmem>>, %arg7: memref<128xi32, #tpu.memory_space<vmem>>, %arg8: memref<40960xf32, #tpu.memory_space<vmem>>, %arg9: memref<128x8xf32, #tpu.memory_space<vmem>>) attributes {dimension_semantics = [#tpu.dimension_semantics<core_parallel>, #tpu.dimension_semantics<subcore_parallel>], iteration_bounds = array<i64: 2, 16>, scalar_prefetch = 0 : i64, scratch_operands = 4 : i64, tpu.core_type = #tpu.core_type<sc_vector_subcore>, window_params = [{transform_indices = #map}, {transform_indices = #map}, {transform_indices = #map1}, {transform_indices = #map}]} {
    %mul3A = arith.constant 2 : i32
    %mul3A_0 = arith.muli %arg1, %mul3A : i32
    %add3A = arith.addi %mul3A_0, %arg0 : i32
    "tpu.region"() ({
      %run_scoped3A = tpu.sem_alloc : memref<!tpu.dma_semaphore, #tpu.memory_space<semaphore_mem>>
      tpu.enqueue_dma source(%arg4 : memref<40960xf32, #tpu.memory_space<hbm>>) target(%arg8 : memref<40960xf32, #tpu.memory_space<vmem>>) target_semaphore(%run_scoped3A : memref<!tpu.dma_semaphore, #tpu.memory_space<semaphore_mem>>)
      tpu.wait_dma2 semaphore(%run_scoped3A : memref<!tpu.dma_semaphore, #tpu.memory_space<semaphore_mem>>) src(%arg4 : memref<40960xf32, #tpu.memory_space<hbm>>) dst(%arg8 : memref<40960xf32, #tpu.memory_space<vmem>>)
      tpu.yield
    }) : () -> ()
    %sub3A = arith.constant 2500 : i32
    %sub3A_1 = arith.subi %sub3A, %add3A : i32
    %add3A_2 = arith.constant 31 : i32
    %add3A_3 = arith.addi %sub3A_1, %add3A_2 : i32
    %jit3A = arith.constant 32 : i32
    %div3A = arith.divsi %add3A_3, %jit3A : i32
    %sign3A = arith.constant 0 : i32
    %sign3A_4 = arith.cmpi sgt, %add3A_3, %sign3A : i32
    %sign3A_5 = arith.extui %sign3A_4 : i1 to i32
    %sign3A_6 = arith.constant 0 : i32
    %sign3A_7 = arith.cmpi slt, %add3A_3, %sign3A_6 : i32
    %sign3A_8 = arith.extui %sign3A_7 : i1 to i32
    %sign3A_9 = arith.subi %sign3A_5, %sign3A_8 : i32
    %sign3A_10 = arith.constant 0 : i32
    %sign3A_11 = arith.cmpi sgt, %jit3A, %sign3A_10 : i32
    %sign3A_12 = arith.extui %sign3A_11 : i1 to i32
    %sign3A_13 = arith.constant 0 : i32
    %sign3A_14 = arith.cmpi slt, %jit3A, %sign3A_13 : i32
    %sign3A_15 = arith.extui %sign3A_14 : i1 to i32
    %sign3A_16 = arith.subi %sign3A_12, %sign3A_15 : i32
    %ne3A = arith.cmpi ne, %sign3A_9, %sign3A_16 : i32
    %rem3A = arith.remsi %add3A_3, %jit3A : i32
    %ne3A_17 = arith.constant 0 : i32
    %ne3A_18 = arith.cmpi ne, %rem3A, %ne3A_17 : i32
    %and3A = arith.andi %ne3A, %ne3A_18 : i1
    %sub3A_19 = arith.constant 1 : i32
    %sub3A_20 = arith.subi %div3A, %sub3A_19 : i32
    %select_n3A = arith.select %and3A, %sub3A_20, %div3A : i32
    %iota3A = tpu.iota {dimensions = array<i32: 0>} : vector<16xi32>
    %broadcast_in_dim3A = arith.constant 0 : i32
    %broadcast_in_dim3A_21 = vector.broadcast %broadcast_in_dim3A : i32 to vector<16xi32>
    %add3A_22 = arith.constant 1 : i32
    %add3A_23 = vector.broadcast %add3A_22 : i32 to vector<16xi32>
    %add3A_24 = arith.addi %broadcast_in_dim3A_21, %add3A_23 : vector<16xi32>
    %add3A_25 = arith.constant 2 : i32
    %add3A_26 = vector.broadcast %add3A_25 : i32 to vector<16xi32>
    %add3A_27 = arith.addi %broadcast_in_dim3A_21, %add3A_26 : vector<16xi32>
    %add3A_28 = arith.constant 3 : i32
    %add3A_29 = vector.broadcast %add3A_28 : i32 to vector<16xi32>
    %add3A_30 = arith.addi %broadcast_in_dim3A_21, %add3A_29 : vector<16xi32>
    %while3A = arith.constant 0 : i32
    %while3A_31 = arith.constant 0 : i32
    %while3A_32 = arith.subi %select_n3A, %while3A_31 : i32
    %while3A_33 = arith.addi %while3A_31, %while3A_32 : i32
    %while3A_34 = arith.constant 1 : i32
    %while3A_35 = arith.divsi %while3A_32, %while3A_34 : i32
    %while3A_36 = arith.muli %while3A_35, %while3A_34 : i32
    %while3A_37 = arith.addi %while3A_31, %while3A_36 : i32
    %while3A_38 = arith.constant 1 : i32
    scf.for %while3A_40 = %while3A_31 to %while3A_37 step %while3A_38  : i32 {
      %mul3A_41 = arith.constant 32 : i32
      %mul3A_42 = arith.muli %while3A_40, %mul3A_41 : i32
      %add3A_43 = arith.addi %add3A, %mul3A_42 : i32
      "tpu.region"() ({
        %run_scoped3A = tpu.sem_alloc : memref<!tpu.dma_semaphore, #tpu.memory_space<semaphore_mem>>
        %dma_start3A = arith.constant 0 : i32
        %dma_start3A_356 = tpu.memref_slice %arg2[%add3A_43, %dma_start3A] : memref<2500x128xi32, #tpu.memory_space<hbm>> -> memref<1x128xi32, #tpu.memory_space<hbm>>
        %dma_start3A_357 = tpu.memref_squeeze %dma_start3A_356 : memref<1x128xi32, #tpu.memory_space<hbm>> -> memref<128xi32, #tpu.memory_space<hbm>>
        %dma_start3A_358 = arith.constant 0 : i32
        %dma_start3A_359 = tpu.memref_slice %arg2[%add3A_43, %dma_start3A_358] : memref<2500x128xi32, #tpu.memory_space<hbm>> -> memref<1x128xi32, #tpu.memory_space<hbm>>
        %dma_start3A_360 = tpu.memref_squeeze %dma_start3A_359 : memref<1x128xi32, #tpu.memory_space<hbm>> -> memref<128xi32, #tpu.memory_space<hbm>>
        tpu.enqueue_dma source(%dma_start3A_360 : memref<128xi32, #tpu.memory_space<hbm>>) target(%arg6 : memref<128xi32, #tpu.memory_space<vmem>>) target_semaphore(%run_scoped3A : memref<!tpu.dma_semaphore, #tpu.memory_space<semaphore_mem>>)
        %dma_wait3A = arith.constant 0 : i32
        %dma_wait3A_361 = tpu.memref_slice %arg2[%add3A_43, %dma_wait3A] : memref<2500x128xi32, #tpu.memory_space<hbm>> -> memref<1x128xi32, #tpu.memory_space<hbm>>
        %dma_wait3A_362 = tpu.memref_squeeze %dma_wait3A_361 : memref<1x128xi32, #tpu.memory_space<hbm>> -> memref<128xi32, #tpu.memory_space<hbm>>
        %dma_wait3A_363 = arith.constant 0 : i32
        %dma_wait3A_364 = tpu.memref_slice %arg2[%add3A_43, %dma_wait3A_363] : memref<2500x128xi32, #tpu.memory_space<hbm>> -> memref<1x128xi32, #tpu.memory_space<hbm>>
        %dma_wait3A_365 = tpu.memref_squeeze %dma_wait3A_364 : memref<1x128xi32, #tpu.memory_space<hbm>> -> memref<128xi32, #tpu.memory_space<hbm>>
        tpu.wait_dma2 semaphore(%run_scoped3A : memref<!tpu.dma_semaphore, #tpu.memory_space<semaphore_mem>>) src(%dma_wait3A_365 : memref<128xi32, #tpu.memory_space<hbm>>) dst(%arg6 : memref<128xi32, #tpu.memory_space<vmem>>)
        tpu.yield
      }) : () -> ()
      "tpu.region"() ({
        %run_scoped3A = tpu.sem_alloc : memref<!tpu.dma_semaphore, #tpu.memory_space<semaphore_mem>>
        %dma_start3A = arith.constant 0 : i32
        %dma_start3A_356 = tpu.memref_slice %arg3[%add3A_43, %dma_start3A] : memref<2500x128xi32, #tpu.memory_space<hbm>> -> memref<1x128xi32, #tpu.memory_space<hbm>>
        %dma_start3A_357 = tpu.memref_squeeze %dma_start3A_356 : memref<1x128xi32, #tpu.memory_space<hbm>> -> memref<128xi32, #tpu.memory_space<hbm>>
        %dma_start3A_358 = arith.constant 0 : i32
        %dma_start3A_359 = tpu.memref_slice %arg3[%add3A_43, %dma_start3A_358] : memref<2500x128xi32, #tpu.memory_space<hbm>> -> memref<1x128xi32, #tpu.memory_space<hbm>>
        %dma_start3A_360 = tpu.memref_squeeze %dma_start3A_359 : memref<1x128xi32, #tpu.memory_space<hbm>> -> memref<128xi32, #tpu.memory_space<hbm>>
        tpu.enqueue_dma source(%dma_start3A_360 : memref<128xi32, #tpu.memory_space<hbm>>) target(%arg7 : memref<128xi32, #tpu.memory_space<vmem>>) target_semaphore(%run_scoped3A : memref<!tpu.dma_semaphore, #tpu.memory_space<semaphore_mem>>)
        %dma_wait3A = arith.constant 0 : i32
        %dma_wait3A_361 = tpu.memref_slice %arg3[%add3A_43, %dma_wait3A] : memref<2500x128xi32, #tpu.memory_space<hbm>> -> memref<1x128xi32, #tpu.memory_space<hbm>>
        %dma_wait3A_362 = tpu.memref_squeeze %dma_wait3A_361 : memref<1x128xi32, #tpu.memory_space<hbm>> -> memref<128xi32, #tpu.memory_space<hbm>>
        %dma_wait3A_363 = arith.constant 0 : i32
        %dma_wait3A_364 = tpu.memref_slice %arg3[%add3A_43, %dma_wait3A_363] : memref<2500x128xi32, #tpu.memory_space<hbm>> -> memref<1x128xi32, #tpu.memory_space<hbm>>
        %dma_wait3A_365 = tpu.memref_squeeze %dma_wait3A_364 : memref<1x128xi32, #tpu.memory_space<hbm>> -> memref<128xi32, #tpu.memory_space<hbm>>
        tpu.wait_dma2 semaphore(%run_scoped3A : memref<!tpu.dma_semaphore, #tpu.memory_space<semaphore_mem>>) src(%dma_wait3A_365 : memref<128xi32, #tpu.memory_space<hbm>>) dst(%arg7 : memref<128xi32, #tpu.memory_space<vmem>>)
        tpu.yield
      }) : () -> ()
      %get3A = arith.constant 0 : index
      %get3A_44 = tpu.vector_load %arg6[%get3A] {strides = array<i32>} : memref<128xi32, #tpu.memory_space<vmem>>, vector<16xi32>,
      %mul3A_45 = arith.constant 4 : i32
      %mul3A_46 = vector.broadcast %mul3A_45 : i32 to vector<16xi32>
      %mul3A_47 = arith.muli %get3A_44, %mul3A_46 : vector<16xi32>
      %get3A_48 = arith.constant 0 : index
      %get3A_49 = tpu.vector_load %arg7[%get3A_48] {strides = array<i32>} : memref<128xi32, #tpu.memory_space<vmem>>, vector<16xi32>,
      %mul3A_50 = arith.constant 4 : i32
      %mul3A_51 = vector.broadcast %mul3A_50 : i32 to vector<16xi32>
      %mul3A_52 = arith.muli %get3A_49, %mul3A_51 : vector<16xi32>
      %gather3A = tpu.vector_load_idx %arg8[%mul3A_47] : memref<40960xf32, #tpu.memory_space<vmem>>[vector<16xi32>], vector<16xf32>,
      %gather3A_53 = tpu.vector_load_idx %arg8[%mul3A_52] : memref<40960xf32, #tpu.memory_space<vmem>>[vector<16xi32>], vector<16xf32>,
      %sub3A_54 = arith.subf %gather3A, %gather3A_53 : vector<16xf32>
      %add3A_55 = arith.constant 1 : i32
      %add3A_56 = vector.broadcast %add3A_55 : i32 to vector<16xi32>
      %add3A_57 = arith.addi %mul3A_47, %add3A_56 : vector<16xi32>
      %gather3A_58 = tpu.vector_load_idx %arg8[%add3A_57] : memref<40960xf32, #tpu.memory_space<vmem>>[vector<16xi32>], vector<16xf32>,
      %add3A_59 = arith.constant 1 : i32
      %add3A_60 = vector.broadcast %add3A_59 : i32 to vector<16xi32>
      %add3A_61 = arith.addi %mul3A_52, %add3A_60 : vector<16xi32>
      %gather3A_62 = tpu.vector_load_idx %arg8[%add3A_61] : memref<40960xf32, #tpu.memory_space<vmem>>[vector<16xi32>], vector<16xf32>,
      %sub3A_63 = arith.subf %gather3A_58, %gather3A_62 : vector<16xf32>
      %add3A_64 = arith.constant 2 : i32
      %add3A_65 = vector.broadcast %add3A_64 : i32 to vector<16xi32>
      %add3A_66 = arith.addi %mul3A_47, %add3A_65 : vector<16xi32>
      %gather3A_67 = tpu.vector_load_idx %arg8[%add3A_66] : memref<40960xf32, #tpu.memory_space<vmem>>[vector<16xi32>], vector<16xf32>,
      %add3A_68 = arith.constant 2 : i32
      %add3A_69 = vector.broadcast %add3A_68 : i32 to vector<16xi32>
      %add3A_70 = arith.addi %mul3A_52, %add3A_69 : vector<16xi32>
      %gather3A_71 = tpu.vector_load_idx %arg8[%add3A_70] : memref<40960xf32, #tpu.memory_space<vmem>>[vector<16xi32>], vector<16xf32>,
      %sub3A_72 = arith.subf %gather3A_67, %gather3A_71 : vector<16xf32>
      %mul3A_73 = arith.mulf %sub3A_54, %sub3A_54 : vector<16xf32>
      %mul3A_74 = arith.mulf %sub3A_63, %sub3A_63 : vector<16xf32>
      %add3A_75 = arith.addf %mul3A_73, %mul3A_74 : vector<16xf32>
      %mul3A_76 = arith.mulf %sub3A_72, %sub3A_72 : vector<16xf32>
      %add3A_77 = arith.addf %add3A_75, %mul3A_76 : vector<16xf32>
      %add3A_78 = arith.constant 0 : i32
      %add3A_79 = vector.broadcast %add3A_78 : i32 to vector<16xi32>
      %add3A_80 = arith.addi %add3A_79, %iota3A : vector<16xi32>
      tpu.vector_store_idx %arg9[%add3A_80, %broadcast_in_dim3A_21], %sub3A_54 : memref<128x8xf32, #tpu.memory_space<vmem>>[vector<16xi32>, vector<16xi32>], vector<16xf32>,
      tpu.vector_store_idx %arg9[%add3A_80, %add3A_24], %sub3A_63 : memref<128x8xf32, #tpu.memory_space<vmem>>[vector<16xi32>, vector<16xi32>], vector<16xf32>,
      tpu.vector_store_idx %arg9[%add3A_80, %add3A_27], %sub3A_72 : memref<128x8xf32, #tpu.memory_space<vmem>>[vector<16xi32>, vector<16xi32>], vector<16xf32>,
      tpu.vector_store_idx %arg9[%add3A_80, %add3A_30], %add3A_77 : memref<128x8xf32, #tpu.memory_space<vmem>>[vector<16xi32>, vector<16xi32>], vector<16xf32>,
      %get3A_81 = arith.constant 16 : index
      %get3A_82 = tpu.vector_load %arg6[%get3A_81] {strides = array<i32>} : memref<128xi32, #tpu.memory_space<vmem>>, vector<16xi32>,
      %mul3A_83 = arith.constant 4 : i32
      %mul3A_84 = vector.broadcast %mul3A_83 : i32 to vector<16xi32>
      %mul3A_85 = arith.muli %get3A_82, %mul3A_84 : vector<16xi32>
      %get3A_86 = arith.constant 16 : index
      %get3A_87 = tpu.vector_load %arg7[%get3A_86] {strides = array<i32>} : memref<128xi32, #tpu.memory_space<vmem>>, vector<16xi32>,
      %mul3A_88 = arith.constant 4 : i32
      %mul3A_89 = vector.broadcast %mul3A_88 : i32 to vector<16xi32>
      %mul3A_90 = arith.muli %get3A_87, %mul3A_89 : vector<16xi32>
      %gather3A_91 = tpu.vector_load_idx %arg8[%mul3A_85] : memref<40960xf32, #tpu.memory_space<vmem>>[vector<16xi32>], vector<16xf32>,
      %gather3A_92 = tpu.vector_load_idx %arg8[%mul3A_90] : memref<40960xf32, #tpu.memory_space<vmem>>[vector<16xi32>], vector<16xf32>,
      %sub3A_93 = arith.subf %gather3A_91, %gather3A_92 : vector<16xf32>
      %add3A_94 = arith.constant 1 : i32
      %add3A_95 = vector.broadcast %add3A_94 : i32 to vector<16xi32>
      %add3A_96 = arith.addi %mul3A_85, %add3A_95 : vector<16xi32>
      %gather3A_97 = tpu.vector_load_idx %arg8[%add3A_96] : memref<40960xf32, #tpu.memory_space<vmem>>[vector<16xi32>], vector<16xf32>,
      %add3A_98 = arith.constant 1 : i32
      %add3A_99 = vector.broadcast %add3A_98 : i32 to vector<16xi32>
      %add3A_100 = arith.addi %mul3A_90, %add3A_99 : vector<16xi32>
      %gather3A_101 = tpu.vector_load_idx %arg8[%add3A_100] : memref<40960xf32, #tpu.memory_space<vmem>>[vector<16xi32>], vector<16xf32>,
      %sub3A_102 = arith.subf %gather3A_97, %gather3A_101 : vector<16xf32>
      %add3A_103 = arith.constant 2 : i32
      %add3A_104 = vector.broadcast %add3A_103 : i32 to vector<16xi32>
      %add3A_105 = arith.addi %mul3A_85, %add3A_104 : vector<16xi32>
      %gather3A_106 = tpu.vector_load_idx %arg8[%add3A_105] : memref<40960xf32, #tpu.memory_space<vmem>>[vector<16xi32>], vector<16xf32>,
      %add3A_107 = arith.constant 2 : i32
      %add3A_108 = vector.broadcast %add3A_107 : i32 to vector<16xi32>
      %add3A_109 = arith.addi %mul3A_90, %add3A_108 : vector<16xi32>
      %gather3A_110 = tpu.vector_load_idx %arg8[%add3A_109] : memref<40960xf32, #tpu.memory_space<vmem>>[vector<16xi32>], vector<16xf32>,
      %sub3A_111 = arith.subf %gather3A_106, %gather3A_110 : vector<16xf32>
      %mul3A_112 = arith.mulf %sub3A_93, %sub3A_93 : vector<16xf32>
      %mul3A_113 = arith.mulf %sub3A_102, %sub3A_102 : vector<16xf32>
      %add3A_114 = arith.addf %mul3A_112, %mul3A_113 : vector<16xf32>
      %mul3A_115 = arith.mulf %sub3A_111, %sub3A_111 : vector<16xf32>
      %add3A_116 = arith.addf %add3A_114, %mul3A_115 : vector<16xf32>
      %add3A_117 = arith.constant 16 : i32
      %add3A_118 = vector.broadcast %add3A_117 : i32 to vector<16xi32>
      %add3A_119 = arith.addi %add3A_118, %iota3A : vector<16xi32>
      tpu.vector_store_idx %arg9[%add3A_119, %broadcast_in_dim3A_21], %sub3A_93 : memref<128x8xf32, #tpu.memory_space<vmem>>[vector<16xi32>, vector<16xi32>], vector<16xf32>,
      tpu.vector_store_idx %arg9[%add3A_119, %add3A_24], %sub3A_102 : memref<128x8xf32, #tpu.memory_space<vmem>>[vector<16xi32>, vector<16xi32>], vector<16xf32>,
      tpu.vector_store_idx %arg9[%add3A_119, %add3A_27], %sub3A_111 : memref<128x8xf32, #tpu.memory_space<vmem>>[vector<16xi32>, vector<16xi32>], vector<16xf32>,
      tpu.vector_store_idx %arg9[%add3A_119, %add3A_30], %add3A_116 : memref<128x8xf32, #tpu.memory_space<vmem>>[vector<16xi32>, vector<16xi32>], vector<16xf32>,
      %get3A_120 = arith.constant 32 : index
      %get3A_121 = tpu.vector_load %arg6[%get3A_120] {strides = array<i32>} : memref<128xi32, #tpu.memory_space<vmem>>, vector<16xi32>,
      %mul3A_122 = arith.constant 4 : i32
      %mul3A_123 = vector.broadcast %mul3A_122 : i32 to vector<16xi32>
      %mul3A_124 = arith.muli %get3A_121, %mul3A_123 : vector<16xi32>
      %get3A_125 = arith.constant 32 : index
      %get3A_126 = tpu.vector_load %arg7[%get3A_125] {strides = array<i32>} : memref<128xi32, #tpu.memory_space<vmem>>, vector<16xi32>,
      %mul3A_127 = arith.constant 4 : i32
      %mul3A_128 = vector.broadcast %mul3A_127 : i32 to vector<16xi32>
      %mul3A_129 = arith.muli %get3A_126, %mul3A_128 : vector<16xi32>
      %gather3A_130 = tpu.vector_load_idx %arg8[%mul3A_124] : memref<40960xf32, #tpu.memory_space<vmem>>[vector<16xi32>], vector<16xf32>,
      %gather3A_131 = tpu.vector_load_idx %arg8[%mul3A_129] : memref<40960xf32, #tpu.memory_space<vmem>>[vector<16xi32>], vector<16xf32>,
      %sub3A_132 = arith.subf %gather3A_130, %gather3A_131 : vector<16xf32>
      %add3A_133 = arith.constant 1 : i32
      %add3A_134 = vector.broadcast %add3A_133 : i32 to vector<16xi32>
      %add3A_135 = arith.addi %mul3A_124, %add3A_134 : vector<16xi32>
      %gather3A_136 = tpu.vector_load_idx %arg8[%add3A_135] : memref<40960xf32, #tpu.memory_space<vmem>>[vector<16xi32>], vector<16xf32>,
      %add3A_137 = arith.constant 1 : i32
      %add3A_138 = vector.broadcast %add3A_137 : i32 to vector<16xi32>
      %add3A_139 = arith.addi %mul3A_129, %add3A_138 : vector<16xi32>
      %gather3A_140 = tpu.vector_load_idx %arg8[%add3A_139] : memref<40960xf32, #tpu.memory_space<vmem>>[vector<16xi32>], vector<16xf32>,
      %sub3A_141 = arith.subf %gather3A_136, %gather3A_140 : vector<16xf32>
      %add3A_142 = arith.constant 2 : i32
      %add3A_143 = vector.broadcast %add3A_142 : i32 to vector<16xi32>
      %add3A_144 = arith.addi %mul3A_124, %add3A_143 : vector<16xi32>
      %gather3A_145 = tpu.vector_load_idx %arg8[%add3A_144] : memref<40960xf32, #tpu.memory_space<vmem>>[vector<16xi32>], vector<16xf32>,
      %add3A_146 = arith.constant 2 : i32
      %add3A_147 = vector.broadcast %add3A_146 : i32 to vector<16xi32>
      %add3A_148 = arith.addi %mul3A_129, %add3A_147 : vector<16xi32>
      %gather3A_149 = tpu.vector_load_idx %arg8[%add3A_148] : memref<40960xf32, #tpu.memory_space<vmem>>[vector<16xi32>], vector<16xf32>,
      %sub3A_150 = arith.subf %gather3A_145, %gather3A_149 : vector<16xf32>
      %mul3A_151 = arith.mulf %sub3A_132, %sub3A_132 : vector<16xf32>
      %mul3A_152 = arith.mulf %sub3A_141, %sub3A_141 : vector<16xf32>
      %add3A_153 = arith.addf %mul3A_151, %mul3A_152 : vector<16xf32>
      %mul3A_154 = arith.mulf %sub3A_150, %sub3A_150 : vector<16xf32>
      %add3A_155 = arith.addf %add3A_153, %mul3A_154 : vector<16xf32>
      %add3A_156 = arith.constant 32 : i32
      %add3A_157 = vector.broadcast %add3A_156 : i32 to vector<16xi32>
      %add3A_158 = arith.addi %add3A_157, %iota3A : vector<16xi32>
      tpu.vector_store_idx %arg9[%add3A_158, %broadcast_in_dim3A_21], %sub3A_132 : memref<128x8xf32, #tpu.memory_space<vmem>>[vector<16xi32>, vector<16xi32>], vector<16xf32>,
      tpu.vector_store_idx %arg9[%add3A_158, %add3A_24], %sub3A_141 : memref<128x8xf32, #tpu.memory_space<vmem>>[vector<16xi32>, vector<16xi32>], vector<16xf32>,
      tpu.vector_store_idx %arg9[%add3A_158, %add3A_27], %sub3A_150 : memref<128x8xf32, #tpu.memory_space<vmem>>[vector<16xi32>, vector<16xi32>], vector<16xf32>,
      tpu.vector_store_idx %arg9[%add3A_158, %add3A_30], %add3A_155 : memref<128x8xf32, #tpu.memory_space<vmem>>[vector<16xi32>, vector<16xi32>], vector<16xf32>,
      %get3A_159 = arith.constant 48 : index
      %get3A_160 = tpu.vector_load %arg6[%get3A_159] {strides = array<i32>} : memref<128xi32, #tpu.memory_space<vmem>>, vector<16xi32>,
      %mul3A_161 = arith.constant 4 : i32
      %mul3A_162 = vector.broadcast %mul3A_161 : i32 to vector<16xi32>
      %mul3A_163 = arith.muli %get3A_160, %mul3A_162 : vector<16xi32>
      %get3A_164 = arith.constant 48 : index
      %get3A_165 = tpu.vector_load %arg7[%get3A_164] {strides = array<i32>} : memref<128xi32, #tpu.memory_space<vmem>>, vector<16xi32>,
      %mul3A_166 = arith.constant 4 : i32
      %mul3A_167 = vector.broadcast %mul3A_166 : i32 to vector<16xi32>
      %mul3A_168 = arith.muli %get3A_165, %mul3A_167 : vector<16xi32>
      %gather3A_169 = tpu.vector_load_idx %arg8[%mul3A_163] : memref<40960xf32, #tpu.memory_space<vmem>>[vector<16xi32>], vector<16xf32>,
      %gather3A_170 = tpu.vector_load_idx %arg8[%mul3A_168] : memref<40960xf32, #tpu.memory_space<vmem>>[vector<16xi32>], vector<16xf32>,
      %sub3A_171 = arith.subf %gather3A_169, %gather3A_170 : vector<16xf32>
      %add3A_172 = arith.constant 1 : i32
      %add3A_173 = vector.broadcast %add3A_172 : i32 to vector<16xi32>
      %add3A_174 = arith.addi %mul3A_163, %add3A_173 : vector<16xi32>
      %gather3A_175 = tpu.vector_load_idx %arg8[%add3A_174] : memref<40960xf32, #tpu.memory_space<vmem>>[vector<16xi32>], vector<16xf32>,
      %add3A_176 = arith.constant 1 : i32
      %add3A_177 = vector.broadcast %add3A_176 : i32 to vector<16xi32>
      %add3A_178 = arith.addi %mul3A_168, %add3A_177 : vector<16xi32>
      %gather3A_179 = tpu.vector_load_idx %arg8[%add3A_178] : memref<40960xf32, #tpu.memory_space<vmem>>[vector<16xi32>], vector<16xf32>,
      %sub3A_180 = arith.subf %gather3A_175, %gather3A_179 : vector<16xf32>
      %add3A_181 = arith.constant 2 : i32
      %add3A_182 = vector.broadcast %add3A_181 : i32 to vector<16xi32>
      %add3A_183 = arith.addi %mul3A_163, %add3A_182 : vector<16xi32>
      %gather3A_184 = tpu.vector_load_idx %arg8[%add3A_183] : memref<40960xf32, #tpu.memory_space<vmem>>[vector<16xi32>], vector<16xf32>,
      %add3A_185 = arith.constant 2 : i32
      %add3A_186 = vector.broadcast %add3A_185 : i32 to vector<16xi32>
      %add3A_187 = arith.addi %mul3A_168, %add3A_186 : vector<16xi32>
      %gather3A_188 = tpu.vector_load_idx %arg8[%add3A_187] : memref<40960xf32, #tpu.memory_space<vmem>>[vector<16xi32>], vector<16xf32>,
      %sub3A_189 = arith.subf %gather3A_184, %gather3A_188 : vector<16xf32>
      %mul3A_190 = arith.mulf %sub3A_171, %sub3A_171 : vector<16xf32>
      %mul3A_191 = arith.mulf %sub3A_180, %sub3A_180 : vector<16xf32>
      %add3A_192 = arith.addf %mul3A_190, %mul3A_191 : vector<16xf32>
      %mul3A_193 = arith.mulf %sub3A_189, %sub3A_189 : vector<16xf32>
      %add3A_194 = arith.addf %add3A_192, %mul3A_193 : vector<16xf32>
      %add3A_195 = arith.constant 48 : i32
      %add3A_196 = vector.broadcast %add3A_195 : i32 to vector<16xi32>
      %add3A_197 = arith.addi %add3A_196, %iota3A : vector<16xi32>
      tpu.vector_store_idx %arg9[%add3A_197, %broadcast_in_dim3A_21], %sub3A_171 : memref<128x8xf32, #tpu.memory_space<vmem>>[vector<16xi32>, vector<16xi32>], vector<16xf32>,
      tpu.vector_store_idx %arg9[%add3A_197, %add3A_24], %sub3A_180 : memref<128x8xf32, #tpu.memory_space<vmem>>[vector<16xi32>, vector<16xi32>], vector<16xf32>,
      tpu.vector_store_idx %arg9[%add3A_197, %add3A_27], %sub3A_189 : memref<128x8xf32, #tpu.memory_space<vmem>>[vector<16xi32>, vector<16xi32>], vector<16xf32>,
      tpu.vector_store_idx %arg9[%add3A_197, %add3A_30], %add3A_194 : memref<128x8xf32, #tpu.memory_space<vmem>>[vector<16xi32>, vector<16xi32>], vector<16xf32>,
      %get3A_198 = arith.constant 64 : index
      %get3A_199 = tpu.vector_load %arg6[%get3A_198] {strides = array<i32>} : memref<128xi32, #tpu.memory_space<vmem>>, vector<16xi32>,
      %mul3A_200 = arith.constant 4 : i32
      %mul3A_201 = vector.broadcast %mul3A_200 : i32 to vector<16xi32>
      %mul3A_202 = arith.muli %get3A_199, %mul3A_201 : vector<16xi32>
      %get3A_203 = arith.constant 64 : index
      %get3A_204 = tpu.vector_load %arg7[%get3A_203] {strides = array<i32>} : memref<128xi32, #tpu.memory_space<vmem>>, vector<16xi32>,
      %mul3A_205 = arith.constant 4 : i32
      %mul3A_206 = vector.broadcast %mul3A_205 : i32 to vector<16xi32>
      %mul3A_207 = arith.muli %get3A_204, %mul3A_206 : vector<16xi32>
      %gather3A_208 = tpu.vector_load_idx %arg8[%mul3A_202] : memref<40960xf32, #tpu.memory_space<vmem>>[vector<16xi32>], vector<16xf32>,
      %gather3A_209 = tpu.vector_load_idx %arg8[%mul3A_207] : memref<40960xf32, #tpu.memory_space<vmem>>[vector<16xi32>], vector<16xf32>,
      %sub3A_210 = arith.subf %gather3A_208, %gather3A_209 : vector<16xf32>
      %add3A_211 = arith.constant 1 : i32
      %add3A_212 = vector.broadcast %add3A_211 : i32 to vector<16xi32>
      %add3A_213 = arith.addi %mul3A_202, %add3A_212 : vector<16xi32>
      %gather3A_214 = tpu.vector_load_idx %arg8[%add3A_213] : memref<40960xf32, #tpu.memory_space<vmem>>[vector<16xi32>], vector<16xf32>,
      %add3A_215 = arith.constant 1 : i32
      %add3A_216 = vector.broadcast %add3A_215 : i32 to vector<16xi32>
      %add3A_217 = arith.addi %mul3A_207, %add3A_216 : vector<16xi32>
      %gather3A_218 = tpu.vector_load_idx %arg8[%add3A_217] : memref<40960xf32, #tpu.memory_space<vmem>>[vector<16xi32>], vector<16xf32>,
      %sub3A_219 = arith.subf %gather3A_214, %gather3A_218 : vector<16xf32>
      %add3A_220 = arith.constant 2 : i32
      %add3A_221 = vector.broadcast %add3A_220 : i32 to vector<16xi32>
      %add3A_222 = arith.addi %mul3A_202, %add3A_221 : vector<16xi32>
      %gather3A_223 = tpu.vector_load_idx %arg8[%add3A_222] : memref<40960xf32, #tpu.memory_space<vmem>>[vector<16xi32>], vector<16xf32>,
      %add3A_224 = arith.constant 2 : i32
      %add3A_225 = vector.broadcast %add3A_224 : i32 to vector<16xi32>
      %add3A_226 = arith.addi %mul3A_207, %add3A_225 : vector<16xi32>
      %gather3A_227 = tpu.vector_load_idx %arg8[%add3A_226] : memref<40960xf32, #tpu.memory_space<vmem>>[vector<16xi32>], vector<16xf32>,
      %sub3A_228 = arith.subf %gather3A_223, %gather3A_227 : vector<16xf32>
      %mul3A_229 = arith.mulf %sub3A_210, %sub3A_210 : vector<16xf32>
      %mul3A_230 = arith.mulf %sub3A_219, %sub3A_219 : vector<16xf32>
      %add3A_231 = arith.addf %mul3A_229, %mul3A_230 : vector<16xf32>
      %mul3A_232 = arith.mulf %sub3A_228, %sub3A_228 : vector<16xf32>
      %add3A_233 = arith.addf %add3A_231, %mul3A_232 : vector<16xf32>
      %add3A_234 = arith.constant 64 : i32
      %add3A_235 = vector.broadcast %add3A_234 : i32 to vector<16xi32>
      %add3A_236 = arith.addi %add3A_235, %iota3A : vector<16xi32>
      tpu.vector_store_idx %arg9[%add3A_236, %broadcast_in_dim3A_21], %sub3A_210 : memref<128x8xf32, #tpu.memory_space<vmem>>[vector<16xi32>, vector<16xi32>], vector<16xf32>,
      tpu.vector_store_idx %arg9[%add3A_236, %add3A_24], %sub3A_219 : memref<128x8xf32, #tpu.memory_space<vmem>>[vector<16xi32>, vector<16xi32>], vector<16xf32>,
      tpu.vector_store_idx %arg9[%add3A_236, %add3A_27], %sub3A_228 : memref<128x8xf32, #tpu.memory_space<vmem>>[vector<16xi32>, vector<16xi32>], vector<16xf32>,
      tpu.vector_store_idx %arg9[%add3A_236, %add3A_30], %add3A_233 : memref<128x8xf32, #tpu.memory_space<vmem>>[vector<16xi32>, vector<16xi32>], vector<16xf32>,
      %get3A_237 = arith.constant 80 : index
      %get3A_238 = tpu.vector_load %arg6[%get3A_237] {strides = array<i32>} : memref<128xi32, #tpu.memory_space<vmem>>, vector<16xi32>,
      %mul3A_239 = arith.constant 4 : i32
      %mul3A_240 = vector.broadcast %mul3A_239 : i32 to vector<16xi32>
      %mul3A_241 = arith.muli %get3A_238, %mul3A_240 : vector<16xi32>
      %get3A_242 = arith.constant 80 : index
      %get3A_243 = tpu.vector_load %arg7[%get3A_242] {strides = array<i32>} : memref<128xi32, #tpu.memory_space<vmem>>, vector<16xi32>,
      %mul3A_244 = arith.constant 4 : i32
      %mul3A_245 = vector.broadcast %mul3A_244 : i32 to vector<16xi32>
      %mul3A_246 = arith.muli %get3A_243, %mul3A_245 : vector<16xi32>
      %gather3A_247 = tpu.vector_load_idx %arg8[%mul3A_241] : memref<40960xf32, #tpu.memory_space<vmem>>[vector<16xi32>], vector<16xf32>,
      %gather3A_248 = tpu.vector_load_idx %arg8[%mul3A_246] : memref<40960xf32, #tpu.memory_space<vmem>>[vector<16xi32>], vector<16xf32>,
      %sub3A_249 = arith.subf %gather3A_247, %gather3A_248 : vector<16xf32>
      %add3A_250 = arith.constant 1 : i32
      %add3A_251 = vector.broadcast %add3A_250 : i32 to vector<16xi32>
      %add3A_252 = arith.addi %mul3A_241, %add3A_251 : vector<16xi32>
      %gather3A_253 = tpu.vector_load_idx %arg8[%add3A_252] : memref<40960xf32, #tpu.memory_space<vmem>>[vector<16xi32>], vector<16xf32>,
      %add3A_254 = arith.constant 1 : i32
      %add3A_255 = vector.broadcast %add3A_254 : i32 to vector<16xi32>
      %add3A_256 = arith.addi %mul3A_246, %add3A_255 : vector<16xi32>
      %gather3A_257 = tpu.vector_load_idx %arg8[%add3A_256] : memref<40960xf32, #tpu.memory_space<vmem>>[vector<16xi32>], vector<16xf32>,
      %sub3A_258 = arith.subf %gather3A_253, %gather3A_257 : vector<16xf32>
      %add3A_259 = arith.constant 2 : i32
      %add3A_260 = vector.broadcast %add3A_259 : i32 to vector<16xi32>
      %add3A_261 = arith.addi %mul3A_241, %add3A_260 : vector<16xi32>
      %gather3A_262 = tpu.vector_load_idx %arg8[%add3A_261] : memref<40960xf32, #tpu.memory_space<vmem>>[vector<16xi32>], vector<16xf32>,
      %add3A_263 = arith.constant 2 : i32
      %add3A_264 = vector.broadcast %add3A_263 : i32 to vector<16xi32>
      %add3A_265 = arith.addi %mul3A_246, %add3A_264 : vector<16xi32>
      %gather3A_266 = tpu.vector_load_idx %arg8[%add3A_265] : memref<40960xf32, #tpu.memory_space<vmem>>[vector<16xi32>], vector<16xf32>,
      %sub3A_267 = arith.subf %gather3A_262, %gather3A_266 : vector<16xf32>
      %mul3A_268 = arith.mulf %sub3A_249, %sub3A_249 : vector<16xf32>
      %mul3A_269 = arith.mulf %sub3A_258, %sub3A_258 : vector<16xf32>
      %add3A_270 = arith.addf %mul3A_268, %mul3A_269 : vector<16xf32>
      %mul3A_271 = arith.mulf %sub3A_267, %sub3A_267 : vector<16xf32>
      %add3A_272 = arith.addf %add3A_270, %mul3A_271 : vector<16xf32>
      %add3A_273 = arith.constant 80 : i32
      %add3A_274 = vector.broadcast %add3A_273 : i32 to vector<16xi32>
      %add3A_275 = arith.addi %add3A_274, %iota3A : vector<16xi32>
      tpu.vector_store_idx %arg9[%add3A_275, %broadcast_in_dim3A_21], %sub3A_249 : memref<128x8xf32, #tpu.memory_space<vmem>>[vector<16xi32>, vector<16xi32>], vector<16xf32>,
      tpu.vector_store_idx %arg9[%add3A_275, %add3A_24], %sub3A_258 : memref<128x8xf32, #tpu.memory_space<vmem>>[vector<16xi32>, vector<16xi32>], vector<16xf32>,
      tpu.vector_store_idx %arg9[%add3A_275, %add3A_27], %sub3A_267 : memref<128x8xf32, #tpu.memory_space<vmem>>[vector<16xi32>, vector<16xi32>], vector<16xf32>,
      tpu.vector_store_idx %arg9[%add3A_275, %add3A_30], %add3A_272 : memref<128x8xf32, #tpu.memory_space<vmem>>[vector<16xi32>, vector<16xi32>], vector<16xf32>,
      %get3A_276 = arith.constant 96 : index
      %get3A_277 = tpu.vector_load %arg6[%get3A_276] {strides = array<i32>} : memref<128xi32, #tpu.memory_space<vmem>>, vector<16xi32>,
      %mul3A_278 = arith.constant 4 : i32
      %mul3A_279 = vector.broadcast %mul3A_278 : i32 to vector<16xi32>
      %mul3A_280 = arith.muli %get3A_277, %mul3A_279 : vector<16xi32>
      %get3A_281 = arith.constant 96 : index
      %get3A_282 = tpu.vector_load %arg7[%get3A_281] {strides = array<i32>} : memref<128xi32, #tpu.memory_space<vmem>>, vector<16xi32>,
      %mul3A_283 = arith.constant 4 : i32
      %mul3A_284 = vector.broadcast %mul3A_283 : i32 to vector<16xi32>
      %mul3A_285 = arith.muli %get3A_282, %mul3A_284 : vector<16xi32>
      %gather3A_286 = tpu.vector_load_idx %arg8[%mul3A_280] : memref<40960xf32, #tpu.memory_space<vmem>>[vector<16xi32>], vector<16xf32>,
      %gather3A_287 = tpu.vector_load_idx %arg8[%mul3A_285] : memref<40960xf32, #tpu.memory_space<vmem>>[vector<16xi32>], vector<16xf32>,
      %sub3A_288 = arith.subf %gather3A_286, %gather3A_287 : vector<16xf32>
      %add3A_289 = arith.constant 1 : i32
      %add3A_290 = vector.broadcast %add3A_289 : i32 to vector<16xi32>
      %add3A_291 = arith.addi %mul3A_280, %add3A_290 : vector<16xi32>
      %gather3A_292 = tpu.vector_load_idx %arg8[%add3A_291] : memref<40960xf32, #tpu.memory_space<vmem>>[vector<16xi32>], vector<16xf32>,
      %add3A_293 = arith.constant 1 : i32
      %add3A_294 = vector.broadcast %add3A_293 : i32 to vector<16xi32>
      %add3A_295 = arith.addi %mul3A_285, %add3A_294 : vector<16xi32>
      %gather3A_296 = tpu.vector_load_idx %arg8[%add3A_295] : memref<40960xf32, #tpu.memory_space<vmem>>[vector<16xi32>], vector<16xf32>,
      %sub3A_297 = arith.subf %gather3A_292, %gather3A_296 : vector<16xf32>
      %add3A_298 = arith.constant 2 : i32
      %add3A_299 = vector.broadcast %add3A_298 : i32 to vector<16xi32>
      %add3A_300 = arith.addi %mul3A_280, %add3A_299 : vector<16xi32>
      %gather3A_301 = tpu.vector_load_idx %arg8[%add3A_300] : memref<40960xf32, #tpu.memory_space<vmem>>[vector<16xi32>], vector<16xf32>,
      %add3A_302 = arith.constant 2 : i32
      %add3A_303 = vector.broadcast %add3A_302 : i32 to vector<16xi32>
      %add3A_304 = arith.addi %mul3A_285, %add3A_303 : vector<16xi32>
      %gather3A_305 = tpu.vector_load_idx %arg8[%add3A_304] : memref<40960xf32, #tpu.memory_space<vmem>>[vector<16xi32>], vector<16xf32>,
      %sub3A_306 = arith.subf %gather3A_301, %gather3A_305 : vector<16xf32>
      %mul3A_307 = arith.mulf %sub3A_288, %sub3A_288 : vector<16xf32>
      %mul3A_308 = arith.mulf %sub3A_297, %sub3A_297 : vector<16xf32>
      %add3A_309 = arith.addf %mul3A_307, %mul3A_308 : vector<16xf32>
      %mul3A_310 = arith.mulf %sub3A_306, %sub3A_306 : vector<16xf32>
      %add3A_311 = arith.addf %add3A_309, %mul3A_310 : vector<16xf32>
      %add3A_312 = arith.constant 96 : i32
      %add3A_313 = vector.broadcast %add3A_312 : i32 to vector<16xi32>
      %add3A_314 = arith.addi %add3A_313, %iota3A : vector<16xi32>
      tpu.vector_store_idx %arg9[%add3A_314, %broadcast_in_dim3A_21], %sub3A_288 : memref<128x8xf32, #tpu.memory_space<vmem>>[vector<16xi32>, vector<16xi32>], vector<16xf32>,
      tpu.vector_store_idx %arg9[%add3A_314, %add3A_24], %sub3A_297 : memref<128x8xf32, #tpu.memory_space<vmem>>[vector<16xi32>, vector<16xi32>], vector<16xf32>,
      tpu.vector_store_idx %arg9[%add3A_314, %add3A_27], %sub3A_306 : memref<128x8xf32, #tpu.memory_space<vmem>>[vector<16xi32>, vector<16xi32>], vector<16xf32>,
      tpu.vector_store_idx %arg9[%add3A_314, %add3A_30], %add3A_311 : memref<128x8xf32, #tpu.memory_space<vmem>>[vector<16xi32>, vector<16xi32>], vector<16xf32>,
      %get3A_315 = arith.constant 112 : index
      %get3A_316 = tpu.vector_load %arg6[%get3A_315] {strides = array<i32>} : memref<128xi32, #tpu.memory_space<vmem>>, vector<16xi32>,
      %mul3A_317 = arith.constant 4 : i32
      %mul3A_318 = vector.broadcast %mul3A_317 : i32 to vector<16xi32>
      %mul3A_319 = arith.muli %get3A_316, %mul3A_318 : vector<16xi32>
      %get3A_320 = arith.constant 112 : index
      %get3A_321 = tpu.vector_load %arg7[%get3A_320] {strides = array<i32>} : memref<128xi32, #tpu.memory_space<vmem>>, vector<16xi32>,
      %mul3A_322 = arith.constant 4 : i32
      %mul3A_323 = vector.broadcast %mul3A_322 : i32 to vector<16xi32>
      %mul3A_324 = arith.muli %get3A_321, %mul3A_323 : vector<16xi32>
      %gather3A_325 = tpu.vector_load_idx %arg8[%mul3A_319] : memref<40960xf32, #tpu.memory_space<vmem>>[vector<16xi32>], vector<16xf32>,
      %gather3A_326 = tpu.vector_load_idx %arg8[%mul3A_324] : memref<40960xf32, #tpu.memory_space<vmem>>[vector<16xi32>], vector<16xf32>,
      %sub3A_327 = arith.subf %gather3A_325, %gather3A_326 : vector<16xf32>
      %add3A_328 = arith.constant 1 : i32
      %add3A_329 = vector.broadcast %add3A_328 : i32 to vector<16xi32>
      %add3A_330 = arith.addi %mul3A_319, %add3A_329 : vector<16xi32>
      %gather3A_331 = tpu.vector_load_idx %arg8[%add3A_330] : memref<40960xf32, #tpu.memory_space<vmem>>[vector<16xi32>], vector<16xf32>,
      %add3A_332 = arith.constant 1 : i32
      %add3A_333 = vector.broadcast %add3A_332 : i32 to vector<16xi32>
      %add3A_334 = arith.addi %mul3A_324, %add3A_333 : vector<16xi32>
      %gather3A_335 = tpu.vector_load_idx %arg8[%add3A_334] : memref<40960xf32, #tpu.memory_space<vmem>>[vector<16xi32>], vector<16xf32>,
      %sub3A_336 = arith.subf %gather3A_331, %gather3A_335 : vector<16xf32>
      %add3A_337 = arith.constant 2 : i32
      %add3A_338 = vector.broadcast %add3A_337 : i32 to vector<16xi32>
      %add3A_339 = arith.addi %mul3A_319, %add3A_338 : vector<16xi32>
      %gather3A_340 = tpu.vector_load_idx %arg8[%add3A_339] : memref<40960xf32, #tpu.memory_space<vmem>>[vector<16xi32>], vector<16xf32>,
      %add3A_341 = arith.constant 2 : i32
      %add3A_342 = vector.broadcast %add3A_341 : i32 to vector<16xi32>
      %add3A_343 = arith.addi %mul3A_324, %add3A_342 : vector<16xi32>
      %gather3A_344 = tpu.vector_load_idx %arg8[%add3A_343] : memref<40960xf32, #tpu.memory_space<vmem>>[vector<16xi32>], vector<16xf32>,
      %sub3A_345 = arith.subf %gather3A_340, %gather3A_344 : vector<16xf32>
      %mul3A_346 = arith.mulf %sub3A_327, %sub3A_327 : vector<16xf32>
      %mul3A_347 = arith.mulf %sub3A_336, %sub3A_336 : vector<16xf32>
      %add3A_348 = arith.addf %mul3A_346, %mul3A_347 : vector<16xf32>
      %mul3A_349 = arith.mulf %sub3A_345, %sub3A_345 : vector<16xf32>
      %add3A_350 = arith.addf %add3A_348, %mul3A_349 : vector<16xf32>
      %add3A_351 = arith.constant 112 : i32
      %add3A_352 = vector.broadcast %add3A_351 : i32 to vector<16xi32>
      %add3A_353 = arith.addi %add3A_352, %iota3A : vector<16xi32>
      tpu.vector_store_idx %arg9[%add3A_353, %broadcast_in_dim3A_21], %sub3A_327 : memref<128x8xf32, #tpu.memory_space<vmem>>[vector<16xi32>, vector<16xi32>], vector<16xf32>,
      tpu.vector_store_idx %arg9[%add3A_353, %add3A_24], %sub3A_336 : memref<128x8xf32, #tpu.memory_space<vmem>>[vector<16xi32>, vector<16xi32>], vector<16xf32>,
      tpu.vector_store_idx %arg9[%add3A_353, %add3A_27], %sub3A_345 : memref<128x8xf32, #tpu.memory_space<vmem>>[vector<16xi32>, vector<16xi32>], vector<16xf32>,
      tpu.vector_store_idx %arg9[%add3A_353, %add3A_30], %add3A_350 : memref<128x8xf32, #tpu.memory_space<vmem>>[vector<16xi32>, vector<16xi32>], vector<16xf32>,
      %mul3A_354 = arith.constant 128 : i32
      %mul3A_355 = arith.muli %add3A_43, %mul3A_354 : i32
      "tpu.region"() ({
        %run_scoped3A = tpu.sem_alloc : memref<!tpu.dma_semaphore, #tpu.memory_space<semaphore_mem>>
        %dma_start3A = arith.constant 0 : i32
        %dma_start3A_356 = tpu.memref_slice %arg5[%mul3A_355, %dma_start3A] : memref<320000x8xf32, #tpu.memory_space<hbm>> -> memref<128x8xf32, #tpu.memory_space<hbm>>
        %dma_start3A_357 = arith.constant 0 : i32
        %dma_start3A_358 = tpu.memref_slice %arg5[%mul3A_355, %dma_start3A_357] : memref<320000x8xf32, #tpu.memory_space<hbm>> -> memref<128x8xf32, #tpu.memory_space<hbm>>
        tpu.enqueue_dma source(%arg9 : memref<128x8xf32, #tpu.memory_space<vmem>>) target(%dma_start3A_358 : memref<128x8xf32, #tpu.memory_space<hbm>>) target_semaphore(%run_scoped3A : memref<!tpu.dma_semaphore, #tpu.memory_space<semaphore_mem>>)
        %dma_wait3A = arith.constant 0 : i32
        %dma_wait3A_359 = tpu.memref_slice %arg5[%mul3A_355, %dma_wait3A] : memref<320000x8xf32, #tpu.memory_space<hbm>> -> memref<128x8xf32, #tpu.memory_space<hbm>>
        %dma_wait3A_360 = arith.constant 0 : i32
        %dma_wait3A_361 = tpu.memref_slice %arg5[%mul3A_355, %dma_wait3A_360] : memref<320000x8xf32, #tpu.memory_space<hbm>> -> memref<128x8xf32, #tpu.memory_space<hbm>>
        tpu.wait_dma2 semaphore(%run_scoped3A : memref<!tpu.dma_semaphore, #tpu.memory_space<semaphore_mem>>) src(%arg9 : memref<128x8xf32, #tpu.memory_space<vmem>>) dst(%dma_wait3A_361 : memref<128x8xf32, #tpu.memory_space<hbm>>)
        tpu.yield
      }) : () -> ()
    }
    %while3A_39 = arith.constant 1 : i32
    scf.for %while3A_40 = %while3A_37 to %while3A_33 step %while3A_39  : i32 {
      %mul3A_41 = arith.constant 32 : i32
      %mul3A_42 = arith.muli %while3A_40, %mul3A_41 : i32
      %add3A_43 = arith.addi %add3A, %mul3A_42 : i32
      "tpu.region"() ({
        %run_scoped3A = tpu.sem_alloc : memref<!tpu.dma_semaphore, #tpu.memory_space<semaphore_mem>>
        %dma_start3A = arith.constant 0 : i32
        %dma_start3A_356 = tpu.memref_slice %arg2[%add3A_43, %dma_start3A] : memref<2500x128xi32, #tpu.memory_space<hbm>> -> memref<1x128xi32, #tpu.memory_space<hbm>>
        %dma_start3A_357 = tpu.memref_squeeze %dma_start3A_356 : memref<1x128xi32, #tpu.memory_space<hbm>> -> memref<128xi32, #tpu.memory_space<hbm>>
        %dma_start3A_358 = arith.constant 0 : i32
        %dma_start3A_359 = tpu.memref_slice %arg2[%add3A_43, %dma_start3A_358] : memref<2500x128xi32, #tpu.memory_space<hbm>> -> memref<1x128xi32, #tpu.memory_space<hbm>>
        %dma_start3A_360 = tpu.memref_squeeze %dma_start3A_359 : memref<1x128xi32, #tpu.memory_space<hbm>> -> memref<128xi32, #tpu.memory_space<hbm>>
        tpu.enqueue_dma source(%dma_start3A_360 : memref<128xi32, #tpu.memory_space<hbm>>) target(%arg6 : memref<128xi32, #tpu.memory_space<vmem>>) target_semaphore(%run_scoped3A : memref<!tpu.dma_semaphore, #tpu.memory_space<semaphore_mem>>)
        %dma_wait3A = arith.constant 0 : i32
        %dma_wait3A_361 = tpu.memref_slice %arg2[%add3A_43, %dma_wait3A] : memref<2500x128xi32, #tpu.memory_space<hbm>> -> memref<1x128xi32, #tpu.memory_space<hbm>>
        %dma_wait3A_362 = tpu.memref_squeeze %dma_wait3A_361 : memref<1x128xi32, #tpu.memory_space<hbm>> -> memref<128xi32, #tpu.memory_space<hbm>>
        %dma_wait3A_363 = arith.constant 0 : i32
        %dma_wait3A_364 = tpu.memref_slice %arg2[%add3A_43, %dma_wait3A_363] : memref<2500x128xi32, #tpu.memory_space<hbm>> -> memref<1x128xi32, #tpu.memory_space<hbm>>
        %dma_wait3A_365 = tpu.memref_squeeze %dma_wait3A_364 : memref<1x128xi32, #tpu.memory_space<hbm>> -> memref<128xi32, #tpu.memory_space<hbm>>
        tpu.wait_dma2 semaphore(%run_scoped3A : memref<!tpu.dma_semaphore, #tpu.memory_space<semaphore_mem>>) src(%dma_wait3A_365 : memref<128xi32, #tpu.memory_space<hbm>>) dst(%arg6 : memref<128xi32, #tpu.memory_space<vmem>>)
        tpu.yield
      }) : () -> ()
      "tpu.region"() ({
        %run_scoped3A = tpu.sem_alloc : memref<!tpu.dma_semaphore, #tpu.memory_space<semaphore_mem>>
        %dma_start3A = arith.constant 0 : i32
        %dma_start3A_356 = tpu.memref_slice %arg3[%add3A_43, %dma_start3A] : memref<2500x128xi32, #tpu.memory_space<hbm>> -> memref<1x128xi32, #tpu.memory_space<hbm>>
        %dma_start3A_357 = tpu.memref_squeeze %dma_start3A_356 : memref<1x128xi32, #tpu.memory_space<hbm>> -> memref<128xi32, #tpu.memory_space<hbm>>
        %dma_start3A_358 = arith.constant 0 : i32
        %dma_start3A_359 = tpu.memref_slice %arg3[%add3A_43, %dma_start3A_358] : memref<2500x128xi32, #tpu.memory_space<hbm>> -> memref<1x128xi32, #tpu.memory_space<hbm>>
        %dma_start3A_360 = tpu.memref_squeeze %dma_start3A_359 : memref<1x128xi32, #tpu.memory_space<hbm>> -> memref<128xi32, #tpu.memory_space<hbm>>
        tpu.enqueue_dma source(%dma_start3A_360 : memref<128xi32, #tpu.memory_space<hbm>>) target(%arg7 : memref<128xi32, #tpu.memory_space<vmem>>) target_semaphore(%run_scoped3A : memref<!tpu.dma_semaphore, #tpu.memory_space<semaphore_mem>>)
        %dma_wait3A = arith.constant 0 : i32
        %dma_wait3A_361 = tpu.memref_slice %arg3[%add3A_43, %dma_wait3A] : memref<2500x128xi32, #tpu.memory_space<hbm>> -> memref<1x128xi32, #tpu.memory_space<hbm>>
        %dma_wait3A_362 = tpu.memref_squeeze %dma_wait3A_361 : memref<1x128xi32, #tpu.memory_space<hbm>> -> memref<128xi32, #tpu.memory_space<hbm>>
        %dma_wait3A_363 = arith.constant 0 : i32
        %dma_wait3A_364 = tpu.memref_slice %arg3[%add3A_43, %dma_wait3A_363] : memref<2500x128xi32, #tpu.memory_space<hbm>> -> memref<1x128xi32, #tpu.memory_space<hbm>>
        %dma_wait3A_365 = tpu.memref_squeeze %dma_wait3A_364 : memref<1x128xi32, #tpu.memory_space<hbm>> -> memref<128xi32, #tpu.memory_space<hbm>>
        tpu.wait_dma2 semaphore(%run_scoped3A : memref<!tpu.dma_semaphore, #tpu.memory_space<semaphore_mem>>) src(%dma_wait3A_365 : memref<128xi32, #tpu.memory_space<hbm>>) dst(%arg7 : memref<128xi32, #tpu.memory_space<vmem>>)
        tpu.yield
      }) : () -> ()
      %get3A = arith.constant 0 : index
      %get3A_44 = tpu.vector_load %arg6[%get3A] {strides = array<i32>} : memref<128xi32, #tpu.memory_space<vmem>>, vector<16xi32>,
      %mul3A_45 = arith.constant 4 : i32
      %mul3A_46 = vector.broadcast %mul3A_45 : i32 to vector<16xi32>
      %mul3A_47 = arith.muli %get3A_44, %mul3A_46 : vector<16xi32>
      %get3A_48 = arith.constant 0 : index
      %get3A_49 = tpu.vector_load %arg7[%get3A_48] {strides = array<i32>} : memref<128xi32, #tpu.memory_space<vmem>>, vector<16xi32>,
      %mul3A_50 = arith.constant 4 : i32
      %mul3A_51 = vector.broadcast %mul3A_50 : i32 to vector<16xi32>
      %mul3A_52 = arith.muli %get3A_49, %mul3A_51 : vector<16xi32>
      %gather3A = tpu.vector_load_idx %arg8[%mul3A_47] : memref<40960xf32, #tpu.memory_space<vmem>>[vector<16xi32>], vector<16xf32>,
      %gather3A_53 = tpu.vector_load_idx %arg8[%mul3A_52] : memref<40960xf32, #tpu.memory_space<vmem>>[vector<16xi32>], vector<16xf32>,
      %sub3A_54 = arith.subf %gather3A, %gather3A_53 : vector<16xf32>
      %add3A_55 = arith.constant 1 : i32
      %add3A_56 = vector.broadcast %add3A_55 : i32 to vector<16xi32>
      %add3A_57 = arith.addi %mul3A_47, %add3A_56 : vector<16xi32>
      %gather3A_58 = tpu.vector_load_idx %arg8[%add3A_57] : memref<40960xf32, #tpu.memory_space<vmem>>[vector<16xi32>], vector<16xf32>,
      %add3A_59 = arith.constant 1 : i32
      %add3A_60 = vector.broadcast %add3A_59 : i32 to vector<16xi32>
      %add3A_61 = arith.addi %mul3A_52, %add3A_60 : vector<16xi32>
      %gather3A_62 = tpu.vector_load_idx %arg8[%add3A_61] : memref<40960xf32, #tpu.memory_space<vmem>>[vector<16xi32>], vector<16xf32>,
      %sub3A_63 = arith.subf %gather3A_58, %gather3A_62 : vector<16xf32>
      %add3A_64 = arith.constant 2 : i32
      %add3A_65 = vector.broadcast %add3A_64 : i32 to vector<16xi32>
      %add3A_66 = arith.addi %mul3A_47, %add3A_65 : vector<16xi32>
      %gather3A_67 = tpu.vector_load_idx %arg8[%add3A_66] : memref<40960xf32, #tpu.memory_space<vmem>>[vector<16xi32>], vector<16xf32>,
      %add3A_68 = arith.constant 2 : i32
      %add3A_69 = vector.broadcast %add3A_68 : i32 to vector<16xi32>
      %add3A_70 = arith.addi %mul3A_52, %add3A_69 : vector<16xi32>
      %gather3A_71 = tpu.vector_load_idx %arg8[%add3A_70] : memref<40960xf32, #tpu.memory_space<vmem>>[vector<16xi32>], vector<16xf32>,
      %sub3A_72 = arith.subf %gather3A_67, %gather3A_71 : vector<16xf32>
      %mul3A_73 = arith.mulf %sub3A_54, %sub3A_54 : vector<16xf32>
      %mul3A_74 = arith.mulf %sub3A_63, %sub3A_63 : vector<16xf32>
      %add3A_75 = arith.addf %mul3A_73, %mul3A_74 : vector<16xf32>
      %mul3A_76 = arith.mulf %sub3A_72, %sub3A_72 : vector<16xf32>
      %add3A_77 = arith.addf %add3A_75, %mul3A_76 : vector<16xf32>
      %add3A_78 = arith.constant 0 : i32
      %add3A_79 = vector.broadcast %add3A_78 : i32 to vector<16xi32>
      %add3A_80 = arith.addi %add3A_79, %iota3A : vector<16xi32>
      tpu.vector_store_idx %arg9[%add3A_80, %broadcast_in_dim3A_21], %sub3A_54 : memref<128x8xf32, #tpu.memory_space<vmem>>[vector<16xi32>, vector<16xi32>], vector<16xf32>,
      tpu.vector_store_idx %arg9[%add3A_80, %add3A_24], %sub3A_63 : memref<128x8xf32, #tpu.memory_space<vmem>>[vector<16xi32>, vector<16xi32>], vector<16xf32>,
      tpu.vector_store_idx %arg9[%add3A_80, %add3A_27], %sub3A_72 : memref<128x8xf32, #tpu.memory_space<vmem>>[vector<16xi32>, vector<16xi32>], vector<16xf32>,
      tpu.vector_store_idx %arg9[%add3A_80, %add3A_30], %add3A_77 : memref<128x8xf32, #tpu.memory_space<vmem>>[vector<16xi32>, vector<16xi32>], vector<16xf32>,
      %get3A_81 = arith.constant 16 : index
      %get3A_82 = tpu.vector_load %arg6[%get3A_81] {strides = array<i32>} : memref<128xi32, #tpu.memory_space<vmem>>, vector<16xi32>,
      %mul3A_83 = arith.constant 4 : i32
      %mul3A_84 = vector.broadcast %mul3A_83 : i32 to vector<16xi32>
      %mul3A_85 = arith.muli %get3A_82, %mul3A_84 : vector<16xi32>
      %get3A_86 = arith.constant 16 : index
      %get3A_87 = tpu.vector_load %arg7[%get3A_86] {strides = array<i32>} : memref<128xi32, #tpu.memory_space<vmem>>, vector<16xi32>,
      %mul3A_88 = arith.constant 4 : i32
      %mul3A_89 = vector.broadcast %mul3A_88 : i32 to vector<16xi32>
      %mul3A_90 = arith.muli %get3A_87, %mul3A_89 : vector<16xi32>
      %gather3A_91 = tpu.vector_load_idx %arg8[%mul3A_85] : memref<40960xf32, #tpu.memory_space<vmem>>[vector<16xi32>], vector<16xf32>,
      %gather3A_92 = tpu.vector_load_idx %arg8[%mul3A_90] : memref<40960xf32, #tpu.memory_space<vmem>>[vector<16xi32>], vector<16xf32>,
      %sub3A_93 = arith.subf %gather3A_91, %gather3A_92 : vector<16xf32>
      %add3A_94 = arith.constant 1 : i32
      %add3A_95 = vector.broadcast %add3A_94 : i32 to vector<16xi32>
      %add3A_96 = arith.addi %mul3A_85, %add3A_95 : vector<16xi32>
      %gather3A_97 = tpu.vector_load_idx %arg8[%add3A_96] : memref<40960xf32, #tpu.memory_space<vmem>>[vector<16xi32>], vector<16xf32>,
      %add3A_98 = arith.constant 1 : i32
      %add3A_99 = vector.broadcast %add3A_98 : i32 to vector<16xi32>
      %add3A_100 = arith.addi %mul3A_90, %add3A_99 : vector<16xi32>
      %gather3A_101 = tpu.vector_load_idx %arg8[%add3A_100] : memref<40960xf32, #tpu.memory_space<vmem>>[vector<16xi32>], vector<16xf32>,
      %sub3A_102 = arith.subf %gather3A_97, %gather3A_101 : vector<16xf32>
      %add3A_103 = arith.constant 2 : i32
      %add3A_104 = vector.broadcast %add3A_103 : i32 to vector<16xi32>
      %add3A_105 = arith.addi %mul3A_85, %add3A_104 : vector<16xi32>
      %gather3A_106 = tpu.vector_load_idx %arg8[%add3A_105] : memref<40960xf32, #tpu.memory_space<vmem>>[vector<16xi32>], vector<16xf32>,
      %add3A_107 = arith.constant 2 : i32
      %add3A_108 = vector.broadcast %add3A_107 : i32 to vector<16xi32>
      %add3A_109 = arith.addi %mul3A_90, %add3A_108 : vector<16xi32>
      %gather3A_110 = tpu.vector_load_idx %arg8[%add3A_109] : memref<40960xf32, #tpu.memory_space<vmem>>[vector<16xi32>], vector<16xf32>,
      %sub3A_111 = arith.subf %gather3A_106, %gather3A_110 : vector<16xf32>
      %mul3A_112 = arith.mulf %sub3A_93, %sub3A_93 : vector<16xf32>
      %mul3A_113 = arith.mulf %sub3A_102, %sub3A_102 : vector<16xf32>
      %add3A_114 = arith.addf %mul3A_112, %mul3A_113 : vector<16xf32>
      %mul3A_115 = arith.mulf %sub3A_111, %sub3A_111 : vector<16xf32>
      %add3A_116 = arith.addf %add3A_114, %mul3A_115 : vector<16xf32>
      %add3A_117 = arith.constant 16 : i32
      %add3A_118 = vector.broadcast %add3A_117 : i32 to vector<16xi32>
      %add3A_119 = arith.addi %add3A_118, %iota3A : vector<16xi32>
      tpu.vector_store_idx %arg9[%add3A_119, %broadcast_in_dim3A_21], %sub3A_93 : memref<128x8xf32, #tpu.memory_space<vmem>>[vector<16xi32>, vector<16xi32>], vector<16xf32>,
      tpu.vector_store_idx %arg9[%add3A_119, %add3A_24], %sub3A_102 : memref<128x8xf32, #tpu.memory_space<vmem>>[vector<16xi32>, vector<16xi32>], vector<16xf32>,
      tpu.vector_store_idx %arg9[%add3A_119, %add3A_27], %sub3A_111 : memref<128x8xf32, #tpu.memory_space<vmem>>[vector<16xi32>, vector<16xi32>], vector<16xf32>,
      tpu.vector_store_idx %arg9[%add3A_119, %add3A_30], %add3A_116 : memref<128x8xf32, #tpu.memory_space<vmem>>[vector<16xi32>, vector<16xi32>], vector<16xf32>,
      %get3A_120 = arith.constant 32 : index
      %get3A_121 = tpu.vector_load %arg6[%get3A_120] {strides = array<i32>} : memref<128xi32, #tpu.memory_space<vmem>>, vector<16xi32>,
      %mul3A_122 = arith.constant 4 : i32
      %mul3A_123 = vector.broadcast %mul3A_122 : i32 to vector<16xi32>
      %mul3A_124 = arith.muli %get3A_121, %mul3A_123 : vector<16xi32>
      %get3A_125 = arith.constant 32 : index
      %get3A_126 = tpu.vector_load %arg7[%get3A_125] {strides = array<i32>} : memref<128xi32, #tpu.memory_space<vmem>>, vector<16xi32>,
      %mul3A_127 = arith.constant 4 : i32
      %mul3A_128 = vector.broadcast %mul3A_127 : i32 to vector<16xi32>
      %mul3A_129 = arith.muli %get3A_126, %mul3A_128 : vector<16xi32>
      %gather3A_130 = tpu.vector_load_idx %arg8[%mul3A_124] : memref<40960xf32, #tpu.memory_space<vmem>>[vector<16xi32>], vector<16xf32>,
      %gather3A_131 = tpu.vector_load_idx %arg8[%mul3A_129] : memref<40960xf32, #tpu.memory_space<vmem>>[vector<16xi32>], vector<16xf32>,
      %sub3A_132 = arith.subf %gather3A_130, %gather3A_131 : vector<16xf32>
      %add3A_133 = arith.constant 1 : i32
      %add3A_134 = vector.broadcast %add3A_133 : i32 to vector<16xi32>
      %add3A_135 = arith.addi %mul3A_124, %add3A_134 : vector<16xi32>
      %gather3A_136 = tpu.vector_load_idx %arg8[%add3A_135] : memref<40960xf32, #tpu.memory_space<vmem>>[vector<16xi32>], vector<16xf32>,
      %add3A_137 = arith.constant 1 : i32
      %add3A_138 = vector.broadcast %add3A_137 : i32 to vector<16xi32>
      %add3A_139 = arith.addi %mul3A_129, %add3A_138 : vector<16xi32>
      %gather3A_140 = tpu.vector_load_idx %arg8[%add3A_139] : memref<40960xf32, #tpu.memory_space<vmem>>[vector<16xi32>], vector<16xf32>,
      %sub3A_141 = arith.subf %gather3A_136, %gather3A_140 : vector<16xf32>
      %add3A_142 = arith.constant 2 : i32
      %add3A_143 = vector.broadcast %add3A_142 : i32 to vector<16xi32>
      %add3A_144 = arith.addi %mul3A_124, %add3A_143 : vector<16xi32>
      %gather3A_145 = tpu.vector_load_idx %arg8[%add3A_144] : memref<40960xf32, #tpu.memory_space<vmem>>[vector<16xi32>], vector<16xf32>,
      %add3A_146 = arith.constant 2 : i32
      %add3A_147 = vector.broadcast %add3A_146 : i32 to vector<16xi32>
      %add3A_148 = arith.addi %mul3A_129, %add3A_147 : vector<16xi32>
      %gather3A_149 = tpu.vector_load_idx %arg8[%add3A_148] : memref<40960xf32, #tpu.memory_space<vmem>>[vector<16xi32>], vector<16xf32>,
      %sub3A_150 = arith.subf %gather3A_145, %gather3A_149 : vector<16xf32>
      %mul3A_151 = arith.mulf %sub3A_132, %sub3A_132 : vector<16xf32>
      %mul3A_152 = arith.mulf %sub3A_141, %sub3A_141 : vector<16xf32>
      %add3A_153 = arith.addf %mul3A_151, %mul3A_152 : vector<16xf32>
      %mul3A_154 = arith.mulf %sub3A_150, %sub3A_150 : vector<16xf32>
      %add3A_155 = arith.addf %add3A_153, %mul3A_154 : vector<16xf32>
      %add3A_156 = arith.constant 32 : i32
      %add3A_157 = vector.broadcast %add3A_156 : i32 to vector<16xi32>
      %add3A_158 = arith.addi %add3A_157, %iota3A : vector<16xi32>
      tpu.vector_store_idx %arg9[%add3A_158, %broadcast_in_dim3A_21], %sub3A_132 : memref<128x8xf32, #tpu.memory_space<vmem>>[vector<16xi32>, vector<16xi32>], vector<16xf32>,
      tpu.vector_store_idx %arg9[%add3A_158, %add3A_24], %sub3A_141 : memref<128x8xf32, #tpu.memory_space<vmem>>[vector<16xi32>, vector<16xi32>], vector<16xf32>,
      tpu.vector_store_idx %arg9[%add3A_158, %add3A_27], %sub3A_150 : memref<128x8xf32, #tpu.memory_space<vmem>>[vector<16xi32>, vector<16xi32>], vector<16xf32>,
      tpu.vector_store_idx %arg9[%add3A_158, %add3A_30], %add3A_155 : memref<128x8xf32, #tpu.memory_space<vmem>>[vector<16xi32>, vector<16xi32>], vector<16xf32>,
      %get3A_159 = arith.constant 48 : index
      %get3A_160 = tpu.vector_load %arg6[%get3A_159] {strides = array<i32>} : memref<128xi32, #tpu.memory_space<vmem>>, vector<16xi32>,
      %mul3A_161 = arith.constant 4 : i32
      %mul3A_162 = vector.broadcast %mul3A_161 : i32 to vector<16xi32>
      %mul3A_163 = arith.muli %get3A_160, %mul3A_162 : vector<16xi32>
      %get3A_164 = arith.constant 48 : index
      %get3A_165 = tpu.vector_load %arg7[%get3A_164] {strides = array<i32>} : memref<128xi32, #tpu.memory_space<vmem>>, vector<16xi32>,
      %mul3A_166 = arith.constant 4 : i32
      %mul3A_167 = vector.broadcast %mul3A_166 : i32 to vector<16xi32>
      %mul3A_168 = arith.muli %get3A_165, %mul3A_167 : vector<16xi32>
      %gather3A_169 = tpu.vector_load_idx %arg8[%mul3A_163] : memref<40960xf32, #tpu.memory_space<vmem>>[vector<16xi32>], vector<16xf32>,
      %gather3A_170 = tpu.vector_load_idx %arg8[%mul3A_168] : memref<40960xf32, #tpu.memory_space<vmem>>[vector<16xi32>], vector<16xf32>,
      %sub3A_171 = arith.subf %gather3A_169, %gather3A_170 : vector<16xf32>
      %add3A_172 = arith.constant 1 : i32
      %add3A_173 = vector.broadcast %add3A_172 : i32 to vector<16xi32>
      %add3A_174 = arith.addi %mul3A_163, %add3A_173 : vector<16xi32>
      %gather3A_175 = tpu.vector_load_idx %arg8[%add3A_174] : memref<40960xf32, #tpu.memory_space<vmem>>[vector<16xi32>], vector<16xf32>,
      %add3A_176 = arith.constant 1 : i32
      %add3A_177 = vector.broadcast %add3A_176 : i32 to vector<16xi32>
      %add3A_178 = arith.addi %mul3A_168, %add3A_177 : vector<16xi32>
      %gather3A_179 = tpu.vector_load_idx %arg8[%add3A_178] : memref<40960xf32, #tpu.memory_space<vmem>>[vector<16xi32>], vector<16xf32>,
      %sub3A_180 = arith.subf %gather3A_175, %gather3A_179 : vector<16xf32>
      %add3A_181 = arith.constant 2 : i32
      %add3A_182 = vector.broadcast %add3A_181 : i32 to vector<16xi32>
      %add3A_183 = arith.addi %mul3A_163, %add3A_182 : vector<16xi32>
      %gather3A_184 = tpu.vector_load_idx %arg8[%add3A_183] : memref<40960xf32, #tpu.memory_space<vmem>>[vector<16xi32>], vector<16xf32>,
      %add3A_185 = arith.constant 2 : i32
      %add3A_186 = vector.broadcast %add3A_185 : i32 to vector<16xi32>
      %add3A_187 = arith.addi %mul3A_168, %add3A_186 : vector<16xi32>
      %gather3A_188 = tpu.vector_load_idx %arg8[%add3A_187] : memref<40960xf32, #tpu.memory_space<vmem>>[vector<16xi32>], vector<16xf32>,
      %sub3A_189 = arith.subf %gather3A_184, %gather3A_188 : vector<16xf32>
      %mul3A_190 = arith.mulf %sub3A_171, %sub3A_171 : vector<16xf32>
      %mul3A_191 = arith.mulf %sub3A_180, %sub3A_180 : vector<16xf32>
      %add3A_192 = arith.addf %mul3A_190, %mul3A_191 : vector<16xf32>
      %mul3A_193 = arith.mulf %sub3A_189, %sub3A_189 : vector<16xf32>
      %add3A_194 = arith.addf %add3A_192, %mul3A_193 : vector<16xf32>
      %add3A_195 = arith.constant 48 : i32
      %add3A_196 = vector.broadcast %add3A_195 : i32 to vector<16xi32>
      %add3A_197 = arith.addi %add3A_196, %iota3A : vector<16xi32>
      tpu.vector_store_idx %arg9[%add3A_197, %broadcast_in_dim3A_21], %sub3A_171 : memref<128x8xf32, #tpu.memory_space<vmem>>[vector<16xi32>, vector<16xi32>], vector<16xf32>,
      tpu.vector_store_idx %arg9[%add3A_197, %add3A_24], %sub3A_180 : memref<128x8xf32, #tpu.memory_space<vmem>>[vector<16xi32>, vector<16xi32>], vector<16xf32>,
      tpu.vector_store_idx %arg9[%add3A_197, %add3A_27], %sub3A_189 : memref<128x8xf32, #tpu.memory_space<vmem>>[vector<16xi32>, vector<16xi32>], vector<16xf32>,
      tpu.vector_store_idx %arg9[%add3A_197, %add3A_30], %add3A_194 : memref<128x8xf32, #tpu.memory_space<vmem>>[vector<16xi32>, vector<16xi32>], vector<16xf32>,
      %get3A_198 = arith.constant 64 : index
      %get3A_199 = tpu.vector_load %arg6[%get3A_198] {strides = array<i32>} : memref<128xi32, #tpu.memory_space<vmem>>, vector<16xi32>,
      %mul3A_200 = arith.constant 4 : i32
      %mul3A_201 = vector.broadcast %mul3A_200 : i32 to vector<16xi32>
      %mul3A_202 = arith.muli %get3A_199, %mul3A_201 : vector<16xi32>
      %get3A_203 = arith.constant 64 : index
      %get3A_204 = tpu.vector_load %arg7[%get3A_203] {strides = array<i32>} : memref<128xi32, #tpu.memory_space<vmem>>, vector<16xi32>,
      %mul3A_205 = arith.constant 4 : i32
      %mul3A_206 = vector.broadcast %mul3A_205 : i32 to vector<16xi32>
      %mul3A_207 = arith.muli %get3A_204, %mul3A_206 : vector<16xi32>
      %gather3A_208 = tpu.vector_load_idx %arg8[%mul3A_202] : memref<40960xf32, #tpu.memory_space<vmem>>[vector<16xi32>], vector<16xf32>,
      %gather3A_209 = tpu.vector_load_idx %arg8[%mul3A_207] : memref<40960xf32, #tpu.memory_space<vmem>>[vector<16xi32>], vector<16xf32>,
      %sub3A_210 = arith.subf %gather3A_208, %gather3A_209 : vector<16xf32>
      %add3A_211 = arith.constant 1 : i32
      %add3A_212 = vector.broadcast %add3A_211 : i32 to vector<16xi32>
      %add3A_213 = arith.addi %mul3A_202, %add3A_212 : vector<16xi32>
      %gather3A_214 = tpu.vector_load_idx %arg8[%add3A_213] : memref<40960xf32, #tpu.memory_space<vmem>>[vector<16xi32>], vector<16xf32>,
      %add3A_215 = arith.constant 1 : i32
      %add3A_216 = vector.broadcast %add3A_215 : i32 to vector<16xi32>
      %add3A_217 = arith.addi %mul3A_207, %add3A_216 : vector<16xi32>
      %gather3A_218 = tpu.vector_load_idx %arg8[%add3A_217] : memref<40960xf32, #tpu.memory_space<vmem>>[vector<16xi32>], vector<16xf32>,
      %sub3A_219 = arith.subf %gather3A_214, %gather3A_218 : vector<16xf32>
      %add3A_220 = arith.constant 2 : i32
      %add3A_221 = vector.broadcast %add3A_220 : i32 to vector<16xi32>
      %add3A_222 = arith.addi %mul3A_202, %add3A_221 : vector<16xi32>
      %gather3A_223 = tpu.vector_load_idx %arg8[%add3A_222] : memref<40960xf32, #tpu.memory_space<vmem>>[vector<16xi32>], vector<16xf32>,
      %add3A_224 = arith.constant 2 : i32
      %add3A_225 = vector.broadcast %add3A_224 : i32 to vector<16xi32>
      %add3A_226 = arith.addi %mul3A_207, %add3A_225 : vector<16xi32>
      %gather3A_227 = tpu.vector_load_idx %arg8[%add3A_226] : memref<40960xf32, #tpu.memory_space<vmem>>[vector<16xi32>], vector<16xf32>,
      %sub3A_228 = arith.subf %gather3A_223, %gather3A_227 : vector<16xf32>
      %mul3A_229 = arith.mulf %sub3A_210, %sub3A_210 : vector<16xf32>
      %mul3A_230 = arith.mulf %sub3A_219, %sub3A_219 : vector<16xf32>
      %add3A_231 = arith.addf %mul3A_229, %mul3A_230 : vector<16xf32>
      %mul3A_232 = arith.mulf %sub3A_228, %sub3A_228 : vector<16xf32>
      %add3A_233 = arith.addf %add3A_231, %mul3A_232 : vector<16xf32>
      %add3A_234 = arith.constant 64 : i32
      %add3A_235 = vector.broadcast %add3A_234 : i32 to vector<16xi32>
      %add3A_236 = arith.addi %add3A_235, %iota3A : vector<16xi32>
      tpu.vector_store_idx %arg9[%add3A_236, %broadcast_in_dim3A_21], %sub3A_210 : memref<128x8xf32, #tpu.memory_space<vmem>>[vector<16xi32>, vector<16xi32>], vector<16xf32>,
      tpu.vector_store_idx %arg9[%add3A_236, %add3A_24], %sub3A_219 : memref<128x8xf32, #tpu.memory_space<vmem>>[vector<16xi32>, vector<16xi32>], vector<16xf32>,
      tpu.vector_store_idx %arg9[%add3A_236, %add3A_27], %sub3A_228 : memref<128x8xf32, #tpu.memory_space<vmem>>[vector<16xi32>, vector<16xi32>], vector<16xf32>,
      tpu.vector_store_idx %arg9[%add3A_236, %add3A_30], %add3A_233 : memref<128x8xf32, #tpu.memory_space<vmem>>[vector<16xi32>, vector<16xi32>], vector<16xf32>,
      %get3A_237 = arith.constant 80 : index
      %get3A_238 = tpu.vector_load %arg6[%get3A_237] {strides = array<i32>} : memref<128xi32, #tpu.memory_space<vmem>>, vector<16xi32>,
      %mul3A_239 = arith.constant 4 : i32
      %mul3A_240 = vector.broadcast %mul3A_239 : i32 to vector<16xi32>
      %mul3A_241 = arith.muli %get3A_238, %mul3A_240 : vector<16xi32>
      %get3A_242 = arith.constant 80 : index
      %get3A_243 = tpu.vector_load %arg7[%get3A_242] {strides = array<i32>} : memref<128xi32, #tpu.memory_space<vmem>>, vector<16xi32>,
      %mul3A_244 = arith.constant 4 : i32
      %mul3A_245 = vector.broadcast %mul3A_244 : i32 to vector<16xi32>
      %mul3A_246 = arith.muli %get3A_243, %mul3A_245 : vector<16xi32>
      %gather3A_247 = tpu.vector_load_idx %arg8[%mul3A_241] : memref<40960xf32, #tpu.memory_space<vmem>>[vector<16xi32>], vector<16xf32>,
      %gather3A_248 = tpu.vector_load_idx %arg8[%mul3A_246] : memref<40960xf32, #tpu.memory_space<vmem>>[vector<16xi32>], vector<16xf32>,
      %sub3A_249 = arith.subf %gather3A_247, %gather3A_248 : vector<16xf32>
      %add3A_250 = arith.constant 1 : i32
      %add3A_251 = vector.broadcast %add3A_250 : i32 to vector<16xi32>
      %add3A_252 = arith.addi %mul3A_241, %add3A_251 : vector<16xi32>
      %gather3A_253 = tpu.vector_load_idx %arg8[%add3A_252] : memref<40960xf32, #tpu.memory_space<vmem>>[vector<16xi32>], vector<16xf32>,
      %add3A_254 = arith.constant 1 : i32
      %add3A_255 = vector.broadcast %add3A_254 : i32 to vector<16xi32>
      %add3A_256 = arith.addi %mul3A_246, %add3A_255 : vector<16xi32>
      %gather3A_257 = tpu.vector_load_idx %arg8[%add3A_256] : memref<40960xf32, #tpu.memory_space<vmem>>[vector<16xi32>], vector<16xf32>,
      %sub3A_258 = arith.subf %gather3A_253, %gather3A_257 : vector<16xf32>
      %add3A_259 = arith.constant 2 : i32
      %add3A_260 = vector.broadcast %add3A_259 : i32 to vector<16xi32>
      %add3A_261 = arith.addi %mul3A_241, %add3A_260 : vector<16xi32>
      %gather3A_262 = tpu.vector_load_idx %arg8[%add3A_261] : memref<40960xf32, #tpu.memory_space<vmem>>[vector<16xi32>], vector<16xf32>,
      %add3A_263 = arith.constant 2 : i32
      %add3A_264 = vector.broadcast %add3A_263 : i32 to vector<16xi32>
      %add3A_265 = arith.addi %mul3A_246, %add3A_264 : vector<16xi32>
      %gather3A_266 = tpu.vector_load_idx %arg8[%add3A_265] : memref<40960xf32, #tpu.memory_space<vmem>>[vector<16xi32>], vector<16xf32>,
      %sub3A_267 = arith.subf %gather3A_262, %gather3A_266 : vector<16xf32>
      %mul3A_268 = arith.mulf %sub3A_249, %sub3A_249 : vector<16xf32>
      %mul3A_269 = arith.mulf %sub3A_258, %sub3A_258 : vector<16xf32>
      %add3A_270 = arith.addf %mul3A_268, %mul3A_269 : vector<16xf32>
      %mul3A_271 = arith.mulf %sub3A_267, %sub3A_267 : vector<16xf32>
      %add3A_272 = arith.addf %add3A_270, %mul3A_271 : vector<16xf32>
      %add3A_273 = arith.constant 80 : i32
      %add3A_274 = vector.broadcast %add3A_273 : i32 to vector<16xi32>
      %add3A_275 = arith.addi %add3A_274, %iota3A : vector<16xi32>
      tpu.vector_store_idx %arg9[%add3A_275, %broadcast_in_dim3A_21], %sub3A_249 : memref<128x8xf32, #tpu.memory_space<vmem>>[vector<16xi32>, vector<16xi32>], vector<16xf32>,
      tpu.vector_store_idx %arg9[%add3A_275, %add3A_24], %sub3A_258 : memref<128x8xf32, #tpu.memory_space<vmem>>[vector<16xi32>, vector<16xi32>], vector<16xf32>,
      tpu.vector_store_idx %arg9[%add3A_275, %add3A_27], %sub3A_267 : memref<128x8xf32, #tpu.memory_space<vmem>>[vector<16xi32>, vector<16xi32>], vector<16xf32>,
      tpu.vector_store_idx %arg9[%add3A_275, %add3A_30], %add3A_272 : memref<128x8xf32, #tpu.memory_space<vmem>>[vector<16xi32>, vector<16xi32>], vector<16xf32>,
      %get3A_276 = arith.constant 96 : index
      %get3A_277 = tpu.vector_load %arg6[%get3A_276] {strides = array<i32>} : memref<128xi32, #tpu.memory_space<vmem>>, vector<16xi32>,
      %mul3A_278 = arith.constant 4 : i32
      %mul3A_279 = vector.broadcast %mul3A_278 : i32 to vector<16xi32>
      %mul3A_280 = arith.muli %get3A_277, %mul3A_279 : vector<16xi32>
      %get3A_281 = arith.constant 96 : index
      %get3A_282 = tpu.vector_load %arg7[%get3A_281] {strides = array<i32>} : memref<128xi32, #tpu.memory_space<vmem>>, vector<16xi32>,
      %mul3A_283 = arith.constant 4 : i32
      %mul3A_284 = vector.broadcast %mul3A_283 : i32 to vector<16xi32>
      %mul3A_285 = arith.muli %get3A_282, %mul3A_284 : vector<16xi32>
      %gather3A_286 = tpu.vector_load_idx %arg8[%mul3A_280] : memref<40960xf32, #tpu.memory_space<vmem>>[vector<16xi32>], vector<16xf32>,
      %gather3A_287 = tpu.vector_load_idx %arg8[%mul3A_285] : memref<40960xf32, #tpu.memory_space<vmem>>[vector<16xi32>], vector<16xf32>,
      %sub3A_288 = arith.subf %gather3A_286, %gather3A_287 : vector<16xf32>
      %add3A_289 = arith.constant 1 : i32
      %add3A_290 = vector.broadcast %add3A_289 : i32 to vector<16xi32>
      %add3A_291 = arith.addi %mul3A_280, %add3A_290 : vector<16xi32>
      %gather3A_292 = tpu.vector_load_idx %arg8[%add3A_291] : memref<40960xf32, #tpu.memory_space<vmem>>[vector<16xi32>], vector<16xf32>,
      %add3A_293 = arith.constant 1 : i32
      %add3A_294 = vector.broadcast %add3A_293 : i32 to vector<16xi32>
      %add3A_295 = arith.addi %mul3A_285, %add3A_294 : vector<16xi32>
      %gather3A_296 = tpu.vector_load_idx %arg8[%add3A_295] : memref<40960xf32, #tpu.memory_space<vmem>>[vector<16xi32>], vector<16xf32>,
      %sub3A_297 = arith.subf %gather3A_292, %gather3A_296 : vector<16xf32>
      %add3A_298 = arith.constant 2 : i32
      %add3A_299 = vector.broadcast %add3A_298 : i32 to vector<16xi32>
      %add3A_300 = arith.addi %mul3A_280, %add3A_299 : vector<16xi32>
      %gather3A_301 = tpu.vector_load_idx %arg8[%add3A_300] : memref<40960xf32, #tpu.memory_space<vmem>>[vector<16xi32>], vector<16xf32>,
      %add3A_302 = arith.constant 2 : i32
      %add3A_303 = vector.broadcast %add3A_302 : i32 to vector<16xi32>
      %add3A_304 = arith.addi %mul3A_285, %add3A_303 : vector<16xi32>
      %gather3A_305 = tpu.vector_load_idx %arg8[%add3A_304] : memref<40960xf32, #tpu.memory_space<vmem>>[vector<16xi32>], vector<16xf32>,
      %sub3A_306 = arith.subf %gather3A_301, %gather3A_305 : vector<16xf32>
      %mul3A_307 = arith.mulf %sub3A_288, %sub3A_288 : vector<16xf32>
      %mul3A_308 = arith.mulf %sub3A_297, %sub3A_297 : vector<16xf32>
      %add3A_309 = arith.addf %mul3A_307, %mul3A_308 : vector<16xf32>
      %mul3A_310 = arith.mulf %sub3A_306, %sub3A_306 : vector<16xf32>
      %add3A_311 = arith.addf %add3A_309, %mul3A_310 : vector<16xf32>
      %add3A_312 = arith.constant 96 : i32
      %add3A_313 = vector.broadcast %add3A_312 : i32 to vector<16xi32>
      %add3A_314 = arith.addi %add3A_313, %iota3A : vector<16xi32>
      tpu.vector_store_idx %arg9[%add3A_314, %broadcast_in_dim3A_21], %sub3A_288 : memref<128x8xf32, #tpu.memory_space<vmem>>[vector<16xi32>, vector<16xi32>], vector<16xf32>,
      tpu.vector_store_idx %arg9[%add3A_314, %add3A_24], %sub3A_297 : memref<128x8xf32, #tpu.memory_space<vmem>>[vector<16xi32>, vector<16xi32>], vector<16xf32>,
      tpu.vector_store_idx %arg9[%add3A_314, %add3A_27], %sub3A_306 : memref<128x8xf32, #tpu.memory_space<vmem>>[vector<16xi32>, vector<16xi32>], vector<16xf32>,
      tpu.vector_store_idx %arg9[%add3A_314, %add3A_30], %add3A_311 : memref<128x8xf32, #tpu.memory_space<vmem>>[vector<16xi32>, vector<16xi32>], vector<16xf32>,
      %get3A_315 = arith.constant 112 : index
      %get3A_316 = tpu.vector_load %arg6[%get3A_315] {strides = array<i32>} : memref<128xi32, #tpu.memory_space<vmem>>, vector<16xi32>,
      %mul3A_317 = arith.constant 4 : i32
      %mul3A_318 = vector.broadcast %mul3A_317 : i32 to vector<16xi32>
      %mul3A_319 = arith.muli %get3A_316, %mul3A_318 : vector<16xi32>
      %get3A_320 = arith.constant 112 : index
      %get3A_321 = tpu.vector_load %arg7[%get3A_320] {strides = array<i32>} : memref<128xi32, #tpu.memory_space<vmem>>, vector<16xi32>,
      %mul3A_322 = arith.constant 4 : i32
      %mul3A_323 = vector.broadcast %mul3A_322 : i32 to vector<16xi32>
      %mul3A_324 = arith.muli %get3A_321, %mul3A_323 : vector<16xi32>
      %gather3A_325 = tpu.vector_load_idx %arg8[%mul3A_319] : memref<40960xf32, #tpu.memory_space<vmem>>[vector<16xi32>], vector<16xf32>,
      %gather3A_326 = tpu.vector_load_idx %arg8[%mul3A_324] : memref<40960xf32, #tpu.memory_space<vmem>>[vector<16xi32>], vector<16xf32>,
      %sub3A_327 = arith.subf %gather3A_325, %gather3A_326 : vector<16xf32>
      %add3A_328 = arith.constant 1 : i32
      %add3A_329 = vector.broadcast %add3A_328 : i32 to vector<16xi32>
      %add3A_330 = arith.addi %mul3A_319, %add3A_329 : vector<16xi32>
      %gather3A_331 = tpu.vector_load_idx %arg8[%add3A_330] : memref<40960xf32, #tpu.memory_space<vmem>>[vector<16xi32>], vector<16xf32>,
      %add3A_332 = arith.constant 1 : i32
      %add3A_333 = vector.broadcast %add3A_332 : i32 to vector<16xi32>
      %add3A_334 = arith.addi %mul3A_324, %add3A_333 : vector<16xi32>
      %gather3A_335 = tpu.vector_load_idx %arg8[%add3A_334] : memref<40960xf32, #tpu.memory_space<vmem>>[vector<16xi32>], vector<16xf32>,
      %sub3A_336 = arith.subf %gather3A_331, %gather3A_335 : vector<16xf32>
      %add3A_337 = arith.constant 2 : i32
      %add3A_338 = vector.broadcast %add3A_337 : i32 to vector<16xi32>
      %add3A_339 = arith.addi %mul3A_319, %add3A_338 : vector<16xi32>
      %gather3A_340 = tpu.vector_load_idx %arg8[%add3A_339] : memref<40960xf32, #tpu.memory_space<vmem>>[vector<16xi32>], vector<16xf32>,
      %add3A_341 = arith.constant 2 : i32
      %add3A_342 = vector.broadcast %add3A_341 : i32 to vector<16xi32>
      %add3A_343 = arith.addi %mul3A_324, %add3A_342 : vector<16xi32>
      %gather3A_344 = tpu.vector_load_idx %arg8[%add3A_343] : memref<40960xf32, #tpu.memory_space<vmem>>[vector<16xi32>], vector<16xf32>,
      %sub3A_345 = arith.subf %gather3A_340, %gather3A_344 : vector<16xf32>
      %mul3A_346 = arith.mulf %sub3A_327, %sub3A_327 : vector<16xf32>
      %mul3A_347 = arith.mulf %sub3A_336, %sub3A_336 : vector<16xf32>
      %add3A_348 = arith.addf %mul3A_346, %mul3A_347 : vector<16xf32>
      %mul3A_349 = arith.mulf %sub3A_345, %sub3A_345 : vector<16xf32>
      %add3A_350 = arith.addf %add3A_348, %mul3A_349 : vector<16xf32>
      %add3A_351 = arith.constant 112 : i32
      %add3A_352 = vector.broadcast %add3A_351 : i32 to vector<16xi32>
      %add3A_353 = arith.addi %add3A_352, %iota3A : vector<16xi32>
      tpu.vector_store_idx %arg9[%add3A_353, %broadcast_in_dim3A_21], %sub3A_327 : memref<128x8xf32, #tpu.memory_space<vmem>>[vector<16xi32>, vector<16xi32>], vector<16xf32>,
      tpu.vector_store_idx %arg9[%add3A_353, %add3A_24], %sub3A_336 : memref<128x8xf32, #tpu.memory_space<vmem>>[vector<16xi32>, vector<16xi32>], vector<16xf32>,
      tpu.vector_store_idx %arg9[%add3A_353, %add3A_27], %sub3A_345 : memref<128x8xf32, #tpu.memory_space<vmem>>[vector<16xi32>, vector<16xi32>], vector<16xf32>,
      tpu.vector_store_idx %arg9[%add3A_353, %add3A_30], %add3A_350 : memref<128x8xf32, #tpu.memory_space<vmem>>[vector<16xi32>, vector<16xi32>], vector<16xf32>,
      %mul3A_354 = arith.constant 128 : i32
      %mul3A_355 = arith.muli %add3A_43, %mul3A_354 : i32
      "tpu.region"() ({
        %run_scoped3A = tpu.sem_alloc : memref<!tpu.dma_semaphore, #tpu.memory_space<semaphore_mem>>
        %dma_start3A = arith.constant 0 : i32
        %dma_start3A_356 = tpu.memref_slice %arg5[%mul3A_355, %dma_start3A] : memref<320000x8xf32, #tpu.memory_space<hbm>> -> memref<128x8xf32, #tpu.memory_space<hbm>>
        %dma_start3A_357 = arith.constant 0 : i32
        %dma_start3A_358 = tpu.memref_slice %arg5[%mul3A_355, %dma_start3A_357] : memref<320000x8xf32, #tpu.memory_space<hbm>> -> memref<128x8xf32, #tpu.memory_space<hbm>>
        tpu.enqueue_dma source(%arg9 : memref<128x8xf32, #tpu.memory_space<vmem>>) target(%dma_start3A_358 : memref<128x8xf32, #tpu.memory_space<hbm>>) target_semaphore(%run_scoped3A : memref<!tpu.dma_semaphore, #tpu.memory_space<semaphore_mem>>)
        %dma_wait3A = arith.constant 0 : i32
        %dma_wait3A_359 = tpu.memref_slice %arg5[%mul3A_355, %dma_wait3A] : memref<320000x8xf32, #tpu.memory_space<hbm>> -> memref<128x8xf32, #tpu.memory_space<hbm>>
        %dma_wait3A_360 = arith.constant 0 : i32
        %dma_wait3A_361 = tpu.memref_slice %arg5[%mul3A_355, %dma_wait3A_360] : memref<320000x8xf32, #tpu.memory_space<hbm>> -> memref<128x8xf32, #tpu.memory_space<hbm>>
        tpu.wait_dma2 semaphore(%run_scoped3A : memref<!tpu.dma_semaphore, #tpu.memory_space<semaphore_mem>>) src(%arg9 : memref<128x8xf32, #tpu.memory_space<vmem>>) dst(%dma_wait3A_361 : memref<128x8xf32, #tpu.memory_space<hbm>>)
        tpu.yield
      }) : () -> ()
    }
    return
  }
}

#map = affine_map<(d0, d1) -> (0, 0)>
module attributes {stable_mosaic.version = 14 : i64} {
  func.func @_sc_gather_g(%arg0: i32, %arg1: i32, %arg2: memref<2500x128xi32, #tpu.memory_space<hbm>>, %arg3: memref<2500x128xi32, #tpu.memory_space<hbm>>, %arg4: memref<10000x128xf32, #tpu.memory_space<hbm>>, %arg5: memref<10000x128xf32, #tpu.memory_space<hbm>>, %arg6: memref<320000x128xf32, #tpu.memory_space<hbm>>, %arg7: memref<128xi32, #tpu.memory_space<vmem>>, %arg8: memref<128xi32, #tpu.memory_space<vmem>>, %arg9: memref<128x128xf32, #tpu.memory_space<vmem>>, %arg10: memref<128x128xf32, #tpu.memory_space<vmem>>, %arg11: memref<!tpu.dma_semaphore, #tpu.memory_space<semaphore_mem>>, %arg12: memref<!tpu.dma_semaphore, #tpu.memory_space<semaphore_mem>>) attributes {dimension_semantics = [#tpu.dimension_semantics<core_parallel>, #tpu.dimension_semantics<subcore_parallel>], iteration_bounds = array<i64: 2, 16>, scalar_prefetch = 0 : i64, scratch_operands = 6 : i64, tpu.core_type = #tpu.core_type<sc_vector_subcore>, window_params = [{transform_indices = #map}, {transform_indices = #map}, {transform_indices = #map}, {transform_indices = #map}, {transform_indices = #map}]} {
    %mul3A = arith.constant 2 : i32
    %mul3A_0 = arith.muli %arg1, %mul3A : i32
    %add3A = arith.addi %mul3A_0, %arg0 : i32
    %sub3A = arith.constant 2500 : i32
    %sub3A_1 = arith.subi %sub3A, %add3A : i32
    %add3A_2 = arith.constant 31 : i32
    %add3A_3 = arith.addi %sub3A_1, %add3A_2 : i32
    %jit3A = arith.constant 32 : i32
    %div3A = arith.divsi %add3A_3, %jit3A : i32
    %sign3A = arith.constant 0 : i32
    %sign3A_4 = arith.cmpi sgt, %add3A_3, %sign3A : i32
    %sign3A_5 = arith.extui %sign3A_4 : i1 to i32
    %sign3A_6 = arith.constant 0 : i32
    %sign3A_7 = arith.cmpi slt, %add3A_3, %sign3A_6 : i32
    %sign3A_8 = arith.extui %sign3A_7 : i1 to i32
    %sign3A_9 = arith.subi %sign3A_5, %sign3A_8 : i32
    %sign3A_10 = arith.constant 0 : i32
    %sign3A_11 = arith.cmpi sgt, %jit3A, %sign3A_10 : i32
    %sign3A_12 = arith.extui %sign3A_11 : i1 to i32
    %sign3A_13 = arith.constant 0 : i32
    %sign3A_14 = arith.cmpi slt, %jit3A, %sign3A_13 : i32
    %sign3A_15 = arith.extui %sign3A_14 : i1 to i32
    %sign3A_16 = arith.subi %sign3A_12, %sign3A_15 : i32
    %ne3A = arith.cmpi ne, %sign3A_9, %sign3A_16 : i32
    %rem3A = arith.remsi %add3A_3, %jit3A : i32
    %ne3A_17 = arith.constant 0 : i32
    %ne3A_18 = arith.cmpi ne, %rem3A, %ne3A_17 : i32
    %and3A = arith.andi %ne3A, %ne3A_18 : i1
    %sub3A_19 = arith.constant 1 : i32
    %sub3A_20 = arith.subi %div3A, %sub3A_19 : i32
    %select_n3A = arith.select %and3A, %sub3A_20, %div3A : i32
    %while3A = arith.constant 0 : i32
    %while3A_21 = arith.constant 0 : i32
    %while3A_22 = arith.subi %select_n3A, %while3A_21 : i32
    %while3A_23 = arith.addi %while3A_21, %while3A_22 : i32
    %while3A_24 = arith.constant 1 : i32
    %while3A_25 = arith.divsi %while3A_22, %while3A_24 : i32
    %while3A_26 = arith.muli %while3A_25, %while3A_24 : i32
    %while3A_27 = arith.addi %while3A_21, %while3A_26 : i32
    %while3A_28 = arith.constant 1 : i32
    scf.for %while3A_30 = %while3A_21 to %while3A_27 step %while3A_28  : i32 {
      %mul3A_31 = arith.constant 32 : i32
      %mul3A_32 = arith.muli %while3A_30, %mul3A_31 : i32
      %add3A_33 = arith.addi %add3A, %mul3A_32 : i32
      "tpu.region"() ({
        %run_scoped3A = tpu.sem_alloc : memref<!tpu.dma_semaphore, #tpu.memory_space<semaphore_mem>>
        %dma_start3A_51 = arith.constant 0 : i32
        %dma_start3A_52 = tpu.memref_slice %arg2[%add3A_33, %dma_start3A_51] : memref<2500x128xi32, #tpu.memory_space<hbm>> -> memref<1x128xi32, #tpu.memory_space<hbm>>
        %dma_start3A_53 = tpu.memref_squeeze %dma_start3A_52 : memref<1x128xi32, #tpu.memory_space<hbm>> -> memref<128xi32, #tpu.memory_space<hbm>>
        %dma_start3A_54 = arith.constant 0 : i32
        %dma_start3A_55 = tpu.memref_slice %arg2[%add3A_33, %dma_start3A_54] : memref<2500x128xi32, #tpu.memory_space<hbm>> -> memref<1x128xi32, #tpu.memory_space<hbm>>
        %dma_start3A_56 = tpu.memref_squeeze %dma_start3A_55 : memref<1x128xi32, #tpu.memory_space<hbm>> -> memref<128xi32, #tpu.memory_space<hbm>>
        tpu.enqueue_dma source(%dma_start3A_56 : memref<128xi32, #tpu.memory_space<hbm>>) target(%arg7 : memref<128xi32, #tpu.memory_space<vmem>>) target_semaphore(%run_scoped3A : memref<!tpu.dma_semaphore, #tpu.memory_space<semaphore_mem>>)
        %dma_wait3A_57 = arith.constant 0 : i32
        %dma_wait3A_58 = tpu.memref_slice %arg2[%add3A_33, %dma_wait3A_57] : memref<2500x128xi32, #tpu.memory_space<hbm>> -> memref<1x128xi32, #tpu.memory_space<hbm>>
        %dma_wait3A_59 = tpu.memref_squeeze %dma_wait3A_58 : memref<1x128xi32, #tpu.memory_space<hbm>> -> memref<128xi32, #tpu.memory_space<hbm>>
        %dma_wait3A_60 = arith.constant 0 : i32
        %dma_wait3A_61 = tpu.memref_slice %arg2[%add3A_33, %dma_wait3A_60] : memref<2500x128xi32, #tpu.memory_space<hbm>> -> memref<1x128xi32, #tpu.memory_space<hbm>>
        %dma_wait3A_62 = tpu.memref_squeeze %dma_wait3A_61 : memref<1x128xi32, #tpu.memory_space<hbm>> -> memref<128xi32, #tpu.memory_space<hbm>>
        tpu.wait_dma2 semaphore(%run_scoped3A : memref<!tpu.dma_semaphore, #tpu.memory_space<semaphore_mem>>) src(%dma_wait3A_62 : memref<128xi32, #tpu.memory_space<hbm>>) dst(%arg7 : memref<128xi32, #tpu.memory_space<vmem>>)
        tpu.yield
      }) : () -> ()
      "tpu.region"() ({
        %run_scoped3A = tpu.sem_alloc : memref<!tpu.dma_semaphore, #tpu.memory_space<semaphore_mem>>
        %dma_start3A_51 = arith.constant 0 : i32
        %dma_start3A_52 = tpu.memref_slice %arg3[%add3A_33, %dma_start3A_51] : memref<2500x128xi32, #tpu.memory_space<hbm>> -> memref<1x128xi32, #tpu.memory_space<hbm>>
        %dma_start3A_53 = tpu.memref_squeeze %dma_start3A_52 : memref<1x128xi32, #tpu.memory_space<hbm>> -> memref<128xi32, #tpu.memory_space<hbm>>
        %dma_start3A_54 = arith.constant 0 : i32
        %dma_start3A_55 = tpu.memref_slice %arg3[%add3A_33, %dma_start3A_54] : memref<2500x128xi32, #tpu.memory_space<hbm>> -> memref<1x128xi32, #tpu.memory_space<hbm>>
        %dma_start3A_56 = tpu.memref_squeeze %dma_start3A_55 : memref<1x128xi32, #tpu.memory_space<hbm>> -> memref<128xi32, #tpu.memory_space<hbm>>
        tpu.enqueue_dma source(%dma_start3A_56 : memref<128xi32, #tpu.memory_space<hbm>>) target(%arg8 : memref<128xi32, #tpu.memory_space<vmem>>) target_semaphore(%run_scoped3A : memref<!tpu.dma_semaphore, #tpu.memory_space<semaphore_mem>>)
        %dma_wait3A_57 = arith.constant 0 : i32
        %dma_wait3A_58 = tpu.memref_slice %arg3[%add3A_33, %dma_wait3A_57] : memref<2500x128xi32, #tpu.memory_space<hbm>> -> memref<1x128xi32, #tpu.memory_space<hbm>>
        %dma_wait3A_59 = tpu.memref_squeeze %dma_wait3A_58 : memref<1x128xi32, #tpu.memory_space<hbm>> -> memref<128xi32, #tpu.memory_space<hbm>>
        %dma_wait3A_60 = arith.constant 0 : i32
        %dma_wait3A_61 = tpu.memref_slice %arg3[%add3A_33, %dma_wait3A_60] : memref<2500x128xi32, #tpu.memory_space<hbm>> -> memref<1x128xi32, #tpu.memory_space<hbm>>
        %dma_wait3A_62 = tpu.memref_squeeze %dma_wait3A_61 : memref<1x128xi32, #tpu.memory_space<hbm>> -> memref<128xi32, #tpu.memory_space<hbm>>
        tpu.wait_dma2 semaphore(%run_scoped3A : memref<!tpu.dma_semaphore, #tpu.memory_space<semaphore_mem>>) src(%dma_wait3A_62 : memref<128xi32, #tpu.memory_space<hbm>>) dst(%arg8 : memref<128xi32, #tpu.memory_space<vmem>>)
        tpu.yield
      }) : () -> ()
      %dma_start3A = arith.constant 0 : i32
      %dma_start3A_34 = arith.constant 0 : i32
      %dma_start3A_35 = tpu.memref_slice %arg4[%dma_start3A, %dma_start3A_34] : memref<10000x128xf32, #tpu.memory_space<hbm>> -> memref<10000x128xf32, #tpu.memory_space<hbm>>
      tpu.enqueue_indirect_dma source(%dma_start3A_35 : memref<10000x128xf32, #tpu.memory_space<hbm>>) target(%arg9 : memref<128x128xf32, #tpu.memory_space<vmem>>) offsets(%arg7 : memref<128xi32, #tpu.memory_space<vmem>>) semaphore(%arg11 : memref<!tpu.dma_semaphore, #tpu.memory_space<semaphore_mem>>)
      %dma_wait3A = arith.constant 0 : i32
      %dma_wait3A_36 = arith.constant 0 : i32
      %dma_wait3A_37 = tpu.memref_slice %arg4[%dma_wait3A, %dma_wait3A_36] : memref<10000x128xf32, #tpu.memory_space<hbm>> -> memref<10000x128xf32, #tpu.memory_space<hbm>>
      tpu.wait_indirect_dma semaphore(%arg11 : memref<!tpu.dma_semaphore, #tpu.memory_space<semaphore_mem>>) src(%dma_wait3A_37 : memref<10000x128xf32, #tpu.memory_space<hbm>>) dst(%arg9 : memref<128x128xf32, #tpu.memory_space<vmem>>)
      %dma_start3A_38 = arith.constant 0 : i32
      %dma_start3A_39 = arith.constant 0 : i32
      %dma_start3A_40 = tpu.memref_slice %arg5[%dma_start3A_38, %dma_start3A_39] : memref<10000x128xf32, #tpu.memory_space<hbm>> -> memref<10000x128xf32, #tpu.memory_space<hbm>>
      tpu.enqueue_indirect_dma source(%dma_start3A_40 : memref<10000x128xf32, #tpu.memory_space<hbm>>) target(%arg10 : memref<128x128xf32, #tpu.memory_space<vmem>>) offsets(%arg8 : memref<128xi32, #tpu.memory_space<vmem>>) semaphore(%arg12 : memref<!tpu.dma_semaphore, #tpu.memory_space<semaphore_mem>>)
      %dma_wait3A_41 = arith.constant 0 : i32
      %dma_wait3A_42 = arith.constant 0 : i32
      %dma_wait3A_43 = tpu.memref_slice %arg5[%dma_wait3A_41, %dma_wait3A_42] : memref<10000x128xf32, #tpu.memory_space<hbm>> -> memref<10000x128xf32, #tpu.memory_space<hbm>>
      tpu.wait_indirect_dma semaphore(%arg12 : memref<!tpu.dma_semaphore, #tpu.memory_space<semaphore_mem>>) src(%dma_wait3A_43 : memref<10000x128xf32, #tpu.memory_space<hbm>>) dst(%arg10 : memref<128x128xf32, #tpu.memory_space<vmem>>)
      %scan3A = arith.constant 0 : i32
      %scan3A_44 = arith.constant 0 : i32
      %scan3A_45 = arith.constant 128 : i32
      %scan3A_46 = arith.addi %scan3A_44, %scan3A_45 : i32
      %scan3A_47 = arith.constant 1 : i32
      scf.for %scan3A_51 = %scan3A_44 to %scan3A_46 step %scan3A_47  : i32 {
        %get3A = arith.index_cast %scan3A_51 : i32 to index
        %get3A_52 = arith.constant 0 : index
        %get3A_53 = tpu.vector_load %arg9[%get3A, %get3A_52] {strides = array<i32>} : memref<128x128xf32, #tpu.memory_space<vmem>>, vector<1x16xf32>,
        %get3A_54 = vector.shape_cast %get3A_53 : vector<1x16xf32> to vector<16xf32>
        %get3A_55 = arith.index_cast %scan3A_51 : i32 to index
        %get3A_56 = arith.constant 0 : index
        %get3A_57 = tpu.vector_load %arg10[%get3A_55, %get3A_56] {strides = array<i32>} : memref<128x128xf32, #tpu.memory_space<vmem>>, vector<1x16xf32>,
        %get3A_58 = vector.shape_cast %get3A_57 : vector<1x16xf32> to vector<16xf32>
        %add3A_59 = arith.addf %get3A_54, %get3A_58 : vector<16xf32>
        %swap3A = arith.index_cast %scan3A_51 : i32 to index
        %swap3A_60 = arith.constant 0 : index
        %swap3A_61 = tpu.vector_load %arg9[%swap3A, %swap3A_60] {strides = array<i32>} : memref<128x128xf32, #tpu.memory_space<vmem>>, vector<1x16xf32>,
        %swap3A_62 = vector.shape_cast %swap3A_61 : vector<1x16xf32> to vector<16xf32>
        %swap3A_63 = vector.shape_cast %add3A_59 : vector<16xf32> to vector<1x16xf32>
        tpu.vector_store %arg9[%swap3A, %swap3A_60], %swap3A_63 {strides = array<i32>} : memref<128x128xf32, #tpu.memory_space<vmem>>, vector<1x16xf32>,
        %get3A_64 = arith.index_cast %scan3A_51 : i32 to index
        %get3A_65 = arith.constant 16 : index
        %get3A_66 = tpu.vector_load %arg9[%get3A_64, %get3A_65] {strides = array<i32>} : memref<128x128xf32, #tpu.memory_space<vmem>>, vector<1x16xf32>,
        %get3A_67 = vector.shape_cast %get3A_66 : vector<1x16xf32> to vector<16xf32>
        %get3A_68 = arith.index_cast %scan3A_51 : i32 to index
        %get3A_69 = arith.constant 16 : index
        %get3A_70 = tpu.vector_load %arg10[%get3A_68, %get3A_69] {strides = array<i32>} : memref<128x128xf32, #tpu.memory_space<vmem>>, vector<1x16xf32>,
        %get3A_71 = vector.shape_cast %get3A_70 : vector<1x16xf32> to vector<16xf32>
        %add3A_72 = arith.addf %get3A_67, %get3A_71 : vector<16xf32>
        %swap3A_73 = arith.index_cast %scan3A_51 : i32 to index
        %swap3A_74 = arith.constant 16 : index
        %swap3A_75 = tpu.vector_load %arg9[%swap3A_73, %swap3A_74] {strides = array<i32>} : memref<128x128xf32, #tpu.memory_space<vmem>>, vector<1x16xf32>,
        %swap3A_76 = vector.shape_cast %swap3A_75 : vector<1x16xf32> to vector<16xf32>
        %swap3A_77 = vector.shape_cast %add3A_72 : vector<16xf32> to vector<1x16xf32>
        tpu.vector_store %arg9[%swap3A_73, %swap3A_74], %swap3A_77 {strides = array<i32>} : memref<128x128xf32, #tpu.memory_space<vmem>>, vector<1x16xf32>,
        %get3A_78 = arith.index_cast %scan3A_51 : i32 to index
        %get3A_79 = arith.constant 32 : index
        %get3A_80 = tpu.vector_load %arg9[%get3A_78, %get3A_79] {strides = array<i32>} : memref<128x128xf32, #tpu.memory_space<vmem>>, vector<1x16xf32>,
        %get3A_81 = vector.shape_cast %get3A_80 : vector<1x16xf32> to vector<16xf32>
        %get3A_82 = arith.index_cast %scan3A_51 : i32 to index
        %get3A_83 = arith.constant 32 : index
        %get3A_84 = tpu.vector_load %arg10[%get3A_82, %get3A_83] {strides = array<i32>} : memref<128x128xf32, #tpu.memory_space<vmem>>, vector<1x16xf32>,
        %get3A_85 = vector.shape_cast %get3A_84 : vector<1x16xf32> to vector<16xf32>
        %add3A_86 = arith.addf %get3A_81, %get3A_85 : vector<16xf32>
        %swap3A_87 = arith.index_cast %scan3A_51 : i32 to index
        %swap3A_88 = arith.constant 32 : index
        %swap3A_89 = tpu.vector_load %arg9[%swap3A_87, %swap3A_88] {strides = array<i32>} : memref<128x128xf32, #tpu.memory_space<vmem>>, vector<1x16xf32>,
        %swap3A_90 = vector.shape_cast %swap3A_89 : vector<1x16xf32> to vector<16xf32>
        %swap3A_91 = vector.shape_cast %add3A_86 : vector<16xf32> to vector<1x16xf32>
        tpu.vector_store %arg9[%swap3A_87, %swap3A_88], %swap3A_91 {strides = array<i32>} : memref<128x128xf32, #tpu.memory_space<vmem>>, vector<1x16xf32>,
        %get3A_92 = arith.index_cast %scan3A_51 : i32 to index
        %get3A_93 = arith.constant 48 : index
        %get3A_94 = tpu.vector_load %arg9[%get3A_92, %get3A_93] {strides = array<i32>} : memref<128x128xf32, #tpu.memory_space<vmem>>, vector<1x16xf32>,
        %get3A_95 = vector.shape_cast %get3A_94 : vector<1x16xf32> to vector<16xf32>
        %get3A_96 = arith.index_cast %scan3A_51 : i32 to index
        %get3A_97 = arith.constant 48 : index
        %get3A_98 = tpu.vector_load %arg10[%get3A_96, %get3A_97] {strides = array<i32>} : memref<128x128xf32, #tpu.memory_space<vmem>>, vector<1x16xf32>,
        %get3A_99 = vector.shape_cast %get3A_98 : vector<1x16xf32> to vector<16xf32>
        %add3A_100 = arith.addf %get3A_95, %get3A_99 : vector<16xf32>
        %swap3A_101 = arith.index_cast %scan3A_51 : i32 to index
        %swap3A_102 = arith.constant 48 : index
        %swap3A_103 = tpu.vector_load %arg9[%swap3A_101, %swap3A_102] {strides = array<i32>} : memref<128x128xf32, #tpu.memory_space<vmem>>, vector<1x16xf32>,
        %swap3A_104 = vector.shape_cast %swap3A_103 : vector<1x16xf32> to vector<16xf32>
        %swap3A_105 = vector.shape_cast %add3A_100 : vector<16xf32> to vector<1x16xf32>
        tpu.vector_store %arg9[%swap3A_101, %swap3A_102], %swap3A_105 {strides = array<i32>} : memref<128x128xf32, #tpu.memory_space<vmem>>, vector<1x16xf32>,
        %get3A_106 = arith.index_cast %scan3A_51 : i32 to index
        %get3A_107 = arith.constant 64 : index
        %get3A_108 = tpu.vector_load %arg9[%get3A_106, %get3A_107] {strides = array<i32>} : memref<128x128xf32, #tpu.memory_space<vmem>>, vector<1x16xf32>,
        %get3A_109 = vector.shape_cast %get3A_108 : vector<1x16xf32> to vector<16xf32>
        %get3A_110 = arith.index_cast %scan3A_51 : i32 to index
        %get3A_111 = arith.constant 64 : index
        %get3A_112 = tpu.vector_load %arg10[%get3A_110, %get3A_111] {strides = array<i32>} : memref<128x128xf32, #tpu.memory_space<vmem>>, vector<1x16xf32>,
        %get3A_113 = vector.shape_cast %get3A_112 : vector<1x16xf32> to vector<16xf32>
        %add3A_114 = arith.addf %get3A_109, %get3A_113 : vector<16xf32>
        %swap3A_115 = arith.index_cast %scan3A_51 : i32 to index
        %swap3A_116 = arith.constant 64 : index
        %swap3A_117 = tpu.vector_load %arg9[%swap3A_115, %swap3A_116] {strides = array<i32>} : memref<128x128xf32, #tpu.memory_space<vmem>>, vector<1x16xf32>,
        %swap3A_118 = vector.shape_cast %swap3A_117 : vector<1x16xf32> to vector<16xf32>
        %swap3A_119 = vector.shape_cast %add3A_114 : vector<16xf32> to vector<1x16xf32>
        tpu.vector_store %arg9[%swap3A_115, %swap3A_116], %swap3A_119 {strides = array<i32>} : memref<128x128xf32, #tpu.memory_space<vmem>>, vector<1x16xf32>,
        %get3A_120 = arith.index_cast %scan3A_51 : i32 to index
        %get3A_121 = arith.constant 80 : index
        %get3A_122 = tpu.vector_load %arg9[%get3A_120, %get3A_121] {strides = array<i32>} : memref<128x128xf32, #tpu.memory_space<vmem>>, vector<1x16xf32>,
        %get3A_123 = vector.shape_cast %get3A_122 : vector<1x16xf32> to vector<16xf32>
        %get3A_124 = arith.index_cast %scan3A_51 : i32 to index
        %get3A_125 = arith.constant 80 : index
        %get3A_126 = tpu.vector_load %arg10[%get3A_124, %get3A_125] {strides = array<i32>} : memref<128x128xf32, #tpu.memory_space<vmem>>, vector<1x16xf32>,
        %get3A_127 = vector.shape_cast %get3A_126 : vector<1x16xf32> to vector<16xf32>
        %add3A_128 = arith.addf %get3A_123, %get3A_127 : vector<16xf32>
        %swap3A_129 = arith.index_cast %scan3A_51 : i32 to index
        %swap3A_130 = arith.constant 80 : index
        %swap3A_131 = tpu.vector_load %arg9[%swap3A_129, %swap3A_130] {strides = array<i32>} : memref<128x128xf32, #tpu.memory_space<vmem>>, vector<1x16xf32>,
        %swap3A_132 = vector.shape_cast %swap3A_131 : vector<1x16xf32> to vector<16xf32>
        %swap3A_133 = vector.shape_cast %add3A_128 : vector<16xf32> to vector<1x16xf32>
        tpu.vector_store %arg9[%swap3A_129, %swap3A_130], %swap3A_133 {strides = array<i32>} : memref<128x128xf32, #tpu.memory_space<vmem>>, vector<1x16xf32>,
        %get3A_134 = arith.index_cast %scan3A_51 : i32 to index
        %get3A_135 = arith.constant 96 : index
        %get3A_136 = tpu.vector_load %arg9[%get3A_134, %get3A_135] {strides = array<i32>} : memref<128x128xf32, #tpu.memory_space<vmem>>, vector<1x16xf32>,
        %get3A_137 = vector.shape_cast %get3A_136 : vector<1x16xf32> to vector<16xf32>
        %get3A_138 = arith.index_cast %scan3A_51 : i32 to index
        %get3A_139 = arith.constant 96 : index
        %get3A_140 = tpu.vector_load %arg10[%get3A_138, %get3A_139] {strides = array<i32>} : memref<128x128xf32, #tpu.memory_space<vmem>>, vector<1x16xf32>,
        %get3A_141 = vector.shape_cast %get3A_140 : vector<1x16xf32> to vector<16xf32>
        %add3A_142 = arith.addf %get3A_137, %get3A_141 : vector<16xf32>
        %swap3A_143 = arith.index_cast %scan3A_51 : i32 to index
        %swap3A_144 = arith.constant 96 : index
        %swap3A_145 = tpu.vector_load %arg9[%swap3A_143, %swap3A_144] {strides = array<i32>} : memref<128x128xf32, #tpu.memory_space<vmem>>, vector<1x16xf32>,
        %swap3A_146 = vector.shape_cast %swap3A_145 : vector<1x16xf32> to vector<16xf32>
        %swap3A_147 = vector.shape_cast %add3A_142 : vector<16xf32> to vector<1x16xf32>
        tpu.vector_store %arg9[%swap3A_143, %swap3A_144], %swap3A_147 {strides = array<i32>} : memref<128x128xf32, #tpu.memory_space<vmem>>, vector<1x16xf32>,
        %get3A_148 = arith.index_cast %scan3A_51 : i32 to index
        %get3A_149 = arith.constant 112 : index
        %get3A_150 = tpu.vector_load %arg9[%get3A_148, %get3A_149] {strides = array<i32>} : memref<128x128xf32, #tpu.memory_space<vmem>>, vector<1x16xf32>,
        %get3A_151 = vector.shape_cast %get3A_150 : vector<1x16xf32> to vector<16xf32>
        %get3A_152 = arith.index_cast %scan3A_51 : i32 to index
        %get3A_153 = arith.constant 112 : index
        %get3A_154 = tpu.vector_load %arg10[%get3A_152, %get3A_153] {strides = array<i32>} : memref<128x128xf32, #tpu.memory_space<vmem>>, vector<1x16xf32>,
        %get3A_155 = vector.shape_cast %get3A_154 : vector<1x16xf32> to vector<16xf32>
        %add3A_156 = arith.addf %get3A_151, %get3A_155 : vector<16xf32>
        %swap3A_157 = arith.index_cast %scan3A_51 : i32 to index
        %swap3A_158 = arith.constant 112 : index
        %swap3A_159 = tpu.vector_load %arg9[%swap3A_157, %swap3A_158] {strides = array<i32>} : memref<128x128xf32, #tpu.memory_space<vmem>>, vector<1x16xf32>,
        %swap3A_160 = vector.shape_cast %swap3A_159 : vector<1x16xf32> to vector<16xf32>
        %swap3A_161 = vector.shape_cast %add3A_156 : vector<16xf32> to vector<1x16xf32>
        tpu.vector_store %arg9[%swap3A_157, %swap3A_158], %swap3A_161 {strides = array<i32>} : memref<128x128xf32, #tpu.memory_space<vmem>>, vector<1x16xf32>,
      }
      %scan3A_48 = arith.constant 128 : i32
      %mul3A_49 = arith.constant 128 : i32
      %mul3A_50 = arith.muli %add3A_33, %mul3A_49 : i32
      "tpu.region"() ({
        %run_scoped3A = tpu.sem_alloc : memref<!tpu.dma_semaphore, #tpu.memory_space<semaphore_mem>>
        %dma_start3A_51 = arith.constant 0 : i32
        %dma_start3A_52 = tpu.memref_slice %arg6[%mul3A_50, %dma_start3A_51] : memref<320000x128xf32, #tpu.memory_space<hbm>> -> memref<128x128xf32, #tpu.memory_space<hbm>>
        %dma_start3A_53 = arith.constant 0 : i32
        %dma_start3A_54 = tpu.memref_slice %arg6[%mul3A_50, %dma_start3A_53] : memref<320000x128xf32, #tpu.memory_space<hbm>> -> memref<128x128xf32, #tpu.memory_space<hbm>>
        tpu.enqueue_dma source(%arg9 : memref<128x128xf32, #tpu.memory_space<vmem>>) target(%dma_start3A_54 : memref<128x128xf32, #tpu.memory_space<hbm>>) target_semaphore(%run_scoped3A : memref<!tpu.dma_semaphore, #tpu.memory_space<semaphore_mem>>)
        %dma_wait3A_55 = arith.constant 0 : i32
        %dma_wait3A_56 = tpu.memref_slice %arg6[%mul3A_50, %dma_wait3A_55] : memref<320000x128xf32, #tpu.memory_space<hbm>> -> memref<128x128xf32, #tpu.memory_space<hbm>>
        %dma_wait3A_57 = arith.constant 0 : i32
        %dma_wait3A_58 = tpu.memref_slice %arg6[%mul3A_50, %dma_wait3A_57] : memref<320000x128xf32, #tpu.memory_space<hbm>> -> memref<128x128xf32, #tpu.memory_space<hbm>>
        tpu.wait_dma2 semaphore(%run_scoped3A : memref<!tpu.dma_semaphore, #tpu.memory_space<semaphore_mem>>) src(%arg9 : memref<128x128xf32, #tpu.memory_space<vmem>>) dst(%dma_wait3A_58 : memref<128x128xf32, #tpu.memory_space<hbm>>)
        tpu.yield
      }) : () -> ()
    }
    %while3A_29 = arith.constant 1 : i32
    scf.for %while3A_30 = %while3A_27 to %while3A_23 step %while3A_29  : i32 {
      %mul3A_31 = arith.constant 32 : i32
      %mul3A_32 = arith.muli %while3A_30, %mul3A_31 : i32
      %add3A_33 = arith.addi %add3A, %mul3A_32 : i32
      "tpu.region"() ({
        %run_scoped3A = tpu.sem_alloc : memref<!tpu.dma_semaphore, #tpu.memory_space<semaphore_mem>>
        %dma_start3A_51 = arith.constant 0 : i32
        %dma_start3A_52 = tpu.memref_slice %arg2[%add3A_33, %dma_start3A_51] : memref<2500x128xi32, #tpu.memory_space<hbm>> -> memref<1x128xi32, #tpu.memory_space<hbm>>
        %dma_start3A_53 = tpu.memref_squeeze %dma_start3A_52 : memref<1x128xi32, #tpu.memory_space<hbm>> -> memref<128xi32, #tpu.memory_space<hbm>>
        %dma_start3A_54 = arith.constant 0 : i32
        %dma_start3A_55 = tpu.memref_slice %arg2[%add3A_33, %dma_start3A_54] : memref<2500x128xi32, #tpu.memory_space<hbm>> -> memref<1x128xi32, #tpu.memory_space<hbm>>
        %dma_start3A_56 = tpu.memref_squeeze %dma_start3A_55 : memref<1x128xi32, #tpu.memory_space<hbm>> -> memref<128xi32, #tpu.memory_space<hbm>>
        tpu.enqueue_dma source(%dma_start3A_56 : memref<128xi32, #tpu.memory_space<hbm>>) target(%arg7 : memref<128xi32, #tpu.memory_space<vmem>>) target_semaphore(%run_scoped3A : memref<!tpu.dma_semaphore, #tpu.memory_space<semaphore_mem>>)
        %dma_wait3A_57 = arith.constant 0 : i32
        %dma_wait3A_58 = tpu.memref_slice %arg2[%add3A_33, %dma_wait3A_57] : memref<2500x128xi32, #tpu.memory_space<hbm>> -> memref<1x128xi32, #tpu.memory_space<hbm>>
        %dma_wait3A_59 = tpu.memref_squeeze %dma_wait3A_58 : memref<1x128xi32, #tpu.memory_space<hbm>> -> memref<128xi32, #tpu.memory_space<hbm>>
        %dma_wait3A_60 = arith.constant 0 : i32
        %dma_wait3A_61 = tpu.memref_slice %arg2[%add3A_33, %dma_wait3A_60] : memref<2500x128xi32, #tpu.memory_space<hbm>> -> memref<1x128xi32, #tpu.memory_space<hbm>>
        %dma_wait3A_62 = tpu.memref_squeeze %dma_wait3A_61 : memref<1x128xi32, #tpu.memory_space<hbm>> -> memref<128xi32, #tpu.memory_space<hbm>>
        tpu.wait_dma2 semaphore(%run_scoped3A : memref<!tpu.dma_semaphore, #tpu.memory_space<semaphore_mem>>) src(%dma_wait3A_62 : memref<128xi32, #tpu.memory_space<hbm>>) dst(%arg7 : memref<128xi32, #tpu.memory_space<vmem>>)
        tpu.yield
      }) : () -> ()
      "tpu.region"() ({
        %run_scoped3A = tpu.sem_alloc : memref<!tpu.dma_semaphore, #tpu.memory_space<semaphore_mem>>
        %dma_start3A_51 = arith.constant 0 : i32
        %dma_start3A_52 = tpu.memref_slice %arg3[%add3A_33, %dma_start3A_51] : memref<2500x128xi32, #tpu.memory_space<hbm>> -> memref<1x128xi32, #tpu.memory_space<hbm>>
        %dma_start3A_53 = tpu.memref_squeeze %dma_start3A_52 : memref<1x128xi32, #tpu.memory_space<hbm>> -> memref<128xi32, #tpu.memory_space<hbm>>
        %dma_start3A_54 = arith.constant 0 : i32
        %dma_start3A_55 = tpu.memref_slice %arg3[%add3A_33, %dma_start3A_54] : memref<2500x128xi32, #tpu.memory_space<hbm>> -> memref<1x128xi32, #tpu.memory_space<hbm>>
        %dma_start3A_56 = tpu.memref_squeeze %dma_start3A_55 : memref<1x128xi32, #tpu.memory_space<hbm>> -> memref<128xi32, #tpu.memory_space<hbm>>
        tpu.enqueue_dma source(%dma_start3A_56 : memref<128xi32, #tpu.memory_space<hbm>>) target(%arg8 : memref<128xi32, #tpu.memory_space<vmem>>) target_semaphore(%run_scoped3A : memref<!tpu.dma_semaphore, #tpu.memory_space<semaphore_mem>>)
        %dma_wait3A_57 = arith.constant 0 : i32
        %dma_wait3A_58 = tpu.memref_slice %arg3[%add3A_33, %dma_wait3A_57] : memref<2500x128xi32, #tpu.memory_space<hbm>> -> memref<1x128xi32, #tpu.memory_space<hbm>>
        %dma_wait3A_59 = tpu.memref_squeeze %dma_wait3A_58 : memref<1x128xi32, #tpu.memory_space<hbm>> -> memref<128xi32, #tpu.memory_space<hbm>>
        %dma_wait3A_60 = arith.constant 0 : i32
        %dma_wait3A_61 = tpu.memref_slice %arg3[%add3A_33, %dma_wait3A_60] : memref<2500x128xi32, #tpu.memory_space<hbm>> -> memref<1x128xi32, #tpu.memory_space<hbm>>
        %dma_wait3A_62 = tpu.memref_squeeze %dma_wait3A_61 : memref<1x128xi32, #tpu.memory_space<hbm>> -> memref<128xi32, #tpu.memory_space<hbm>>
        tpu.wait_dma2 semaphore(%run_scoped3A : memref<!tpu.dma_semaphore, #tpu.memory_space<semaphore_mem>>) src(%dma_wait3A_62 : memref<128xi32, #tpu.memory_space<hbm>>) dst(%arg8 : memref<128xi32, #tpu.memory_space<vmem>>)
        tpu.yield
      }) : () -> ()
      %dma_start3A = arith.constant 0 : i32
      %dma_start3A_34 = arith.constant 0 : i32
      %dma_start3A_35 = tpu.memref_slice %arg4[%dma_start3A, %dma_start3A_34] : memref<10000x128xf32, #tpu.memory_space<hbm>> -> memref<10000x128xf32, #tpu.memory_space<hbm>>
      tpu.enqueue_indirect_dma source(%dma_start3A_35 : memref<10000x128xf32, #tpu.memory_space<hbm>>) target(%arg9 : memref<128x128xf32, #tpu.memory_space<vmem>>) offsets(%arg7 : memref<128xi32, #tpu.memory_space<vmem>>) semaphore(%arg11 : memref<!tpu.dma_semaphore, #tpu.memory_space<semaphore_mem>>)
      %dma_wait3A = arith.constant 0 : i32
      %dma_wait3A_36 = arith.constant 0 : i32
      %dma_wait3A_37 = tpu.memref_slice %arg4[%dma_wait3A, %dma_wait3A_36] : memref<10000x128xf32, #tpu.memory_space<hbm>> -> memref<10000x128xf32, #tpu.memory_space<hbm>>
      tpu.wait_indirect_dma semaphore(%arg11 : memref<!tpu.dma_semaphore, #tpu.memory_space<semaphore_mem>>) src(%dma_wait3A_37 : memref<10000x128xf32, #tpu.memory_space<hbm>>) dst(%arg9 : memref<128x128xf32, #tpu.memory_space<vmem>>)
      %dma_start3A_38 = arith.constant 0 : i32
      %dma_start3A_39 = arith.constant 0 : i32
      %dma_start3A_40 = tpu.memref_slice %arg5[%dma_start3A_38, %dma_start3A_39] : memref<10000x128xf32, #tpu.memory_space<hbm>> -> memref<10000x128xf32, #tpu.memory_space<hbm>>
      tpu.enqueue_indirect_dma source(%dma_start3A_40 : memref<10000x128xf32, #tpu.memory_space<hbm>>) target(%arg10 : memref<128x128xf32, #tpu.memory_space<vmem>>) offsets(%arg8 : memref<128xi32, #tpu.memory_space<vmem>>) semaphore(%arg12 : memref<!tpu.dma_semaphore, #tpu.memory_space<semaphore_mem>>)
      %dma_wait3A_41 = arith.constant 0 : i32
      %dma_wait3A_42 = arith.constant 0 : i32
      %dma_wait3A_43 = tpu.memref_slice %arg5[%dma_wait3A_41, %dma_wait3A_42] : memref<10000x128xf32, #tpu.memory_space<hbm>> -> memref<10000x128xf32, #tpu.memory_space<hbm>>
      tpu.wait_indirect_dma semaphore(%arg12 : memref<!tpu.dma_semaphore, #tpu.memory_space<semaphore_mem>>) src(%dma_wait3A_43 : memref<10000x128xf32, #tpu.memory_space<hbm>>) dst(%arg10 : memref<128x128xf32, #tpu.memory_space<vmem>>)
      %scan3A = arith.constant 0 : i32
      %scan3A_44 = arith.constant 0 : i32
      %scan3A_45 = arith.constant 128 : i32
      %scan3A_46 = arith.addi %scan3A_44, %scan3A_45 : i32
      %scan3A_47 = arith.constant 1 : i32
      scf.for %scan3A_51 = %scan3A_44 to %scan3A_46 step %scan3A_47  : i32 {
        %get3A = arith.index_cast %scan3A_51 : i32 to index
        %get3A_52 = arith.constant 0 : index
        %get3A_53 = tpu.vector_load %arg9[%get3A, %get3A_52] {strides = array<i32>} : memref<128x128xf32, #tpu.memory_space<vmem>>, vector<1x16xf32>,
        %get3A_54 = vector.shape_cast %get3A_53 : vector<1x16xf32> to vector<16xf32>
        %get3A_55 = arith.index_cast %scan3A_51 : i32 to index
        %get3A_56 = arith.constant 0 : index
        %get3A_57 = tpu.vector_load %arg10[%get3A_55, %get3A_56] {strides = array<i32>} : memref<128x128xf32, #tpu.memory_space<vmem>>, vector<1x16xf32>,
        %get3A_58 = vector.shape_cast %get3A_57 : vector<1x16xf32> to vector<16xf32>
        %add3A_59 = arith.addf %get3A_54, %get3A_58 : vector<16xf32>
        %swap3A = arith.index_cast %scan3A_51 : i32 to index
        %swap3A_60 = arith.constant 0 : index
        %swap3A_61 = tpu.vector_load %arg9[%swap3A, %swap3A_60] {strides = array<i32>} : memref<128x128xf32, #tpu.memory_space<vmem>>, vector<1x16xf32>,
        %swap3A_62 = vector.shape_cast %swap3A_61 : vector<1x16xf32> to vector<16xf32>
        %swap3A_63 = vector.shape_cast %add3A_59 : vector<16xf32> to vector<1x16xf32>
        tpu.vector_store %arg9[%swap3A, %swap3A_60], %swap3A_63 {strides = array<i32>} : memref<128x128xf32, #tpu.memory_space<vmem>>, vector<1x16xf32>,
        %get3A_64 = arith.index_cast %scan3A_51 : i32 to index
        %get3A_65 = arith.constant 16 : index
        %get3A_66 = tpu.vector_load %arg9[%get3A_64, %get3A_65] {strides = array<i32>} : memref<128x128xf32, #tpu.memory_space<vmem>>, vector<1x16xf32>,
        %get3A_67 = vector.shape_cast %get3A_66 : vector<1x16xf32> to vector<16xf32>
        %get3A_68 = arith.index_cast %scan3A_51 : i32 to index
        %get3A_69 = arith.constant 16 : index
        %get3A_70 = tpu.vector_load %arg10[%get3A_68, %get3A_69] {strides = array<i32>} : memref<128x128xf32, #tpu.memory_space<vmem>>, vector<1x16xf32>,
        %get3A_71 = vector.shape_cast %get3A_70 : vector<1x16xf32> to vector<16xf32>
        %add3A_72 = arith.addf %get3A_67, %get3A_71 : vector<16xf32>
        %swap3A_73 = arith.index_cast %scan3A_51 : i32 to index
        %swap3A_74 = arith.constant 16 : index
        %swap3A_75 = tpu.vector_load %arg9[%swap3A_73, %swap3A_74] {strides = array<i32>} : memref<128x128xf32, #tpu.memory_space<vmem>>, vector<1x16xf32>,
        %swap3A_76 = vector.shape_cast %swap3A_75 : vector<1x16xf32> to vector<16xf32>
        %swap3A_77 = vector.shape_cast %add3A_72 : vector<16xf32> to vector<1x16xf32>
        tpu.vector_store %arg9[%swap3A_73, %swap3A_74], %swap3A_77 {strides = array<i32>} : memref<128x128xf32, #tpu.memory_space<vmem>>, vector<1x16xf32>,
        %get3A_78 = arith.index_cast %scan3A_51 : i32 to index
        %get3A_79 = arith.constant 32 : index
        %get3A_80 = tpu.vector_load %arg9[%get3A_78, %get3A_79] {strides = array<i32>} : memref<128x128xf32, #tpu.memory_space<vmem>>, vector<1x16xf32>,
        %get3A_81 = vector.shape_cast %get3A_80 : vector<1x16xf32> to vector<16xf32>
        %get3A_82 = arith.index_cast %scan3A_51 : i32 to index
        %get3A_83 = arith.constant 32 : index
        %get3A_84 = tpu.vector_load %arg10[%get3A_82, %get3A_83] {strides = array<i32>} : memref<128x128xf32, #tpu.memory_space<vmem>>, vector<1x16xf32>,
        %get3A_85 = vector.shape_cast %get3A_84 : vector<1x16xf32> to vector<16xf32>
        %add3A_86 = arith.addf %get3A_81, %get3A_85 : vector<16xf32>
        %swap3A_87 = arith.index_cast %scan3A_51 : i32 to index
        %swap3A_88 = arith.constant 32 : index
        %swap3A_89 = tpu.vector_load %arg9[%swap3A_87, %swap3A_88] {strides = array<i32>} : memref<128x128xf32, #tpu.memory_space<vmem>>, vector<1x16xf32>,
        %swap3A_90 = vector.shape_cast %swap3A_89 : vector<1x16xf32> to vector<16xf32>
        %swap3A_91 = vector.shape_cast %add3A_86 : vector<16xf32> to vector<1x16xf32>
        tpu.vector_store %arg9[%swap3A_87, %swap3A_88], %swap3A_91 {strides = array<i32>} : memref<128x128xf32, #tpu.memory_space<vmem>>, vector<1x16xf32>,
        %get3A_92 = arith.index_cast %scan3A_51 : i32 to index
        %get3A_93 = arith.constant 48 : index
        %get3A_94 = tpu.vector_load %arg9[%get3A_92, %get3A_93] {strides = array<i32>} : memref<128x128xf32, #tpu.memory_space<vmem>>, vector<1x16xf32>,
        %get3A_95 = vector.shape_cast %get3A_94 : vector<1x16xf32> to vector<16xf32>
        %get3A_96 = arith.index_cast %scan3A_51 : i32 to index
        %get3A_97 = arith.constant 48 : index
        %get3A_98 = tpu.vector_load %arg10[%get3A_96, %get3A_97] {strides = array<i32>} : memref<128x128xf32, #tpu.memory_space<vmem>>, vector<1x16xf32>,
        %get3A_99 = vector.shape_cast %get3A_98 : vector<1x16xf32> to vector<16xf32>
        %add3A_100 = arith.addf %get3A_95, %get3A_99 : vector<16xf32>
        %swap3A_101 = arith.index_cast %scan3A_51 : i32 to index
        %swap3A_102 = arith.constant 48 : index
        %swap3A_103 = tpu.vector_load %arg9[%swap3A_101, %swap3A_102] {strides = array<i32>} : memref<128x128xf32, #tpu.memory_space<vmem>>, vector<1x16xf32>,
        %swap3A_104 = vector.shape_cast %swap3A_103 : vector<1x16xf32> to vector<16xf32>
        %swap3A_105 = vector.shape_cast %add3A_100 : vector<16xf32> to vector<1x16xf32>
        tpu.vector_store %arg9[%swap3A_101, %swap3A_102], %swap3A_105 {strides = array<i32>} : memref<128x128xf32, #tpu.memory_space<vmem>>, vector<1x16xf32>,
        %get3A_106 = arith.index_cast %scan3A_51 : i32 to index
        %get3A_107 = arith.constant 64 : index
        %get3A_108 = tpu.vector_load %arg9[%get3A_106, %get3A_107] {strides = array<i32>} : memref<128x128xf32, #tpu.memory_space<vmem>>, vector<1x16xf32>,
        %get3A_109 = vector.shape_cast %get3A_108 : vector<1x16xf32> to vector<16xf32>
        %get3A_110 = arith.index_cast %scan3A_51 : i32 to index
        %get3A_111 = arith.constant 64 : index
        %get3A_112 = tpu.vector_load %arg10[%get3A_110, %get3A_111] {strides = array<i32>} : memref<128x128xf32, #tpu.memory_space<vmem>>, vector<1x16xf32>,
        %get3A_113 = vector.shape_cast %get3A_112 : vector<1x16xf32> to vector<16xf32>
        %add3A_114 = arith.addf %get3A_109, %get3A_113 : vector<16xf32>
        %swap3A_115 = arith.index_cast %scan3A_51 : i32 to index
        %swap3A_116 = arith.constant 64 : index
        %swap3A_117 = tpu.vector_load %arg9[%swap3A_115, %swap3A_116] {strides = array<i32>} : memref<128x128xf32, #tpu.memory_space<vmem>>, vector<1x16xf32>,
        %swap3A_118 = vector.shape_cast %swap3A_117 : vector<1x16xf32> to vector<16xf32>
        %swap3A_119 = vector.shape_cast %add3A_114 : vector<16xf32> to vector<1x16xf32>
        tpu.vector_store %arg9[%swap3A_115, %swap3A_116], %swap3A_119 {strides = array<i32>} : memref<128x128xf32, #tpu.memory_space<vmem>>, vector<1x16xf32>,
        %get3A_120 = arith.index_cast %scan3A_51 : i32 to index
        %get3A_121 = arith.constant 80 : index
        %get3A_122 = tpu.vector_load %arg9[%get3A_120, %get3A_121] {strides = array<i32>} : memref<128x128xf32, #tpu.memory_space<vmem>>, vector<1x16xf32>,
        %get3A_123 = vector.shape_cast %get3A_122 : vector<1x16xf32> to vector<16xf32>
        %get3A_124 = arith.index_cast %scan3A_51 : i32 to index
        %get3A_125 = arith.constant 80 : index
        %get3A_126 = tpu.vector_load %arg10[%get3A_124, %get3A_125] {strides = array<i32>} : memref<128x128xf32, #tpu.memory_space<vmem>>, vector<1x16xf32>,
        %get3A_127 = vector.shape_cast %get3A_126 : vector<1x16xf32> to vector<16xf32>
        %add3A_128 = arith.addf %get3A_123, %get3A_127 : vector<16xf32>
        %swap3A_129 = arith.index_cast %scan3A_51 : i32 to index
        %swap3A_130 = arith.constant 80 : index
        %swap3A_131 = tpu.vector_load %arg9[%swap3A_129, %swap3A_130] {strides = array<i32>} : memref<128x128xf32, #tpu.memory_space<vmem>>, vector<1x16xf32>,
        %swap3A_132 = vector.shape_cast %swap3A_131 : vector<1x16xf32> to vector<16xf32>
        %swap3A_133 = vector.shape_cast %add3A_128 : vector<16xf32> to vector<1x16xf32>
        tpu.vector_store %arg9[%swap3A_129, %swap3A_130], %swap3A_133 {strides = array<i32>} : memref<128x128xf32, #tpu.memory_space<vmem>>, vector<1x16xf32>,
        %get3A_134 = arith.index_cast %scan3A_51 : i32 to index
        %get3A_135 = arith.constant 96 : index
        %get3A_136 = tpu.vector_load %arg9[%get3A_134, %get3A_135] {strides = array<i32>} : memref<128x128xf32, #tpu.memory_space<vmem>>, vector<1x16xf32>,
        %get3A_137 = vector.shape_cast %get3A_136 : vector<1x16xf32> to vector<16xf32>
        %get3A_138 = arith.index_cast %scan3A_51 : i32 to index
        %get3A_139 = arith.constant 96 : index
        %get3A_140 = tpu.vector_load %arg10[%get3A_138, %get3A_139] {strides = array<i32>} : memref<128x128xf32, #tpu.memory_space<vmem>>, vector<1x16xf32>,
        %get3A_141 = vector.shape_cast %get3A_140 : vector<1x16xf32> to vector<16xf32>
        %add3A_142 = arith.addf %get3A_137, %get3A_141 : vector<16xf32>
        %swap3A_143 = arith.index_cast %scan3A_51 : i32 to index
        %swap3A_144 = arith.constant 96 : index
        %swap3A_145 = tpu.vector_load %arg9[%swap3A_143, %swap3A_144] {strides = array<i32>} : memref<128x128xf32, #tpu.memory_space<vmem>>, vector<1x16xf32>,
        %swap3A_146 = vector.shape_cast %swap3A_145 : vector<1x16xf32> to vector<16xf32>
        %swap3A_147 = vector.shape_cast %add3A_142 : vector<16xf32> to vector<1x16xf32>
        tpu.vector_store %arg9[%swap3A_143, %swap3A_144], %swap3A_147 {strides = array<i32>} : memref<128x128xf32, #tpu.memory_space<vmem>>, vector<1x16xf32>,
        %get3A_148 = arith.index_cast %scan3A_51 : i32 to index
        %get3A_149 = arith.constant 112 : index
        %get3A_150 = tpu.vector_load %arg9[%get3A_148, %get3A_149] {strides = array<i32>} : memref<128x128xf32, #tpu.memory_space<vmem>>, vector<1x16xf32>,
        %get3A_151 = vector.shape_cast %get3A_150 : vector<1x16xf32> to vector<16xf32>
        %get3A_152 = arith.index_cast %scan3A_51 : i32 to index
        %get3A_153 = arith.constant 112 : index
        %get3A_154 = tpu.vector_load %arg10[%get3A_152, %get3A_153] {strides = array<i32>} : memref<128x128xf32, #tpu.memory_space<vmem>>, vector<1x16xf32>,
        %get3A_155 = vector.shape_cast %get3A_154 : vector<1x16xf32> to vector<16xf32>
        %add3A_156 = arith.addf %get3A_151, %get3A_155 : vector<16xf32>
        %swap3A_157 = arith.index_cast %scan3A_51 : i32 to index
        %swap3A_158 = arith.constant 112 : index
        %swap3A_159 = tpu.vector_load %arg9[%swap3A_157, %swap3A_158] {strides = array<i32>} : memref<128x128xf32, #tpu.memory_space<vmem>>, vector<1x16xf32>,
        %swap3A_160 = vector.shape_cast %swap3A_159 : vector<1x16xf32> to vector<16xf32>
        %swap3A_161 = vector.shape_cast %add3A_156 : vector<16xf32> to vector<1x16xf32>
        tpu.vector_store %arg9[%swap3A_157, %swap3A_158], %swap3A_161 {strides = array<i32>} : memref<128x128xf32, #tpu.memory_space<vmem>>, vector<1x16xf32>,
      }
      %scan3A_48 = arith.constant 128 : i32
      %mul3A_49 = arith.constant 128 : i32
      %mul3A_50 = arith.muli %add3A_33, %mul3A_49 : i32
      "tpu.region"() ({
        %run_scoped3A = tpu.sem_alloc : memref<!tpu.dma_semaphore, #tpu.memory_space<semaphore_mem>>
        %dma_start3A_51 = arith.constant 0 : i32
        %dma_start3A_52 = tpu.memref_slice %arg6[%mul3A_50, %dma_start3A_51] : memref<320000x128xf32, #tpu.memory_space<hbm>> -> memref<128x128xf32, #tpu.memory_space<hbm>>
        %dma_start3A_53 = arith.constant 0 : i32
        %dma_start3A_54 = tpu.memref_slice %arg6[%mul3A_50, %dma_start3A_53] : memref<320000x128xf32, #tpu.memory_space<hbm>> -> memref<128x128xf32, #tpu.memory_space<hbm>>
        tpu.enqueue_dma source(%arg9 : memref<128x128xf32, #tpu.memory_space<vmem>>) target(%dma_start3A_54 : memref<128x128xf32, #tpu.memory_space<hbm>>) target_semaphore(%run_scoped3A : memref<!tpu.dma_semaphore, #tpu.memory_space<semaphore_mem>>)
        %dma_wait3A_55 = arith.constant 0 : i32
        %dma_wait3A_56 = tpu.memref_slice %arg6[%mul3A_50, %dma_wait3A_55] : memref<320000x128xf32, #tpu.memory_space<hbm>> -> memref<128x128xf32, #tpu.memory_space<hbm>>
        %dma_wait3A_57 = arith.constant 0 : i32
        %dma_wait3A_58 = tpu.memref_slice %arg6[%mul3A_50, %dma_wait3A_57] : memref<320000x128xf32, #tpu.memory_space<hbm>> -> memref<128x128xf32, #tpu.memory_space<hbm>>
        tpu.wait_dma2 semaphore(%run_scoped3A : memref<!tpu.dma_semaphore, #tpu.memory_space<semaphore_mem>>) src(%arg9 : memref<128x128xf32, #tpu.memory_space<vmem>>) dst(%dma_wait3A_58 : memref<128x128xf32, #tpu.memory_space<hbm>>)
        tpu.yield
      }) : () -> ()
    }
    return
  }
}

module attributes {stable_mosaic.version = 14 : i64} {
  func.func @_edge_block_kernel(%arg0: i32, %arg1: memref<4000x128xf32, #tpu.memory_space<vmem>>, %arg2: memref<4000x8xf32, #tpu.memory_space<vmem>>, %arg3: memref<4000x8xf32, #tpu.memory_space<vmem>>, %arg4: memref<128x128xf32, #tpu.memory_space<vmem>>, %arg5: memref<1x128xf32, #tpu.memory_space<vmem>>, %arg6: memref<128x128xf32, #tpu.memory_space<vmem>>, %arg7: memref<1x128xf32, #tpu.memory_space<vmem>>, %arg8: memref<128x8xf32, #tpu.memory_space<vmem>>, %arg9: memref<8x128xf32, #tpu.memory_space<vmem>>, %arg10: memref<8x128xf32, #tpu.memory_space<vmem>>, %arg11: memref<4000x128xf32, #tpu.memory_space<vmem>>, %arg12: memref<4000x8xf32, #tpu.memory_space<vmem>>) attributes {dimension_semantics = [#tpu.dimension_semantics<arbitrary>], iteration_bounds = array<i64: 80>, scalar_prefetch = 0 : i64, scratch_operands = 0 : i64, tpu.core_type = #tpu.core_type<tc>, window_params = [{transform_indices = @transform_0, window_bounds = array<i64: 4000, 128>}, {transform_indices = @transform_1, window_bounds = array<i64: 4000, 8>}, {transform_indices = @transform_2, window_bounds = array<i64: 4000, 8>}, {pipeline_mode = #tpu.pipeline_mode<synchronous>, transform_indices = @transform_3, window_bounds = array<i64: 128, 128>}, {pipeline_mode = #tpu.pipeline_mode<synchronous>, transform_indices = @transform_4, window_bounds = array<i64: 1, 128>}, {pipeline_mode = #tpu.pipeline_mode<synchronous>, transform_indices = @transform_5, window_bounds = array<i64: 128, 128>}, {pipeline_mode = #tpu.pipeline_mode<synchronous>, transform_indices = @transform_6, window_bounds = array<i64: 1, 128>}, {pipeline_mode = #tpu.pipeline_mode<synchronous>, transform_indices = @transform_7, window_bounds = array<i64: 128, 8>}, {pipeline_mode = #tpu.pipeline_mode<synchronous>, transform_indices = @transform_8, window_bounds = array<i64: 8, 128>}, {pipeline_mode = #tpu.pipeline_mode<synchronous>, transform_indices = @transform_9, window_bounds = array<i64: 8, 128>}, {transform_indices = @transform_10, window_bounds = array<i64: 4000, 128>}, {transform_indices = @transform_11, window_bounds = array<i64: 4000, 8>}]} {
    %get3A = arith.constant 0 : index
    %get3A_0 = arith.constant 0 : index
    %get3A_1 = vector.load %arg1[%get3A, %get3A_0] : memref<4000x128xf32, #tpu.memory_space<vmem>>, vector<4000x128xf32>
    %get3A_2 = arith.constant 0 : index
    %get3A_3 = arith.constant 0 : index
    %get3A_4 = vector.load %arg2[%get3A_2, %get3A_3] : memref<4000x8xf32, #tpu.memory_space<vmem>>, vector<4000x8xf32>
    %get3A_5 = arith.constant 0 : index
    %get3A_6 = arith.constant 0 : index
    %get3A_7 = vector.load %arg9[%get3A_5, %get3A_6] : memref<8x128xf32, #tpu.memory_space<vmem>>, vector<8x128xf32>
    %dot_general3A = arith.constant dense<0.000000e+00> : vector<4000x128xf32>
    %dot_general3A_8 = tpu.matmul %get3A_4, %get3A_7, %dot_general3A {dimension_numbers = #tpu.dot_dimension_numbers<[1], [0], [0], [1], [0, 0, 1, 1], [], []>, transpose_lhs_hint = false} : vector<4000x8xf32>, vector<8x128xf32>, vector<4000x128xf32> -> vector<4000x128xf32>
    %add3A = arith.addf %get3A_1, %dot_general3A_8 : vector<4000x128xf32>
    %get3A_9 = arith.constant 0 : index
    %get3A_10 = arith.constant 0 : index
    %get3A_11 = vector.load %arg3[%get3A_9, %get3A_10] : memref<4000x8xf32, #tpu.memory_space<vmem>>, vector<4000x8xf32>
    %get3A_12 = arith.constant 0 : index
    %get3A_13 = arith.constant 0 : index
    %get3A_14 = vector.load %arg10[%get3A_12, %get3A_13] : memref<8x128xf32, #tpu.memory_space<vmem>>, vector<8x128xf32>
    %dot_general3A_15 = arith.constant dense<0.000000e+00> : vector<4000x128xf32>
    %dot_general3A_16 = tpu.matmul %get3A_11, %get3A_14, %dot_general3A_15 {dimension_numbers = #tpu.dot_dimension_numbers<[1], [0], [0], [1], [0, 0, 1, 1], [], []>, transpose_lhs_hint = false} : vector<4000x8xf32>, vector<8x128xf32>, vector<4000x128xf32> -> vector<4000x128xf32>
    %add3A_17 = arith.addf %add3A, %dot_general3A_16 : vector<4000x128xf32>
    %logistic3A = arith.negf %add3A_17 : vector<4000x128xf32>
    %logistic3A_18 = math.exp %logistic3A : vector<4000x128xf32>
    %logistic3A_19 = arith.constant 1.000000e+00 : f32
    %logistic3A_20 = vector.broadcast %logistic3A_19 : f32 to vector<4000x128xf32>
    %logistic3A_21 = arith.addf %logistic3A_20, %logistic3A_18 : vector<4000x128xf32>
    %logistic3A_22 = arith.divf %logistic3A_20, %logistic3A_21 : vector<4000x128xf32>
    %mul3A = arith.mulf %add3A_17, %logistic3A_22 : vector<4000x128xf32>
    %get3A_23 = arith.constant 0 : index
    %get3A_24 = arith.constant 0 : index
    %get3A_25 = vector.load %arg4[%get3A_23, %get3A_24] : memref<128x128xf32, #tpu.memory_space<vmem>>, vector<128x128xf32>
    %dot_general3A_26 = arith.constant dense<0.000000e+00> : vector<4000x128xf32>
    %dot_general3A_27 = tpu.matmul %mul3A, %get3A_25, %dot_general3A_26 {dimension_numbers = #tpu.dot_dimension_numbers<[1], [0], [0], [1], [0, 0, 1, 1], [], []>, transpose_lhs_hint = false} : vector<4000x128xf32>, vector<128x128xf32>, vector<4000x128xf32> -> vector<4000x128xf32>
    %get3A_28 = arith.constant 0 : index
    %get3A_29 = arith.constant 0 : index
    %get3A_30 = vector.load %arg5[%get3A_28, %get3A_29] : memref<1x128xf32, #tpu.memory_space<vmem>>, vector<1x128xf32>
    %add3A_31 = vector.broadcast %get3A_30 : vector<1x128xf32> to vector<4000x128xf32>
    %add3A_32 = arith.addf %dot_general3A_27, %add3A_31 : vector<4000x128xf32>
    %logistic3A_33 = arith.negf %add3A_32 : vector<4000x128xf32>
    %logistic3A_34 = math.exp %logistic3A_33 : vector<4000x128xf32>
    %logistic3A_35 = arith.constant 1.000000e+00 : f32
    %logistic3A_36 = vector.broadcast %logistic3A_35 : f32 to vector<4000x128xf32>
    %logistic3A_37 = arith.addf %logistic3A_36, %logistic3A_34 : vector<4000x128xf32>
    %logistic3A_38 = arith.divf %logistic3A_36, %logistic3A_37 : vector<4000x128xf32>
    %mul3A_39 = arith.mulf %add3A_32, %logistic3A_38 : vector<4000x128xf32>
    %swap3A = arith.constant 0 : index
    %swap3A_40 = arith.constant 0 : index
    %swap3A_41 = vector.load %arg11[%swap3A, %swap3A_40] : memref<4000x128xf32, #tpu.memory_space<vmem>>, vector<4000x128xf32>
    tpu.vector_store %arg11[%swap3A, %swap3A_40], %mul3A_39 {strides = array<i32>} : memref<4000x128xf32, #tpu.memory_space<vmem>>, vector<4000x128xf32>,
    %get3A_42 = arith.constant 0 : index
    %get3A_43 = arith.constant 0 : index
    %get3A_44 = vector.load %arg6[%get3A_42, %get3A_43] : memref<128x128xf32, #tpu.memory_space<vmem>>, vector<128x128xf32>
    %dot_general3A_45 = arith.constant dense<0.000000e+00> : vector<4000x128xf32>
    %dot_general3A_46 = tpu.matmul %mul3A_39, %get3A_44, %dot_general3A_45 {dimension_numbers = #tpu.dot_dimension_numbers<[1], [0], [0], [1], [0, 0, 1, 1], [], []>, transpose_lhs_hint = false} : vector<4000x128xf32>, vector<128x128xf32>, vector<4000x128xf32> -> vector<4000x128xf32>
    %get3A_47 = arith.constant 0 : index
    %get3A_48 = arith.constant 0 : index
    %get3A_49 = vector.load %arg7[%get3A_47, %get3A_48] : memref<1x128xf32, #tpu.memory_space<vmem>>, vector<1x128xf32>
    %add3A_50 = vector.broadcast %get3A_49 : vector<1x128xf32> to vector<4000x128xf32>
    %add3A_51 = arith.addf %dot_general3A_46, %add3A_50 : vector<4000x128xf32>
    %logistic3A_52 = arith.negf %add3A_51 : vector<4000x128xf32>
    %logistic3A_53 = math.exp %logistic3A_52 : vector<4000x128xf32>
    %logistic3A_54 = arith.constant 1.000000e+00 : f32
    %logistic3A_55 = vector.broadcast %logistic3A_54 : f32 to vector<4000x128xf32>
    %logistic3A_56 = arith.addf %logistic3A_55, %logistic3A_53 : vector<4000x128xf32>
    %logistic3A_57 = arith.divf %logistic3A_55, %logistic3A_56 : vector<4000x128xf32>
    %mul3A_58 = arith.mulf %add3A_51, %logistic3A_57 : vector<4000x128xf32>
    %get3A_59 = arith.constant 0 : index
    %get3A_60 = arith.constant 0 : index
    %get3A_61 = vector.load %arg8[%get3A_59, %get3A_60] : memref<128x8xf32, #tpu.memory_space<vmem>>, vector<128x8xf32>
    %dot_general3A_62 = arith.constant dense<0.000000e+00> : vector<4000x8xf32>
    %dot_general3A_63 = tpu.matmul %mul3A_58, %get3A_61, %dot_general3A_62 {dimension_numbers = #tpu.dot_dimension_numbers<[1], [0], [0], [1], [0, 0, 1, 1], [], []>, transpose_lhs_hint = false} : vector<4000x128xf32>, vector<128x8xf32>, vector<4000x8xf32> -> vector<4000x8xf32>
    %get3A_64 = arith.constant 0 : index
    %get3A_65 = arith.constant 0 : index
    %get3A_66 = vector.load %arg3[%get3A_64, %get3A_65] : memref<4000x8xf32, #tpu.memory_space<vmem>>, vector<4000x3xf32>
    %slice3A = vector.extract_strided_slice %dot_general3A_63 {offsets = [0, 0], sizes = [4000, 1], strides = [1, 1]} : vector<4000x8xf32> to vector<4000x1xf32>
    %broadcast_in_dim3A = arith.constant 0.000000e+00 : f32
    %broadcast_in_dim3A_67 = vector.broadcast %broadcast_in_dim3A : f32 to vector<4000x4xf32>
    %concatenate3A = tpu.concatenate %get3A_66, %slice3A, %broadcast_in_dim3A_67 in 1 : vector<4000x3xf32>, vector<4000x1xf32>, vector<4000x4xf32> -> vector<4000x8xf32>
    %swap3A_68 = arith.constant 0 : index
    %swap3A_69 = arith.constant 0 : index
    %swap3A_70 = vector.load %arg12[%swap3A_68, %swap3A_69] : memref<4000x8xf32, #tpu.memory_space<vmem>>, vector<4000x8xf32>
    tpu.vector_store %arg12[%swap3A_68, %swap3A_69], %concatenate3A {strides = array<i32>} : memref<4000x8xf32, #tpu.memory_space<vmem>>, vector<4000x8xf32>,
    return
  }
  func.func @transform_0(%arg0: i32) -> (i32, i32) {
    %c0_i32 = arith.constant 0 : i32
    %c0_i32_0 = arith.constant 0 : i32
    return %arg0, %c0_i32 : i32, i32
  }
  func.func @transform_1(%arg0: i32) -> (i32, i32) {
    %c0_i32 = arith.constant 0 : i32
    %c0_i32_0 = arith.constant 0 : i32
    return %arg0, %c0_i32 : i32, i32
  }
  func.func @transform_2(%arg0: i32) -> (i32, i32) {
    %c0_i32 = arith.constant 0 : i32
    %c0_i32_0 = arith.constant 0 : i32
    return %arg0, %c0_i32 : i32, i32
  }
  func.func @transform_3(%arg0: i32) -> (i32, i32) {
    %c0_i32 = arith.constant 0 : i32
    %c0_i32_0 = arith.constant 0 : i32
    %c0_i32_1 = arith.constant 0 : i32
    return %c0_i32, %c0_i32_0 : i32, i32
  }
  func.func @transform_4(%arg0: i32) -> (i32, i32) {
    %c0_i32 = arith.constant 0 : i32
    %c0_i32_0 = arith.constant 0 : i32
    %c0_i32_1 = arith.constant 0 : i32
    return %c0_i32, %c0_i32_0 : i32, i32
  }
  func.func @transform_5(%arg0: i32) -> (i32, i32) {
    %c0_i32 = arith.constant 0 : i32
    %c0_i32_0 = arith.constant 0 : i32
    %c0_i32_1 = arith.constant 0 : i32
    return %c0_i32, %c0_i32_0 : i32, i32
  }
  func.func @transform_6(%arg0: i32) -> (i32, i32) {
    %c0_i32 = arith.constant 0 : i32
    %c0_i32_0 = arith.constant 0 : i32
    %c0_i32_1 = arith.constant 0 : i32
    return %c0_i32, %c0_i32_0 : i32, i32
  }
  func.func @transform_7(%arg0: i32) -> (i32, i32) {
    %c0_i32 = arith.constant 0 : i32
    %c0_i32_0 = arith.constant 0 : i32
    %c0_i32_1 = arith.constant 0 : i32
    return %c0_i32, %c0_i32_0 : i32, i32
  }
  func.func @transform_8(%arg0: i32) -> (i32, i32) {
    %c0_i32 = arith.constant 0 : i32
    %c0_i32_0 = arith.constant 0 : i32
    %c0_i32_1 = arith.constant 0 : i32
    return %c0_i32, %c0_i32_0 : i32, i32
  }
  func.func @transform_9(%arg0: i32) -> (i32, i32) {
    %c0_i32 = arith.constant 0 : i32
    %c0_i32_0 = arith.constant 0 : i32
    %c0_i32_1 = arith.constant 0 : i32
    return %c0_i32, %c0_i32_0 : i32, i32
  }
  func.func @transform_10(%arg0: i32) -> (i32, i32) {
    %c0_i32 = arith.constant 0 : i32
    %c0_i32_0 = arith.constant 0 : i32
    return %arg0, %c0_i32 : i32, i32
  }
  func.func @transform_11(%arg0: i32) -> (i32, i32) {
    %c0_i32 = arith.constant 0 : i32
    %c0_i32_0 = arith.constant 0 : i32
    return %arg0, %c0_i32 : i32, i32
  }
}

</mosaic_0001>

<sc_bundles>
// kernel: kernel.10.cloned.1.call-start
scs
__scs_entry_jumppad:
0x0: {  	(pc) =	sbr.rel $0x88, $3  }
0x1: {  	(tag) =	ssettag $0x0;
	lr =	simm.s32 $0x1  }
0x2: {  	[smem:$0x3F7B] =	sst lr;
	_ =	strace $0xD0000000  }
0x3: {  	_ = 	snop  }
0x4: {  	_ = 	snop  }
0x5: {  	_ = 	snop  }
0x6: {  	_ = 	snop  }
0x7: {  	_ = 	snop  }
__scs_overlays_trampoline_lowered:
0x8: {  	[smem:$0x3F8A] =	sst s0  }
0x9: {  	[smem:$0x3F8B] =	sst s1  }
0xa: {  	[smem:$0x3F8C] =	sst s2  }
0xb: {  	[smem:$0x3F8D] =	sst s3  }
0xc: {  	[smem:$0x3F8E] =	sst s4  }
0xd: {  	[smem:$0x3F8F] =	sst s5  }
0xe: {  	[smem:$0x3F90] =	sst s6  }
0xf: {  	[smem:$0x3F91] =	sst s7  }
0x10: {  	[smem:$0x3F92] =	sst s8  }
0x11: {  	[smem:$0x3F93] =	sst s9;
	s0 =	simm.s32 @!p0 $0x0  }
0x12: {  	s1 =	sld [smem:$0x3F79];
	s0 =	simm.s32 @p0 $0x1  }
0x13: {  	[smem:$0x3F94] =	sst s0;
	s0 =	simm.s32 @!p1 $0x0  }
0x14: {  	s2 =	sld [smem:$0x3F78];
	s0 =	simm.s32 @p1 $0x1  }
0x15: {  	[smem:$0x3F95] =	sst s0;
	s0 =	simm.s32 @!p2 $0x0  }
0x16: {  	s3 =	sld [smem:$0x3FDB];
	s0 =	simm.s32 @p2 $0x1  }
0x17: {  	s4 =	simm.s32 $0x1BF5;
	[smem:$0x3F97] =	sst s0  }
0x18: {  	s0 =	sld [smem:$0x3F7A];
	_ =	swait.ge [sflag:s4], $0x0  }
0x19: {  	s7 =	sld [smem:$0x3F7B]  }
0x1a: {  	s8 =	sadd.s32 $0xFFFFE003, lr  }
0x1b: {  	s9 =	sadd.s32 $0xFFFFFEF7, lr;
	s5 =	simm.s32 $0xFFFFFFFF;
	p2 =	slt.u32 s8, $0xFFFFF086  }
0x1c: {  	p1 =	slt.u32 s9, $0xF7A;
	s5 =	simm.s32 @!p2 $0x0  }
0x1d: {  	s5 =	simm.s32 @p1 $0x1;
	p0 =	seq.s32 s7, s2  }
0x1e: {  	s7 =	smul.u32 @!p0 $0xF7A, s2;
	p2 =	seq.s32 @!p0 s5, $0x0  }
0x1f: {  	s9 =	smul.u32 $0xF7A, s1;
	s8 =	simm.s32 @!p0 $0x1BF5;
	p2 =	por !p2, p0  }
0x20: {  	[sflag:s8] =	ssyncset.s32 @!p0 $0xFFFFF086;
	s6 =	sadd.s32 @!p0 s3, s7;
	s7 =	simm.s32 @!p0 $0x108  }
0x21: {  	s3 =	sadd.s32 s3, s9;
	s6 =	sadd.s32 @!p0 $0x88, s6;
	s7 =	simm.s32 @p2 $0x1082  }
0x22: {  	[simem:s7], [sflag:s8] =	dma.local @!p0 [hbm:s6], $0xF7A  }
0x23: {  	s9 =	sor.u32 $0xD0000000, s2;
	s6 =	simm.s32 $0x108;
	_ =	swait.ge @!p0 [sflag:s8], $0x0  }
0x24: {  	s3 =	sadd.s32 $0x88, s3;
	s6 =	simm.s32 @!p1 $0x1082;
	[sflag:s4] =	ssyncset.s32 $0xFFFFF086  }
0x25: {  	[simem:s6], [sflag:s4] =	dma.local [hbm:s3], $0xF7A  }
0x26: {  	[smem:$0x3F7B] =	sst s1;
	(tag) =	ssettag s2;
	_ =	strace s9  }
0x27: {  	s1 =	sld [smem:$0x3F8B]  }
0x28: {  	s2 =	sld [smem:$0x3F8C]  }
0x29: {  	s4 =	sld [smem:$0x3F8E]  }
0x2a: {  	p0 =	seq.s32 s5, $0x0;
	s5 =	sld [smem:$0x3F8F]  }
0x2b: {  	s6 =	sld [smem:$0x3F90]  }
0x2c: {  	s7 =	sld [smem:$0x3F91]  }
0x2d: {  	s3 =	simm.s32 $0x108;
	s8 =	sld [smem:$0x3F92]  }
0x2e: {  	s3 =	simm.s32 @!p0 $0x1082;
	s9 =	sld [smem:$0x3F93]  }
0x2f: {  	lr =	sadd.s32 s0, s3;
	s0 =	sld [smem:$0x3F8A]  }
0x30: {  	s3 =	sld [smem:$0x3F8D]  }
0x31: {  	[smem:$0x3F96] =	sst s10  }
0x32: {  	s10 =	sld [smem:$0x3F94];
	_ =	sdelay $0x3  }
0x33: {  	p0 =	seq.s32 s10, $0x1;
	s10 =	sld [smem:$0x3F96];
	_ =	sdelay $0x3  }
0x34: {  	[smem:$0x3F96] =	sst s10  }
0x35: {  	s10 =	sld [smem:$0x3F95];
	_ =	sdelay $0x3  }
0x36: {  	p1 =	seq.s32 s10, $0x1;
	s10 =	sld [smem:$0x3F96];
	_ =	sdelay $0x3  }
0x37: {  	[smem:$0x3F96] =	sst s10  }
0x38: {  	s10 =	sld [smem:$0x3F97]  }
0x39: {  	_ = 	snop;
	(pc) =	sbr.ind lr, $3  }
0x3a: {  	_ = 	snop  }
0x3b: {  	_ = 	snop  }
0x3c: {  	p2 =	seq.s32 s10, $0x1;
	s10 =	sld [smem:$0x3F96]  }
0x3d: {  	_ =	shalt  }
0x3e: {  	_ =	shalt  }
0x3f: {  	_ =	shalt  }
0x40: {  	_ =	shalt  }
0x41: {  	_ =	shalt  }
0x42: {  	_ =	shalt  }
0x43: {  	_ =	shalt  }
0x44: {  	_ =	shalt  }
0x45: {  	_ =	shalt  }
0x46: {  	_ =	shalt  }
0x47: {  	_ =	shalt  }
0x48: {  	_ =	shalt  }
0x49: {  	_ =	shalt  }
0x4a: {  	_ =	shalt  }
0x4b: {  	_ =	shalt  }
0x4c: {  	_ =	shalt  }
0x4d: {  	_ =	shalt  }
0x4e: {  	_ =	shalt  }
0x4f: {  	_ =	shalt  }
0x50: {  	_ =	shalt  }
0x51: {  	_ =	shalt  }
0x52: {  	_ =	shalt  }
0x53: {  	_ =	shalt  }
0x54: {  	_ =	shalt  }
0x55: {  	_ =	shalt  }
0x56: {  	_ =	shalt  }
0x57: {  	_ =	shalt  }
0x58: {  	_ =	shalt  }
0x59: {  	_ =	shalt  }
0x5a: {  	_ =	shalt  }
0x5b: {  	_ =	shalt  }
0x5c: {  	_ =	shalt  }
0x5d: {  	_ =	shalt  }
0x5e: {  	_ =	shalt  }
0x5f: {  	_ =	shalt  }
0x60: {  	_ =	shalt  }
0x61: {  	_ =	shalt  }
0x62: {  	_ =	shalt  }
0x63: {  	_ =	shalt  }
0x64: {  	_ =	shalt  }
0x65: {  	_ =	shalt  }
0x66: {  	_ =	shalt  }
0x67: {  	_ =	shalt  }
0x68: {  	_ =	shalt  }
0x69: {  	_ =	shalt  }
0x6a: {  	_ =	shalt  }
0x6b: {  	_ =	shalt  }
0x6c: {  	_ =	shalt  }
0x6d: {  	_ =	shalt  }
0x6e: {  	_ =	shalt  }
0x6f: {  	_ =	shalt  }
0x70: {  	_ =	shalt  }
0x71: {  	_ =	shalt  }
0x72: {  	_ =	shalt  }
0x73: {  	_ =	shalt  }
0x74: {  	_ =	shalt  }
0x75: {  	_ =	shalt  }
0x76: {  	_ =	shalt  }
0x77: {  	_ =	shalt  }
0x78: {  	_ =	shalt  }
0x79: {  	_ =	shalt  }
0x7a: {  	_ =	shalt  }
0x7b: {  	_ =	shalt  }
0x7c: {  	_ =	shalt  }
0x7d: {  	_ =	shalt  }
0x7e: {  	_ =	shalt  }
0x7f: {  	_ =	shalt  }
0x80: {  	_ =	shalt  }
0x81: {  	_ =	shalt  }
0x82: {  	_ =	shalt  }
0x83: {  	_ =	shalt  }
0x84: {  	_ =	shalt  }
0x85: {  	_ =	shalt  }
0x86: {  	_ =	shalt  }
0x87: {  	_ =	shalt  }
.Lfunc_end0:
.L_simem_size_0:
called_computation.1_lowered:
.L_overlay_start_0:
0x88: {  	s2 =	sld [smem:$0x3FD9]  }
0x89: {  	s3 =	sld [smem:$0x3FFE];
	_ =	sdelay $0x1  }
0x8a: {  	s1 =	srdreg.scid  }
0x8b: {  	s0 =	sand.u32 $0x1, s1  }
0x8c: {  	s16 =	sshll.u32 s0, $0xA;
	s2 =	sadd.s32 s3, s2  }
0x8d: {  	s2 =	sadd.s32 s2, s16  }
0x8e: {  	[smem:$0x3FA2] =	sst s2  }
0x8f: {  	_ = 	snop  }
0x90: {  	(tm) =	ssettm $0x1  }
0x91: {  	s17 =	sld [smem:$0x3FFB];
	_ =	sdelay $0x3  }
0x92: {  	_ =	strace s17  }
0x93: {  	s2 =	sld [smem:$0x3FFC];
	_ =	sdelay $0x3  }
0x94: {  	_ =	strace s2  }
0x95: {  	s2 =	sld [smem:$0x3FFD];
	_ =	sdelay $0x3  }
0x96: {  	_ =	strace s2  }
0x97: {  	_ =	strace $0x8FFFFFFF  }
0x98: {  	s18 =	sld [smem:$0x3FDB];
	_ =	sdelay $0x1  }
0x99: {  	s19 =	simm.s32 $_scs_section_size  }
0x9a: {  	s4 =	simm.s32 $_size__tile_overlayer_lowered;
	s5 =	simm.s32 $_tile_overlayer_lowered  }
0x9b: {  	s22 =	simm.s32 $0x1BFF;
	s21 =	sshll.u32 s5, $0x1;
	s2 =	sadd.s32 s19, s18  }
0x9c: {  	s6 =	simm.s32 $0x0;
	s20 =	sshll.u32 s4, $0x1;
	s4 =	sadd.s32 s21, s2  }
0x9d: {  	[timem:s6], [sflag:s22] =	dma.local [hbm:s4], s20  }
0x9e: {  	_ =	swait.ge [sflag:s22], s20  }
0x9f: {  	s3 =	ssub.s32 $0x0, s20;
	[sflag:s22] =	ssyncset.done $0x0  }
0xa0: {  	[sflag:s22] =	ssyncadd.s32 s3;
	_ =	sdelay $0x1  }
0xa1: {  	s23 =	simm.s32 $0x1B8B  }
0xa2: {  	_ =	swait.ge [sflag:s23], $0x1  }
0xa3: {  	[sflag:s23] =	ssyncset.done $0x0  }
0xa4: {  	s25 =	simm.s32 $0x1B8E;
	s24 =	sld [smem:$0x3FFE];
	[sflag:s23] =	ssyncadd.s32 $0xFFFFFFFF  }
0xa5: {  	s26 =	simm.s32 $execute0_lowered;
	[smem:$0x3FD2] =	sst s25  }
0xa6: {  	s4 =	sshll.u32 s26, $0x1;
	_ =	strace $0x80000046;
	[dreg:$0x1] =	wrdreg $0xFFFFFFFF  }
0xa7: {  	s28 =	simm.s32 $_size_execute0_lowered;
	s2 =	sadd.s32 s2, s4;
	[dreg:$0x0] =	wrdreg $0x0  }
0xa8: {  	s4 =	sshll.u32 s28, $0x1;
	[dreg:$0x2] =	wrdreg s2  }
0xa9: {  	[dreg:$0x3] =	wrdreg s4  }
0xaa: {  	[dreg:$0x4] =	wrdreg $0xC0  }
0xab: {  	_ =	task [dreg:s6], $0x5FFFF  }
0xac: {  	[dreg:$0x1] =	wrdreg $0xFFFFFFFF  }
0xad: {  	[dreg:$0x0] =	wrdreg $0x60  }
0xae: {  	[dreg:$0x2] =	wrdreg s24  }
0xaf: {  	[dreg:$0x3] =	wrdreg $0xA  }
0xb0: {  	_ =	task.clear_ibuf [dreg:s6], $0x4FFFF;
	_ =	strace $0x90000046  }
0xb1: {  	s29 =	simm.s32 $0xA;
	_ =	strace $0x80000048  }
0xb2: {  	_ =	swait.ge [sflag:s29], $0x1  }
0xb3: {  	[sflag:s29] =	ssyncadd.s32 $0xFFFFFFFF  }
0xb4: {  	_ =	strace $0x90000048  }
0xb5: {  	_ =	sfence  }
0xb6: {  	s30 =	sld [smem:$0x0];
	_ =	sdelay $0x2  }
0xb7: {  	s31 =	sshll.u32 s1, $0xD;
	s1 =	sshrl.u32 s1, $0x2  }
0xb8: {  	s3 =	sand.u32 $0x4000, s31;
	s1 =	sadd.s32 s1, s30  }
0xb9: {  	s0 =	sor.u32 s3, s0;
	s1 =	sshll.u32 s1, $0x11  }
0xba: {  	s0 =	sor.u32 s1, s0  }
0xbb: {  	s0 =	sadd.s32 $0x8F2B, s0  }
0xbc: {  	[sflag:s0] =	ssyncadd.remote.s32 $0x1  }
0xbd: {  	_ =	sfence.sel $0xFFFF  }
0xbe: {  	[dreg:$0x0] =	wrdreg $0xFFFFFFFF;
	(pc) =	sbr.abs _section_cstart, $3  }
0xbf: {  	[dreg:$0x1] =	wrdreg $0xFFFFFFFF  }
0xc0: {  	_ =	task.clear_ibuf [dreg:s6], $0x2FFFF;
	_ =	strace $0x9FFFFFFF  }
0xc1: {  	(tm) =	ssettm $0x7FFFFFFF  }
tec
execute0_lowered:
.L_overlay_start_1:
0x0: {  	(tag) =	ssettag $0x1  }
0x1: {  	v0 =	vlaneseq.u32  }
0x2: {  	v0 =	vmul.u32 $0x80, v0  }
0x3: {  	s6 =	rddreg [dreg:$0x0]  }
0x4: {  	s0 =	rddreg [dreg:$0x1];
	s1 =	simm.s32 $0x0;
	v1 =	vor.u32 $0x1, v0  }
0x5: {  	s4 =	srdreg.scid;
	s2 =	stileid.u32;
	s13 =	simm.s32 $0x1;
	v2 =	vor.u32 $0x2, v0;
	v3 =	vor.u32 $0x3, v0;
	v4 =	vor.u32 $0x800, v0  }
0x6: {  	s14 =	simm.s32 $0x80;
	s15 =	simm.s32 $0xA100;
	s16 =	simm.s32 $0x0;
	v5 =	vor.u32 $0x801, v0;
	v6 =	vor.u32 $0x802, v0;
	v7 =	vor.u32 $0x803, v0  }
0x7: {  	[smem:$0x7FF] =	sst s1;
	s3 =	sadd.s32 $0xEA00, s6;
	s11 =	sand.u32 $0x1, s4;
	v8 =	vor.u32 $0x1000, v0;
	v9 =	vor.u32 $0x1001, v0;
	v10 =	vor.u32 $0x1002, v0  }
0x8: {  	s4 =	sadd.s32 $0x4C00, s6;
	s8 =	sshll.u32 s2, $0x1;
	s5 =	sadd.s32 $0x18800, s6;
	v11 =	vor.u32 $0x1003, v0;
	v12 =	vor.u32 $0x1800, v0;
	v13 =	vor.u32 $0x1801, v0  }
0x9: {  	s6 =	sadd.s32 $0x19C00, s6;
	s30 =	sshll.u32 s2, $0x8;
	s31 =	sshll.u32 s2, $0xC;
	v14 =	vor.u32 $0x1802, v0;
	v15 =	vor.u32 $0x1803, v0;
	v16 =	vor.u32 $0x2000, v0  }
0xa: {  	_ =	strace $0x80000047;
	s7 =	ssub.s32 $0x2, s11;
	s10 =	sor.u32 s11, s8;
	v17 =	vor.u32 $0x2001, v0;
	v18 =	vor.u32 $0x2002, v0;
	v19 =	vor.u32 $0x2003, v0  }
0xb: {  	s12 =	sshll.u32 s11, $0x7;
	s11 =	sshll.u32 s11, $0xB;
	s9 =	sshrl.u32 s7, $0x1;
	v20 =	vor.u32 $0x2800, v0;
	v21 =	vor.u32 $0x2801, v0;
	v22 =	vor.u32 $0x2802, v0  }
0xc: {  	s28 =	sshll.u32 s10, $0x7;
	s29 =	ssub.s32 $0x9E3, s10;
	s10 =	sor.u32 s12, s30;
	v23 =	vor.u32 $0x2803, v0;
	v24 =	vor.u32 $0x3000, v0;
	v25 =	vor.u32 $0x3001, v0  }
0xd: {  	s11 =	sor.u32 s11, s31;
	s12 =	simm.s32 $0x100;
	v26 =	vor.u32 $0x3002, v0;
	v27 =	vor.u32 $0x3003, v0;
	v28 =	vor.u32 $0x3800, v0;
	s26 =	ssub.s32 s7, s9  }
0xe: {  	v29 =	vor.u32 $0x3801, v0;
	v30 =	vor.u32 $0x3802, v0;
	v31 =	vor.u32 $0x3803, v0;
	s7 =	sand.u32 $0x380, s28;
	s9 =	sshrl.u32 s29, $0x5;
	s8 =	smax.u32 s26, $0x1  }
.LBB2_1:
0xf: {  	[tilespmem:s12], [sflag:$0x1] =	stream.linear.gather [hbm4b:s5+s1], $0xA000, $0x38;
	[tilespmem:$0xE100] =	vst v63  }
0x10: {  	_ =	swait.ge [sflag:s13], $0xA000  }
0x11: {  	s17 =	smov.u32 s11;
	[sflag:s13] =	ssyncset.done $0x0  }
0x12: {  	s18 =	smov.u32 s10;
	s19 =	smov.u32 s9;
	[sflag:s13] =	ssyncadd.s32 $0xFFFF6000  }
.LBB2_2:
0x13: {  	s20 =	sand.u32 $0xFFFFFC00, s18  }
0x14: {  	s20 =	sor.u32 s7, s20  }
0x15: {  	s20 =	sshrl.u32 s20, $0x3  }
0x16: {  	s21 =	sadd.s32 s3, s20  }
0x17: {  	[tilespmem:s1], [sflag:$0x1] =	stream.linear.gather [hbm4b:s21+s1], $0x80, $0x38;
	[tilespmem:$0xE100] =	vst v63  }
0x18: {  	_ =	swait.ge [sflag:s13], $0x80  }
0x19: {  	[sflag:s13] =	ssyncset.done $0x0  }
0x1a: {  	s20 =	sadd.s32 s4, s20;
	[sflag:s13] =	ssyncadd.s32 $0xFFFFFF80  }
0x1b: {  	[tilespmem:s14], [sflag:$0x1] =	stream.linear.gather [hbm4b:s20+s1], $0x80, $0x38;
	[tilespmem:$0xE100] =	vst v63  }
0x1c: {  	_ =	swait.ge [sflag:s13], $0x80  }
0x1d: {  	[sflag:s13] =	ssyncset.done $0x0  }
0x1e: {  	[sflag:s13] =	ssyncadd.s32 $0xFFFFFF80  }
0x1f: {  	v32 =	vld [tilespmem:$0x0]  }
0x20: {  	v33 =	vld [tilespmem:$0x80];
	_ =	sdelay $0x3  }
0x21: {  	v32 =	vshll.u32 v32, $0x2  }
0x22: {  	v33 =	vshll.u32 v33, $0x2  }
0x23: {  	v34 =	vor.u32 $0x1, v32  }
0x24: {  	v35 =	vor.u32 $0x1, v33  }
0x25: {  	v36 =	vor.u32 $0x2, v32  }
0x26: {  	v37 =	vor.u32 $0x2, v33;
	v32 =	vld.idx.msk [tilespmem:v32+s12+$0x0], $0xffff  }
0x27: {  	v33 =	vld.idx.msk [tilespmem:v33+s12+$0x0], $0xffff  }
0x28: {  	v34 =	vld.idx.msk [tilespmem:v34+s12+$0x0], $0xffff  }
0x29: {  	v35 =	vld.idx.msk [tilespmem:v35+s12+$0x0], $0xffff  }
0x2a: {  	v36 =	vld.idx.msk [tilespmem:v36+s12+$0x0], $0xffff  }
0x2b: {  	v37 =	vld.idx.msk [tilespmem:v37+s12+$0x0], $0xffff;
	_ =	sdelay $0x2  }
0x2c: {  	v32 =	vsub.f32 v32, v33;
	v60 =	vsub.f32 v34, v35;
	_ =	sdelay $0x1  }
0x2d: {  	v61 =	vsub.f32 v36, v37;
	v62 =	vmul.f32 v32, v32;
	v63 =	vmul.f32 v60, v60;
	_ =	sdelay $0x1  }
0x2e: {  	v40 =	vmul.f32 v61, v61;
	v35 =	vadd.f32 v63, v62  }
0x2f: {  	[tilespmem:v0+s15+$0x0] =	vst.idx.msk $0xffff, v32  }
0x30: {  	[tilespmem:v1+s15+$0x0] =	vst.idx.msk $0xffff, v60;
	v41 =	vadd.f32 v40, v35  }
0x31: {  	[tilespmem:v2+s15+$0x0] =	vst.idx.msk $0xffff, v61  }
0x32: {  	[tilespmem:v3+s15+$0x0] =	vst.idx.msk $0xffff, v41  }
0x33: {  	v32 =	vld [tilespmem:$0x10]  }
0x34: {  	v33 =	vld [tilespmem:$0x90];
	_ =	sdelay $0x3  }
0x35: {  	v32 =	vshll.u32 v32, $0x2  }
0x36: {  	v33 =	vshll.u32 v33, $0x2  }
0x37: {  	v42 =	vor.u32 $0x1, v32  }
0x38: {  	v43 =	vor.u32 $0x1, v33  }
0x39: {  	v44 =	vor.u32 $0x2, v32  }
0x3a: {  	v45 =	vor.u32 $0x2, v33;
	v32 =	vld.idx.msk [tilespmem:v32+s12+$0x0], $0xffff  }
0x3b: {  	v33 =	vld.idx.msk [tilespmem:v33+s12+$0x0], $0xffff  }
0x3c: {  	v34 =	vld.idx.msk [tilespmem:v42+s12+$0x0], $0xffff  }
0x3d: {  	v35 =	vld.idx.msk [tilespmem:v43+s12+$0x0], $0xffff  }
0x3e: {  	v36 =	vld.idx.msk [tilespmem:v44+s12+$0x0], $0xffff  }
0x3f: {  	v37 =	vld.idx.msk [tilespmem:v45+s12+$0x0], $0xffff;
	_ =	sdelay $0x2  }
0x40: {  	v32 =	vsub.f32 v32, v33;
	v46 =	vsub.f32 v34, v35;
	_ =	sdelay $0x1  }
0x41: {  	v47 =	vsub.f32 v36, v37;
	v48 =	vmul.f32 v32, v32;
	v49 =	vmul.f32 v46, v46;
	_ =	sdelay $0x1  }
0x42: {  	v50 =	vmul.f32 v47, v47;
	v35 =	vadd.f32 v49, v48  }
0x43: {  	[tilespmem:v4+s15+$0x0] =	vst.idx.msk $0xffff, v32  }
0x44: {  	[tilespmem:v5+s15+$0x0] =	vst.idx.msk $0xffff, v46;
	v51 =	vadd.f32 v50, v35  }
0x45: {  	[tilespmem:v6+s15+$0x0] =	vst.idx.msk $0xffff, v47  }
0x46: {  	[tilespmem:v7+s15+$0x0] =	vst.idx.msk $0xffff, v51  }
0x47: {  	v32 =	vld [tilespmem:$0x20]  }
0x48: {  	v33 =	vld [tilespmem:$0xA0];
	_ =	sdelay $0x3  }
0x49: {  	v32 =	vshll.u32 v32, $0x2  }
0x4a: {  	v33 =	vshll.u32 v33, $0x2  }
0x4b: {  	v52 =	vor.u32 $0x1, v32  }
0x4c: {  	v53 =	vor.u32 $0x1, v33  }
0x4d: {  	v54 =	vor.u32 $0x2, v32  }
0x4e: {  	v55 =	vor.u32 $0x2, v33;
	v32 =	vld.idx.msk [tilespmem:v32+s12+$0x0], $0xffff  }
0x4f: {  	v33 =	vld.idx.msk [tilespmem:v33+s12+$0x0], $0xffff  }
0x50: {  	v34 =	vld.idx.msk [tilespmem:v52+s12+$0x0], $0xffff  }
0x51: {  	v35 =	vld.idx.msk [tilespmem:v53+s12+$0x0], $0xffff  }
0x52: {  	v36 =	vld.idx.msk [tilespmem:v54+s12+$0x0], $0xffff  }
0x53: {  	v37 =	vld.idx.msk [tilespmem:v55+s12+$0x0], $0xffff;
	_ =	sdelay $0x2  }
0x54: {  	v32 =	vsub.f32 v32, v33;
	v56 =	vsub.f32 v34, v35;
	_ =	sdelay $0x1  }
0x55: {  	v57 =	vsub.f32 v36, v37;
	v58 =	vmul.f32 v32, v32;
	v59 =	vmul.f32 v56, v56;
	_ =	sdelay $0x1  }
0x56: {  	v60 =	vmul.f32 v57, v57;
	v35 =	vadd.f32 v59, v58  }
0x57: {  	[tilespmem:v8+s15+$0x0] =	vst.idx.msk $0xffff, v32  }
0x58: {  	[tilespmem:v9+s15+$0x0] =	vst.idx.msk $0xffff, v56;
	v61 =	vadd.f32 v60, v35  }
0x59: {  	[tilespmem:v10+s15+$0x0] =	vst.idx.msk $0xffff, v57  }
0x5a: {  	[tilespmem:v11+s15+$0x0] =	vst.idx.msk $0xffff, v61  }
0x5b: {  	v32 =	vld [tilespmem:$0x30]  }
0x5c: {  	v33 =	vld [tilespmem:$0xB0];
	_ =	sdelay $0x3  }
0x5d: {  	v32 =	vshll.u32 v32, $0x2  }
0x5e: {  	v33 =	vshll.u32 v33, $0x2  }
0x5f: {  	v62 =	vor.u32 $0x1, v32  }
0x60: {  	v63 =	vor.u32 $0x1, v33  }
0x61: {  	v40 =	vor.u32 $0x2, v32  }
0x62: {  	v41 =	vor.u32 $0x2, v33;
	v32 =	vld.idx.msk [tilespmem:v32+s12+$0x0], $0xffff  }
0x63: {  	v33 =	vld.idx.msk [tilespmem:v33+s12+$0x0], $0xffff  }
0x64: {  	v34 =	vld.idx.msk [tilespmem:v62+s12+$0x0], $0xffff  }
0x65: {  	v35 =	vld.idx.msk [tilespmem:v63+s12+$0x0], $0xffff  }
0x66: {  	v36 =	vld.idx.msk [tilespmem:v40+s12+$0x0], $0xffff  }
0x67: {  	v37 =	vld.idx.msk [tilespmem:v41+s12+$0x0], $0xffff;
	_ =	sdelay $0x2  }
0x68: {  	v32 =	vsub.f32 v32, v33;
	v42 =	vsub.f32 v34, v35;
	_ =	sdelay $0x1  }
0x69: {  	v43 =	vsub.f32 v36, v37;
	v44 =	vmul.f32 v32, v32;
	v45 =	vmul.f32 v42, v42;
	_ =	sdelay $0x1  }
0x6a: {  	v46 =	vmul.f32 v43, v43;
	v35 =	vadd.f32 v45, v44  }
0x6b: {  	[tilespmem:v12+s15+$0x0] =	vst.idx.msk $0xffff, v32  }
0x6c: {  	[tilespmem:v13+s15+$0x0] =	vst.idx.msk $0xffff, v42;
	v47 =	vadd.f32 v46, v35  }
0x6d: {  	[tilespmem:v14+s15+$0x0] =	vst.idx.msk $0xffff, v43  }
0x6e: {  	[tilespmem:v15+s15+$0x0] =	vst.idx.msk $0xffff, v47  }
0x6f: {  	v32 =	vld [tilespmem:$0x40]  }
0x70: {  	v33 =	vld [tilespmem:$0xC0];
	_ =	sdelay $0x3  }
0x71: {  	v32 =	vshll.u32 v32, $0x2  }
0x72: {  	v33 =	vshll.u32 v33, $0x2  }
0x73: {  	v48 =	vor.u32 $0x1, v32  }
0x74: {  	v49 =	vor.u32 $0x1, v33  }
0x75: {  	v50 =	vor.u32 $0x2, v32  }
0x76: {  	v51 =	vor.u32 $0x2, v33;
	v32 =	vld.idx.msk [tilespmem:v32+s12+$0x0], $0xffff  }
0x77: {  	v33 =	vld.idx.msk [tilespmem:v33+s12+$0x0], $0xffff  }
0x78: {  	v34 =	vld.idx.msk [tilespmem:v48+s12+$0x0], $0xffff  }
0x79: {  	v35 =	vld.idx.msk [tilespmem:v49+s12+$0x0], $0xffff  }
0x7a: {  	v36 =	vld.idx.msk [tilespmem:v50+s12+$0x0], $0xffff  }
0x7b: {  	v37 =	vld.idx.msk [tilespmem:v51+s12+$0x0], $0xffff;
	_ =	sdelay $0x2  }
0x7c: {  	v32 =	vsub.f32 v32, v33;
	v52 =	vsub.f32 v34, v35;
	_ =	sdelay $0x1  }
0x7d: {  	v53 =	vsub.f32 v36, v37;
	v54 =	vmul.f32 v32, v32;
	v55 =	vmul.f32 v52, v52;
	_ =	sdelay $0x1  }
0x7e: {  	v56 =	vmul.f32 v53, v53;
	v35 =	vadd.f32 v55, v54  }
0x7f: {  	[tilespmem:v16+s15+$0x0] =	vst.idx.msk $0xffff, v32  }
0x80: {  	[tilespmem:v17+s15+$0x0] =	vst.idx.msk $0xffff, v52;
	v57 =	vadd.f32 v56, v35  }
0x81: {  	[tilespmem:v18+s15+$0x0] =	vst.idx.msk $0xffff, v53  }
0x82: {  	[tilespmem:v19+s15+$0x0] =	vst.idx.msk $0xffff, v57  }
0x83: {  	v32 =	vld [tilespmem:$0x50]  }
0x84: {  	v33 =	vld [tilespmem:$0xD0];
	_ =	sdelay $0x3  }
0x85: {  	v32 =	vshll.u32 v32, $0x2  }
0x86: {  	v33 =	vshll.u32 v33, $0x2  }
0x87: {  	v58 =	vor.u32 $0x1, v32  }
0x88: {  	v59 =	vor.u32 $0x1, v33  }
0x89: {  	v60 =	vor.u32 $0x2, v32  }
0x8a: {  	v61 =	vor.u32 $0x2, v33;
	v32 =	vld.idx.msk [tilespmem:v32+s12+$0x0], $0xffff  }
0x8b: {  	v33 =	vld.idx.msk [tilespmem:v33+s12+$0x0], $0xffff  }
0x8c: {  	v34 =	vld.idx.msk [tilespmem:v58+s12+$0x0], $0xffff  }
0x8d: {  	v35 =	vld.idx.msk [tilespmem:v59+s12+$0x0], $0xffff  }
0x8e: {  	v36 =	vld.idx.msk [tilespmem:v60+s12+$0x0], $0xffff  }
0x8f: {  	v37 =	vld.idx.msk [tilespmem:v61+s12+$0x0], $0xffff;
	_ =	sdelay $0x2  }
0x90: {  	v32 =	vsub.f32 v32, v33;
	v62 =	vsub.f32 v34, v35;
	_ =	sdelay $0x1  }
0x91: {  	v63 =	vsub.f32 v36, v37;
	v40 =	vmul.f32 v32, v32;
	v41 =	vmul.f32 v62, v62;
	_ =	sdelay $0x1  }
0x92: {  	v42 =	vmul.f32 v63, v63;
	v35 =	vadd.f32 v41, v40  }
0x93: {  	[tilespmem:v20+s15+$0x0] =	vst.idx.msk $0xffff, v32  }
0x94: {  	[tilespmem:v21+s15+$0x0] =	vst.idx.msk $0xffff, v62;
	v43 =	vadd.f32 v42, v35  }
0x95: {  	[tilespmem:v22+s15+$0x0] =	vst.idx.msk $0xffff, v63  }
0x96: {  	[tilespmem:v23+s15+$0x0] =	vst.idx.msk $0xffff, v43  }
0x97: {  	v32 =	vld [tilespmem:$0x60]  }
0x98: {  	v33 =	vld [tilespmem:$0xE0];
	_ =	sdelay $0x3  }
0x99: {  	v32 =	vshll.u32 v32, $0x2  }
0x9a: {  	v33 =	vshll.u32 v33, $0x2  }
0x9b: {  	v44 =	vor.u32 $0x1, v32  }
0x9c: {  	v45 =	vor.u32 $0x1, v33  }
0x9d: {  	v46 =	vor.u32 $0x2, v32  }
0x9e: {  	v47 =	vor.u32 $0x2, v33;
	v32 =	vld.idx.msk [tilespmem:v32+s12+$0x0], $0xffff  }
0x9f: {  	v33 =	vld.idx.msk [tilespmem:v33+s12+$0x0], $0xffff  }
0xa0: {  	v34 =	vld.idx.msk [tilespmem:v44+s12+$0x0], $0xffff  }
0xa1: {  	v35 =	vld.idx.msk [tilespmem:v45+s12+$0x0], $0xffff  }
0xa2: {  	v36 =	vld.idx.msk [tilespmem:v46+s12+$0x0], $0xffff  }
0xa3: {  	v37 =	vld.idx.msk [tilespmem:v47+s12+$0x0], $0xffff;
	_ =	sdelay $0x2  }
0xa4: {  	v32 =	vsub.f32 v32, v33;
	v48 =	vsub.f32 v34, v35;
	_ =	sdelay $0x1  }
0xa5: {  	v49 =	vsub.f32 v36, v37;
	v50 =	vmul.f32 v32, v32;
	v51 =	vmul.f32 v48, v48;
	_ =	sdelay $0x1  }
0xa6: {  	v52 =	vmul.f32 v49, v49;
	v35 =	vadd.f32 v51, v50  }
0xa7: {  	[tilespmem:v24+s15+$0x0] =	vst.idx.msk $0xffff, v32  }
0xa8: {  	[tilespmem:v25+s15+$0x0] =	vst.idx.msk $0xffff, v48;
	v53 =	vadd.f32 v52, v35  }
0xa9: {  	[tilespmem:v26+s15+$0x0] =	vst.idx.msk $0xffff, v49  }
0xaa: {  	[tilespmem:v27+s15+$0x0] =	vst.idx.msk $0xffff, v53  }
0xab: {  	v32 =	vld [tilespmem:$0x70]  }
0xac: {  	v33 =	vld [tilespmem:$0xF0];
	_ =	sdelay $0x3  }
0xad: {  	v32 =	vshll.u32 v32, $0x2  }
0xae: {  	v33 =	vshll.u32 v33, $0x2  }
0xaf: {  	v54 =	vor.u32 $0x1, v32  }
0xb0: {  	v55 =	vor.u32 $0x1, v33  }
0xb1: {  	v56 =	vor.u32 $0x2, v32  }
0xb2: {  	v57 =	vor.u32 $0x2, v33;
	v32 =	vld.idx.msk [tilespmem:v32+s12+$0x0], $0xffff  }
0xb3: {  	v33 =	vld.idx.msk [tilespmem:v33+s12+$0x0], $0xffff  }
0xb4: {  	v34 =	vld.idx.msk [tilespmem:v54+s12+$0x0], $0xffff  }
0xb5: {  	v35 =	vld.idx.msk [tilespmem:v55+s12+$0x0], $0xffff  }
0xb6: {  	v36 =	vld.idx.msk [tilespmem:v56+s12+$0x0], $0xffff  }
0xb7: {  	v37 =	vld.idx.msk [tilespmem:v57+s12+$0x0], $0xffff;
	_ =	sdelay $0x2  }
0xb8: {  	v32 =	vsub.f32 v32, v33;
	v58 =	vsub.f32 v34, v35;
	_ =	sdelay $0x1  }
0xb9: {  	v59 =	vsub.f32 v36, v37;
	v60 =	vmul.f32 v32, v32;
	v61 =	vmul.f32 v58, v58;
	_ =	sdelay $0x1  }
0xba: {  	v62 =	vmul.f32 v59, v59;
	v35 =	vadd.f32 v61, v60  }
0xbb: {  	[tilespmem:v28+s15+$0x0] =	vst.idx.msk $0xffff, v32  }
0xbc: {  	[tilespmem:v29+s15+$0x0] =	vst.idx.msk $0xffff, v58;
	v63 =	vadd.f32 v62, v35  }
0xbd: {  	s31 =	sand.u32 $0x1FFFF800, s17;
	p0 =	sne.s32 s19, $0x1;
	[tilespmem:v30+s15+$0x0] =	vst.idx.msk $0xffff, v59  }
.Ltmp0:
0xbe: {  	s20 =	sadd.s32 s6, s31;
	[tilespmem:v31+s15+$0x0] =	vst.idx.msk $0xffff, v63;
	(pc) =	sbr.rel @p0 .LBB2_2-.Ltmp0, $4  }
0xbf: {  	[hbm4b:s20+s1] =	stream.linear.scatter [tilespmem:s15], [sflag:$0x1], $0x4000, $0x38;
	[tilespmem:$0xE100] =	vst v63  }
0xc0: {  	_ =	swait.ge [sflag:s13], $0x4000  }
0xc1: {  	s18 =	sadd.s32 $0x1000, s18;
	[sflag:s13] =	ssyncset.done $0x0  }
0xc2: {  	s17 =	sadd.s32 $0x10000, s17;
	s19 =	sadd.s32 $0xFFFFFFFF, s19;
	[sflag:s13] =	ssyncadd.s32 $0xFFFFC000  }
0xc3: {  	s16 =	sadd.s32 $0x1, s16  }
0xc4: {  	p0 =	sne.s32 s16, s8  }
.Ltmp1:
0xc5: {  	_ = 	snop;
	(pc) =	sbr.rel @p0 .LBB2_1-.Ltmp1, $1  }
0xc6: {  	_ =	sdelay $0x3  }
0xc7: {  	_ =	sfence.sel $0x180000  }
0xc8: {  	[bflag:$0x0] =	sbarrier.arrive $0xFFFF  }
0xc9: {  	p0 =	sne.s32 s2, $0x0;
	_ =	strace $0x90000047  }
0xca: {  	s0 =	sadd.s32 @!p0 $0x100000, s0;
	[bflag:$0x2] =	sbarrier.arrive $0xFFFF  }
0xcb: {  	[sflag:s0] =	ssyncadd.tile.s32 @!p0 $0x1;
	_ =	shalt  }
.Lfunc_end2:
_tile_overlayer_lowered:
.L_overlay_start_2:
0xcc: {  	(tag) =	ssettag $0x2  }
0xcd: {  	s0 =	rddreg [dreg:$0x0];
	s2 =	stileid.u32  }
0xce: {  	s1 =	rddreg [dreg:$0x1];
	p0 =	sne.s32 s2, $0x0  }
0xcf: {  	s3 =	rddreg [dreg:$0x2];
	[bflag:$0x3] =	sbarrier.arrive $0xFFFF;
	s2 =	simm.s32 @!p0 $0x1C01  }
0xd0: {  	[timem:s3], [sflag:s2] =	dma.local @!p0 [hbm:s0], s1  }
0xd1: {  	s0 =	simm.s32 @!p0 $0x1  }
0xd2: {  	_ =	swait.ge @!p0 [sflag:s0], s1  }
0xd3: {  	s1 =	ssub.s32 @!p0 $0x0, s1;
	[sflag:s0] =	ssyncset.done @!p0 $0x0  }
0xd4: {  	[sflag:s0] =	ssyncadd.s32 @!p0 s1  }
0xd5: {  	[bflag:$0x3] =	sbarrier.arrive $0xFFFF  }
0xd6: {  	_ =	shalt  }

// kernel: kernel.13.cloned.1.call-start
scs
__scs_entry_jumppad:
0x0: {  	(pc) =	sbr.rel $0x88, $3  }
0x1: {  	(tag) =	ssettag $0x0;
	lr =	simm.s32 $0x1  }
0x2: {  	[smem:$0x3F7B] =	sst lr;
	_ =	strace $0xD0000000  }
0x3: {  	_ = 	snop  }
0x4: {  	_ = 	snop  }
0x5: {  	_ = 	snop  }
0x6: {  	_ = 	snop  }
0x7: {  	_ = 	snop  }
__scs_overlays_trampoline_lowered:
0x8: {  	[smem:$0x3F8A] =	sst s0  }
0x9: {  	[smem:$0x3F8B] =	sst s1  }
0xa: {  	[smem:$0x3F8C] =	sst s2  }
0xb: {  	[smem:$0x3F8D] =	sst s3  }
0xc: {  	[smem:$0x3F8E] =	sst s4  }
0xd: {  	[smem:$0x3F8F] =	sst s5  }
0xe: {  	[smem:$0x3F90] =	sst s6  }
0xf: {  	[smem:$0x3F91] =	sst s7  }
0x10: {  	[smem:$0x3F92] =	sst s8  }
0x11: {  	[smem:$0x3F93] =	sst s9;
	s0 =	simm.s32 @!p0 $0x0  }
0x12: {  	s1 =	sld [smem:$0x3F79];
	s0 =	simm.s32 @p0 $0x1  }
0x13: {  	[smem:$0x3F94] =	sst s0;
	s0 =	simm.s32 @!p1 $0x0  }
0x14: {  	s2 =	sld [smem:$0x3F78];
	s0 =	simm.s32 @p1 $0x1  }
0x15: {  	[smem:$0x3F95] =	sst s0;
	s0 =	simm.s32 @!p2 $0x0  }
0x16: {  	s3 =	sld [smem:$0x3FDB];
	s0 =	simm.s32 @p2 $0x1  }
0x17: {  	s4 =	simm.s32 $0x1BF5;
	[smem:$0x3F97] =	sst s0  }
0x18: {  	s0 =	sld [smem:$0x3F7A];
	_ =	swait.ge [sflag:s4], $0x0  }
0x19: {  	s7 =	sld [smem:$0x3F7B]  }
0x1a: {  	s8 =	sadd.s32 $0xFFFFE003, lr  }
0x1b: {  	s9 =	sadd.s32 $0xFFFFFEF7, lr;
	s5 =	simm.s32 $0xFFFFFFFF;
	p2 =	slt.u32 s8, $0xFFFFF086  }
0x1c: {  	p1 =	slt.u32 s9, $0xF7A;
	s5 =	simm.s32 @!p2 $0x0  }
0x1d: {  	s5 =	simm.s32 @p1 $0x1;
	p0 =	seq.s32 s7, s2  }
0x1e: {  	s7 =	smul.u32 @!p0 $0xF7A, s2;
	p2 =	seq.s32 @!p0 s5, $0x0  }
0x1f: {  	s9 =	smul.u32 $0xF7A, s1;
	s8 =	simm.s32 @!p0 $0x1BF5;
	p2 =	por !p2, p0  }
0x20: {  	[sflag:s8] =	ssyncset.s32 @!p0 $0xFFFFF086;
	s6 =	sadd.s32 @!p0 s3, s7;
	s7 =	simm.s32 @!p0 $0x108  }
0x21: {  	s3 =	sadd.s32 s3, s9;
	s6 =	sadd.s32 @!p0 $0x88, s6;
	s7 =	simm.s32 @p2 $0x1082  }
0x22: {  	[simem:s7], [sflag:s8] =	dma.local @!p0 [hbm:s6], $0xF7A  }
0x23: {  	s9 =	sor.u32 $0xD0000000, s2;
	s6 =	simm.s32 $0x108;
	_ =	swait.ge @!p0 [sflag:s8], $0x0  }
0x24: {  	s3 =	sadd.s32 $0x88, s3;
	s6 =	simm.s32 @!p1 $0x1082;
	[sflag:s4] =	ssyncset.s32 $0xFFFFF086  }
0x25: {  	[simem:s6], [sflag:s4] =	dma.local [hbm:s3], $0xF7A  }
0x26: {  	[smem:$0x3F7B] =	sst s1;
	(tag) =	ssettag s2;
	_ =	strace s9  }
0x27: {  	s1 =	sld [smem:$0x3F8B]  }
0x28: {  	s2 =	sld [smem:$0x3F8C]  }
0x29: {  	s4 =	sld [smem:$0x3F8E]  }
0x2a: {  	p0 =	seq.s32 s5, $0x0;
	s5 =	sld [smem:$0x3F8F]  }
0x2b: {  	s6 =	sld [smem:$0x3F90]  }
0x2c: {  	s7 =	sld [smem:$0x3F91]  }
0x2d: {  	s3 =	simm.s32 $0x108;
	s8 =	sld [smem:$0x3F92]  }
0x2e: {  	s3 =	simm.s32 @!p0 $0x1082;
	s9 =	sld [smem:$0x3F93]  }
0x2f: {  	lr =	sadd.s32 s0, s3;
	s0 =	sld [smem:$0x3F8A]  }
0x30: {  	s3 =	sld [smem:$0x3F8D]  }
0x31: {  	[smem:$0x3F96] =	sst s10  }
0x32: {  	s10 =	sld [smem:$0x3F94];
	_ =	sdelay $0x3  }
0x33: {  	p0 =	seq.s32 s10, $0x1;
	s10 =	sld [smem:$0x3F96];
	_ =	sdelay $0x3  }
0x34: {  	[smem:$0x3F96] =	sst s10  }
0x35: {  	s10 =	sld [smem:$0x3F95];
	_ =	sdelay $0x3  }
0x36: {  	p1 =	seq.s32 s10, $0x1;
	s10 =	sld [smem:$0x3F96];
	_ =	sdelay $0x3  }
0x37: {  	[smem:$0x3F96] =	sst s10  }
0x38: {  	s10 =	sld [smem:$0x3F97]  }
0x39: {  	_ = 	snop;
	(pc) =	sbr.ind lr, $3  }
0x3a: {  	_ = 	snop  }
0x3b: {  	_ = 	snop  }
0x3c: {  	p2 =	seq.s32 s10, $0x1;
	s10 =	sld [smem:$0x3F96]  }
0x3d: {  	_ =	shalt  }
0x3e: {  	_ =	shalt  }
0x3f: {  	_ =	shalt  }
0x40: {  	_ =	shalt  }
0x41: {  	_ =	shalt  }
0x42: {  	_ =	shalt  }
0x43: {  	_ =	shalt  }
0x44: {  	_ =	shalt  }
0x45: {  	_ =	shalt  }
0x46: {  	_ =	shalt  }
0x47: {  	_ =	shalt  }
0x48: {  	_ =	shalt  }
0x49: {  	_ =	shalt  }
0x4a: {  	_ =	shalt  }
0x4b: {  	_ =	shalt  }
0x4c: {  	_ =	shalt  }
0x4d: {  	_ =	shalt  }
0x4e: {  	_ =	shalt  }
0x4f: {  	_ =	shalt  }
0x50: {  	_ =	shalt  }
0x51: {  	_ =	shalt  }
0x52: {  	_ =	shalt  }
0x53: {  	_ =	shalt  }
0x54: {  	_ =	shalt  }
0x55: {  	_ =	shalt  }
0x56: {  	_ =	shalt  }
0x57: {  	_ =	shalt  }
0x58: {  	_ =	shalt  }
0x59: {  	_ =	shalt  }
0x5a: {  	_ =	shalt  }
0x5b: {  	_ =	shalt  }
0x5c: {  	_ =	shalt  }
0x5d: {  	_ =	shalt  }
0x5e: {  	_ =	shalt  }
0x5f: {  	_ =	shalt  }
0x60: {  	_ =	shalt  }
0x61: {  	_ =	shalt  }
0x62: {  	_ =	shalt  }
0x63: {  	_ =	shalt  }
0x64: {  	_ =	shalt  }
0x65: {  	_ =	shalt  }
0x66: {  	_ =	shalt  }
0x67: {  	_ =	shalt  }
0x68: {  	_ =	shalt  }
0x69: {  	_ =	shalt  }
0x6a: {  	_ =	shalt  }
0x6b: {  	_ =	shalt  }
0x6c: {  	_ =	shalt  }
0x6d: {  	_ =	shalt  }
0x6e: {  	_ =	shalt  }
0x6f: {  	_ =	shalt  }
0x70: {  	_ =	shalt  }
0x71: {  	_ =	shalt  }
0x72: {  	_ =	shalt  }
0x73: {  	_ =	shalt  }
0x74: {  	_ =	shalt  }
0x75: {  	_ =	shalt  }
0x76: {  	_ =	shalt  }
0x77: {  	_ =	shalt  }
0x78: {  	_ =	shalt  }
0x79: {  	_ =	shalt  }
0x7a: {  	_ =	shalt  }
0x7b: {  	_ =	shalt  }
0x7c: {  	_ =	shalt  }
0x7d: {  	_ =	shalt  }
0x7e: {  	_ =	shalt  }
0x7f: {  	_ =	shalt  }
0x80: {  	_ =	shalt  }
0x81: {  	_ =	shalt  }
0x82: {  	_ =	shalt  }
0x83: {  	_ =	shalt  }
0x84: {  	_ =	shalt  }
0x85: {  	_ =	shalt  }
0x86: {  	_ =	shalt  }
0x87: {  	_ =	shalt  }
.Lfunc_end0:
.L_simem_size_0:
called_computation.2_lowered:
.L_overlay_start_0:
0x88: {  	s2 =	sld [smem:$0x3FD9]  }
0x89: {  	s3 =	sld [smem:$0x3FFE];
	_ =	sdelay $0x1  }
0x8a: {  	s1 =	srdreg.scid  }
0x8b: {  	s0 =	sand.u32 $0x1, s1  }
0x8c: {  	s17 =	sshll.u32 s0, $0xA;
	s2 =	sadd.s32 s3, s2  }
0x8d: {  	s2 =	sadd.s32 s2, s17  }
0x8e: {  	[smem:$0x3FA2] =	sst s2  }
0x8f: {  	_ = 	snop  }
0x90: {  	(tm) =	ssettm $0x1  }
0x91: {  	s18 =	sld [smem:$0x3FFB];
	_ =	sdelay $0x3  }
0x92: {  	_ =	strace s18  }
0x93: {  	s2 =	sld [smem:$0x3FFC];
	_ =	sdelay $0x3  }
0x94: {  	_ =	strace s2  }
0x95: {  	s2 =	sld [smem:$0x3FFD];
	_ =	sdelay $0x3  }
0x96: {  	_ =	strace s2  }
0x97: {  	_ =	strace $0x8FFFFFFF  }
0x98: {  	s19 =	sld [smem:$0x3FDB];
	_ =	sdelay $0x1  }
0x99: {  	s20 =	simm.s32 $_scs_section_size  }
0x9a: {  	s4 =	simm.s32 $_size__tile_overlayer_lowered;
	s5 =	simm.s32 $_tile_overlayer_lowered  }
0x9b: {  	s6 =	simm.s32 $0x1BFF;
	s21 =	sshll.u32 s5, $0x1;
	s3 =	sadd.s32 s20, s19  }
0x9c: {  	s22 =	simm.s32 $0x0;
	s4 =	sshll.u32 s4, $0x1;
	s5 =	sadd.s32 s21, s3  }
0x9d: {  	[timem:s22], [sflag:s6] =	dma.local [hbm:s5], s4  }
0x9e: {  	_ =	swait.ge [sflag:s6], s4  }
0x9f: {  	s4 =	ssub.s32 $0x0, s4;
	[sflag:s6] =	ssyncset.done $0x0  }
0xa0: {  	[sflag:s6] =	ssyncadd.s32 s4;
	_ =	sdelay $0x1  }
0xa1: {  	s23 =	simm.s32 $0x1B8B  }
0xa2: {  	_ =	swait.ge [sflag:s23], $0x1  }
0xa3: {  	[sflag:s23] =	ssyncset.done $0x0  }
0xa4: {  	[sflag:s23] =	ssyncadd.s32 $0xFFFFFFFF  }
0xa5: {  	s4 =	sld [smem:$0x0]  }
0xa6: {  	s5 =	sand.u32 $0xFFFFFFFE, s1  }
0xa7: {  	p0 =	sne.s32 s1, s5  }
0xa8: {  	s5 =	sshll.u32 @p0 s5, $0xE  }
0xa9: {  	s5 =	sadd.s32 @p0 $0x11B8D, s5;
	s6 =	sshll.u32 @p0 s4, $0x11  }
0xaa: {  	s5 =	sor.u32 @p0 s6, s5  }
0xab: {  	[sflag:s5] =	ssyncadd.remote.s32 @p0 $0x1;
	_ =	sdelay $0x1  }
0xac: {  	s5 =	simm.s32 @p0 $0x1B8D  }
0xad: {  	_ =	swait.eq @p0 [sflag:s5], $0x1  }
0xae: {  	[sflag:s5] =	ssyncadd.s32 @p0 $0xFFFFFFFF  }
0xaf: {  	s6 =	sshll.u32 @!p0 s1, $0xE  }
0xb0: {  	s6 =	sor.u32 @!p0 $0x4000, s6;
	s5 =	simm.s32 @!p0 $0x1B8D  }
0xb1: {  	s4 =	sshll.u32 @!p0 s4, $0x11;
	s6 =	sadd.s32 @!p0 $0x11B8D, s6;
	_ =	swait.eq @!p0 [sflag:s5], $0x1  }
0xb2: {  	s4 =	sor.u32 @!p0 s4, s6;
	[sflag:s5] =	ssyncadd.s32 @!p0 $0xFFFFFFFF  }
0xb3: {  	s25 =	simm.s32 $0x1B8E;
	s24 =	sld [smem:$0x3FFE];
	[sflag:s4] =	ssyncadd.remote.s32 @!p0 $0x1  }
0xb4: {  	s26 =	simm.s32 $execute0_lowered;
	[smem:$0x3FD2] =	sst s25  }
0xb5: {  	s5 =	sshll.u32 s26, $0x1;
	_ =	strace $0x8000004F;
	[dreg:$0x1] =	wrdreg $0xFFFFFFFF  }
0xb6: {  	s28 =	simm.s32 $_size_execute0_lowered;
	s3 =	sadd.s32 s3, s5;
	[dreg:$0x0] =	wrdreg $0x0  }
0xb7: {  	s5 =	sshll.u32 s28, $0x1;
	[dreg:$0x2] =	wrdreg s3  }
0xb8: {  	[dreg:$0x3] =	wrdreg s5  }
0xb9: {  	[dreg:$0x4] =	wrdreg $0xC0  }
0xba: {  	_ =	task [dreg:s22], $0x5FFFF  }
0xbb: {  	[dreg:$0x1] =	wrdreg $0xFFFFFFFF  }
0xbc: {  	[dreg:$0x0] =	wrdreg $0x60  }
0xbd: {  	[dreg:$0x2] =	wrdreg s24  }
0xbe: {  	[dreg:$0x3] =	wrdreg $0x40800  }
0xbf: {  	[dreg:$0x4] =	wrdreg $0x9  }
0xc0: {  	_ =	task.clear_ibuf [dreg:s22], $0x5FFFF;
	_ =	strace $0x9000004F  }
0xc1: {  	s29 =	simm.s32 $0x9;
	_ =	strace $0x80000051  }
0xc2: {  	_ =	swait.ge [sflag:s29], $0x1  }
0xc3: {  	[sflag:s29] =	ssyncadd.s32 $0xFFFFFFFF  }
0xc4: {  	_ =	strace $0x90000051  }
0xc5: {  	_ =	sfence  }
0xc6: {  	s30 =	sld [smem:$0x0];
	_ =	sdelay $0x2  }
0xc7: {  	s31 =	sshll.u32 s1, $0xD;
	s1 =	sshrl.u32 s1, $0x2  }
0xc8: {  	s4 =	sand.u32 $0x4000, s31;
	s1 =	sadd.s32 s1, s30  }
0xc9: {  	s0 =	sor.u32 s4, s0;
	s1 =	sshll.u32 s1, $0x11  }
0xca: {  	s0 =	sor.u32 s1, s0  }
0xcb: {  	s0 =	sadd.s32 $0x8F2B, s0  }
0xcc: {  	[sflag:s0] =	ssyncadd.remote.s32 $0x1  }
0xcd: {  	_ =	sfence.sel $0xFFFF  }
0xce: {  	[dreg:$0x0] =	wrdreg $0xFFFFFFFF;
	(pc) =	sbr.abs _section_cstart, $3  }
0xcf: {  	[dreg:$0x1] =	wrdreg $0xFFFFFFFF  }
0xd0: {  	_ =	task.clear_ibuf [dreg:s22], $0x2FFFF;
	_ =	strace $0x9FFFFFFF  }
0xd1: {  	(tm) =	ssettm $0x7FFFFFFF  }
tec
execute0_lowered:
.L_overlay_start_1:
0x0: {  	(tag) =	ssettag $0x1  }
0x1: {  	s6 =	rddreg [dreg:$0x0]  }
0x2: {  	s2 =	rddreg [dreg:$0x1]  }
0x3: {  	s0 =	rddreg [dreg:$0x2]  }
0x4: {  	s1 =	stileid.u32;
	s4 =	srdreg.scid;
	s3 =	simm.s32 $0x0  }
0x5: {  	s7 =	smul.u32 $0x14000, s1;
	s12 =	sand.u32 $0x1, s4;
	[smem:$0x7FF] =	sst s3  }
0x6: {  	s4 =	sadd.s32 $0xEA00, s6;
	s5 =	sadd.s32 $0x13C8E00, s6;
	s10 =	smul.u32 $0x50000, s1  }
0x7: {  	s24 =	sshll.u32 s1, $0x1;
	s28 =	sshll.u32 s1, $0x6;
	s31 =	sshll.u32 s1, $0x8  }
0x8: {  	s16 =	sshll.u32 s1, $0xC;
	s8 =	smul.u32 $0x140000, s12;
	_ =	strace $0x80000050  }
0x9: {  	s22 =	ssub.s32 $0x2, s12;
	s26 =	sor.u32 s12, s24;
	s15 =	sshll.u32 s12, $0x7  }
0xa: {  	s17 =	sshll.u32 s12, $0xB;
	s9 =	sshrl.u32 s7, $0x3;
	s23 =	sshrl.u32 s22, $0x1  }
0xb: {  	s25 =	sshrl.u32 s10, $0x2;
	s29 =	sshll.u32 s26, $0x7;
	s30 =	ssub.s32 $0x9E3, s26  }
0xc: {  	s12 =	sor.u32 s15, s31;
	s15 =	simm.s32 $0x1;
	s7 =	sadd.s32 s7, s8  }
0xd: {  	s9 =	sadd.s32 s9, s6;
	s13 =	ssub.s32 s22, s23;
	s14 =	sadd.s32 s25, s2  }
0xe: {  	s8 =	sand.u32 $0x380, s29;
	s7 =	sshrl.u32 s7, $0x3;
	s10 =	smax.u32 s13, $0x1  }
0xf: {  	s13 =	sor.u32 s17, s16;
	s14 =	sshrl.u32 s14, $0x3;
	s16 =	simm.s32 $0x80  }
0x10: {  	s17 =	simm.s32 $0x0;
	s11 =	sadd.s32 s7, s6;
	s6 =	sadd.s32 $0xF0EE00, s9  }
0x11: {  	s7 =	sor.u32 $0x1C01, s28;
	s9 =	sadd.s32 $0xF36E00, s11;
	s11 =	sshrl.u32 s30, $0x5  }
.LBB2_1:
0x12: {  	[spmem:s14], [sflag:s7] =	dma.local [hbm:s6], $0x2800  }
0x13: {  	p1 =	sne.s32 s11, $0x1  }
.Ltmp0:
0x14: {  	_ =	swait.ge [sflag:s15], $0x2800;
	(pc) =	sbr.rel @!p1 .LBB2_2-.Ltmp0, $4  }
0x15: {  	[sflag:s15] =	ssyncset.done $0x0  }
0x16: {  	s18 =	sand.u32 $0xFFFFFC00, s12;
	[sflag:s15] =	ssyncadd.s32 $0xFFFFD800  }
0x17: {  	s18 =	sor.u32 s8, s18;
	[bflag:$0x0] =	sbarrier.arrive $0xFFFF  }
0x18: {  	s19 =	sadd.s32 $0xFFFFFFFF, s11;
	p0 =	por $0x0, $0x0;
	s21 =	sshrl.u32 s18, $0x3  }
0x19: {  	s18 =	sadd.s32 s4, s21  }
0x1a: {  	[tilespmem:s3], [sflag:$0x1] =	stream.linear.gather [hbm4b:s18+s3], $0x80, $0x38;
	[tilespmem:$0x18080] =	vst v63  }
0x1b: {  	_ =	swait.ge [sflag:s15], $0x80  }
0x1c: {  	s29 =	sand.u32 $0x1FFFF800, s13;
	[sflag:s15] =	ssyncset.done $0x0  }
0x1d: {  	s18 =	sadd.s32 s5, s29;
	[sflag:s15] =	ssyncadd.s32 $0xFFFFFF80  }
0x1e: {  	[tilespmem:s16], [sflag:$0x1] =	stream.linear.gather [hbm4b:s18+s3], $0x4000, $0x38;
	[tilespmem:$0x18080] =	vst v63  }
0x1f: {  	p1 =	sne.s32 s19, $0x1;
	_ =	swait.ge [sflag:s15], $0x4000  }
.Ltmp1:
0x20: {  	s18 =	sadd.s32 $0x1000, s12;
	[sflag:s15] =	ssyncset.done $0x0;
	(pc) =	sbr.rel @!p1 .LBB2_4-.Ltmp1, $4  }
0x21: {  	s20 =	sadd.s32 $0xFFFFFFFF, s19;
	s30 =	sand.u32 $0xFFFFFC00, s18;
	[sflag:s15] =	ssyncadd.s32 $0xFFFFC000  }
0x22: {  	[spmem:s2] =	stream.indirect.scatter.add.f32 [tilespmem:s16], [sflag:$0x1], $0x80, s3, s16, $0xb8;
	[tilespmem:$0x18080] =	vst v63  }
0x23: {  	p0 =	por $0x1, $0x1;
	s31 =	sor.u32 s8, s30;
	_ =	swait.ge [sflag:s15], $0x4000  }
0x24: {  	s19 =	smov.u32 s13;
	s21 =	sshrl.u32 s31, $0x3;
	[sflag:s15] =	ssyncset.done $0x0  }
.LBB2_5:
0x25: {  	s21 =	sadd.s32 s4, s21;
	[sflag:s15] =	ssyncadd.s32 $0xFFFFC000;
	s19 =	sadd.s32 $0x10000, s19  }
0x26: {  	[tilespmem:s3], [sflag:$0x1] =	stream.linear.gather [hbm4b:s21+s3], $0x80, $0x38;
	[tilespmem:$0x18080] =	vst v63  }
0x27: {  	p1 =	sne.s32 s20, $0x1;
	s20 =	sadd.s32 $0xFFFFFFFF, s20;
	_ =	swait.ge [sflag:s15], $0x80  }
0x28: {  	s21 =	sand.u32 $0x1FFFF800, s19;
	[sflag:s15] =	ssyncset.done $0x0  }
0x29: {  	s21 =	sadd.s32 s5, s21;
	[sflag:s15] =	ssyncadd.s32 $0xFFFFFF80  }
0x2a: {  	[tilespmem:s16], [sflag:$0x1] =	stream.linear.gather [hbm4b:s21+s3], $0x4000, $0x38;
	[tilespmem:$0x18080] =	vst v63  }
0x2b: {  	_ =	swait.ge [sflag:s15], $0x4000  }
.Ltmp2:
0x2c: {  	s18 =	sadd.s32 $0x1000, s18;
	[sflag:s15] =	ssyncset.done $0x0;
	(pc) =	sbr.rel @p1 .LBB2_5-.Ltmp2, $4  }
0x2d: {  	s21 =	sand.u32 $0xFFFFFC00, s18;
	[sflag:s15] =	ssyncadd.s32 $0xFFFFC000  }
0x2e: {  	[spmem:s2] =	stream.indirect.scatter.add.f32 [tilespmem:s16], [sflag:$0x1], $0x80, s3, s16, $0xb8;
	[tilespmem:$0x18080] =	vst v63  }
0x2f: {  	s21 =	sor.u32 s8, s21;
	_ =	swait.ge [sflag:s15], $0x4000  }
0x30: {  	s21 =	sshrl.u32 s21, $0x3;
	[sflag:s15] =	ssyncset.done $0x0  }
.LBB2_6:
0x31: {  	s18 =	sadd.s32 s4, s21;
	[sflag:s15] =	ssyncadd.s32 @p0 $0xFFFFC000  }
0x32: {  	[tilespmem:s3], [sflag:$0x1] =	stream.linear.gather [hbm4b:s18+s3], $0x80, $0x38;
	[tilespmem:$0x18080] =	vst v63  }
0x33: {  	s19 =	sadd.s32 @p0 $0x10000, s19;
	s18 =	smov.u32 s13  }
0x34: {  	_ =	swait.ge [sflag:s15], $0x80;
	s18 =	smov.u32 @p0 s19  }
0x35: {  	[sflag:s15] =	ssyncset.done $0x0;
	s18 =	sand.u32 $0x1FFFF800, s18  }
0x36: {  	[sflag:s15] =	ssyncadd.s32 $0xFFFFFF80;
	s18 =	sadd.s32 s5, s18  }
0x37: {  	[tilespmem:s16], [sflag:$0x1] =	stream.linear.gather [hbm4b:s18+s3], $0x4000, $0x38;
	[tilespmem:$0x18080] =	vst v63  }
0x38: {  	_ =	swait.ge [sflag:s15], $0x4000  }
0x39: {  	[sflag:s15] =	ssyncset.done $0x0  }
0x3a: {  	[sflag:s15] =	ssyncadd.s32 $0xFFFFC000  }
0x3b: {  	[spmem:s2] =	stream.indirect.scatter.add.f32 [tilespmem:s16], [sflag:$0x1], $0x80, s3, s16, $0xb8;
	[tilespmem:$0x18080] =	vst v63  }
0x3c: {  	_ =	swait.ge [sflag:s15], $0x4000  }
0x3d: {  	[sflag:s15] =	ssyncset.done $0x0  }
0x3e: {  	s17 =	sadd.s32 $0x1, s17;
	[sflag:s15] =	ssyncadd.s32 $0xFFFFC000  }
0x3f: {  	p0 =	sne.s32 s17, s10;
	[bflag:$0x0] =	sbarrier.arrive $0xFFFF  }
0x40: {  	[hbm:s9], [sflag:s7] =	dma.local [spmem:s14], $0x2800  }
.Ltmp3:
0x41: {  	_ = 	snop;
	(pc) =	sbr.rel @p0 .LBB2_1-.Ltmp3, $4  }
.Ltmp4:
0x42: {  	_ = 	snop;
	(pc) =	sbr.rel @!p0 .LBB2_7-.Ltmp4, $4  }
0x43: {  	_ =	swait.ge [sflag:s15], $0x2800  }
0x44: {  	[sflag:s15] =	ssyncset.done $0x0  }
0x45: {  	[sflag:s15] =	ssyncadd.s32 $0xFFFFD800  }
0x46: {  	_ = 	snop  }
.LBB2_2:
.Ltmp5:
0x47: {  	(pc) =	sbr.rel .LBB2_6-.Ltmp5, $2  }
0x48: {  	_ =	sdelay $0x2  }
0x49: {  	s19 =	smov.u32 s13  }
.LBB2_4:
.Ltmp6:
0x4a: {  	(pc) =	sbr.rel .LBB2_6-.Ltmp6, $2  }
0x4b: {  	_ =	sdelay $0x2  }
0x4c: {  	s19 =	smov.u32 s13  }
.LBB2_7:
0x4d: {  	_ =	sfence.sel $0x180000  }
0x4e: {  	[bflag:$0x0] =	sbarrier.arrive $0xFFFF  }
0x4f: {  	p0 =	sne.s32 s1, $0x0;
	_ =	strace $0x90000050  }
0x50: {  	s0 =	sadd.s32 @!p0 $0x100000, s0;
	[bflag:$0x2] =	sbarrier.arrive $0xFFFF  }
0x51: {  	[sflag:s0] =	ssyncadd.tile.s32 @!p0 $0x1;
	_ =	shalt  }
.Lfunc_end2:
_tile_overlayer_lowered:
.L_overlay_start_2:
0x52: {  	(tag) =	ssettag $0x2  }
0x53: {  	s0 =	rddreg [dreg:$0x0];
	s2 =	stileid.u32  }
0x54: {  	s1 =	rddreg [dreg:$0x1];
	p0 =	sne.s32 s2, $0x0  }
0x55: {  	s3 =	rddreg [dreg:$0x2];
	[bflag:$0x3] =	sbarrier.arrive $0xFFFF;
	s2 =	simm.s32 @!p0 $0x1C01  }
0x56: {  	[timem:s3], [sflag:s2] =	dma.local @!p0 [hbm:s0], s1  }
0x57: {  	s0 =	simm.s32 @!p0 $0x1  }
0x58: {  	_ =	swait.ge @!p0 [sflag:s0], s1  }
0x59: {  	s1 =	ssub.s32 @!p0 $0x0, s1;
	[sflag:s0] =	ssyncset.done @!p0 $0x0  }
0x5a: {  	[sflag:s0] =	ssyncadd.s32 @!p0 s1  }
0x5b: {  	[bflag:$0x3] =	sbarrier.arrive $0xFFFF  }
0x5c: {  	_ =	shalt  }

// kernel: kernel.16.cloned.1.call-start
scs
__scs_entry_jumppad:
0x0: {  	(pc) =	sbr.rel $0x88, $3  }
0x1: {  	(tag) =	ssettag $0x0;
	lr =	simm.s32 $0x1  }
0x2: {  	[smem:$0x3F7B] =	sst lr;
	_ =	strace $0xD0000000  }
0x3: {  	_ = 	snop  }
0x4: {  	_ = 	snop  }
0x5: {  	_ = 	snop  }
0x6: {  	_ = 	snop  }
0x7: {  	_ = 	snop  }
__scs_overlays_trampoline_lowered:
0x8: {  	[smem:$0x3F8A] =	sst s0  }
0x9: {  	[smem:$0x3F8B] =	sst s1  }
0xa: {  	[smem:$0x3F8C] =	sst s2  }
0xb: {  	[smem:$0x3F8D] =	sst s3  }
0xc: {  	[smem:$0x3F8E] =	sst s4  }
0xd: {  	[smem:$0x3F8F] =	sst s5  }
0xe: {  	[smem:$0x3F90] =	sst s6  }
0xf: {  	[smem:$0x3F91] =	sst s7  }
0x10: {  	[smem:$0x3F92] =	sst s8  }
0x11: {  	[smem:$0x3F93] =	sst s9;
	s0 =	simm.s32 @!p0 $0x0  }
0x12: {  	s1 =	sld [smem:$0x3F79];
	s0 =	simm.s32 @p0 $0x1  }
0x13: {  	[smem:$0x3F94] =	sst s0;
	s0 =	simm.s32 @!p1 $0x0  }
0x14: {  	s2 =	sld [smem:$0x3F78];
	s0 =	simm.s32 @p1 $0x1  }
0x15: {  	[smem:$0x3F95] =	sst s0;
	s0 =	simm.s32 @!p2 $0x0  }
0x16: {  	s3 =	sld [smem:$0x3FDB];
	s0 =	simm.s32 @p2 $0x1  }
0x17: {  	s4 =	simm.s32 $0x1BF5;
	[smem:$0x3F97] =	sst s0  }
0x18: {  	s0 =	sld [smem:$0x3F7A];
	_ =	swait.ge [sflag:s4], $0x0  }
0x19: {  	s7 =	sld [smem:$0x3F7B]  }
0x1a: {  	s8 =	sadd.s32 $0xFFFFE003, lr  }
0x1b: {  	s9 =	sadd.s32 $0xFFFFFEF7, lr;
	s5 =	simm.s32 $0xFFFFFFFF;
	p2 =	slt.u32 s8, $0xFFFFF086  }
0x1c: {  	p1 =	slt.u32 s9, $0xF7A;
	s5 =	simm.s32 @!p2 $0x0  }
0x1d: {  	s5 =	simm.s32 @p1 $0x1;
	p0 =	seq.s32 s7, s2  }
0x1e: {  	s7 =	smul.u32 @!p0 $0xF7A, s2;
	p2 =	seq.s32 @!p0 s5, $0x0  }
0x1f: {  	s9 =	smul.u32 $0xF7A, s1;
	s8 =	simm.s32 @!p0 $0x1BF5;
	p2 =	por !p2, p0  }
0x20: {  	[sflag:s8] =	ssyncset.s32 @!p0 $0xFFFFF086;
	s6 =	sadd.s32 @!p0 s3, s7;
	s7 =	simm.s32 @!p0 $0x108  }
0x21: {  	s3 =	sadd.s32 s3, s9;
	s6 =	sadd.s32 @!p0 $0x88, s6;
	s7 =	simm.s32 @p2 $0x1082  }
0x22: {  	[simem:s7], [sflag:s8] =	dma.local @!p0 [hbm:s6], $0xF7A  }
0x23: {  	s9 =	sor.u32 $0xD0000000, s2;
	s6 =	simm.s32 $0x108;
	_ =	swait.ge @!p0 [sflag:s8], $0x0  }
0x24: {  	s3 =	sadd.s32 $0x88, s3;
	s6 =	simm.s32 @!p1 $0x1082;
	[sflag:s4] =	ssyncset.s32 $0xFFFFF086  }
0x25: {  	[simem:s6], [sflag:s4] =	dma.local [hbm:s3], $0xF7A  }
0x26: {  	[smem:$0x3F7B] =	sst s1;
	(tag) =	ssettag s2;
	_ =	strace s9  }
0x27: {  	s1 =	sld [smem:$0x3F8B]  }
0x28: {  	s2 =	sld [smem:$0x3F8C]  }
0x29: {  	s4 =	sld [smem:$0x3F8E]  }
0x2a: {  	p0 =	seq.s32 s5, $0x0;
	s5 =	sld [smem:$0x3F8F]  }
0x2b: {  	s6 =	sld [smem:$0x3F90]  }
0x2c: {  	s7 =	sld [smem:$0x3F91]  }
0x2d: {  	s3 =	simm.s32 $0x108;
	s8 =	sld [smem:$0x3F92]  }
0x2e: {  	s3 =	simm.s32 @!p0 $0x1082;
	s9 =	sld [smem:$0x3F93]  }
0x2f: {  	lr =	sadd.s32 s0, s3;
	s0 =	sld [smem:$0x3F8A]  }
0x30: {  	s3 =	sld [smem:$0x3F8D]  }
0x31: {  	[smem:$0x3F96] =	sst s10  }
0x32: {  	s10 =	sld [smem:$0x3F94];
	_ =	sdelay $0x3  }
0x33: {  	p0 =	seq.s32 s10, $0x1;
	s10 =	sld [smem:$0x3F96];
	_ =	sdelay $0x3  }
0x34: {  	[smem:$0x3F96] =	sst s10  }
0x35: {  	s10 =	sld [smem:$0x3F95];
	_ =	sdelay $0x3  }
0x36: {  	p1 =	seq.s32 s10, $0x1;
	s10 =	sld [smem:$0x3F96];
	_ =	sdelay $0x3  }
0x37: {  	[smem:$0x3F96] =	sst s10  }
0x38: {  	s10 =	sld [smem:$0x3F97]  }
0x39: {  	_ = 	snop;
	(pc) =	sbr.ind lr, $3  }
0x3a: {  	_ = 	snop  }
0x3b: {  	_ = 	snop  }
0x3c: {  	p2 =	seq.s32 s10, $0x1;
	s10 =	sld [smem:$0x3F96]  }
0x3d: {  	_ =	shalt  }
0x3e: {  	_ =	shalt  }
0x3f: {  	_ =	shalt  }
0x40: {  	_ =	shalt  }
0x41: {  	_ =	shalt  }
0x42: {  	_ =	shalt  }
0x43: {  	_ =	shalt  }
0x44: {  	_ =	shalt  }
0x45: {  	_ =	shalt  }
0x46: {  	_ =	shalt  }
0x47: {  	_ =	shalt  }
0x48: {  	_ =	shalt  }
0x49: {  	_ =	shalt  }
0x4a: {  	_ =	shalt  }
0x4b: {  	_ =	shalt  }
0x4c: {  	_ =	shalt  }
0x4d: {  	_ =	shalt  }
0x4e: {  	_ =	shalt  }
0x4f: {  	_ =	shalt  }
0x50: {  	_ =	shalt  }
0x51: {  	_ =	shalt  }
0x52: {  	_ =	shalt  }
0x53: {  	_ =	shalt  }
0x54: {  	_ =	shalt  }
0x55: {  	_ =	shalt  }
0x56: {  	_ =	shalt  }
0x57: {  	_ =	shalt  }
0x58: {  	_ =	shalt  }
0x59: {  	_ =	shalt  }
0x5a: {  	_ =	shalt  }
0x5b: {  	_ =	shalt  }
0x5c: {  	_ =	shalt  }
0x5d: {  	_ =	shalt  }
0x5e: {  	_ =	shalt  }
0x5f: {  	_ =	shalt  }
0x60: {  	_ =	shalt  }
0x61: {  	_ =	shalt  }
0x62: {  	_ =	shalt  }
0x63: {  	_ =	shalt  }
0x64: {  	_ =	shalt  }
0x65: {  	_ =	shalt  }
0x66: {  	_ =	shalt  }
0x67: {  	_ =	shalt  }
0x68: {  	_ =	shalt  }
0x69: {  	_ =	shalt  }
0x6a: {  	_ =	shalt  }
0x6b: {  	_ =	shalt  }
0x6c: {  	_ =	shalt  }
0x6d: {  	_ =	shalt  }
0x6e: {  	_ =	shalt  }
0x6f: {  	_ =	shalt  }
0x70: {  	_ =	shalt  }
0x71: {  	_ =	shalt  }
0x72: {  	_ =	shalt  }
0x73: {  	_ =	shalt  }
0x74: {  	_ =	shalt  }
0x75: {  	_ =	shalt  }
0x76: {  	_ =	shalt  }
0x77: {  	_ =	shalt  }
0x78: {  	_ =	shalt  }
0x79: {  	_ =	shalt  }
0x7a: {  	_ =	shalt  }
0x7b: {  	_ =	shalt  }
0x7c: {  	_ =	shalt  }
0x7d: {  	_ =	shalt  }
0x7e: {  	_ =	shalt  }
0x7f: {  	_ =	shalt  }
0x80: {  	_ =	shalt  }
0x81: {  	_ =	shalt  }
0x82: {  	_ =	shalt  }
0x83: {  	_ =	shalt  }
0x84: {  	_ =	shalt  }
0x85: {  	_ =	shalt  }
0x86: {  	_ =	shalt  }
0x87: {  	_ =	shalt  }
.Lfunc_end0:
.L_simem_size_0:
called_computation.3_lowered:
.L_overlay_start_0:
0x88: {  	s2 =	sld [smem:$0x3FD9]  }
0x89: {  	s3 =	sld [smem:$0x3FFE];
	_ =	sdelay $0x1  }
0x8a: {  	s1 =	srdreg.scid  }
0x8b: {  	s0 =	sand.u32 $0x1, s1  }
0x8c: {  	s16 =	sshll.u32 s0, $0xA;
	s2 =	sadd.s32 s3, s2  }
0x8d: {  	s2 =	sadd.s32 s2, s16  }
0x8e: {  	[smem:$0x3FA2] =	sst s2  }
0x8f: {  	_ = 	snop  }
0x90: {  	(tm) =	ssettm $0x1  }
0x91: {  	s17 =	sld [smem:$0x3FFB];
	_ =	sdelay $0x3  }
0x92: {  	_ =	strace s17  }
0x93: {  	s2 =	sld [smem:$0x3FFC];
	_ =	sdelay $0x3  }
0x94: {  	_ =	strace s2  }
0x95: {  	s2 =	sld [smem:$0x3FFD];
	_ =	sdelay $0x3  }
0x96: {  	_ =	strace s2  }
0x97: {  	_ =	strace $0x8FFFFFFF  }
0x98: {  	s18 =	sld [smem:$0x3FDB];
	_ =	sdelay $0x1  }
0x99: {  	s19 =	simm.s32 $_scs_section_size  }
0x9a: {  	s4 =	simm.s32 $_size__tile_overlayer_lowered;
	s5 =	simm.s32 $_tile_overlayer_lowered  }
0x9b: {  	s22 =	simm.s32 $0x1BFF;
	s21 =	sshll.u32 s5, $0x1;
	s2 =	sadd.s32 s19, s18  }
0x9c: {  	s6 =	simm.s32 $0x0;
	s20 =	sshll.u32 s4, $0x1;
	s4 =	sadd.s32 s21, s2  }
0x9d: {  	[timem:s6], [sflag:s22] =	dma.local [hbm:s4], s20  }
0x9e: {  	_ =	swait.ge [sflag:s22], s20  }
0x9f: {  	s3 =	ssub.s32 $0x0, s20;
	[sflag:s22] =	ssyncset.done $0x0  }
0xa0: {  	[sflag:s22] =	ssyncadd.s32 s3;
	_ =	sdelay $0x1  }
0xa1: {  	s23 =	simm.s32 $0x1B8B  }
0xa2: {  	_ =	swait.ge [sflag:s23], $0x1  }
0xa3: {  	[sflag:s23] =	ssyncset.done $0x0  }
0xa4: {  	s25 =	simm.s32 $0x1B8E;
	s24 =	sld [smem:$0x3FFE];
	[sflag:s23] =	ssyncadd.s32 $0xFFFFFFFF  }
0xa5: {  	s26 =	simm.s32 $execute0_lowered;
	[smem:$0x3FD2] =	sst s25  }
0xa6: {  	s4 =	sshll.u32 s26, $0x1;
	_ =	strace $0x8000004C;
	[dreg:$0x1] =	wrdreg $0xFFFFFFFF  }
0xa7: {  	s28 =	simm.s32 $_size_execute0_lowered;
	s2 =	sadd.s32 s2, s4;
	[dreg:$0x0] =	wrdreg $0x0  }
0xa8: {  	s4 =	sshll.u32 s28, $0x1;
	[dreg:$0x2] =	wrdreg s2  }
0xa9: {  	[dreg:$0x3] =	wrdreg s4  }
0xaa: {  	[dreg:$0x4] =	wrdreg $0xC0  }
0xab: {  	_ =	task [dreg:s6], $0x5FFFF  }
0xac: {  	[dreg:$0x1] =	wrdreg $0xFFFFFFFF  }
0xad: {  	[dreg:$0x0] =	wrdreg $0x60  }
0xae: {  	[dreg:$0x2] =	wrdreg s24  }
0xaf: {  	[dreg:$0x3] =	wrdreg $0xA  }
0xb0: {  	_ =	task.clear_ibuf [dreg:s6], $0x4FFFF;
	_ =	strace $0x9000004C  }
0xb1: {  	s29 =	simm.s32 $0xA;
	_ =	strace $0x8000004E  }
0xb2: {  	_ =	swait.ge [sflag:s29], $0x1  }
0xb3: {  	[sflag:s29] =	ssyncadd.s32 $0xFFFFFFFF  }
0xb4: {  	_ =	strace $0x9000004E  }
0xb5: {  	_ =	sfence  }
0xb6: {  	s30 =	sld [smem:$0x0];
	_ =	sdelay $0x2  }
0xb7: {  	s31 =	sshll.u32 s1, $0xD;
	s1 =	sshrl.u32 s1, $0x2  }
0xb8: {  	s3 =	sand.u32 $0x4000, s31;
	s1 =	sadd.s32 s1, s30  }
0xb9: {  	s0 =	sor.u32 s3, s0;
	s1 =	sshll.u32 s1, $0x11  }
0xba: {  	s0 =	sor.u32 s1, s0  }
0xbb: {  	s0 =	sadd.s32 $0x8F2B, s0  }
0xbc: {  	[sflag:s0] =	ssyncadd.remote.s32 $0x1  }
0xbd: {  	_ =	sfence.sel $0xFFFF  }
0xbe: {  	[dreg:$0x0] =	wrdreg $0xFFFFFFFF;
	(pc) =	sbr.abs _section_cstart, $3  }
0xbf: {  	[dreg:$0x1] =	wrdreg $0xFFFFFFFF  }
0xc0: {  	_ =	task.clear_ibuf [dreg:s6], $0x2FFFF;
	_ =	strace $0x9FFFFFFF  }
0xc1: {  	(tm) =	ssettm $0x7FFFFFFF  }
tec
execute0_lowered:
.L_overlay_start_1:
0x0: {  	(tag) =	ssettag $0x1  }
0x1: {  	v0 =	vlaneseq.u32  }
0x2: {  	s7 =	rddreg [dreg:$0x0];
	s2 =	srdreg.scid;
	v0 =	vmul.u32 $0x80, v0  }
0x3: {  	s1 =	stileid.u32;
	s0 =	rddreg [dreg:$0x1];
	s13 =	simm.s32 $0x1  }
0x4: {  	v4 =	vimm.f32 $1.000000000e+00;
	s14 =	simm.s32 $0x80;
	s15 =	simm.s32 $0x400;
	s16 =	simm.s32 $0x0;
	v1 =	vor.u32 $0x1, v0  }
0x5: {  	s11 =	sand.u32 $0x1, s2;
	s3 =	sshll.u32 s1, $0x1;
	s2 =	simm.s32 $0x0;
	v2 =	vor.u32 $0x2, v0;
	v3 =	vor.u32 $0x3, v0;
	v5 =	vor.u32 $0x800, v0  }
0x6: {  	s28 =	sshrl.u32 s1, $0x2;
	s29 =	sshll.u32 s1, $0x8;
	s31 =	sshll.u32 s1, $0xC;
	v6 =	vor.u32 $0x801, v0;
	v7 =	vor.u32 $0x802, v0;
	v8 =	vor.u32 $0x803, v0  }
0x7: {  	s9 =	sor.u32 s11, s3;
	[smem:$0x7FF] =	sst s2;
	s5 =	smul.u32 $0x50000, s28;
	v9 =	vor.u32 $0x1000, v0;
	v10 =	vor.u32 $0x1001, v0;
	v11 =	vor.u32 $0x1002, v0  }
0x8: {  	s8 =	ssub.s32 $0x2, s11;
	s30 =	sshll.u32 s11, $0x7;
	s11 =	sshll.u32 s11, $0xB;
	v12 =	vor.u32 $0x1003, v0;
	v13 =	vor.u32 $0x1800, v0;
	v14 =	vor.u32 $0x1801, v0  }
0x9: {  	s4 =	sshll.u32 s9, $0x7;
	_ =	strace $0x8000004D;
	s12 =	sshrl.u32 s8, $0x1;
	v15 =	vor.u32 $0x1802, v0;
	v16 =	vor.u32 $0x1803, v0;
	v17 =	vor.u32 $0x2000, v0  }
0xa: {  	s9 =	ssub.s32 $0x9E3, s9;
	v18 =	vor.u32 $0x2001, v0;
	v19 =	vor.u32 $0x2002, v0;
	v20 =	vor.u32 $0x2003, v0;
	s11 =	sor.u32 s11, s31;
	s3 =	sand.u32 $0x380, s4  }
0xb: {  	v21 =	vor.u32 $0x2800, v0;
	v22 =	vor.u32 $0x2801, v0;
	v23 =	vor.u32 $0x2802, v0;
	s4 =	sadd.s32 $0xEA00, s7;
	s8 =	ssub.s32 s8, s12;
	s6 =	sor.u32 s5, s3  }
0xc: {  	v24 =	vor.u32 $0x2803, v0;
	v25 =	vor.u32 $0x3000, v0;
	v26 =	vor.u32 $0x3001, v0;
	s9 =	sshrl.u32 s9, $0x5;
	s12 =	simm.s32 $0x4080;
	s10 =	sshrl.u32 s6, $0x3  }
0xd: {  	v27 =	vor.u32 $0x3002, v0;
	v28 =	vor.u32 $0x3003, v0;
	v29 =	vor.u32 $0x3800, v0;
	s5 =	sadd.s32 $0xA04E00, s7;
	s6 =	sadd.s32 $0x4C00, s7;
	s7 =	sadd.s32 s10, s7  }
0xe: {  	v30 =	vor.u32 $0x3801, v0;
	v31 =	vor.u32 $0x3802, v0;
	v32 =	vor.u32 $0x3803, v0;
	s8 =	smax.u32 s8, $0x1;
	s10 =	sor.u32 s30, s29;
	s7 =	sadd.s32 $0xEE6E00, s7  }
.LBB2_1:
0xf: {  	p1 =	sne.s32 s9, $0x1  }
.Ltmp0:
0x10: {  	_ = 	snop;
	(pc) =	sbr.rel @!p1 .LBB2_2-.Ltmp0, $4  }
0x11: {  	[tilespmem:s12], [sflag:$0x1] =	stream.linear.gather [hbm4b:s6+s2], $0xA000, $0x38;
	[tilespmem:$0xE080] =	vst v63  }
0x12: {  	s17 =	sand.u32 $0xFFFFFC00, s10;
	_ =	swait.ge [sflag:s13], $0xA000  }
0x13: {  	s18 =	sadd.s32 $0xFFFFFFFF, s9;
	s17 =	sor.u32 s3, s17;
	[sflag:s13] =	ssyncset.done $0x0  }
0x14: {  	p0 =	por $0x0, $0x0;
	s20 =	sshrl.u32 s17, $0x3;
	[sflag:s13] =	ssyncadd.s32 $0xFFFF6000  }
0x15: {  	s17 =	sadd.s32 s4, s20  }
0x16: {  	[tilespmem:s2], [sflag:$0x1] =	stream.linear.gather [hbm4b:s17+s2], $0x80, $0x38;
	[tilespmem:$0xE080] =	vst v63  }
0x17: {  	_ =	swait.ge [sflag:s13], $0x80  }
0x18: {  	s30 =	sand.u32 $0x1FFFF800, s11;
	[sflag:s13] =	ssyncset.done $0x0  }
0x19: {  	s17 =	sadd.s32 s5, s30;
	[sflag:s13] =	ssyncadd.s32 $0xFFFFFF80  }
0x1a: {  	[tilespmem:s14], [sflag:$0x1] =	stream.linear.gather [hbm4b:s17+s2], $0x4000, $0x38;
	[tilespmem:$0xE080] =	vst v63  }
0x1b: {  	_ =	swait.ge [sflag:s13], $0x4000  }
0x1c: {  	[sflag:s13] =	ssyncset.done $0x0  }
0x1d: {  	[sflag:s13] =	ssyncadd.s32 $0xFFFFC000  }
0x1e: {  	v33 =	vld [tilespmem:$0x0];
	_ =	sdelay $0x1  }
0x1f: {  	v34 =	vld.idx.msk [tilespmem:v3+s14+$0x0], $0xffff  }
0x20: {  	v35 =	vld.idx.msk [tilespmem:v0+s14+$0x0], $0xffff  }
0x21: {  	v36 =	vld.idx.msk [tilespmem:v1+s14+$0x0], $0xffff  }
0x22: {  	v37 =	vld.idx.msk [tilespmem:v2+s14+$0x0], $0xffff;
	v33 =	vshll.u32 v33, $0x2  }
0x23: {  	v38 =	vor.u32 $0x1, v33  }
0x24: {  	v39 =	vor.u32 $0x2, v33  }
0x25: {  	v35 =	vmul.f32 v34, v35;
	v40 =	vor.u32 $0x3, v33  }
0x26: {  	v36 =	vmul.f32 v34, v36  }
0x27: {  	v62 =	vmul.f32 v34, v37;
	[tilespmem:v33+s12+$0x0] =	vst.idx.add.f32.msk $0xffff, v35  }
0x28: {  	[tilespmem:v38+s12+$0x0] =	vst.idx.add.f32.msk $0xffff, v36  }
0x29: {  	[tilespmem:v39+s12+$0x0] =	vst.idx.add.f32.msk $0xffff, v62  }
0x2a: {  	[tilespmem:v40+s12+$0x0] =	vst.idx.add.f32.msk $0xffff, v4  }
0x2b: {  	v33 =	vld [tilespmem:$0x10];
	_ =	sdelay $0x1  }
0x2c: {  	v63 =	vld.idx.msk [tilespmem:v8+s14+$0x0], $0xffff  }
0x2d: {  	v35 =	vld.idx.msk [tilespmem:v5+s14+$0x0], $0xffff  }
0x2e: {  	v36 =	vld.idx.msk [tilespmem:v6+s14+$0x0], $0xffff  }
0x2f: {  	v44 =	vld.idx.msk [tilespmem:v7+s14+$0x0], $0xffff;
	v33 =	vshll.u32 v33, $0x2  }
0x30: {  	v45 =	vor.u32 $0x1, v33  }
0x31: {  	v46 =	vor.u32 $0x2, v33  }
0x32: {  	v35 =	vmul.f32 v63, v35;
	v47 =	vor.u32 $0x3, v33  }
0x33: {  	v36 =	vmul.f32 v63, v36  }
0x34: {  	v48 =	vmul.f32 v63, v44;
	[tilespmem:v33+s12+$0x0] =	vst.idx.add.f32.msk $0xffff, v35  }
0x35: {  	[tilespmem:v45+s12+$0x0] =	vst.idx.add.f32.msk $0xffff, v36  }
0x36: {  	[tilespmem:v46+s12+$0x0] =	vst.idx.add.f32.msk $0xffff, v48  }
0x37: {  	[tilespmem:v47+s12+$0x0] =	vst.idx.add.f32.msk $0xffff, v4  }
0x38: {  	v33 =	vld [tilespmem:$0x20];
	_ =	sdelay $0x1  }
0x39: {  	v49 =	vld.idx.msk [tilespmem:v12+s14+$0x0], $0xffff  }
0x3a: {  	v35 =	vld.idx.msk [tilespmem:v9+s14+$0x0], $0xffff  }
0x3b: {  	v36 =	vld.idx.msk [tilespmem:v10+s14+$0x0], $0xffff  }
0x3c: {  	v50 =	vld.idx.msk [tilespmem:v11+s14+$0x0], $0xffff;
	v33 =	vshll.u32 v33, $0x2  }
0x3d: {  	v51 =	vor.u32 $0x1, v33  }
0x3e: {  	v52 =	vor.u32 $0x2, v33  }
0x3f: {  	v35 =	vmul.f32 v49, v35;
	v53 =	vor.u32 $0x3, v33  }
0x40: {  	v36 =	vmul.f32 v49, v36  }
0x41: {  	v54 =	vmul.f32 v49, v50;
	[tilespmem:v33+s12+$0x0] =	vst.idx.add.f32.msk $0xffff, v35  }
0x42: {  	[tilespmem:v51+s12+$0x0] =	vst.idx.add.f32.msk $0xffff, v36  }
0x43: {  	[tilespmem:v52+s12+$0x0] =	vst.idx.add.f32.msk $0xffff, v54  }
0x44: {  	[tilespmem:v53+s12+$0x0] =	vst.idx.add.f32.msk $0xffff, v4  }
0x45: {  	v33 =	vld [tilespmem:$0x30];
	_ =	sdelay $0x1  }
0x46: {  	v55 =	vld.idx.msk [tilespmem:v16+s14+$0x0], $0xffff  }
0x47: {  	v35 =	vld.idx.msk [tilespmem:v13+s14+$0x0], $0xffff  }
0x48: {  	v36 =	vld.idx.msk [tilespmem:v14+s14+$0x0], $0xffff  }
0x49: {  	v56 =	vld.idx.msk [tilespmem:v15+s14+$0x0], $0xffff;
	v33 =	vshll.u32 v33, $0x2  }
0x4a: {  	v57 =	vor.u32 $0x1, v33  }
0x4b: {  	v58 =	vor.u32 $0x2, v33  }
0x4c: {  	v35 =	vmul.f32 v55, v35;
	v59 =	vor.u32 $0x3, v33  }
0x4d: {  	v36 =	vmul.f32 v55, v36  }
0x4e: {  	v60 =	vmul.f32 v55, v56;
	[tilespmem:v33+s12+$0x0] =	vst.idx.add.f32.msk $0xffff, v35  }
0x4f: {  	[tilespmem:v57+s12+$0x0] =	vst.idx.add.f32.msk $0xffff, v36  }
0x50: {  	[tilespmem:v58+s12+$0x0] =	vst.idx.add.f32.msk $0xffff, v60  }
0x51: {  	[tilespmem:v59+s12+$0x0] =	vst.idx.add.f32.msk $0xffff, v4  }
0x52: {  	v33 =	vld [tilespmem:$0x40];
	_ =	sdelay $0x1  }
0x53: {  	v61 =	vld.idx.msk [tilespmem:v17+s14+$0x0], $0xffff  }
0x54: {  	v35 =	vld.idx.msk [tilespmem:v20+s14+$0x0], $0xffff  }
0x55: {  	v36 =	vld.idx.msk [tilespmem:v18+s14+$0x0], $0xffff  }
0x56: {  	v62 =	vld.idx.msk [tilespmem:v19+s14+$0x0], $0xffff;
	v33 =	vshll.u32 v33, $0x2  }
0x57: {  	v63 =	vor.u32 $0x1, v33  }
0x58: {  	v44 =	vor.u32 $0x2, v33  }
0x59: {  	v34 =	vmul.f32 v35, v61;
	v45 =	vor.u32 $0x3, v33  }
0x5a: {  	v36 =	vmul.f32 v35, v36  }
0x5b: {  	v46 =	vmul.f32 v35, v62;
	[tilespmem:v33+s12+$0x0] =	vst.idx.add.f32.msk $0xffff, v34  }
0x5c: {  	[tilespmem:v63+s12+$0x0] =	vst.idx.add.f32.msk $0xffff, v36  }
0x5d: {  	[tilespmem:v44+s12+$0x0] =	vst.idx.add.f32.msk $0xffff, v46  }
0x5e: {  	[tilespmem:v45+s12+$0x0] =	vst.idx.add.f32.msk $0xffff, v4  }
0x5f: {  	v33 =	vld [tilespmem:$0x50];
	_ =	sdelay $0x1  }
0x60: {  	v34 =	vld.idx.msk [tilespmem:v21+s14+$0x0], $0xffff  }
0x61: {  	v47 =	vld.idx.msk [tilespmem:v24+s14+$0x0], $0xffff  }
0x62: {  	v36 =	vld.idx.msk [tilespmem:v22+s14+$0x0], $0xffff  }
0x63: {  	v48 =	vld.idx.msk [tilespmem:v23+s14+$0x0], $0xffff;
	v33 =	vshll.u32 v33, $0x2  }
0x64: {  	v49 =	vor.u32 $0x1, v33  }
0x65: {  	v50 =	vor.u32 $0x2, v33  }
0x66: {  	v34 =	vmul.f32 v47, v34;
	v51 =	vor.u32 $0x3, v33  }
0x67: {  	v36 =	vmul.f32 v47, v36  }
0x68: {  	v52 =	vmul.f32 v47, v48;
	[tilespmem:v33+s12+$0x0] =	vst.idx.add.f32.msk $0xffff, v34  }
0x69: {  	[tilespmem:v49+s12+$0x0] =	vst.idx.add.f32.msk $0xffff, v36  }
0x6a: {  	[tilespmem:v50+s12+$0x0] =	vst.idx.add.f32.msk $0xffff, v52  }
0x6b: {  	[tilespmem:v51+s12+$0x0] =	vst.idx.add.f32.msk $0xffff, v4  }
0x6c: {  	v33 =	vld [tilespmem:$0x60];
	_ =	sdelay $0x1  }
0x6d: {  	v34 =	vld.idx.msk [tilespmem:v25+s14+$0x0], $0xffff  }
0x6e: {  	v53 =	vld.idx.msk [tilespmem:v28+s14+$0x0], $0xffff  }
0x6f: {  	v36 =	vld.idx.msk [tilespmem:v26+s14+$0x0], $0xffff  }
0x70: {  	v54 =	vld.idx.msk [tilespmem:v27+s14+$0x0], $0xffff;
	v33 =	vshll.u32 v33, $0x2  }
0x71: {  	v55 =	vor.u32 $0x1, v33  }
0x72: {  	v56 =	vor.u32 $0x2, v33  }
0x73: {  	v34 =	vmul.f32 v53, v34;
	v57 =	vor.u32 $0x3, v33  }
0x74: {  	v36 =	vmul.f32 v53, v36  }
0x75: {  	v58 =	vmul.f32 v53, v54;
	[tilespmem:v33+s12+$0x0] =	vst.idx.add.f32.msk $0xffff, v34  }
0x76: {  	[tilespmem:v55+s12+$0x0] =	vst.idx.add.f32.msk $0xffff, v36  }
0x77: {  	[tilespmem:v56+s12+$0x0] =	vst.idx.add.f32.msk $0xffff, v58  }
0x78: {  	[tilespmem:v57+s12+$0x0] =	vst.idx.add.f32.msk $0xffff, v4  }
0x79: {  	v33 =	vld [tilespmem:$0x70];
	_ =	sdelay $0x1  }
0x7a: {  	v34 =	vld.idx.msk [tilespmem:v29+s14+$0x0], $0xffff  }
0x7b: {  	v59 =	vld.idx.msk [tilespmem:v32+s14+$0x0], $0xffff;
	_ =	sdelay $0x1  }
0x7c: {  	v33 =	vshll.u32 v33, $0x2  }
0x7d: {  	v36 =	vld.idx.msk [tilespmem:v30+s14+$0x0], $0xffff  }
0x7e: {  	v60 =	vld.idx.msk [tilespmem:v31+s14+$0x0], $0xffff  }
0x7f: {  	v34 =	vmul.f32 v59, v34;
	v61 =	vor.u32 $0x1, v33  }
0x80: {  	p1 =	sne.s32 s18, $0x1;
	v62 =	vor.u32 $0x2, v33  }
.Ltmp1:
0x81: {  	[tilespmem:v33+s12+$0x0] =	vst.idx.add.f32.msk $0xffff, v34;
	v33 =	vor.u32 $0x3, v33;
	(pc) =	sbr.rel @!p1 .LBB2_4-.Ltmp1, $4  }
0x82: {  	s17 =	sadd.s32 $0x1000, s10;
	v36 =	vmul.f32 v59, v36  }
0x83: {  	s19 =	sand.u32 $0xFFFFFC00, s17;
	v63 =	vmul.f32 v59, v60  }
0x84: {  	p0 =	por $0x1, $0x1;
	s31 =	sor.u32 s3, s19;
	[tilespmem:v61+s12+$0x0] =	vst.idx.add.f32.msk $0xffff, v36  }
0x85: {  	s19 =	sadd.s32 $0xFFFFFFFF, s18;
	s18 =	smov.u32 s11;
	s20 =	sshrl.u32 s31, $0x3;
	[tilespmem:v62+s12+$0x0] =	vst.idx.add.f32.msk $0xffff, v63  }
.LBB2_5:
0x86: {  	p1 =	sne.s32 s19, $0x1;
	s20 =	sadd.s32 s4, s20;
	[tilespmem:v33+s12+$0x0] =	vst.idx.add.f32.msk $0xffff, v4;
	s18 =	sadd.s32 $0x10000, s18  }
0x87: {  	[tilespmem:s2], [sflag:$0x1] =	stream.linear.gather [hbm4b:s20+s2], $0x80, $0x38;
	[tilespmem:$0xE080] =	vst v63  }
0x88: {  	s19 =	sadd.s32 $0xFFFFFFFF, s19;
	_ =	swait.ge [sflag:s13], $0x80  }
0x89: {  	s20 =	sand.u32 $0x1FFFF800, s18;
	[sflag:s13] =	ssyncset.done $0x0  }
0x8a: {  	s20 =	sadd.s32 s5, s20;
	[sflag:s13] =	ssyncadd.s32 $0xFFFFFF80  }
0x8b: {  	[tilespmem:s14], [sflag:$0x1] =	stream.linear.gather [hbm4b:s20+s2], $0x4000, $0x38;
	[tilespmem:$0xE080] =	vst v63  }
0x8c: {  	_ =	swait.ge [sflag:s13], $0x4000  }
0x8d: {  	[sflag:s13] =	ssyncset.done $0x0  }
0x8e: {  	[sflag:s13] =	ssyncadd.s32 $0xFFFFC000  }
0x8f: {  	v33 =	vld [tilespmem:$0x0]  }
0x90: {  	v34 =	vld.idx.msk [tilespmem:v3+s14+$0x0], $0xffff  }
0x91: {  	v35 =	vld.idx.msk [tilespmem:v0+s14+$0x0], $0xffff  }
0x92: {  	v36 =	vld.idx.msk [tilespmem:v1+s14+$0x0], $0xffff  }
0x93: {  	v37 =	vld.idx.msk [tilespmem:v2+s14+$0x0], $0xffff  }
0x94: {  	v33 =	vshll.u32 v33, $0x2  }
0x95: {  	v38 =	vor.u32 $0x1, v33  }
0x96: {  	v39 =	vor.u32 $0x2, v33  }
0x97: {  	v40 =	vor.u32 $0x3, v33;
	v35 =	vmul.f32 v34, v35  }
0x98: {  	v36 =	vmul.f32 v34, v36  }
0x99: {  	[tilespmem:v33+s12+$0x0] =	vst.idx.add.f32.msk $0xffff, v35;
	v33 =	vmul.f32 v34, v37  }
0x9a: {  	[tilespmem:v38+s12+$0x0] =	vst.idx.add.f32.msk $0xffff, v36  }
0x9b: {  	[tilespmem:v39+s12+$0x0] =	vst.idx.add.f32.msk $0xffff, v33  }
0x9c: {  	[tilespmem:v40+s12+$0x0] =	vst.idx.add.f32.msk $0xffff, v4  }
0x9d: {  	v33 =	vld [tilespmem:$0x10]  }
0x9e: {  	v34 =	vld.idx.msk [tilespmem:v8+s14+$0x0], $0xffff  }
0x9f: {  	v35 =	vld.idx.msk [tilespmem:v5+s14+$0x0], $0xffff  }
0xa0: {  	v36 =	vld.idx.msk [tilespmem:v6+s14+$0x0], $0xffff  }
0xa1: {  	v37 =	vld.idx.msk [tilespmem:v7+s14+$0x0], $0xffff  }
0xa2: {  	v33 =	vshll.u32 v33, $0x2  }
0xa3: {  	v38 =	vor.u32 $0x1, v33  }
0xa4: {  	v39 =	vor.u32 $0x2, v33  }
0xa5: {  	v40 =	vor.u32 $0x3, v33;
	v35 =	vmul.f32 v34, v35  }
0xa6: {  	v36 =	vmul.f32 v34, v36  }
0xa7: {  	[tilespmem:v33+s12+$0x0] =	vst.idx.add.f32.msk $0xffff, v35;
	v33 =	vmul.f32 v34, v37  }
0xa8: {  	[tilespmem:v38+s12+$0x0] =	vst.idx.add.f32.msk $0xffff, v36  }
0xa9: {  	[tilespmem:v39+s12+$0x0] =	vst.idx.add.f32.msk $0xffff, v33  }
0xaa: {  	[tilespmem:v40+s12+$0x0] =	vst.idx.add.f32.msk $0xffff, v4  }
0xab: {  	v33 =	vld [tilespmem:$0x20]  }
0xac: {  	v34 =	vld.idx.msk [tilespmem:v12+s14+$0x0], $0xffff  }
0xad: {  	v35 =	vld.idx.msk [tilespmem:v9+s14+$0x0], $0xffff  }
0xae: {  	v36 =	vld.idx.msk [tilespmem:v10+s14+$0x0], $0xffff  }
0xaf: {  	v37 =	vld.idx.msk [tilespmem:v11+s14+$0x0], $0xffff  }
0xb0: {  	v33 =	vshll.u32 v33, $0x2  }
0xb1: {  	v38 =	vor.u32 $0x1, v33  }
0xb2: {  	v39 =	vor.u32 $0x2, v33  }
0xb3: {  	v40 =	vor.u32 $0x3, v33;
	v35 =	vmul.f32 v34, v35  }
0xb4: {  	v36 =	vmul.f32 v34, v36  }
0xb5: {  	[tilespmem:v33+s12+$0x0] =	vst.idx.add.f32.msk $0xffff, v35;
	v33 =	vmul.f32 v34, v37  }
0xb6: {  	[tilespmem:v38+s12+$0x0] =	vst.idx.add.f32.msk $0xffff, v36  }
0xb7: {  	[tilespmem:v39+s12+$0x0] =	vst.idx.add.f32.msk $0xffff, v33  }
0xb8: {  	[tilespmem:v40+s12+$0x0] =	vst.idx.add.f32.msk $0xffff, v4  }
0xb9: {  	v33 =	vld [tilespmem:$0x30]  }
0xba: {  	v34 =	vld.idx.msk [tilespmem:v16+s14+$0x0], $0xffff  }
0xbb: {  	v35 =	vld.idx.msk [tilespmem:v13+s14+$0x0], $0xffff  }
0xbc: {  	v36 =	vld.idx.msk [tilespmem:v14+s14+$0x0], $0xffff  }
0xbd: {  	v37 =	vld.idx.msk [tilespmem:v15+s14+$0x0], $0xffff  }
0xbe: {  	v33 =	vshll.u32 v33, $0x2  }
0xbf: {  	v38 =	vor.u32 $0x1, v33  }
0xc0: {  	v39 =	vor.u32 $0x2, v33  }
0xc1: {  	v40 =	vor.u32 $0x3, v33;
	v35 =	vmul.f32 v34, v35  }
0xc2: {  	v36 =	vmul.f32 v34, v36  }
0xc3: {  	[tilespmem:v33+s12+$0x0] =	vst.idx.add.f32.msk $0xffff, v35;
	v33 =	vmul.f32 v34, v37  }
0xc4: {  	[tilespmem:v38+s12+$0x0] =	vst.idx.add.f32.msk $0xffff, v36  }
0xc5: {  	[tilespmem:v39+s12+$0x0] =	vst.idx.add.f32.msk $0xffff, v33  }
0xc6: {  	[tilespmem:v40+s12+$0x0] =	vst.idx.add.f32.msk $0xffff, v4  }
0xc7: {  	v33 =	vld [tilespmem:$0x40]  }
0xc8: {  	v34 =	vld.idx.msk [tilespmem:v17+s14+$0x0], $0xffff  }
0xc9: {  	v35 =	vld.idx.msk [tilespmem:v20+s14+$0x0], $0xffff  }
0xca: {  	v36 =	vld.idx.msk [tilespmem:v18+s14+$0x0], $0xffff  }
0xcb: {  	v37 =	vld.idx.msk [tilespmem:v19+s14+$0x0], $0xffff  }
0xcc: {  	v33 =	vshll.u32 v33, $0x2  }
0xcd: {  	v38 =	vor.u32 $0x1, v33  }
0xce: {  	v39 =	vor.u32 $0x2, v33  }
0xcf: {  	v40 =	vor.u32 $0x3, v33;
	v34 =	vmul.f32 v35, v34  }
0xd0: {  	v36 =	vmul.f32 v35, v36  }
0xd1: {  	[tilespmem:v33+s12+$0x0] =	vst.idx.add.f32.msk $0xffff, v34;
	v33 =	vmul.f32 v35, v37  }
0xd2: {  	[tilespmem:v38+s12+$0x0] =	vst.idx.add.f32.msk $0xffff, v36  }
0xd3: {  	[tilespmem:v39+s12+$0x0] =	vst.idx.add.f32.msk $0xffff, v33  }
0xd4: {  	[tilespmem:v40+s12+$0x0] =	vst.idx.add.f32.msk $0xffff, v4  }
0xd5: {  	v33 =	vld [tilespmem:$0x50]  }
0xd6: {  	v34 =	vld.idx.msk [tilespmem:v21+s14+$0x0], $0xffff  }
0xd7: {  	v35 =	vld.idx.msk [tilespmem:v24+s14+$0x0], $0xffff  }
0xd8: {  	v36 =	vld.idx.msk [tilespmem:v22+s14+$0x0], $0xffff  }
0xd9: {  	v37 =	vld.idx.msk [tilespmem:v23+s14+$0x0], $0xffff  }
0xda: {  	v33 =	vshll.u32 v33, $0x2  }
0xdb: {  	v38 =	vor.u32 $0x1, v33  }
0xdc: {  	v39 =	vor.u32 $0x2, v33  }
0xdd: {  	v40 =	vor.u32 $0x3, v33;
	v34 =	vmul.f32 v35, v34  }
0xde: {  	v36 =	vmul.f32 v35, v36  }
0xdf: {  	[tilespmem:v33+s12+$0x0] =	vst.idx.add.f32.msk $0xffff, v34;
	v33 =	vmul.f32 v35, v37  }
0xe0: {  	[tilespmem:v38+s12+$0x0] =	vst.idx.add.f32.msk $0xffff, v36  }
0xe1: {  	[tilespmem:v39+s12+$0x0] =	vst.idx.add.f32.msk $0xffff, v33  }
0xe2: {  	[tilespmem:v40+s12+$0x0] =	vst.idx.add.f32.msk $0xffff, v4  }
0xe3: {  	v33 =	vld [tilespmem:$0x60]  }
0xe4: {  	v34 =	vld.idx.msk [tilespmem:v25+s14+$0x0], $0xffff  }
0xe5: {  	v35 =	vld.idx.msk [tilespmem:v28+s14+$0x0], $0xffff  }
0xe6: {  	v36 =	vld.idx.msk [tilespmem:v26+s14+$0x0], $0xffff  }
0xe7: {  	v37 =	vld.idx.msk [tilespmem:v27+s14+$0x0], $0xffff  }
0xe8: {  	v33 =	vshll.u32 v33, $0x2  }
0xe9: {  	v38 =	vor.u32 $0x1, v33  }
0xea: {  	v39 =	vor.u32 $0x2, v33  }
0xeb: {  	v40 =	vor.u32 $0x3, v33;
	v34 =	vmul.f32 v35, v34  }
0xec: {  	v36 =	vmul.f32 v35, v36  }
0xed: {  	[tilespmem:v33+s12+$0x0] =	vst.idx.add.f32.msk $0xffff, v34;
	v33 =	vmul.f32 v35, v37  }
0xee: {  	[tilespmem:v38+s12+$0x0] =	vst.idx.add.f32.msk $0xffff, v36  }
0xef: {  	[tilespmem:v39+s12+$0x0] =	vst.idx.add.f32.msk $0xffff, v33  }
0xf0: {  	[tilespmem:v40+s12+$0x0] =	vst.idx.add.f32.msk $0xffff, v4  }
0xf1: {  	v33 =	vld [tilespmem:$0x70]  }
0xf2: {  	v34 =	vld.idx.msk [tilespmem:v29+s14+$0x0], $0xffff  }
0xf3: {  	v35 =	vld.idx.msk [tilespmem:v32+s14+$0x0], $0xffff  }
0xf4: {  	v36 =	vld.idx.msk [tilespmem:v30+s14+$0x0], $0xffff  }
0xf5: {  	v37 =	vld.idx.msk [tilespmem:v31+s14+$0x0], $0xffff  }
0xf6: {  	v38 =	vshll.u32 v33, $0x2  }
0xf7: {  	v39 =	vor.u32 $0x1, v38  }
0xf8: {  	v40 =	vor.u32 $0x2, v38  }
.Ltmp2:
0xf9: {  	v33 =	vor.u32 $0x3, v38;
	v34 =	vmul.f32 v35, v34;
	(pc) =	sbr.rel @p1 .LBB2_5-.Ltmp2, $4  }
0xfa: {  	s17 =	sadd.s32 $0x1000, s17;
	v36 =	vmul.f32 v35, v36  }
0xfb: {  	s20 =	sand.u32 $0xFFFFFC00, s17;
	[tilespmem:v38+s12+$0x0] =	vst.idx.add.f32.msk $0xffff, v34;
	v34 =	vmul.f32 v35, v37  }
0xfc: {  	s20 =	sor.u32 s3, s20;
	[tilespmem:v39+s12+$0x0] =	vst.idx.add.f32.msk $0xffff, v36  }
0xfd: {  	s20 =	sshrl.u32 s20, $0x3;
	[tilespmem:v40+s12+$0x0] =	vst.idx.add.f32.msk $0xffff, v34  }
.LBB2_6:
0xfe: {  	_ =	sdelay $0x3  }
0xff: {  	s17 =	sadd.s32 s4, s20;
	[tilespmem:v33+s12+$0x0] =	vst.idx.add.f32.msk @p0 $0xffff, v4  }
0x100: {  	[tilespmem:s2], [sflag:$0x1] =	stream.linear.gather [hbm4b:s17+s2], $0x80, $0x38;
	[tilespmem:$0xE080] =	vst v63  }
0x101: {  	s18 =	sadd.s32 @p0 $0x10000, s18;
	s17 =	smov.u32 s11  }
0x102: {  	_ =	swait.ge [sflag:s13], $0x80;
	s17 =	smov.u32 @p0 s18  }
0x103: {  	[sflag:s13] =	ssyncset.done $0x0;
	s17 =	sand.u32 $0x1FFFF800, s17  }
0x104: {  	[sflag:s13] =	ssyncadd.s32 $0xFFFFFF80;
	s17 =	sadd.s32 s5, s17  }
0x105: {  	[tilespmem:s14], [sflag:$0x1] =	stream.linear.gather [hbm4b:s17+s2], $0x4000, $0x38;
	[tilespmem:$0xE080] =	vst v63  }
0x106: {  	_ =	swait.ge [sflag:s13], $0x4000  }
0x107: {  	[sflag:s13] =	ssyncset.done $0x0  }
0x108: {  	[sflag:s13] =	ssyncadd.s32 $0xFFFFC000  }
0x109: {  	v60 =	vld [tilespmem:$0x0];
	_ =	sdelay $0x1  }
0x10a: {  	v34 =	vld.idx.msk [tilespmem:v3+s14+$0x0], $0xffff  }
0x10b: {  	v35 =	vld.idx.msk [tilespmem:v0+s14+$0x0], $0xffff  }
0x10c: {  	v36 =	vld.idx.msk [tilespmem:v1+s14+$0x0], $0xffff  }
0x10d: {  	v37 =	vld.idx.msk [tilespmem:v2+s14+$0x0], $0xffff;
	v33 =	vshll.u32 v60, $0x2  }
0x10e: {  	v38 =	vor.u32 $0x1, v33  }
0x10f: {  	v39 =	vor.u32 $0x2, v33  }
0x110: {  	v35 =	vmul.f32 v34, v35;
	v40 =	vor.u32 $0x3, v33  }
0x111: {  	v36 =	vmul.f32 v34, v36  }
0x112: {  	v61 =	vmul.f32 v34, v37;
	[tilespmem:v33+s12+$0x0] =	vst.idx.add.f32.msk $0xffff, v35  }
0x113: {  	[tilespmem:v38+s12+$0x0] =	vst.idx.add.f32.msk $0xffff, v36  }
0x114: {  	[tilespmem:v39+s12+$0x0] =	vst.idx.add.f32.msk $0xffff, v61  }
0x115: {  	[tilespmem:v40+s12+$0x0] =	vst.idx.add.f32.msk $0xffff, v4  }
0x116: {  	v33 =	vld [tilespmem:$0x10];
	_ =	sdelay $0x1  }
0x117: {  	v62 =	vld.idx.msk [tilespmem:v8+s14+$0x0], $0xffff  }
0x118: {  	v35 =	vld.idx.msk [tilespmem:v5+s14+$0x0], $0xffff  }
0x119: {  	v36 =	vld.idx.msk [tilespmem:v6+s14+$0x0], $0xffff  }
0x11a: {  	v63 =	vld.idx.msk [tilespmem:v7+s14+$0x0], $0xffff;
	v33 =	vshll.u32 v33, $0x2  }
0x11b: {  	v44 =	vor.u32 $0x1, v33  }
0x11c: {  	v45 =	vor.u32 $0x2, v33  }
0x11d: {  	v35 =	vmul.f32 v62, v35;
	v46 =	vor.u32 $0x3, v33  }
0x11e: {  	v36 =	vmul.f32 v62, v36  }
0x11f: {  	v47 =	vmul.f32 v62, v63;
	[tilespmem:v33+s12+$0x0] =	vst.idx.add.f32.msk $0xffff, v35  }
0x120: {  	[tilespmem:v44+s12+$0x0] =	vst.idx.add.f32.msk $0xffff, v36  }
0x121: {  	[tilespmem:v45+s12+$0x0] =	vst.idx.add.f32.msk $0xffff, v47  }
0x122: {  	[tilespmem:v46+s12+$0x0] =	vst.idx.add.f32.msk $0xffff, v4  }
0x123: {  	v33 =	vld [tilespmem:$0x20];
	_ =	sdelay $0x1  }
0x124: {  	v48 =	vld.idx.msk [tilespmem:v12+s14+$0x0], $0xffff  }
0x125: {  	v35 =	vld.idx.msk [tilespmem:v9+s14+$0x0], $0xffff  }
0x126: {  	v36 =	vld.idx.msk [tilespmem:v10+s14+$0x0], $0xffff  }
0x127: {  	v49 =	vld.idx.msk [tilespmem:v11+s14+$0x0], $0xffff;
	v33 =	vshll.u32 v33, $0x2  }
0x128: {  	v50 =	vor.u32 $0x1, v33  }
0x129: {  	v51 =	vor.u32 $0x2, v33  }
0x12a: {  	v35 =	vmul.f32 v48, v35;
	v52 =	vor.u32 $0x3, v33  }
0x12b: {  	v36 =	vmul.f32 v48, v36  }
0x12c: {  	v53 =	vmul.f32 v48, v49;
	[tilespmem:v33+s12+$0x0] =	vst.idx.add.f32.msk $0xffff, v35  }
0x12d: {  	[tilespmem:v50+s12+$0x0] =	vst.idx.add.f32.msk $0xffff, v36  }
0x12e: {  	[tilespmem:v51+s12+$0x0] =	vst.idx.add.f32.msk $0xffff, v53  }
0x12f: {  	[tilespmem:v52+s12+$0x0] =	vst.idx.add.f32.msk $0xffff, v4  }
0x130: {  	v33 =	vld [tilespmem:$0x30];
	_ =	sdelay $0x1  }
0x131: {  	v54 =	vld.idx.msk [tilespmem:v16+s14+$0x0], $0xffff  }
0x132: {  	v35 =	vld.idx.msk [tilespmem:v13+s14+$0x0], $0xffff  }
0x133: {  	v36 =	vld.idx.msk [tilespmem:v14+s14+$0x0], $0xffff  }
0x134: {  	v55 =	vld.idx.msk [tilespmem:v15+s14+$0x0], $0xffff;
	v33 =	vshll.u32 v33, $0x2  }
0x135: {  	v56 =	vor.u32 $0x1, v33  }
0x136: {  	v57 =	vor.u32 $0x2, v33  }
0x137: {  	v35 =	vmul.f32 v54, v35;
	v58 =	vor.u32 $0x3, v33  }
0x138: {  	v36 =	vmul.f32 v54, v36  }
0x139: {  	v59 =	vmul.f32 v54, v55;
	[tilespmem:v33+s12+$0x0] =	vst.idx.add.f32.msk $0xffff, v35  }
0x13a: {  	[tilespmem:v56+s12+$0x0] =	vst.idx.add.f32.msk $0xffff, v36  }
0x13b: {  	[tilespmem:v57+s12+$0x0] =	vst.idx.add.f32.msk $0xffff, v59  }
0x13c: {  	[tilespmem:v58+s12+$0x0] =	vst.idx.add.f32.msk $0xffff, v4  }
0x13d: {  	v33 =	vld [tilespmem:$0x40];
	_ =	sdelay $0x1  }
0x13e: {  	v60 =	vld.idx.msk [tilespmem:v17+s14+$0x0], $0xffff  }
0x13f: {  	v35 =	vld.idx.msk [tilespmem:v20+s14+$0x0], $0xffff  }
0x140: {  	v36 =	vld.idx.msk [tilespmem:v18+s14+$0x0], $0xffff  }
0x141: {  	v61 =	vld.idx.msk [tilespmem:v19+s14+$0x0], $0xffff;
	v33 =	vshll.u32 v33, $0x2  }
0x142: {  	v62 =	vor.u32 $0x1, v33  }
0x143: {  	v63 =	vor.u32 $0x2, v33  }
0x144: {  	v34 =	vmul.f32 v35, v60;
	v44 =	vor.u32 $0x3, v33  }
0x145: {  	v36 =	vmul.f32 v35, v36  }
0x146: {  	v45 =	vmul.f32 v35, v61;
	[tilespmem:v33+s12+$0x0] =	vst.idx.add.f32.msk $0xffff, v34  }
0x147: {  	[tilespmem:v62+s12+$0x0] =	vst.idx.add.f32.msk $0xffff, v36  }
0x148: {  	[tilespmem:v63+s12+$0x0] =	vst.idx.add.f32.msk $0xffff, v45  }
0x149: {  	[tilespmem:v44+s12+$0x0] =	vst.idx.add.f32.msk $0xffff, v4  }
0x14a: {  	v33 =	vld [tilespmem:$0x50];
	_ =	sdelay $0x1  }
0x14b: {  	v34 =	vld.idx.msk [tilespmem:v21+s14+$0x0], $0xffff  }
0x14c: {  	v46 =	vld.idx.msk [tilespmem:v24+s14+$0x0], $0xffff  }
0x14d: {  	v36 =	vld.idx.msk [tilespmem:v22+s14+$0x0], $0xffff  }
0x14e: {  	v47 =	vld.idx.msk [tilespmem:v23+s14+$0x0], $0xffff;
	v33 =	vshll.u32 v33, $0x2  }
0x14f: {  	v48 =	vor.u32 $0x1, v33  }
0x150: {  	v49 =	vor.u32 $0x2, v33  }
0x151: {  	v34 =	vmul.f32 v46, v34;
	v50 =	vor.u32 $0x3, v33  }
0x152: {  	v36 =	vmul.f32 v46, v36  }
0x153: {  	v51 =	vmul.f32 v46, v47;
	[tilespmem:v33+s12+$0x0] =	vst.idx.add.f32.msk $0xffff, v34  }
0x154: {  	[tilespmem:v48+s12+$0x0] =	vst.idx.add.f32.msk $0xffff, v36  }
0x155: {  	[tilespmem:v49+s12+$0x0] =	vst.idx.add.f32.msk $0xffff, v51  }
0x156: {  	[tilespmem:v50+s12+$0x0] =	vst.idx.add.f32.msk $0xffff, v4  }
0x157: {  	v33 =	vld [tilespmem:$0x60];
	_ =	sdelay $0x1  }
0x158: {  	v34 =	vld.idx.msk [tilespmem:v25+s14+$0x0], $0xffff  }
0x159: {  	v52 =	vld.idx.msk [tilespmem:v28+s14+$0x0], $0xffff  }
0x15a: {  	v36 =	vld.idx.msk [tilespmem:v26+s14+$0x0], $0xffff  }
0x15b: {  	v53 =	vld.idx.msk [tilespmem:v27+s14+$0x0], $0xffff;
	v33 =	vshll.u32 v33, $0x2  }
0x15c: {  	v54 =	vor.u32 $0x1, v33  }
0x15d: {  	v55 =	vor.u32 $0x2, v33  }
0x15e: {  	v34 =	vmul.f32 v52, v34;
	v56 =	vor.u32 $0x3, v33  }
0x15f: {  	v36 =	vmul.f32 v52, v36  }
0x160: {  	v57 =	vmul.f32 v52, v53;
	[tilespmem:v33+s12+$0x0] =	vst.idx.add.f32.msk $0xffff, v34  }
0x161: {  	[tilespmem:v54+s12+$0x0] =	vst.idx.add.f32.msk $0xffff, v36  }
0x162: {  	[tilespmem:v55+s12+$0x0] =	vst.idx.add.f32.msk $0xffff, v57  }
0x163: {  	[tilespmem:v56+s12+$0x0] =	vst.idx.add.f32.msk $0xffff, v4  }
0x164: {  	v33 =	vld [tilespmem:$0x70];
	_ =	sdelay $0x1  }
0x165: {  	v34 =	vld.idx.msk [tilespmem:v29+s14+$0x0], $0xffff  }
0x166: {  	v58 =	vld.idx.msk [tilespmem:v32+s14+$0x0], $0xffff  }
0x167: {  	v36 =	vld.idx.msk [tilespmem:v30+s14+$0x0], $0xffff  }
0x168: {  	v59 =	vld.idx.msk [tilespmem:v31+s14+$0x0], $0xffff;
	v33 =	vshll.u32 v33, $0x2  }
0x169: {  	v60 =	vor.u32 $0x1, v33  }
0x16a: {  	v61 =	vor.u32 $0x2, v33  }
0x16b: {  	v34 =	vmul.f32 v58, v34;
	v62 =	vor.u32 $0x3, v33  }
0x16c: {  	v36 =	vmul.f32 v58, v36  }
0x16d: {  	v63 =	vmul.f32 v58, v59;
	[tilespmem:v33+s12+$0x0] =	vst.idx.add.f32.msk $0xffff, v34  }
0x16e: {  	[tilespmem:v60+s12+$0x0] =	vst.idx.add.f32.msk $0xffff, v36  }
0x16f: {  	s16 =	sadd.s32 $0x1, s16;
	[tilespmem:v61+s12+$0x0] =	vst.idx.add.f32.msk $0xffff, v63  }
0x170: {  	p0 =	sne.s32 s16, s8;
	[tilespmem:v62+s12+$0x0] =	vst.idx.add.f32.msk $0xffff, v4  }
0x171: {  	[hbm4b:s7+s14] =	stream.strided.scatter [tilespmem:s12], [sflag:$0x1], $0xA000, s15, s14, $0x38;
	[tilespmem:$0xE080] =	vst v63  }
.Ltmp3:
0x172: {  	_ = 	snop;
	(pc) =	sbr.rel @p0 .LBB2_1-.Ltmp3, $4  }
.Ltmp4:
0x173: {  	_ = 	snop;
	(pc) =	sbr.rel @!p0 .LBB2_7-.Ltmp4, $4  }
0x174: {  	_ =	swait.ge [sflag:s13], $0xA000  }
0x175: {  	[sflag:s13] =	ssyncset.done $0x0  }
0x176: {  	[sflag:s13] =	ssyncadd.s32 $0xFFFF6000  }
0x177: {  	_ = 	snop  }
.LBB2_2:
.Ltmp5:
0x178: {  	(pc) =	sbr.rel .LBB2_6-.Ltmp5, $2  }
0x179: {  	_ =	sdelay $0x2  }
0x17a: {  	s18 =	smov.u32 s11  }
.LBB2_4:
.Ltmp6:
0x17b: {  	(pc) =	sbr.rel .LBB2_6-.Ltmp6, $2  }
0x17c: {  	_ =	sdelay $0x2  }
0x17d: {  	s18 =	smov.u32 s11  }
.LBB2_7:
0x17e: {  	_ =	sfence.sel $0x180000  }
0x17f: {  	[bflag:$0x0] =	sbarrier.arrive $0xFFFF  }
0x180: {  	p0 =	sne.s32 s1, $0x0;
	_ =	strace $0x9000004D  }
0x181: {  	s0 =	sadd.s32 @!p0 $0x100000, s0;
	[bflag:$0x2] =	sbarrier.arrive $0xFFFF  }
0x182: {  	[sflag:s0] =	ssyncadd.tile.s32 @!p0 $0x1;
	_ =	shalt  }
.Lfunc_end2:
_tile_overlayer_lowered:
.L_overlay_start_2:
0x183: {  	(tag) =	ssettag $0x2  }
0x184: {  	s0 =	rddreg [dreg:$0x0];
	s2 =	stileid.u32  }
0x185: {  	s1 =	rddreg [dreg:$0x1];
	p0 =	sne.s32 s2, $0x0  }
0x186: {  	s3 =	rddreg [dreg:$0x2];
	[bflag:$0x3] =	sbarrier.arrive $0xFFFF;
	s2 =	simm.s32 @!p0 $0x1C01  }
0x187: {  	[timem:s3], [sflag:s2] =	dma.local @!p0 [hbm:s0], s1  }
0x188: {  	s0 =	simm.s32 @!p0 $0x1  }
0x189: {  	_ =	swait.ge @!p0 [sflag:s0], s1  }
0x18a: {  	s1 =	ssub.s32 @!p0 $0x0, s1;
	[sflag:s0] =	ssyncset.done @!p0 $0x0  }
0x18b: {  	[sflag:s0] =	ssyncadd.s32 @!p0 s1  }
0x18c: {  	[bflag:$0x3] =	sbarrier.arrive $0xFFFF  }
0x18d: {  	_ =	shalt  }

// kernel: kernel.7.cloned.1.call-start
scs
__scs_entry_jumppad:
0x0: {  	(pc) =	sbr.rel $0x88, $3  }
0x1: {  	(tag) =	ssettag $0x0;
	lr =	simm.s32 $0x1  }
0x2: {  	[smem:$0x3F7B] =	sst lr;
	_ =	strace $0xD0000000  }
0x3: {  	_ = 	snop  }
0x4: {  	_ = 	snop  }
0x5: {  	_ = 	snop  }
0x6: {  	_ = 	snop  }
0x7: {  	_ = 	snop  }
__scs_overlays_trampoline_lowered:
0x8: {  	[smem:$0x3F8A] =	sst s0  }
0x9: {  	[smem:$0x3F8B] =	sst s1  }
0xa: {  	[smem:$0x3F8C] =	sst s2  }
0xb: {  	[smem:$0x3F8D] =	sst s3  }
0xc: {  	[smem:$0x3F8E] =	sst s4  }
0xd: {  	[smem:$0x3F8F] =	sst s5  }
0xe: {  	[smem:$0x3F90] =	sst s6  }
0xf: {  	[smem:$0x3F91] =	sst s7  }
0x10: {  	[smem:$0x3F92] =	sst s8  }
0x11: {  	[smem:$0x3F93] =	sst s9;
	s0 =	simm.s32 @!p0 $0x0  }
0x12: {  	s1 =	sld [smem:$0x3F79];
	s0 =	simm.s32 @p0 $0x1  }
0x13: {  	[smem:$0x3F94] =	sst s0;
	s0 =	simm.s32 @!p1 $0x0  }
0x14: {  	s2 =	sld [smem:$0x3F78];
	s0 =	simm.s32 @p1 $0x1  }
0x15: {  	[smem:$0x3F95] =	sst s0;
	s0 =	simm.s32 @!p2 $0x0  }
0x16: {  	s3 =	sld [smem:$0x3FDB];
	s0 =	simm.s32 @p2 $0x1  }
0x17: {  	s4 =	simm.s32 $0x1BF5;
	[smem:$0x3F97] =	sst s0  }
0x18: {  	s0 =	sld [smem:$0x3F7A];
	_ =	swait.ge [sflag:s4], $0x0  }
0x19: {  	s7 =	sld [smem:$0x3F7B]  }
0x1a: {  	s8 =	sadd.s32 $0xFFFFE003, lr  }
0x1b: {  	s9 =	sadd.s32 $0xFFFFFEF7, lr;
	s5 =	simm.s32 $0xFFFFFFFF;
	p2 =	slt.u32 s8, $0xFFFFF086  }
0x1c: {  	p1 =	slt.u32 s9, $0xF7A;
	s5 =	simm.s32 @!p2 $0x0  }
0x1d: {  	s5 =	simm.s32 @p1 $0x1;
	p0 =	seq.s32 s7, s2  }
0x1e: {  	s7 =	smul.u32 @!p0 $0xF7A, s2;
	p2 =	seq.s32 @!p0 s5, $0x0  }
0x1f: {  	s9 =	smul.u32 $0xF7A, s1;
	s8 =	simm.s32 @!p0 $0x1BF5;
	p2 =	por !p2, p0  }
0x20: {  	[sflag:s8] =	ssyncset.s32 @!p0 $0xFFFFF086;
	s6 =	sadd.s32 @!p0 s3, s7;
	s7 =	simm.s32 @!p0 $0x108  }
0x21: {  	s3 =	sadd.s32 s3, s9;
	s6 =	sadd.s32 @!p0 $0x88, s6;
	s7 =	simm.s32 @p2 $0x1082  }
0x22: {  	[simem:s7], [sflag:s8] =	dma.local @!p0 [hbm:s6], $0xF7A  }
0x23: {  	s9 =	sor.u32 $0xD0000000, s2;
	s6 =	simm.s32 $0x108;
	_ =	swait.ge @!p0 [sflag:s8], $0x0  }
0x24: {  	s3 =	sadd.s32 $0x88, s3;
	s6 =	simm.s32 @!p1 $0x1082;
	[sflag:s4] =	ssyncset.s32 $0xFFFFF086  }
0x25: {  	[simem:s6], [sflag:s4] =	dma.local [hbm:s3], $0xF7A  }
0x26: {  	[smem:$0x3F7B] =	sst s1;
	(tag) =	ssettag s2;
	_ =	strace s9  }
0x27: {  	s1 =	sld [smem:$0x3F8B]  }
0x28: {  	s2 =	sld [smem:$0x3F8C]  }
0x29: {  	s4 =	sld [smem:$0x3F8E]  }
0x2a: {  	p0 =	seq.s32 s5, $0x0;
	s5 =	sld [smem:$0x3F8F]  }
0x2b: {  	s6 =	sld [smem:$0x3F90]  }
0x2c: {  	s7 =	sld [smem:$0x3F91]  }
0x2d: {  	s3 =	simm.s32 $0x108;
	s8 =	sld [smem:$0x3F92]  }
0x2e: {  	s3 =	simm.s32 @!p0 $0x1082;
	s9 =	sld [smem:$0x3F93]  }
0x2f: {  	lr =	sadd.s32 s0, s3;
	s0 =	sld [smem:$0x3F8A]  }
0x30: {  	s3 =	sld [smem:$0x3F8D]  }
0x31: {  	[smem:$0x3F96] =	sst s10  }
0x32: {  	s10 =	sld [smem:$0x3F94];
	_ =	sdelay $0x3  }
0x33: {  	p0 =	seq.s32 s10, $0x1;
	s10 =	sld [smem:$0x3F96];
	_ =	sdelay $0x3  }
0x34: {  	[smem:$0x3F96] =	sst s10  }
0x35: {  	s10 =	sld [smem:$0x3F95];
	_ =	sdelay $0x3  }
0x36: {  	p1 =	seq.s32 s10, $0x1;
	s10 =	sld [smem:$0x3F96];
	_ =	sdelay $0x3  }
0x37: {  	[smem:$0x3F96] =	sst s10  }
0x38: {  	s10 =	sld [smem:$0x3F97]  }
0x39: {  	_ = 	snop;
	(pc) =	sbr.ind lr, $3  }
0x3a: {  	_ = 	snop  }
0x3b: {  	_ = 	snop  }
0x3c: {  	p2 =	seq.s32 s10, $0x1;
	s10 =	sld [smem:$0x3F96]  }
0x3d: {  	_ =	shalt  }
0x3e: {  	_ =	shalt  }
0x3f: {  	_ =	shalt  }
0x40: {  	_ =	shalt  }
0x41: {  	_ =	shalt  }
0x42: {  	_ =	shalt  }
0x43: {  	_ =	shalt  }
0x44: {  	_ =	shalt  }
0x45: {  	_ =	shalt  }
0x46: {  	_ =	shalt  }
0x47: {  	_ =	shalt  }
0x48: {  	_ =	shalt  }
0x49: {  	_ =	shalt  }
0x4a: {  	_ =	shalt  }
0x4b: {  	_ =	shalt  }
0x4c: {  	_ =	shalt  }
0x4d: {  	_ =	shalt  }
0x4e: {  	_ =	shalt  }
0x4f: {  	_ =	shalt  }
0x50: {  	_ =	shalt  }
0x51: {  	_ =	shalt  }
0x52: {  	_ =	shalt  }
0x53: {  	_ =	shalt  }
0x54: {  	_ =	shalt  }
0x55: {  	_ =	shalt  }
0x56: {  	_ =	shalt  }
0x57: {  	_ =	shalt  }
0x58: {  	_ =	shalt  }
0x59: {  	_ =	shalt  }
0x5a: {  	_ =	shalt  }
0x5b: {  	_ =	shalt  }
0x5c: {  	_ =	shalt  }
0x5d: {  	_ =	shalt  }
0x5e: {  	_ =	shalt  }
0x5f: {  	_ =	shalt  }
0x60: {  	_ =	shalt  }
0x61: {  	_ =	shalt  }
0x62: {  	_ =	shalt  }
0x63: {  	_ =	shalt  }
0x64: {  	_ =	shalt  }
0x65: {  	_ =	shalt  }
0x66: {  	_ =	shalt  }
0x67: {  	_ =	shalt  }
0x68: {  	_ =	shalt  }
0x69: {  	_ =	shalt  }
0x6a: {  	_ =	shalt  }
0x6b: {  	_ =	shalt  }
0x6c: {  	_ =	shalt  }
0x6d: {  	_ =	shalt  }
0x6e: {  	_ =	shalt  }
0x6f: {  	_ =	shalt  }
0x70: {  	_ =	shalt  }
0x71: {  	_ =	shalt  }
0x72: {  	_ =	shalt  }
0x73: {  	_ =	shalt  }
0x74: {  	_ =	shalt  }
0x75: {  	_ =	shalt  }
0x76: {  	_ =	shalt  }
0x77: {  	_ =	shalt  }
0x78: {  	_ =	shalt  }
0x79: {  	_ =	shalt  }
0x7a: {  	_ =	shalt  }
0x7b: {  	_ =	shalt  }
0x7c: {  	_ =	shalt  }
0x7d: {  	_ =	shalt  }
0x7e: {  	_ =	shalt  }
0x7f: {  	_ =	shalt  }
0x80: {  	_ =	shalt  }
0x81: {  	_ =	shalt  }
0x82: {  	_ =	shalt  }
0x83: {  	_ =	shalt  }
0x84: {  	_ =	shalt  }
0x85: {  	_ =	shalt  }
0x86: {  	_ =	shalt  }
0x87: {  	_ =	shalt  }
.Lfunc_end0:
.L_simem_size_0:
called_computation_lowered:
.L_overlay_start_0:
0x88: {  	s2 =	sld [smem:$0x3FD9]  }
0x89: {  	s3 =	sld [smem:$0x3FFE];
	_ =	sdelay $0x1  }
0x8a: {  	s1 =	srdreg.scid  }
0x8b: {  	s0 =	sand.u32 $0x1, s1  }
0x8c: {  	s15 =	sshll.u32 s0, $0xA;
	s2 =	sadd.s32 s3, s2  }
0x8d: {  	s2 =	sadd.s32 s2, s15  }
0x8e: {  	[smem:$0x3FA2] =	sst s2  }
0x8f: {  	_ = 	snop  }
0x90: {  	s2 =	sld [smem:$0x3FD0];
	_ =	sdelay $0x2  }
0x91: {  	s16 =	simm.s32 $0xB;
	s4 =	simm.s32 $0x10  }
0x92: {  	[smem:s4], [sflag:s16] =	dma.local [hbm:s2], $0x1  }
0x93: {  	_ =	swait.eq [sflag:s16], $0x1  }
0x94: {  	[sflag:s16] =	ssyncset.done $0x0  }
0x95: {  	[sflag:s16] =	ssyncadd.s32 $0xFFFFFFFF  }
0x96: {  	s17 =	sld [smem:$0x10];
	(tm) =	ssettm $0x1  }
0x97: {  	s18 =	sld [smem:$0x3FFB];
	_ =	sdelay $0x3  }
0x98: {  	_ =	strace s18  }
0x99: {  	s2 =	sld [smem:$0x3FFC];
	_ =	sdelay $0x3  }
0x9a: {  	_ =	strace s2  }
0x9b: {  	s2 =	sld [smem:$0x3FFD];
	_ =	sdelay $0x3  }
0x9c: {  	_ =	strace s2  }
0x9d: {  	_ =	strace $0x8FFFFFFF  }
0x9e: {  	s19 =	sld [smem:$0x3FDB];
	_ =	sdelay $0x1  }
0x9f: {  	s20 =	simm.s32 $_scs_section_size  }
0xa0: {  	s5 =	simm.s32 $_size__tile_overlayer_lowered;
	s6 =	simm.s32 $_tile_overlayer_lowered  }
0xa1: {  	s7 =	simm.s32 $0x1BFF;
	s21 =	sshll.u32 s6, $0x1;
	s4 =	sadd.s32 s20, s19  }
0xa2: {  	s22 =	simm.s32 $0x0;
	s5 =	sshll.u32 s5, $0x1;
	s6 =	sadd.s32 s21, s4  }
0xa3: {  	[timem:s22], [sflag:s7] =	dma.local [hbm:s6], s5  }
0xa4: {  	_ =	swait.ge [sflag:s7], s5  }
0xa5: {  	s5 =	ssub.s32 $0x0, s5;
	[sflag:s7] =	ssyncset.done $0x0  }
0xa6: {  	[sflag:s7] =	ssyncadd.s32 s5;
	_ =	sdelay $0x1  }
0xa7: {  	s23 =	simm.s32 $0x1B8B  }
0xa8: {  	_ =	swait.ge [sflag:s23], $0x1  }
0xa9: {  	[sflag:s23] =	ssyncset.done $0x0  }
0xaa: {  	[sflag:s23] =	ssyncadd.s32 $0xFFFFFFFF  }
0xab: {  	s5 =	sld [smem:$0x0]  }
0xac: {  	s6 =	sand.u32 $0xFFFFFFFE, s1  }
0xad: {  	p0 =	sne.s32 s1, s6  }
0xae: {  	s6 =	sshll.u32 @p0 s6, $0xE  }
0xaf: {  	s6 =	sadd.s32 @p0 $0x11B8D, s6;
	s7 =	sshll.u32 @p0 s5, $0x11  }
0xb0: {  	s6 =	sor.u32 @p0 s7, s6  }
0xb1: {  	[sflag:s6] =	ssyncadd.remote.s32 @p0 $0x1;
	_ =	sdelay $0x1  }
0xb2: {  	s6 =	simm.s32 @p0 $0x1B8D  }
0xb3: {  	_ =	swait.eq @p0 [sflag:s6], $0x1  }
0xb4: {  	[sflag:s6] =	ssyncadd.s32 @p0 $0xFFFFFFFF  }
0xb5: {  	s7 =	sshll.u32 @!p0 s1, $0xE  }
0xb6: {  	s7 =	sor.u32 @!p0 $0x4000, s7;
	s6 =	simm.s32 @!p0 $0x1B8D  }
0xb7: {  	s5 =	sshll.u32 @!p0 s5, $0x11;
	s7 =	sadd.s32 @!p0 $0x11B8D, s7;
	_ =	swait.eq @!p0 [sflag:s6], $0x1  }
0xb8: {  	s5 =	sor.u32 @!p0 s5, s7;
	[sflag:s6] =	ssyncadd.s32 @!p0 $0xFFFFFFFF  }
0xb9: {  	s25 =	simm.s32 $0x1B8E;
	s24 =	sld [smem:$0x3FFE];
	[sflag:s5] =	ssyncadd.remote.s32 @!p0 $0x1  }
0xba: {  	s26 =	simm.s32 $execute0_lowered;
	[smem:$0x3FD2] =	sst s25  }
0xbb: {  	s6 =	sshll.u32 s26, $0x1;
	_ =	strace $0x80000049;
	[dreg:$0x1] =	wrdreg $0xFFFFFFFF  }
0xbc: {  	s28 =	simm.s32 $_size_execute0_lowered;
	s4 =	sadd.s32 s4, s6;
	[dreg:$0x0] =	wrdreg $0x0  }
0xbd: {  	s6 =	sshll.u32 s28, $0x1;
	[dreg:$0x2] =	wrdreg s4  }
0xbe: {  	[dreg:$0x3] =	wrdreg s6  }
0xbf: {  	[dreg:$0x4] =	wrdreg $0xC0  }
0xc0: {  	_ =	task [dreg:s22], $0x5FFFF  }
0xc1: {  	[dreg:$0x1] =	wrdreg $0xFFFFFFFF  }
0xc2: {  	[dreg:$0x0] =	wrdreg $0x60  }
0xc3: {  	[dreg:$0x2] =	wrdreg s24  }
0xc4: {  	[dreg:$0x3] =	wrdreg s17  }
0xc5: {  	[dreg:$0x4] =	wrdreg $0x9  }
0xc6: {  	_ =	task.clear_ibuf [dreg:s22], $0x5FFFF;
	_ =	strace $0x90000049  }
0xc7: {  	s29 =	simm.s32 $0x9;
	_ =	strace $0x8000004B  }
0xc8: {  	_ =	swait.ge [sflag:s29], $0x1  }
0xc9: {  	[sflag:s29] =	ssyncadd.s32 $0xFFFFFFFF  }
0xca: {  	_ =	strace $0x9000004B  }
0xcb: {  	_ =	sfence  }
0xcc: {  	s30 =	sld [smem:$0x0];
	_ =	sdelay $0x2  }
0xcd: {  	s31 =	sshll.u32 s1, $0xD;
	s1 =	sshrl.u32 s1, $0x2  }
0xce: {  	s4 =	sand.u32 $0x4000, s31;
	s1 =	sadd.s32 s1, s30  }
0xcf: {  	s0 =	sor.u32 s4, s0;
	s1 =	sshll.u32 s1, $0x11  }
0xd0: {  	s0 =	sor.u32 s1, s0  }
0xd1: {  	s0 =	sadd.s32 $0x8F2B, s0  }
0xd2: {  	[sflag:s0] =	ssyncadd.remote.s32 $0x1  }
0xd3: {  	_ =	sfence.sel $0xFFFF  }
0xd4: {  	[dreg:$0x0] =	wrdreg $0xFFFFFFFF;
	(pc) =	sbr.abs _section_cstart, $3  }
0xd5: {  	[dreg:$0x1] =	wrdreg $0xFFFFFFFF  }
0xd6: {  	_ =	task.clear_ibuf [dreg:s22], $0x2FFFF;
	_ =	strace $0x9FFFFFFF  }
0xd7: {  	(tm) =	ssettm $0x7FFFFFFF  }
tec
execute0_lowered:
.L_overlay_start_1:
0x0: {  	(tag) =	ssettag $0x1  }
0x1: {  	s8 =	rddreg [dreg:$0x0]  }
0x2: {  	s1 =	rddreg [dreg:$0x1]  }
0x3: {  	s0 =	rddreg [dreg:$0x2]  }
0x4: {  	s2 =	simm.s32 $0x0;
	s6 =	srdreg.scid;
	s3 =	stileid.u32  }
0x5: {  	s13 =	simm.s32 $0x80;
	s14 =	simm.s32 $0x100;
	s15 =	simm.s32 $0x1  }
0x6: {  	s16 =	simm.s32 $0x4100;
	s17 =	simm.s32 $0x2;
	s18 =	simm.s32 $0x0  }
0x7: {  	[smem:$0x7FF] =	sst s2;
	s4 =	sadd.s32 $0xEA00, s8;
	s5 =	sadd.s32 $0x4C00, s8  }
0x8: {  	s7 =	sand.u32 $0x1, s6;
	s9 =	sshll.u32 s3, $0x1;
	s6 =	sadd.s32 $0x4FBC00, s8  }
0x9: {  	s8 =	sadd.s32 $0x522E00, s8;
	s10 =	ssub.s32 $0x2, s7;
	s7 =	sor.u32 s7, s9  }
0xa: {  	_ =	strace $0x8000004A;
	s30 =	sshrl.u32 s10, $0x1;
	s11 =	sshll.u32 s7, $0x7  }
0xb: {  	s31 =	ssub.s32 $0x9E3, s7;
	s12 =	ssub.s32 s10, s30;
	s9 =	sand.u32 $0x380, s11  }
0xc: {  	s10 =	sshrl.u32 s31, $0x5;
	s11 =	smax.u32 s12, $0x1;
	s12 =	simm.s32 $0x3  }
.LBB2_1:
0xd: {  	s19 =	simm.s32 $0x0  }
.LBB2_2:
0xe: {  	s20 =	sshll.u32 s19, $0x5  }
0xf: {  	s20 =	sor.u32 s7, s20  }
0x10: {  	s21 =	sshll.u32 s20, $0x7  }
0x11: {  	s21 =	sand.u32 $0xFFFFFC00, s21  }
0x12: {  	s21 =	sor.u32 s9, s21  }
0x13: {  	s21 =	sshrl.u32 s21, $0x3  }
0x14: {  	s23 =	simm.s32 $0x0;
	s22 =	sadd.s32 s4, s21  }
0x15: {  	[tilespmem:s23], [sflag:$0x3] =	stream.linear.gather [hbm4b:s22+s23], $0x80, $0x38;
	[tilespmem:$0x8100] =	vst v63  }
0x16: {  	_ =	swait.ge [sflag:s12], $0x80  }
0x17: {  	[sflag:s12] =	ssyncset.done $0x0  }
0x18: {  	s21 =	sadd.s32 s5, s21;
	[sflag:s12] =	ssyncadd.s32 $0xFFFFFF80  }
0x19: {  	[tilespmem:s13], [sflag:$0x3] =	stream.linear.gather [hbm4b:s21+s23], $0x80, $0x38;
	[tilespmem:$0x8100] =	vst v63  }
0x1a: {  	_ =	swait.ge [sflag:s12], $0x80  }
0x1b: {  	[sflag:s12] =	ssyncset.done $0x0  }
0x1c: {  	[sflag:s12] =	ssyncadd.s32 $0xFFFFFF80  }
0x1d: {  	[tilespmem:s14], [sflag:$0x1] =	stream.indirect.gather [hbm4b:s1+s13], $0x80, s23, s13, $0xb8;
	[tilespmem:$0x8100] =	vst v63  }
0x1e: {  	_ =	swait.ge [sflag:s15], $0x4000  }
0x1f: {  	[sflag:s15] =	ssyncset.done $0x0  }
0x20: {  	[sflag:s15] =	ssyncadd.s32 $0xFFFFC000  }
0x21: {  	[tilespmem:s16], [sflag:$0x2] =	stream.indirect.gather [hbm4b:s6+s13], $0x80, s13, s13, $0xb8;
	[tilespmem:$0x8100] =	vst v63  }
0x22: {  	_ =	swait.ge [sflag:s17], $0x4000  }
0x23: {  	[sflag:s17] =	ssyncset.done $0x0  }
0x24: {  	s21 =	simm.s32 $0x0;
	[sflag:s17] =	ssyncadd.s32 $0xFFFFC000  }
0x25: {  	v7 =	vld [tilespmem:s21+$0x4100]  }
0x26: {  	v11 =	vld [tilespmem:s21+$0x4110]  }
0x27: {  	v5 =	vld [tilespmem:s21+$0x4120]  }
0x28: {  	v4 =	vld [tilespmem:s21+$0x4130]  }
0x29: {  	v3 =	vld [tilespmem:s21+$0x4140]  }
0x2a: {  	v2 =	vld [tilespmem:s21+$0x4150]  }
0x2b: {  	v1 =	vld [tilespmem:s21+$0x4160]  }
0x2c: {  	v0 =	vld [tilespmem:s21+$0x4170]  }
0x2d: {  	v12 =	vld [tilespmem:s21+$0x100]  }
0x2e: {  	v13 =	vld [tilespmem:s21+$0x110]  }
0x2f: {  	v10 =	vld [tilespmem:s21+$0x120]  }
0x30: {  	v9 =	vld [tilespmem:s21+$0x130]  }
0x31: {  	v8 =	vld [tilespmem:s21+$0x140]  }
0x32: {  	v6 =	vld [tilespmem:s21+$0x150];
	v12 =	vadd.f32 v7, v12  }
0x33: {  	s22 =	simm.s32 $0x200;
	v11 =	vadd.f32 v11, v13;
	v7 =	vld [tilespmem:s21+$0x160]  }
.LBB2_3:
0x34: {  	s23 =	sshra.s32 s22, $0x2;
	p0 =	sne.s32 s22, $0xFE00;
	[tilespmem:s21+$0x100] =	vst v12;
	v5 =	vadd.f32 v5, v10;
	v10 =	vld [tilespmem:s21+$0x170]  }
0x35: {  	v12 =	vld [tilespmem:s23+$0x4100];
	[tilespmem:s21+$0x110] =	vst v11;
	v4 =	vadd.f32 v4, v9  }
0x36: {  	v11 =	vld [tilespmem:s23+$0x4110];
	[tilespmem:s21+$0x120] =	vst v5;
	v3 =	vadd.f32 v3, v8  }
0x37: {  	v5 =	vld [tilespmem:s23+$0x4120];
	[tilespmem:s21+$0x130] =	vst v4;
	v2 =	vadd.f32 v2, v6  }
0x38: {  	v4 =	vld [tilespmem:s23+$0x4130];
	[tilespmem:s21+$0x140] =	vst v3;
	v1 =	vadd.f32 v1, v7  }
0x39: {  	v3 =	vld [tilespmem:s23+$0x4140];
	[tilespmem:s21+$0x150] =	vst v2;
	v0 =	vadd.f32 v0, v10  }
0x3a: {  	v2 =	vld [tilespmem:s23+$0x4150];
	[tilespmem:s21+$0x160] =	vst v1  }
0x3b: {  	v1 =	vld [tilespmem:s23+$0x4160];
	[tilespmem:s21+$0x170] =	vst v0;
	s21 =	smov.u32 s23  }
0x3c: {  	v0 =	vld [tilespmem:s21+$0x4170]  }
0x3d: {  	v6 =	vld [tilespmem:s21+$0x100]  }
0x3e: {  	v7 =	vld [tilespmem:s21+$0x110]  }
.Ltmp0:
0x3f: {  	v10 =	vld [tilespmem:s21+$0x120];
	(pc) =	sbr.rel @p0 .LBB2_3-.Ltmp0, $4  }
0x40: {  	v9 =	vld [tilespmem:s21+$0x130]  }
0x41: {  	v8 =	vld [tilespmem:s21+$0x140]  }
0x42: {  	v12 =	vadd.f32 v12, v6;
	v6 =	vld [tilespmem:s21+$0x150]  }
0x43: {  	s22 =	sadd.s32 $0x200, s22;
	v11 =	vadd.f32 v11, v7;
	v7 =	vld [tilespmem:s21+$0x160]  }
0x44: {  	[tilespmem:s21+$0x100] =	vst v12;
	v5 =	vadd.f32 v5, v10;
	v63 =	vld [tilespmem:s21+$0x170]  }
0x45: {  	[tilespmem:s21+$0x110] =	vst v11;
	v4 =	vadd.f32 v4, v9  }
0x46: {  	[tilespmem:s21+$0x120] =	vst v5;
	v3 =	vadd.f32 v3, v8  }
0x47: {  	[tilespmem:s21+$0x130] =	vst v4;
	v2 =	vadd.f32 v2, v6  }
0x48: {  	[tilespmem:s21+$0x140] =	vst v3;
	v1 =	vadd.f32 v1, v7  }
0x49: {  	s20 =	sshll.u32 s20, $0xB;
	s19 =	sadd.s32 $0x1, s19;
	[tilespmem:s21+$0x150] =	vst v2;
	v0 =	vadd.f32 v0, v63  }
0x4a: {  	s20 =	sand.u32 $0x1FFFF800, s20;
	p0 =	sne.s32 s19, s10;
	[tilespmem:s21+$0x160] =	vst v1  }
.Ltmp1:
0x4b: {  	s20 =	sadd.s32 s8, s20;
	[tilespmem:s21+$0x170] =	vst v0;
	(pc) =	sbr.rel @p0 .LBB2_2-.Ltmp1, $4  }
0x4c: {  	[hbm4b:s20+s2] =	stream.linear.scatter [tilespmem:s14], [sflag:$0x3], $0x4000, $0x38;
	[tilespmem:$0x8100] =	vst v63  }
0x4d: {  	_ =	swait.ge [sflag:s12], $0x4000  }
0x4e: {  	[sflag:s12] =	ssyncset.done $0x0  }
0x4f: {  	[sflag:s12] =	ssyncadd.s32 $0xFFFFC000  }
0x50: {  	s18 =	sadd.s32 $0x1, s18  }
0x51: {  	p0 =	sne.s32 s18, s11  }
.Ltmp2:
0x52: {  	_ = 	snop;
	(pc) =	sbr.rel @p0 .LBB2_1-.Ltmp2, $1  }
0x53: {  	_ =	sdelay $0x3  }
0x54: {  	_ =	sfence.sel $0x180000  }
0x55: {  	[bflag:$0x0] =	sbarrier.arrive $0xFFFF  }
0x56: {  	p0 =	sne.s32 s3, $0x0;
	_ =	strace $0x9000004A  }
0x57: {  	s0 =	sadd.s32 @!p0 $0x100000, s0;
	[bflag:$0x2] =	sbarrier.arrive $0xFFFF  }
0x58: {  	[sflag:s0] =	ssyncadd.tile.s32 @!p0 $0x1;
	_ =	shalt  }
.Lfunc_end2:
_tile_overlayer_lowered:
.L_overlay_start_2:
0x59: {  	(tag) =	ssettag $0x2  }
0x5a: {  	s0 =	rddreg [dreg:$0x0];
	s2 =	stileid.u32  }
0x5b: {  	s1 =	rddreg [dreg:$0x1];
	p0 =	sne.s32 s2, $0x0  }
0x5c: {  	s3 =	rddreg [dreg:$0x2];
	[bflag:$0x3] =	sbarrier.arrive $0xFFFF;
	s2 =	simm.s32 @!p0 $0x1C03  }
0x5d: {  	[timem:s3], [sflag:s2] =	dma.local @!p0 [hbm:s0], s1  }
0x5e: {  	s0 =	simm.s32 @!p0 $0x3  }
0x5f: {  	_ =	swait.ge @!p0 [sflag:s0], s1  }
0x60: {  	s1 =	ssub.s32 @!p0 $0x0, s1;
	[sflag:s0] =	ssyncset.done @!p0 $0x0  }
0x61: {  	[sflag:s0] =	ssyncadd.s32 @!p0 s1  }
0x62: {  	[bflag:$0x3] =	sbarrier.arrive $0xFFFF  }
0x63: {  	_ =	shalt  }

</sc_bundles>
